<compile_context>
chip_gen: v7x
topology: tpu7x:2x2x1
jax: 0.10.2.dev20260603
libtpu: 0.0.44.dev20260713+nightly
codegen_flags: <defaults>
</compile_context>

<pallas_src>
import jax
import jax.numpy as jnp
from jax import lax
from jax.experimental import pallas as pl
from jax.experimental.pallas import tpu as pltpu
from jax.experimental.pallas import tpu_sc as plsc

N = 10000
E = 320000
NC = 2
NS = 16
CH = 128
NG = 8
NT = N + 8
RB = 624
RB_EX0 = NS * RB
HR = 80
OUT_CH = 2

_MESH = plsc.VectorSubcoreMesh(
    core_axis_name="c", subcore_axis_name="s", num_cores=NC, num_subcores=NS)


def _leaky(v):
  return jnp.where(v >= 0, v, 0.01 * v)




def _sc_agg(table, srcA, srcB, dst_g, z128, with_deg, nbuf=2, la=1, ng=NG,
            ch=CH):
  assert ng % nbuf == 0 and 0 < la < nbuf and la <= ng
  edge_split = srcA.shape[0] == NC * NS
  n_g = srcA.shape[1] - 1

  out_type = [jax.ShapeDtypeStruct((NC, N, 128), jnp.float32)]
  if with_deg:
    out_type.append(jax.ShapeDtypeStruct((NC * NS, HR, 128), jnp.float32))

  scratch = [
      pltpu.VMEM((2, ng, ch), jnp.int32),
      pltpu.VMEM((2, ng, ch), jnp.int32),
  ]
  scratch += [pltpu.VMEM((ch, 128), jnp.float32) for _ in range(nbuf)]
  if with_deg:
    scratch.append(pltpu.VMEM((HR, 128), jnp.float32))
  scratch.append(pltpu.VMEM_SHARED((NT, 128), jnp.float32))
  scratch += [pltpu.SemaphoreType.DMA] * (nbuf + 1)

  def body(table_h, srcA_h, srcB_h, dst_h, z128_h, *rest):
    if with_deg:
      out_h, deg_h = rest[0], rest[1]
      rest = rest[2:]
    else:
      out_h = rest[0]
      deg_h = None
      rest = rest[1:]
    src_v, dst_v = rest[0], rest[1]
    bufs = rest[2:2 + nbuf]
    rest = rest[2 + nbuf:]
    if with_deg:
      hist_v = rest[0]
      rest = rest[1:]
    else:
      hist_v = None
    agg_s = rest[0]
    gsems = rest[1:1 + nbuf]
    semi = rest[1 + nbuf]

    c = lax.axis_index("c")
    s = lax.axis_index("s")
    w = c * NS + s if edge_split else s
    r0 = s * RB

    def fetch_idx(g, slot):
      @pl.when(c == 0)
      def _():
        pltpu.async_copy(srcA_h.at[w, g], src_v.at[slot], semi)

      @pl.when(c == 1)
      def _():
        pltpu.async_copy(srcB_h.at[w, g], src_v.at[slot], semi)

      pltpu.async_copy(dst_h.at[w, g], dst_v.at[slot], semi)

    def wait_idx(g, slot):
      pltpu.make_async_copy(srcA_h.at[w, g], src_v.at[slot], semi).wait()
      pltpu.make_async_copy(dst_h.at[w, g], dst_v.at[slot], semi).wait()

    def start_gather(slot, k, b):
      pltpu.async_copy(table_h.at[src_v.at[slot, k]], bufs[b], gsems[b])

    def wait_gather(slot, k, b):
      pltpu.make_async_copy(table_h.at[src_v.at[slot, k]], bufs[b],
                            gsems[b]).wait()

    fetch_idx(0, 0)
    wait_idx(0, 0)
    for j in range(la):
      start_gather(0, j, j)

    zb = bufs[la]
    pltpu.sync_copy(z128_h.at[pl.ds(0, ch)], zb)
    for i in range(RB // ch):
      pltpu.sync_copy(zb, agg_s.at[pl.ds(r0 + i * ch, ch)])
    if RB % ch:
      pltpu.sync_copy(zb.at[pl.ds(0, RB % ch)],
                      agg_s.at[pl.ds(r0 + (RB // ch) * ch, RB % ch)])
    if with_deg:
      pltpu.sync_copy(z128_h.at[pl.ds(0, HR)], hist_v)

    @pl.when(s == NS - 1)
    def _():
      pltpu.sync_copy(zb.at[pl.ds(0, NT - RB_EX0)],
                      agg_s.at[pl.ds(RB_EX0, NT - RB_EX0)])

    plsc.subcore_barrier()

    ones16 = jnp.ones((16,), jnp.float32)

    @pl.loop(0, n_g)
    def _(g):
      p = lax.rem(g, 2)
      fetch_idx(g + 1, 1 - p)
      for k in range(ng):
        b = k % nbuf
        if k + la < ng:
          start_gather(p, k + la, (k + la) % nbuf)
        else:
          if k == ng - la:
            wait_idx(g + 1, 1 - p)
          start_gather(1 - p, k + la - ng, (k + la) % nbuf)
        wait_gather(p, k, b)
        pltpu.sync_copy(bufs[b], agg_s.at[dst_v.at[p, k]], add=True)
        if with_deg:
          for q in range(ch // 16):
            v = dst_v[p, k, pl.ds(q * 16, 16)]
            plsc.addupdate_scatter(
                hist_v, [lax.shift_right_logical(v, 7),
                         lax.bitwise_and(v, 127)], ones16)

    p_dummy = lax.rem(n_g, 2)
    for j in range(la):
      wait_gather(p_dummy, j, j)

    plsc.subcore_barrier()
    pltpu.sync_copy(agg_s.at[pl.ds(r0, RB)], out_h.at[c, pl.ds(r0, RB)])
    if with_deg:
      pltpu.sync_copy(hist_v, deg_h.at[c * NS + s])

    @pl.when(s == NS - 1)
    def _():
      pltpu.sync_copy(agg_s.at[pl.ds(RB_EX0, N - RB_EX0)],
                      out_h.at[c, pl.ds(RB_EX0, N - RB_EX0)])

  fn = pl.kernel(
      body, out_type=tuple(out_type), mesh=_MESH, scratch_types=scratch,
      compiler_params=pltpu.CompilerParams(needs_layout_passes=False))
  return fn(table, srcA, srcB, dst_g, z128)



_R = 1000
_GRID = N // _R


def _row_spec(d):
  return pl.BlockSpec((_R, d), lambda i: (i, 0))


def _pair_spec(d):
  return pl.BlockSpec((NC, _R, d), lambda i: (0, i, 0))


def _full_spec(r, c):
  return pl.BlockSpec((r, c), lambda i: (0, 0))


def _tc_deg_prep(degs):
  def body(d_ref, o_ref):
    hs = jnp.sum(d_ref[...], axis=0)
    deg = hs.reshape(HR * 128)[:N]
    di = 1.0 / jnp.maximum(deg, 1.0)
    o_ref[...] = jnp.broadcast_to(di[:, None], (N, 128))

  return pl.pallas_call(
      body,
      grid=(1,),
      in_specs=[pl.BlockSpec((NC * NS, HR, 128), lambda i: (0, 0, 0))],
      out_specs=pl.BlockSpec((N, 128), lambda i: (0, 0)),
      out_shape=jax.ShapeDtypeStruct((N, 128), jnp.float32),
  )(degs)


def _tc_layer0(x, s0, di, W1, b1, W2, b2, eps):
  def body(x_ref, s0_ref, di_ref, W1_ref, b1_ref, W2_ref, b2_ref, eps_ref,
           h1_ref):
    agg = (s0_ref[0] + s0_ref[1]) * di_ref[...]
    z = (1.0 + eps_ref[0, 0]) * x_ref[...] + agg
    a = _leaky(jnp.dot(z, W1_ref[...], preferred_element_type=jnp.float32)
               + b1_ref[...])
    h1_ref[...] = _leaky(
        jnp.dot(a, W2_ref[...], preferred_element_type=jnp.float32)
        + b2_ref[...])

  return pl.pallas_call(
      body,
      grid=(_GRID,),
      in_specs=[
          _row_spec(128), _pair_spec(128), _row_spec(128),
          _full_spec(128, 256), _full_spec(1, 256),
          _full_spec(256, 256), _full_spec(1, 256),
          _full_spec(1, 1),
      ],
      out_specs=_row_spec(256),
      out_shape=jax.ShapeDtypeStruct((N, 256), jnp.float32),
  )(x, s0, di, W1, b1, W2, b2, eps)


def _tc_layer1(h1, s1, di, W1, b1, W2, b2, Wp, eps):
  def body(h1_ref, s1_ref, di_ref, W1_ref, b1_ref, W2_ref, b2_ref,
           Wp_ref, eps_ref, p_ref):
    agg = jnp.concatenate([s1_ref[0], s1_ref[1]], axis=1) * di_ref[...][:, :1]
    z = (1.0 + eps_ref[0, 0]) * h1_ref[...] + agg
    a = _leaky(jnp.dot(z, W1_ref[...], preferred_element_type=jnp.float32)
               + b1_ref[...])
    h2 = _leaky(jnp.dot(a, W2_ref[...], preferred_element_type=jnp.float32)
                + b2_ref[...])
    p = jnp.dot(h2, Wp_ref[...], preferred_element_type=jnp.float32)
    p_ref[0] = p
    p_ref[1] = p

  return pl.pallas_call(
      body,
      grid=(_GRID,),
      in_specs=[
          _row_spec(256), _pair_spec(128), _row_spec(128),
          _full_spec(256, 256), _full_spec(1, 256),
          _full_spec(256, 256), _full_spec(1, 256),
          _full_spec(256, 128),
          _full_spec(1, 1),
      ],
      out_specs=pl.BlockSpec((2, _R, 128), lambda i: (0, i, 0)),
      out_shape=jax.ShapeDtypeStruct((2, N, 128), jnp.float32),
  )(h1, s1, di, W1, b1, W2, b2, Wp, eps)


def _tc_layer2(p, s2, di, b1, W2, b2, Wo, bo, eps):
  def body(p_ref, s2_ref, di_ref, b1_ref, W2_ref, b2_ref, Wo_ref, bo_ref,
           eps_ref, no_ref, ne_ref):
    agg = (s2_ref[0] + s2_ref[1]) * di_ref[...]
    z = (1.0 + eps_ref[0, 0]) * p_ref[0] + agg + b1_ref[...]
    a = _leaky(z)
    ne = _leaky(jnp.dot(a, W2_ref[...], preferred_element_type=jnp.float32)
                + b2_ref[...])
    ne_ref[...] = ne
    no_ref[...] = (jnp.dot(ne, Wo_ref[...], preferred_element_type=jnp.float32)
                   + bo_ref[...])

  return pl.pallas_call(
      body,
      grid=(_GRID,),
      in_specs=[
          pl.BlockSpec((1, _R, 128), lambda i: (0, i, 0)),
          _pair_spec(128), _row_spec(128),
          _full_spec(1, 128),
          _full_spec(128, 128), _full_spec(1, 128),
          _full_spec(128, 128), _full_spec(1, 128),
          _full_spec(1, 1),
      ],
      out_specs=(_row_spec(128), _row_spec(128)),
      out_shape=(jax.ShapeDtypeStruct((N, 128), jnp.float32),
                 jax.ShapeDtypeStruct((N, 128), jnp.float32)),
  )(p, s2, di, b1, W2, b2, Wo, bo, eps)




def _chunk(a, workers, fill, ng=NG, ch=CH):
  per = E // workers
  a = a.reshape(workers, per)
  pad = (-per) % (ng * ch) + ng * ch
  a = jnp.concatenate(
      [a, jnp.full((workers, pad), fill, dtype=a.dtype)], axis=1)
  return a.reshape(workers, -1, ng, ch)


def kernel(x, edge_index,
           W1_0, b1_0, W2_0, b2_0,
           W1_1, b1_1, W2_1, b2_1,
           W1_2, b1_2, W2_2, b2_2,
           Wout, bout, eps0, eps1, eps2):
  src = edge_index[0].astype(jnp.int32)
  dst = edge_index[1].astype(jnp.int32)

  srcA_e2 = _chunk(src, NC * NS, 0, ng=3, ch=112)
  srcB_e2 = _chunk(src + N, NC * NS, N, ng=3, ch=112)
  dst_e2 = _chunk(dst, NC * NS, N, ng=3, ch=112)
  srcA_e = _chunk(src, NC * NS, 0)
  srcB_e = _chunk(src + N, NC * NS, N)
  dst_e = _chunk(dst, NC * NS, N)
  srcA = _chunk(src * 2, NS, 0, ng=3, ch=112)
  srcB = _chunk(src * 2 + 1, NS, 1, ng=3, ch=112)
  dst_c = _chunk(dst, NS, N, ng=3, ch=112)

  z128 = jnp.zeros((RB, 128), jnp.float32)

  def r2(b):
    return b.reshape(1, -1)

  def e2(e):
    return e.astype(jnp.float32).reshape(1, 1)

  s0, degs = _sc_agg(jnp.concatenate([x, x]), srcA_e, srcB_e, dst_e, z128,
                     with_deg=True, nbuf=2, la=1, ng=8)
  di = _tc_deg_prep(degs)
  h1 = _tc_layer0(x, s0, di, W1_0, r2(b1_0), W2_0, r2(b2_0), e2(eps0))

  s1 = _sc_agg(h1.reshape(2 * N, 128), srcA, srcB, dst_c, z128,
               with_deg=False, nbuf=3, la=2, ng=3, ch=112)[0]
  p2 = _tc_layer1(h1, s1, di, W1_1, r2(b1_1), W2_1, r2(b2_1), W1_2, e2(eps1))

  s2 = _sc_agg(p2.reshape(2 * N, 128), srcA_e2, srcB_e2, dst_e2, z128,
               with_deg=False, nbuf=3, la=2, ng=3, ch=112)[0]
  Wo = jnp.pad(Wout, ((0, 0), (0, 128 - OUT_CH)))
  bo = jnp.pad(bout, (0, 128 - OUT_CH)).reshape(1, -1)
  n_out_pad, n_embed = _tc_layer2(p2, s2, di, r2(b1_2), W2_2, r2(b2_2),
                                  Wo, bo, e2(eps2))
  return (n_out_pad[:, :OUT_CH], n_embed)

# --- scband reference (transcript-rebuilt; emitter-appended) ---
"""Pipeline reference for scband-ginnet-635655160279 (READ-ONLY COPY).

The authoritative reference and input builder live on the scoring server;
editing this copy changes nothing except your own understanding.
"""

import jax, jax.numpy as jnp
import numpy as np

N_NODES = 10000
N_EDGES = 320000
FV_DIM = 128
HIDDEN = 256
EMBED = 128
OUT_CH = 2


def setup_inputs(seed: int = 0) -> dict:
    key = jax.random.key(seed)
    ks = jax.random.split(key, 20)
    x = jax.random.normal(ks[0], (N_NODES, FV_DIM), dtype=jnp.float32)
    edge_index = jax.random.randint(ks[1], (2, N_EDGES), 0, N_NODES, dtype=jnp.int64)
    def lin(k, fan_in, fan_out):
        bound = 1.0 / np.sqrt(fan_in)
        k1, k2 = jax.random.split(k)
        W = jax.random.uniform(k1, (fan_in, fan_out), minval=-bound, maxval=bound, dtype=jnp.float32)
        b = jax.random.uniform(k2, (fan_out,), minval=-bound, maxval=bound, dtype=jnp.float32)
        return W, b
    W1_0, b1_0 = lin(ks[2], FV_DIM, HIDDEN)
    W2_0, b2_0 = lin(ks[3], HIDDEN, HIDDEN)
    W1_1, b1_1 = lin(ks[4], HIDDEN, HIDDEN)
    W2_1, b2_1 = lin(ks[5], HIDDEN, HIDDEN)
    W1_2, b1_2 = lin(ks[6], HIDDEN, EMBED)
    W2_2, b2_2 = lin(ks[7], EMBED, EMBED)
    Wout, bout = lin(ks[8], EMBED, OUT_CH)
    eps0 = jnp.zeros((), dtype=jnp.float32)
    eps1 = jnp.zeros((), dtype=jnp.float32)
    eps2 = jnp.zeros((), dtype=jnp.float32)
    return {
        'x': x, 'edge_index': edge_index,
        'W1_0': W1_0, 'b1_0': b1_0, 'W2_0': W2_0, 'b2_0': b2_0,
        'W1_1': W1_1, 'b1_1': b1_1, 'W2_1': W2_1, 'b2_1': b2_1,
        'W1_2': W1_2, 'b1_2': b1_2, 'W2_2': W2_2, 'b2_2': b2_2,
        'Wout': Wout, 'bout': bout,
        'eps0': eps0, 'eps1': eps1, 'eps2': eps2,
    }


def _gin_layer(h, eps, W1, b1, W2, b2, src, dst, n_nodes):
    # GINConv with 'mean' aggregator, learn_eps=True (dropout disabled / eval mode)
    msg = jnp.take(h, src, axis=0)
    agg_sum = jax.ops.segment_sum(msg, dst, num_segments=n_nodes)
    deg = jax.ops.segment_sum(jnp.ones((src.shape[0], 1), dtype=h.dtype), dst, num_segments=n_nodes)
    agg = agg_sum / jnp.maximum(deg, 1.0)
    z = (1.0 + eps) * h + agg
    z = jax.nn.leaky_relu(z @ W1 + b1, negative_slope=0.01)
    z = jax.nn.leaky_relu(z @ W2 + b2, negative_slope=0.01)
    return z


def reference(x, edge_index,
              W1_0, b1_0, W2_0, b2_0,
              W1_1, b1_1, W2_1, b2_1,
              W1_2, b1_2, W2_2, b2_2,
              Wout, bout, eps0, eps1, eps2):
    src = edge_index[0]
    dst = edge_index[1]
    n = x.shape[0]
    h = _gin_layer(x, eps0, W1_0, b1_0, W2_0, b2_0, src, dst, n)
    h = _gin_layer(h, eps1, W1_1, b1_1, W2_1, b2_1, src, dst, n)
    n_embed = _gin_layer(h, eps2, W1_2, b1_2, W2_2, b2_2, src, dst, n)
    n_out = n_embed @ Wout + bout
    return (n_out, n_embed)

if __name__ == "__main__":
    import jax
    _d = setup_inputs()
    print(jax.jit(kernel)(*tuple(_d.values())))

</pallas_src>

<mosaic_0001>
#map = affine_map<(d0, d1) -> (0, 0)>
#map1 = affine_map<(d0, d1) -> (0, 0, 0, 0)>
#map2 = affine_map<(d0, d1) -> (0, 0, 0)>
module attributes {stable_mosaic.version = 14 : i64} {
  func.func @body(%arg0: i32, %arg1: i32, %arg2: memref<20000x128xf32, #tpu.memory_space<hbm>>, %arg3: memref<32x31x3x112xi32, #tpu.memory_space<hbm>>, %arg4: memref<32x31x3x112xi32, #tpu.memory_space<hbm>>, %arg5: memref<32x31x3x112xi32, #tpu.memory_space<hbm>>, %arg6: memref<624x128xf32, #tpu.memory_space<hbm>>, %arg7: memref<2x10000x128xf32, #tpu.memory_space<hbm>>, %arg8: memref<2x3x112xi32, #tpu.memory_space<vmem>>, %arg9: memref<2x3x112xi32, #tpu.memory_space<vmem>>, %arg10: memref<112x128xf32, #tpu.memory_space<vmem>>, %arg11: memref<112x128xf32, #tpu.memory_space<vmem>>, %arg12: memref<112x128xf32, #tpu.memory_space<vmem>>, %arg13: memref<10008x128xf32, #tpu.memory_space<vmem_shared>>, %arg14: memref<!tpu.dma_semaphore, #tpu.memory_space<semaphore_mem>>, %arg15: memref<!tpu.dma_semaphore, #tpu.memory_space<semaphore_mem>>, %arg16: memref<!tpu.dma_semaphore, #tpu.memory_space<semaphore_mem>>, %arg17: memref<!tpu.dma_semaphore, #tpu.memory_space<semaphore_mem>>) attributes {dimension_semantics = [#tpu.dimension_semantics<core_parallel>, #tpu.dimension_semantics<subcore_parallel>], iteration_bounds = array<i64: 2, 16>, scalar_prefetch = 0 : i64, scratch_operands = 10 : i64, tpu.core_type = #tpu.core_type<sc_vector_subcore>, window_params = [{transform_indices = #map}, {transform_indices = #map1}, {transform_indices = #map1}, {transform_indices = #map1}, {transform_indices = #map}, {transform_indices = #map2}]} {
    %mul3A = arith.constant 16 : i32
    %mul3A_0 = arith.muli %arg0, %mul3A : i32
    %add3A = arith.addi %mul3A_0, %arg1 : i32
    %mul3A_1 = arith.constant 624 : i32
    %mul3A_2 = arith.muli %arg1, %mul3A_1 : i32
    %eq3A = arith.constant 0 : i32
    %eq3A_3 = arith.cmpi eq, %arg0, %eq3A : i32
    %convert_element_type3A = arith.extui %eq3A_3 : i1 to i32
    %cond3A = arith.constant 0 : i32
    %cond3A_4 = arith.cmpi ne, %convert_element_type3A, %cond3A : i32
    scf.if %cond3A_4 {
      %dma_start3A_122 = arith.constant 0 : i32
      %dma_start3A_123 = arith.constant 0 : i32
      %dma_start3A_124 = arith.constant 0 : i32
      %dma_start3A_125 = arith.constant 0 : i32
      %dma_start3A_126 = tpu.memref_slice %arg8[%dma_start3A_123, %dma_start3A_124, %dma_start3A_125] : memref<2x3x112xi32, #tpu.memory_space<vmem>> -> memref<1x3x112xi32, #tpu.memory_space<vmem>>
      %dma_start3A_127 = tpu.memref_squeeze %dma_start3A_126 : memref<1x3x112xi32, #tpu.memory_space<vmem>> -> memref<3x112xi32, #tpu.memory_space<vmem>>
      %dma_start3A_128 = arith.constant 0 : i32
      %dma_start3A_129 = arith.constant 0 : i32
      %dma_start3A_130 = tpu.memref_slice %arg3[%add3A, %dma_start3A_122, %dma_start3A_128, %dma_start3A_129] : memref<32x31x3x112xi32, #tpu.memory_space<hbm>> -> memref<1x1x3x112xi32, #tpu.memory_space<hbm>>
      %dma_start3A_131 = tpu.memref_squeeze %dma_start3A_130 : memref<1x1x3x112xi32, #tpu.memory_space<hbm>> -> memref<3x112xi32, #tpu.memory_space<hbm>>
      %dma_start3A_132 = arith.constant 0 : i32
      %dma_start3A_133 = arith.constant 0 : i32
      %dma_start3A_134 = tpu.memref_slice %arg8[%dma_start3A_123, %dma_start3A_132, %dma_start3A_133] : memref<2x3x112xi32, #tpu.memory_space<vmem>> -> memref<1x3x112xi32, #tpu.memory_space<vmem>>
      %dma_start3A_135 = tpu.memref_squeeze %dma_start3A_134 : memref<1x3x112xi32, #tpu.memory_space<vmem>> -> memref<3x112xi32, #tpu.memory_space<vmem>>
      %dma_start3A_136 = arith.constant 0 : i32
      %dma_start3A_137 = arith.constant 0 : i32
      %dma_start3A_138 = tpu.memref_slice %arg3[%add3A, %dma_start3A_122, %dma_start3A_136, %dma_start3A_137] : memref<32x31x3x112xi32, #tpu.memory_space<hbm>> -> memref<1x1x3x112xi32, #tpu.memory_space<hbm>>
      %dma_start3A_139 = tpu.memref_squeeze %dma_start3A_138 : memref<1x1x3x112xi32, #tpu.memory_space<hbm>> -> memref<3x112xi32, #tpu.memory_space<hbm>>
      tpu.enqueue_dma source(%dma_start3A_139 : memref<3x112xi32, #tpu.memory_space<hbm>>) target(%dma_start3A_135 : memref<3x112xi32, #tpu.memory_space<vmem>>) target_semaphore(%arg17 : memref<!tpu.dma_semaphore, #tpu.memory_space<semaphore_mem>>)
    } else {
    }
    %eq3A_5 = arith.constant 1 : i32
    %eq3A_6 = arith.cmpi eq, %arg0, %eq3A_5 : i32
    %convert_element_type3A_7 = arith.extui %eq3A_6 : i1 to i32
    %cond3A_8 = arith.constant 0 : i32
    %cond3A_9 = arith.cmpi ne, %convert_element_type3A_7, %cond3A_8 : i32
    scf.if %cond3A_9 {
      %dma_start3A_122 = arith.constant 0 : i32
      %dma_start3A_123 = arith.constant 0 : i32
      %dma_start3A_124 = arith.constant 0 : i32
      %dma_start3A_125 = arith.constant 0 : i32
      %dma_start3A_126 = tpu.memref_slice %arg8[%dma_start3A_123, %dma_start3A_124, %dma_start3A_125] : memref<2x3x112xi32, #tpu.memory_space<vmem>> -> memref<1x3x112xi32, #tpu.memory_space<vmem>>
      %dma_start3A_127 = tpu.memref_squeeze %dma_start3A_126 : memref<1x3x112xi32, #tpu.memory_space<vmem>> -> memref<3x112xi32, #tpu.memory_space<vmem>>
      %dma_start3A_128 = arith.constant 0 : i32
      %dma_start3A_129 = arith.constant 0 : i32
      %dma_start3A_130 = tpu.memref_slice %arg4[%add3A, %dma_start3A_122, %dma_start3A_128, %dma_start3A_129] : memref<32x31x3x112xi32, #tpu.memory_space<hbm>> -> memref<1x1x3x112xi32, #tpu.memory_space<hbm>>
      %dma_start3A_131 = tpu.memref_squeeze %dma_start3A_130 : memref<1x1x3x112xi32, #tpu.memory_space<hbm>> -> memref<3x112xi32, #tpu.memory_space<hbm>>
      %dma_start3A_132 = arith.constant 0 : i32
      %dma_start3A_133 = arith.constant 0 : i32
      %dma_start3A_134 = tpu.memref_slice %arg8[%dma_start3A_123, %dma_start3A_132, %dma_start3A_133] : memref<2x3x112xi32, #tpu.memory_space<vmem>> -> memref<1x3x112xi32, #tpu.memory_space<vmem>>
      %dma_start3A_135 = tpu.memref_squeeze %dma_start3A_134 : memref<1x3x112xi32, #tpu.memory_space<vmem>> -> memref<3x112xi32, #tpu.memory_space<vmem>>
      %dma_start3A_136 = arith.constant 0 : i32
      %dma_start3A_137 = arith.constant 0 : i32
      %dma_start3A_138 = tpu.memref_slice %arg4[%add3A, %dma_start3A_122, %dma_start3A_136, %dma_start3A_137] : memref<32x31x3x112xi32, #tpu.memory_space<hbm>> -> memref<1x1x3x112xi32, #tpu.memory_space<hbm>>
      %dma_start3A_139 = tpu.memref_squeeze %dma_start3A_138 : memref<1x1x3x112xi32, #tpu.memory_space<hbm>> -> memref<3x112xi32, #tpu.memory_space<hbm>>
      tpu.enqueue_dma source(%dma_start3A_139 : memref<3x112xi32, #tpu.memory_space<hbm>>) target(%dma_start3A_135 : memref<3x112xi32, #tpu.memory_space<vmem>>) target_semaphore(%arg17 : memref<!tpu.dma_semaphore, #tpu.memory_space<semaphore_mem>>)
    } else {
    }
    %dma_start3A = arith.constant 0 : i32
    %dma_start3A_10 = arith.constant 0 : i32
    %dma_start3A_11 = arith.constant 0 : i32
    %dma_start3A_12 = arith.constant 0 : i32
    %dma_start3A_13 = tpu.memref_slice %arg9[%dma_start3A_10, %dma_start3A_11, %dma_start3A_12] : memref<2x3x112xi32, #tpu.memory_space<vmem>> -> memref<1x3x112xi32, #tpu.memory_space<vmem>>
    %dma_start3A_14 = tpu.memref_squeeze %dma_start3A_13 : memref<1x3x112xi32, #tpu.memory_space<vmem>> -> memref<3x112xi32, #tpu.memory_space<vmem>>
    %dma_start3A_15 = arith.constant 0 : i32
    %dma_start3A_16 = arith.constant 0 : i32
    %dma_start3A_17 = tpu.memref_slice %arg5[%add3A, %dma_start3A, %dma_start3A_15, %dma_start3A_16] : memref<32x31x3x112xi32, #tpu.memory_space<hbm>> -> memref<1x1x3x112xi32, #tpu.memory_space<hbm>>
    %dma_start3A_18 = tpu.memref_squeeze %dma_start3A_17 : memref<1x1x3x112xi32, #tpu.memory_space<hbm>> -> memref<3x112xi32, #tpu.memory_space<hbm>>
    %dma_start3A_19 = arith.constant 0 : i32
    %dma_start3A_20 = arith.constant 0 : i32
    %dma_start3A_21 = tpu.memref_slice %arg9[%dma_start3A_10, %dma_start3A_19, %dma_start3A_20] : memref<2x3x112xi32, #tpu.memory_space<vmem>> -> memref<1x3x112xi32, #tpu.memory_space<vmem>>
    %dma_start3A_22 = tpu.memref_squeeze %dma_start3A_21 : memref<1x3x112xi32, #tpu.memory_space<vmem>> -> memref<3x112xi32, #tpu.memory_space<vmem>>
    %dma_start3A_23 = arith.constant 0 : i32
    %dma_start3A_24 = arith.constant 0 : i32
    %dma_start3A_25 = tpu.memref_slice %arg5[%add3A, %dma_start3A, %dma_start3A_23, %dma_start3A_24] : memref<32x31x3x112xi32, #tpu.memory_space<hbm>> -> memref<1x1x3x112xi32, #tpu.memory_space<hbm>>
    %dma_start3A_26 = tpu.memref_squeeze %dma_start3A_25 : memref<1x1x3x112xi32, #tpu.memory_space<hbm>> -> memref<3x112xi32, #tpu.memory_space<hbm>>
    tpu.enqueue_dma source(%dma_start3A_26 : memref<3x112xi32, #tpu.memory_space<hbm>>) target(%dma_start3A_22 : memref<3x112xi32, #tpu.memory_space<vmem>>) target_semaphore(%arg17 : memref<!tpu.dma_semaphore, #tpu.memory_space<semaphore_mem>>)
    %dma_wait3A = arith.constant 0 : i32
    %dma_wait3A_27 = arith.constant 0 : i32
    %dma_wait3A_28 = arith.constant 0 : i32
    %dma_wait3A_29 = arith.constant 0 : i32
    %dma_wait3A_30 = tpu.memref_slice %arg8[%dma_wait3A_27, %dma_wait3A_28, %dma_wait3A_29] : memref<2x3x112xi32, #tpu.memory_space<vmem>> -> memref<1x3x112xi32, #tpu.memory_space<vmem>>
    %dma_wait3A_31 = tpu.memref_squeeze %dma_wait3A_30 : memref<1x3x112xi32, #tpu.memory_space<vmem>> -> memref<3x112xi32, #tpu.memory_space<vmem>>
    %dma_wait3A_32 = arith.constant 0 : i32
    %dma_wait3A_33 = arith.constant 0 : i32
    %dma_wait3A_34 = tpu.memref_slice %arg3[%add3A, %dma_wait3A, %dma_wait3A_32, %dma_wait3A_33] : memref<32x31x3x112xi32, #tpu.memory_space<hbm>> -> memref<1x1x3x112xi32, #tpu.memory_space<hbm>>
    %dma_wait3A_35 = tpu.memref_squeeze %dma_wait3A_34 : memref<1x1x3x112xi32, #tpu.memory_space<hbm>> -> memref<3x112xi32, #tpu.memory_space<hbm>>
    %dma_wait3A_36 = arith.constant 0 : i32
    %dma_wait3A_37 = arith.constant 0 : i32
    %dma_wait3A_38 = tpu.memref_slice %arg8[%dma_wait3A_27, %dma_wait3A_36, %dma_wait3A_37] : memref<2x3x112xi32, #tpu.memory_space<vmem>> -> memref<1x3x112xi32, #tpu.memory_space<vmem>>
    %dma_wait3A_39 = tpu.memref_squeeze %dma_wait3A_38 : memref<1x3x112xi32, #tpu.memory_space<vmem>> -> memref<3x112xi32, #tpu.memory_space<vmem>>
    %dma_wait3A_40 = arith.constant 0 : i32
    %dma_wait3A_41 = arith.constant 0 : i32
    %dma_wait3A_42 = tpu.memref_slice %arg3[%add3A, %dma_wait3A, %dma_wait3A_40, %dma_wait3A_41] : memref<32x31x3x112xi32, #tpu.memory_space<hbm>> -> memref<1x1x3x112xi32, #tpu.memory_space<hbm>>
    %dma_wait3A_43 = tpu.memref_squeeze %dma_wait3A_42 : memref<1x1x3x112xi32, #tpu.memory_space<hbm>> -> memref<3x112xi32, #tpu.memory_space<hbm>>
    tpu.wait_dma2 semaphore(%arg17 : memref<!tpu.dma_semaphore, #tpu.memory_space<semaphore_mem>>) src(%dma_wait3A_43 : memref<3x112xi32, #tpu.memory_space<hbm>>) dst(%dma_wait3A_39 : memref<3x112xi32, #tpu.memory_space<vmem>>)
    %dma_wait3A_44 = arith.constant 0 : i32
    %dma_wait3A_45 = arith.constant 0 : i32
    %dma_wait3A_46 = arith.constant 0 : i32
    %dma_wait3A_47 = arith.constant 0 : i32
    %dma_wait3A_48 = tpu.memref_slice %arg9[%dma_wait3A_45, %dma_wait3A_46, %dma_wait3A_47] : memref<2x3x112xi32, #tpu.memory_space<vmem>> -> memref<1x3x112xi32, #tpu.memory_space<vmem>>
    %dma_wait3A_49 = tpu.memref_squeeze %dma_wait3A_48 : memref<1x3x112xi32, #tpu.memory_space<vmem>> -> memref<3x112xi32, #tpu.memory_space<vmem>>
    %dma_wait3A_50 = arith.constant 0 : i32
    %dma_wait3A_51 = arith.constant 0 : i32
    %dma_wait3A_52 = tpu.memref_slice %arg5[%add3A, %dma_wait3A_44, %dma_wait3A_50, %dma_wait3A_51] : memref<32x31x3x112xi32, #tpu.memory_space<hbm>> -> memref<1x1x3x112xi32, #tpu.memory_space<hbm>>
    %dma_wait3A_53 = tpu.memref_squeeze %dma_wait3A_52 : memref<1x1x3x112xi32, #tpu.memory_space<hbm>> -> memref<3x112xi32, #tpu.memory_space<hbm>>
    %dma_wait3A_54 = arith.constant 0 : i32
    %dma_wait3A_55 = arith.constant 0 : i32
    %dma_wait3A_56 = tpu.memref_slice %arg9[%dma_wait3A_45, %dma_wait3A_54, %dma_wait3A_55] : memref<2x3x112xi32, #tpu.memory_space<vmem>> -> memref<1x3x112xi32, #tpu.memory_space<vmem>>
    %dma_wait3A_57 = tpu.memref_squeeze %dma_wait3A_56 : memref<1x3x112xi32, #tpu.memory_space<vmem>> -> memref<3x112xi32, #tpu.memory_space<vmem>>
    %dma_wait3A_58 = arith.constant 0 : i32
    %dma_wait3A_59 = arith.constant 0 : i32
    %dma_wait3A_60 = tpu.memref_slice %arg5[%add3A, %dma_wait3A_44, %dma_wait3A_58, %dma_wait3A_59] : memref<32x31x3x112xi32, #tpu.memory_space<hbm>> -> memref<1x1x3x112xi32, #tpu.memory_space<hbm>>
    %dma_wait3A_61 = tpu.memref_squeeze %dma_wait3A_60 : memref<1x1x3x112xi32, #tpu.memory_space<hbm>> -> memref<3x112xi32, #tpu.memory_space<hbm>>
    tpu.wait_dma2 semaphore(%arg17 : memref<!tpu.dma_semaphore, #tpu.memory_space<semaphore_mem>>) src(%dma_wait3A_61 : memref<3x112xi32, #tpu.memory_space<hbm>>) dst(%dma_wait3A_57 : memref<3x112xi32, #tpu.memory_space<vmem>>)
    %dma_start3A_62 = arith.constant 0 : i32
    %dma_start3A_63 = arith.constant 0 : i32
    %dma_start3A_64 = arith.constant 0 : i32
    %dma_start3A_65 = tpu.memref_slice %arg8[%dma_start3A_62, %dma_start3A_63, %dma_start3A_64] : memref<2x3x112xi32, #tpu.memory_space<vmem>> -> memref<1x1x112xi32, #tpu.memory_space<vmem>>
    %dma_start3A_66 = tpu.memref_squeeze %dma_start3A_65 : memref<1x1x112xi32, #tpu.memory_space<vmem>> -> memref<112xi32, #tpu.memory_space<vmem>>
    %dma_start3A_67 = arith.constant 0 : i32
    %dma_start3A_68 = arith.constant 0 : i32
    %dma_start3A_69 = tpu.memref_slice %arg2[%dma_start3A_67, %dma_start3A_68] : memref<20000x128xf32, #tpu.memory_space<hbm>> -> memref<20000x128xf32, #tpu.memory_space<hbm>>
    tpu.enqueue_indirect_dma source(%dma_start3A_69 : memref<20000x128xf32, #tpu.memory_space<hbm>>) target(%arg10 : memref<112x128xf32, #tpu.memory_space<vmem>>) offsets(%dma_start3A_66 : memref<112xi32, #tpu.memory_space<vmem>>) semaphore(%arg14 : memref<!tpu.dma_semaphore, #tpu.memory_space<semaphore_mem>>)
    %dma_start3A_70 = arith.constant 0 : i32
    %dma_start3A_71 = arith.constant 1 : i32
    %dma_start3A_72 = arith.constant 0 : i32
    %dma_start3A_73 = tpu.memref_slice %arg8[%dma_start3A_70, %dma_start3A_71, %dma_start3A_72] : memref<2x3x112xi32, #tpu.memory_space<vmem>> -> memref<1x1x112xi32, #tpu.memory_space<vmem>>
    %dma_start3A_74 = tpu.memref_squeeze %dma_start3A_73 : memref<1x1x112xi32, #tpu.memory_space<vmem>> -> memref<112xi32, #tpu.memory_space<vmem>>
    %dma_start3A_75 = arith.constant 0 : i32
    %dma_start3A_76 = arith.constant 0 : i32
    %dma_start3A_77 = tpu.memref_slice %arg2[%dma_start3A_75, %dma_start3A_76] : memref<20000x128xf32, #tpu.memory_space<hbm>> -> memref<20000x128xf32, #tpu.memory_space<hbm>>
    tpu.enqueue_indirect_dma source(%dma_start3A_77 : memref<20000x128xf32, #tpu.memory_space<hbm>>) target(%arg11 : memref<112x128xf32, #tpu.memory_space<vmem>>) offsets(%dma_start3A_74 : memref<112xi32, #tpu.memory_space<vmem>>) semaphore(%arg15 : memref<!tpu.dma_semaphore, #tpu.memory_space<semaphore_mem>>)
    "tpu.region"() ({
      %run_scoped3A = tpu.sem_alloc : memref<!tpu.dma_semaphore, #tpu.memory_space<semaphore_mem>>
      %dma_start3A_122 = arith.constant 0 : i32
      %dma_start3A_123 = arith.constant 0 : i32
      %dma_start3A_124 = tpu.memref_slice %arg6[%dma_start3A_122, %dma_start3A_123] : memref<624x128xf32, #tpu.memory_space<hbm>> -> memref<112x128xf32, #tpu.memory_space<hbm>>
      %dma_start3A_125 = arith.constant 0 : i32
      %dma_start3A_126 = arith.constant 0 : i32
      %dma_start3A_127 = tpu.memref_slice %arg6[%dma_start3A_125, %dma_start3A_126] : memref<624x128xf32, #tpu.memory_space<hbm>> -> memref<112x128xf32, #tpu.memory_space<hbm>>
      tpu.enqueue_dma source(%dma_start3A_127 : memref<112x128xf32, #tpu.memory_space<hbm>>) target(%arg12 : memref<112x128xf32, #tpu.memory_space<vmem>>) target_semaphore(%run_scoped3A : memref<!tpu.dma_semaphore, #tpu.memory_space<semaphore_mem>>)
      %dma_wait3A_128 = arith.constant 0 : i32
      %dma_wait3A_129 = arith.constant 0 : i32
      %dma_wait3A_130 = tpu.memref_slice %arg6[%dma_wait3A_128, %dma_wait3A_129] : memref<624x128xf32, #tpu.memory_space<hbm>> -> memref<112x128xf32, #tpu.memory_space<hbm>>
      %dma_wait3A_131 = arith.constant 0 : i32
      %dma_wait3A_132 = arith.constant 0 : i32
      %dma_wait3A_133 = tpu.memref_slice %arg6[%dma_wait3A_131, %dma_wait3A_132] : memref<624x128xf32, #tpu.memory_space<hbm>> -> memref<112x128xf32, #tpu.memory_space<hbm>>
      tpu.wait_dma2 semaphore(%run_scoped3A : memref<!tpu.dma_semaphore, #tpu.memory_space<semaphore_mem>>) src(%dma_wait3A_133 : memref<112x128xf32, #tpu.memory_space<hbm>>) dst(%arg12 : memref<112x128xf32, #tpu.memory_space<vmem>>)
      tpu.yield
    }) : () -> ()
    %add3A_78 = arith.constant 0 : i32
    %add3A_79 = arith.addi %mul3A_2, %add3A_78 : i32
    "tpu.region"() ({
      %run_scoped3A = tpu.sem_alloc : memref<!tpu.dma_semaphore, #tpu.memory_space<semaphore_mem>>
      %dma_start3A_122 = arith.constant 0 : i32
      %dma_start3A_123 = tpu.memref_slice %arg13[%add3A_79, %dma_start3A_122] : memref<10008x128xf32, #tpu.memory_space<vmem_shared>> -> memref<112x128xf32, #tpu.memory_space<vmem_shared>>
      %dma_start3A_124 = arith.constant 0 : i32
      %dma_start3A_125 = tpu.memref_slice %arg13[%add3A_79, %dma_start3A_124] : memref<10008x128xf32, #tpu.memory_space<vmem_shared>> -> memref<112x128xf32, #tpu.memory_space<vmem_shared>>
      tpu.enqueue_dma source(%arg12 : memref<112x128xf32, #tpu.memory_space<vmem>>) target(%dma_start3A_125 : memref<112x128xf32, #tpu.memory_space<vmem_shared>>) target_semaphore(%run_scoped3A : memref<!tpu.dma_semaphore, #tpu.memory_space<semaphore_mem>>)
      %dma_wait3A_126 = arith.constant 0 : i32
      %dma_wait3A_127 = tpu.memref_slice %arg13[%add3A_79, %dma_wait3A_126] : memref<10008x128xf32, #tpu.memory_space<vmem_shared>> -> memref<112x128xf32, #tpu.memory_space<vmem_shared>>
      %dma_wait3A_128 = arith.constant 0 : i32
      %dma_wait3A_129 = tpu.memref_slice %arg13[%add3A_79, %dma_wait3A_128] : memref<10008x128xf32, #tpu.memory_space<vmem_shared>> -> memref<112x128xf32, #tpu.memory_space<vmem_shared>>
      tpu.wait_dma2 semaphore(%run_scoped3A : memref<!tpu.dma_semaphore, #tpu.memory_space<semaphore_mem>>) src(%arg12 : memref<112x128xf32, #tpu.memory_space<vmem>>) dst(%dma_wait3A_129 : memref<112x128xf32, #tpu.memory_space<vmem_shared>>)
      tpu.yield
    }) : () -> ()
    %add3A_80 = arith.constant 112 : i32
    %add3A_81 = arith.addi %mul3A_2, %add3A_80 : i32
    "tpu.region"() ({
      %run_scoped3A = tpu.sem_alloc : memref<!tpu.dma_semaphore, #tpu.memory_space<semaphore_mem>>
      %dma_start3A_122 = arith.constant 0 : i32
      %dma_start3A_123 = tpu.memref_slice %arg13[%add3A_81, %dma_start3A_122] : memref<10008x128xf32, #tpu.memory_space<vmem_shared>> -> memref<112x128xf32, #tpu.memory_space<vmem_shared>>
      %dma_start3A_124 = arith.constant 0 : i32
      %dma_start3A_125 = tpu.memref_slice %arg13[%add3A_81, %dma_start3A_124] : memref<10008x128xf32, #tpu.memory_space<vmem_shared>> -> memref<112x128xf32, #tpu.memory_space<vmem_shared>>
      tpu.enqueue_dma source(%arg12 : memref<112x128xf32, #tpu.memory_space<vmem>>) target(%dma_start3A_125 : memref<112x128xf32, #tpu.memory_space<vmem_shared>>) target_semaphore(%run_scoped3A : memref<!tpu.dma_semaphore, #tpu.memory_space<semaphore_mem>>)
      %dma_wait3A_126 = arith.constant 0 : i32
      %dma_wait3A_127 = tpu.memref_slice %arg13[%add3A_81, %dma_wait3A_126] : memref<10008x128xf32, #tpu.memory_space<vmem_shared>> -> memref<112x128xf32, #tpu.memory_space<vmem_shared>>
      %dma_wait3A_128 = arith.constant 0 : i32
      %dma_wait3A_129 = tpu.memref_slice %arg13[%add3A_81, %dma_wait3A_128] : memref<10008x128xf32, #tpu.memory_space<vmem_shared>> -> memref<112x128xf32, #tpu.memory_space<vmem_shared>>
      tpu.wait_dma2 semaphore(%run_scoped3A : memref<!tpu.dma_semaphore, #tpu.memory_space<semaphore_mem>>) src(%arg12 : memref<112x128xf32, #tpu.memory_space<vmem>>) dst(%dma_wait3A_129 : memref<112x128xf32, #tpu.memory_space<vmem_shared>>)
      tpu.yield
    }) : () -> ()
    %add3A_82 = arith.constant 224 : i32
    %add3A_83 = arith.addi %mul3A_2, %add3A_82 : i32
    "tpu.region"() ({
      %run_scoped3A = tpu.sem_alloc : memref<!tpu.dma_semaphore, #tpu.memory_space<semaphore_mem>>
      %dma_start3A_122 = arith.constant 0 : i32
      %dma_start3A_123 = tpu.memref_slice %arg13[%add3A_83, %dma_start3A_122] : memref<10008x128xf32, #tpu.memory_space<vmem_shared>> -> memref<112x128xf32, #tpu.memory_space<vmem_shared>>
      %dma_start3A_124 = arith.constant 0 : i32
      %dma_start3A_125 = tpu.memref_slice %arg13[%add3A_83, %dma_start3A_124] : memref<10008x128xf32, #tpu.memory_space<vmem_shared>> -> memref<112x128xf32, #tpu.memory_space<vmem_shared>>
      tpu.enqueue_dma source(%arg12 : memref<112x128xf32, #tpu.memory_space<vmem>>) target(%dma_start3A_125 : memref<112x128xf32, #tpu.memory_space<vmem_shared>>) target_semaphore(%run_scoped3A : memref<!tpu.dma_semaphore, #tpu.memory_space<semaphore_mem>>)
      %dma_wait3A_126 = arith.constant 0 : i32
      %dma_wait3A_127 = tpu.memref_slice %arg13[%add3A_83, %dma_wait3A_126] : memref<10008x128xf32, #tpu.memory_space<vmem_shared>> -> memref<112x128xf32, #tpu.memory_space<vmem_shared>>
      %dma_wait3A_128 = arith.constant 0 : i32
      %dma_wait3A_129 = tpu.memref_slice %arg13[%add3A_83, %dma_wait3A_128] : memref<10008x128xf32, #tpu.memory_space<vmem_shared>> -> memref<112x128xf32, #tpu.memory_space<vmem_shared>>
      tpu.wait_dma2 semaphore(%run_scoped3A : memref<!tpu.dma_semaphore, #tpu.memory_space<semaphore_mem>>) src(%arg12 : memref<112x128xf32, #tpu.memory_space<vmem>>) dst(%dma_wait3A_129 : memref<112x128xf32, #tpu.memory_space<vmem_shared>>)
      tpu.yield
    }) : () -> ()
    %add3A_84 = arith.constant 336 : i32
    %add3A_85 = arith.addi %mul3A_2, %add3A_84 : i32
    "tpu.region"() ({
      %run_scoped3A = tpu.sem_alloc : memref<!tpu.dma_semaphore, #tpu.memory_space<semaphore_mem>>
      %dma_start3A_122 = arith.constant 0 : i32
      %dma_start3A_123 = tpu.memref_slice %arg13[%add3A_85, %dma_start3A_122] : memref<10008x128xf32, #tpu.memory_space<vmem_shared>> -> memref<112x128xf32, #tpu.memory_space<vmem_shared>>
      %dma_start3A_124 = arith.constant 0 : i32
      %dma_start3A_125 = tpu.memref_slice %arg13[%add3A_85, %dma_start3A_124] : memref<10008x128xf32, #tpu.memory_space<vmem_shared>> -> memref<112x128xf32, #tpu.memory_space<vmem_shared>>
      tpu.enqueue_dma source(%arg12 : memref<112x128xf32, #tpu.memory_space<vmem>>) target(%dma_start3A_125 : memref<112x128xf32, #tpu.memory_space<vmem_shared>>) target_semaphore(%run_scoped3A : memref<!tpu.dma_semaphore, #tpu.memory_space<semaphore_mem>>)
      %dma_wait3A_126 = arith.constant 0 : i32
      %dma_wait3A_127 = tpu.memref_slice %arg13[%add3A_85, %dma_wait3A_126] : memref<10008x128xf32, #tpu.memory_space<vmem_shared>> -> memref<112x128xf32, #tpu.memory_space<vmem_shared>>
      %dma_wait3A_128 = arith.constant 0 : i32
      %dma_wait3A_129 = tpu.memref_slice %arg13[%add3A_85, %dma_wait3A_128] : memref<10008x128xf32, #tpu.memory_space<vmem_shared>> -> memref<112x128xf32, #tpu.memory_space<vmem_shared>>
      tpu.wait_dma2 semaphore(%run_scoped3A : memref<!tpu.dma_semaphore, #tpu.memory_space<semaphore_mem>>) src(%arg12 : memref<112x128xf32, #tpu.memory_space<vmem>>) dst(%dma_wait3A_129 : memref<112x128xf32, #tpu.memory_space<vmem_shared>>)
      tpu.yield
    }) : () -> ()
    %add3A_86 = arith.constant 448 : i32
    %add3A_87 = arith.addi %mul3A_2, %add3A_86 : i32
    "tpu.region"() ({
      %run_scoped3A = tpu.sem_alloc : memref<!tpu.dma_semaphore, #tpu.memory_space<semaphore_mem>>
      %dma_start3A_122 = arith.constant 0 : i32
      %dma_start3A_123 = tpu.memref_slice %arg13[%add3A_87, %dma_start3A_122] : memref<10008x128xf32, #tpu.memory_space<vmem_shared>> -> memref<112x128xf32, #tpu.memory_space<vmem_shared>>
      %dma_start3A_124 = arith.constant 0 : i32
      %dma_start3A_125 = tpu.memref_slice %arg13[%add3A_87, %dma_start3A_124] : memref<10008x128xf32, #tpu.memory_space<vmem_shared>> -> memref<112x128xf32, #tpu.memory_space<vmem_shared>>
      tpu.enqueue_dma source(%arg12 : memref<112x128xf32, #tpu.memory_space<vmem>>) target(%dma_start3A_125 : memref<112x128xf32, #tpu.memory_space<vmem_shared>>) target_semaphore(%run_scoped3A : memref<!tpu.dma_semaphore, #tpu.memory_space<semaphore_mem>>)
      %dma_wait3A_126 = arith.constant 0 : i32
      %dma_wait3A_127 = tpu.memref_slice %arg13[%add3A_87, %dma_wait3A_126] : memref<10008x128xf32, #tpu.memory_space<vmem_shared>> -> memref<112x128xf32, #tpu.memory_space<vmem_shared>>
      %dma_wait3A_128 = arith.constant 0 : i32
      %dma_wait3A_129 = tpu.memref_slice %arg13[%add3A_87, %dma_wait3A_128] : memref<10008x128xf32, #tpu.memory_space<vmem_shared>> -> memref<112x128xf32, #tpu.memory_space<vmem_shared>>
      tpu.wait_dma2 semaphore(%run_scoped3A : memref<!tpu.dma_semaphore, #tpu.memory_space<semaphore_mem>>) src(%arg12 : memref<112x128xf32, #tpu.memory_space<vmem>>) dst(%dma_wait3A_129 : memref<112x128xf32, #tpu.memory_space<vmem_shared>>)
      tpu.yield
    }) : () -> ()
    %add3A_88 = arith.constant 560 : i32
    %add3A_89 = arith.addi %mul3A_2, %add3A_88 : i32
    "tpu.region"() ({
      %run_scoped3A = tpu.sem_alloc : memref<!tpu.dma_semaphore, #tpu.memory_space<semaphore_mem>>
      %dma_start3A_122 = arith.constant 0 : i32
      %dma_start3A_123 = arith.constant 0 : i32
      %dma_start3A_124 = tpu.memref_slice %arg12[%dma_start3A_122, %dma_start3A_123] : memref<112x128xf32, #tpu.memory_space<vmem>> -> memref<64x128xf32, #tpu.memory_space<vmem>>
      %dma_start3A_125 = arith.constant 0 : i32
      %dma_start3A_126 = tpu.memref_slice %arg13[%add3A_89, %dma_start3A_125] : memref<10008x128xf32, #tpu.memory_space<vmem_shared>> -> memref<64x128xf32, #tpu.memory_space<vmem_shared>>
      %dma_start3A_127 = arith.constant 0 : i32
      %dma_start3A_128 = tpu.memref_slice %arg13[%add3A_89, %dma_start3A_127] : memref<10008x128xf32, #tpu.memory_space<vmem_shared>> -> memref<64x128xf32, #tpu.memory_space<vmem_shared>>
      %dma_start3A_129 = arith.constant 0 : i32
      %dma_start3A_130 = arith.constant 0 : i32
      %dma_start3A_131 = tpu.memref_slice %arg12[%dma_start3A_129, %dma_start3A_130] : memref<112x128xf32, #tpu.memory_space<vmem>> -> memref<64x128xf32, #tpu.memory_space<vmem>>
      tpu.enqueue_dma source(%dma_start3A_131 : memref<64x128xf32, #tpu.memory_space<vmem>>) target(%dma_start3A_128 : memref<64x128xf32, #tpu.memory_space<vmem_shared>>) target_semaphore(%run_scoped3A : memref<!tpu.dma_semaphore, #tpu.memory_space<semaphore_mem>>)
      %dma_wait3A_132 = arith.constant 0 : i32
      %dma_wait3A_133 = arith.constant 0 : i32
      %dma_wait3A_134 = tpu.memref_slice %arg12[%dma_wait3A_132, %dma_wait3A_133] : memref<112x128xf32, #tpu.memory_space<vmem>> -> memref<64x128xf32, #tpu.memory_space<vmem>>
      %dma_wait3A_135 = arith.constant 0 : i32
      %dma_wait3A_136 = tpu.memref_slice %arg13[%add3A_89, %dma_wait3A_135] : memref<10008x128xf32, #tpu.memory_space<vmem_shared>> -> memref<64x128xf32, #tpu.memory_space<vmem_shared>>
      %dma_wait3A_137 = arith.constant 0 : i32
      %dma_wait3A_138 = tpu.memref_slice %arg13[%add3A_89, %dma_wait3A_137] : memref<10008x128xf32, #tpu.memory_space<vmem_shared>> -> memref<64x128xf32, #tpu.memory_space<vmem_shared>>
      %dma_wait3A_139 = arith.constant 0 : i32
      %dma_wait3A_140 = arith.constant 0 : i32
      %dma_wait3A_141 = tpu.memref_slice %arg12[%dma_wait3A_139, %dma_wait3A_140] : memref<112x128xf32, #tpu.memory_space<vmem>> -> memref<64x128xf32, #tpu.memory_space<vmem>>
      tpu.wait_dma2 semaphore(%run_scoped3A : memref<!tpu.dma_semaphore, #tpu.memory_space<semaphore_mem>>) src(%dma_wait3A_141 : memref<64x128xf32, #tpu.memory_space<vmem>>) dst(%dma_wait3A_138 : memref<64x128xf32, #tpu.memory_space<vmem_shared>>)
      tpu.yield
    }) : () -> ()
    %eq3A_90 = arith.constant 15 : i32
    %eq3A_91 = arith.cmpi eq, %arg1, %eq3A_90 : i32
    %convert_element_type3A_92 = arith.extui %eq3A_91 : i1 to i32
    %cond3A_93 = arith.constant 0 : i32
    %cond3A_94 = arith.cmpi ne, %convert_element_type3A_92, %cond3A_93 : i32
    scf.if %cond3A_94 {
      "tpu.region"() ({
        %run_scoped3A = tpu.sem_alloc : memref<!tpu.dma_semaphore, #tpu.memory_space<semaphore_mem>>
        %dma_start3A_122 = arith.constant 0 : i32
        %dma_start3A_123 = arith.constant 0 : i32
        %dma_start3A_124 = tpu.memref_slice %arg12[%dma_start3A_122, %dma_start3A_123] : memref<112x128xf32, #tpu.memory_space<vmem>> -> memref<24x128xf32, #tpu.memory_space<vmem>>
        %dma_start3A_125 = arith.constant 9984 : i32
        %dma_start3A_126 = arith.constant 0 : i32
        %dma_start3A_127 = tpu.memref_slice %arg13[%dma_start3A_125, %dma_start3A_126] : memref<10008x128xf32, #tpu.memory_space<vmem_shared>> -> memref<24x128xf32, #tpu.memory_space<vmem_shared>>
        %dma_start3A_128 = arith.constant 9984 : i32
        %dma_start3A_129 = arith.constant 0 : i32
        %dma_start3A_130 = tpu.memref_slice %arg13[%dma_start3A_128, %dma_start3A_129] : memref<10008x128xf32, #tpu.memory_space<vmem_shared>> -> memref<24x128xf32, #tpu.memory_space<vmem_shared>>
        %dma_start3A_131 = arith.constant 0 : i32
        %dma_start3A_132 = arith.constant 0 : i32
        %dma_start3A_133 = tpu.memref_slice %arg12[%dma_start3A_131, %dma_start3A_132] : memref<112x128xf32, #tpu.memory_space<vmem>> -> memref<24x128xf32, #tpu.memory_space<vmem>>
        tpu.enqueue_dma source(%dma_start3A_133 : memref<24x128xf32, #tpu.memory_space<vmem>>) target(%dma_start3A_130 : memref<24x128xf32, #tpu.memory_space<vmem_shared>>) target_semaphore(%run_scoped3A : memref<!tpu.dma_semaphore, #tpu.memory_space<semaphore_mem>>)
        %dma_wait3A_134 = arith.constant 0 : i32
        %dma_wait3A_135 = arith.constant 0 : i32
        %dma_wait3A_136 = tpu.memref_slice %arg12[%dma_wait3A_134, %dma_wait3A_135] : memref<112x128xf32, #tpu.memory_space<vmem>> -> memref<24x128xf32, #tpu.memory_space<vmem>>
        %dma_wait3A_137 = arith.constant 9984 : i32
        %dma_wait3A_138 = arith.constant 0 : i32
        %dma_wait3A_139 = tpu.memref_slice %arg13[%dma_wait3A_137, %dma_wait3A_138] : memref<10008x128xf32, #tpu.memory_space<vmem_shared>> -> memref<24x128xf32, #tpu.memory_space<vmem_shared>>
        %dma_wait3A_140 = arith.constant 9984 : i32
        %dma_wait3A_141 = arith.constant 0 : i32
        %dma_wait3A_142 = tpu.memref_slice %arg13[%dma_wait3A_140, %dma_wait3A_141] : memref<10008x128xf32, #tpu.memory_space<vmem_shared>> -> memref<24x128xf32, #tpu.memory_space<vmem_shared>>
        %dma_wait3A_143 = arith.constant 0 : i32
        %dma_wait3A_144 = arith.constant 0 : i32
        %dma_wait3A_145 = tpu.memref_slice %arg12[%dma_wait3A_143, %dma_wait3A_144] : memref<112x128xf32, #tpu.memory_space<vmem>> -> memref<24x128xf32, #tpu.memory_space<vmem>>
        tpu.wait_dma2 semaphore(%run_scoped3A : memref<!tpu.dma_semaphore, #tpu.memory_space<semaphore_mem>>) src(%dma_wait3A_145 : memref<24x128xf32, #tpu.memory_space<vmem>>) dst(%dma_wait3A_142 : memref<24x128xf32, #tpu.memory_space<vmem_shared>>)
        tpu.yield
      }) : () -> ()
    } else {
    }
    %barrier3A = arith.constant 0 : index
    tpu.barrier barrier_id(%barrier3A)
    %broadcast_in_dim3A = arith.constant 1.000000e+00 : f32
    %broadcast_in_dim3A_95 = vector.broadcast %broadcast_in_dim3A : f32 to vector<16xf32>
    %scan3A = arith.constant 0 : i32
    %scan3A_96 = arith.constant 30 : i32
    %scan3A_97 = arith.addi %scan3A, %scan3A_96 : i32
    %scan3A_98 = arith.constant 1 : i32
    scf.for %scan3A_122 = %scan3A to %scan3A_97 step %scan3A_98  : i32 {
      %mul3A_123 = arith.constant 1 : i32
      %mul3A_124 = arith.muli %scan3A_122, %mul3A_123 : i32
      %add3A_125 = arith.constant 0 : i32
      %add3A_126 = arith.addi %add3A_125, %mul3A_124 : i32
      %rem3A_127 = arith.constant 2 : i32
      %rem3A_128 = arith.remsi %add3A_126, %rem3A_127 : i32
      %add3A_129 = arith.constant 1 : i32
      %add3A_130 = arith.addi %add3A_126, %add3A_129 : i32
      %sub3A = arith.constant 1 : i32
      %sub3A_131 = arith.subi %sub3A, %rem3A_128 : i32
      %eq3A_132 = arith.constant 0 : i32
      %eq3A_133 = arith.cmpi eq, %arg0, %eq3A_132 : i32
      %convert_element_type3A_134 = arith.extui %eq3A_133 : i1 to i32
      %cond3A_135 = arith.constant 0 : i32
      %cond3A_136 = arith.cmpi ne, %convert_element_type3A_134, %cond3A_135 : i32
      scf.if %cond3A_136 {
        %dma_start3A_242 = arith.constant 0 : i32
        %dma_start3A_243 = arith.constant 0 : i32
        %dma_start3A_244 = tpu.memref_slice %arg8[%sub3A_131, %dma_start3A_242, %dma_start3A_243] : memref<2x3x112xi32, #tpu.memory_space<vmem>> -> memref<1x3x112xi32, #tpu.memory_space<vmem>>
        %dma_start3A_245 = tpu.memref_squeeze %dma_start3A_244 : memref<1x3x112xi32, #tpu.memory_space<vmem>> -> memref<3x112xi32, #tpu.memory_space<vmem>>
        %dma_start3A_246 = arith.constant 0 : i32
        %dma_start3A_247 = arith.constant 0 : i32
        %dma_start3A_248 = tpu.memref_slice %arg3[%add3A, %add3A_130, %dma_start3A_246, %dma_start3A_247] : memref<32x31x3x112xi32, #tpu.memory_space<hbm>> -> memref<1x1x3x112xi32, #tpu.memory_space<hbm>>
        %dma_start3A_249 = tpu.memref_squeeze %dma_start3A_248 : memref<1x1x3x112xi32, #tpu.memory_space<hbm>> -> memref<3x112xi32, #tpu.memory_space<hbm>>
        %dma_start3A_250 = arith.constant 0 : i32
        %dma_start3A_251 = arith.constant 0 : i32
        %dma_start3A_252 = tpu.memref_slice %arg8[%sub3A_131, %dma_start3A_250, %dma_start3A_251] : memref<2x3x112xi32, #tpu.memory_space<vmem>> -> memref<1x3x112xi32, #tpu.memory_space<vmem>>
        %dma_start3A_253 = tpu.memref_squeeze %dma_start3A_252 : memref<1x3x112xi32, #tpu.memory_space<vmem>> -> memref<3x112xi32, #tpu.memory_space<vmem>>
        %dma_start3A_254 = arith.constant 0 : i32
        %dma_start3A_255 = arith.constant 0 : i32
        %dma_start3A_256 = tpu.memref_slice %arg3[%add3A, %add3A_130, %dma_start3A_254, %dma_start3A_255] : memref<32x31x3x112xi32, #tpu.memory_space<hbm>> -> memref<1x1x3x112xi32, #tpu.memory_space<hbm>>
        %dma_start3A_257 = tpu.memref_squeeze %dma_start3A_256 : memref<1x1x3x112xi32, #tpu.memory_space<hbm>> -> memref<3x112xi32, #tpu.memory_space<hbm>>
        tpu.enqueue_dma source(%dma_start3A_257 : memref<3x112xi32, #tpu.memory_space<hbm>>) target(%dma_start3A_253 : memref<3x112xi32, #tpu.memory_space<vmem>>) target_semaphore(%arg17 : memref<!tpu.dma_semaphore, #tpu.memory_space<semaphore_mem>>)
      } else {
      }
      %eq3A_137 = arith.constant 1 : i32
      %eq3A_138 = arith.cmpi eq, %arg0, %eq3A_137 : i32
      %convert_element_type3A_139 = arith.extui %eq3A_138 : i1 to i32
      %cond3A_140 = arith.constant 0 : i32
      %cond3A_141 = arith.cmpi ne, %convert_element_type3A_139, %cond3A_140 : i32
      scf.if %cond3A_141 {
        %dma_start3A_242 = arith.constant 0 : i32
        %dma_start3A_243 = arith.constant 0 : i32
        %dma_start3A_244 = tpu.memref_slice %arg8[%sub3A_131, %dma_start3A_242, %dma_start3A_243] : memref<2x3x112xi32, #tpu.memory_space<vmem>> -> memref<1x3x112xi32, #tpu.memory_space<vmem>>
        %dma_start3A_245 = tpu.memref_squeeze %dma_start3A_244 : memref<1x3x112xi32, #tpu.memory_space<vmem>> -> memref<3x112xi32, #tpu.memory_space<vmem>>
        %dma_start3A_246 = arith.constant 0 : i32
        %dma_start3A_247 = arith.constant 0 : i32
        %dma_start3A_248 = tpu.memref_slice %arg4[%add3A, %add3A_130, %dma_start3A_246, %dma_start3A_247] : memref<32x31x3x112xi32, #tpu.memory_space<hbm>> -> memref<1x1x3x112xi32, #tpu.memory_space<hbm>>
        %dma_start3A_249 = tpu.memref_squeeze %dma_start3A_248 : memref<1x1x3x112xi32, #tpu.memory_space<hbm>> -> memref<3x112xi32, #tpu.memory_space<hbm>>
        %dma_start3A_250 = arith.constant 0 : i32
        %dma_start3A_251 = arith.constant 0 : i32
        %dma_start3A_252 = tpu.memref_slice %arg8[%sub3A_131, %dma_start3A_250, %dma_start3A_251] : memref<2x3x112xi32, #tpu.memory_space<vmem>> -> memref<1x3x112xi32, #tpu.memory_space<vmem>>
        %dma_start3A_253 = tpu.memref_squeeze %dma_start3A_252 : memref<1x3x112xi32, #tpu.memory_space<vmem>> -> memref<3x112xi32, #tpu.memory_space<vmem>>
        %dma_start3A_254 = arith.constant 0 : i32
        %dma_start3A_255 = arith.constant 0 : i32
        %dma_start3A_256 = tpu.memref_slice %arg4[%add3A, %add3A_130, %dma_start3A_254, %dma_start3A_255] : memref<32x31x3x112xi32, #tpu.memory_space<hbm>> -> memref<1x1x3x112xi32, #tpu.memory_space<hbm>>
        %dma_start3A_257 = tpu.memref_squeeze %dma_start3A_256 : memref<1x1x3x112xi32, #tpu.memory_space<hbm>> -> memref<3x112xi32, #tpu.memory_space<hbm>>
        tpu.enqueue_dma source(%dma_start3A_257 : memref<3x112xi32, #tpu.memory_space<hbm>>) target(%dma_start3A_253 : memref<3x112xi32, #tpu.memory_space<vmem>>) target_semaphore(%arg17 : memref<!tpu.dma_semaphore, #tpu.memory_space<semaphore_mem>>)
      } else {
      }
      %dma_start3A_142 = arith.constant 0 : i32
      %dma_start3A_143 = arith.constant 0 : i32
      %dma_start3A_144 = tpu.memref_slice %arg9[%sub3A_131, %dma_start3A_142, %dma_start3A_143] : memref<2x3x112xi32, #tpu.memory_space<vmem>> -> memref<1x3x112xi32, #tpu.memory_space<vmem>>
      %dma_start3A_145 = tpu.memref_squeeze %dma_start3A_144 : memref<1x3x112xi32, #tpu.memory_space<vmem>> -> memref<3x112xi32, #tpu.memory_space<vmem>>
      %dma_start3A_146 = arith.constant 0 : i32
      %dma_start3A_147 = arith.constant 0 : i32
      %dma_start3A_148 = tpu.memref_slice %arg5[%add3A, %add3A_130, %dma_start3A_146, %dma_start3A_147] : memref<32x31x3x112xi32, #tpu.memory_space<hbm>> -> memref<1x1x3x112xi32, #tpu.memory_space<hbm>>
      %dma_start3A_149 = tpu.memref_squeeze %dma_start3A_148 : memref<1x1x3x112xi32, #tpu.memory_space<hbm>> -> memref<3x112xi32, #tpu.memory_space<hbm>>
      %dma_start3A_150 = arith.constant 0 : i32
      %dma_start3A_151 = arith.constant 0 : i32
      %dma_start3A_152 = tpu.memref_slice %arg9[%sub3A_131, %dma_start3A_150, %dma_start3A_151] : memref<2x3x112xi32, #tpu.memory_space<vmem>> -> memref<1x3x112xi32, #tpu.memory_space<vmem>>
      %dma_start3A_153 = tpu.memref_squeeze %dma_start3A_152 : memref<1x3x112xi32, #tpu.memory_space<vmem>> -> memref<3x112xi32, #tpu.memory_space<vmem>>
      %dma_start3A_154 = arith.constant 0 : i32
      %dma_start3A_155 = arith.constant 0 : i32
      %dma_start3A_156 = tpu.memref_slice %arg5[%add3A, %add3A_130, %dma_start3A_154, %dma_start3A_155] : memref<32x31x3x112xi32, #tpu.memory_space<hbm>> -> memref<1x1x3x112xi32, #tpu.memory_space<hbm>>
      %dma_start3A_157 = tpu.memref_squeeze %dma_start3A_156 : memref<1x1x3x112xi32, #tpu.memory_space<hbm>> -> memref<3x112xi32, #tpu.memory_space<hbm>>
      tpu.enqueue_dma source(%dma_start3A_157 : memref<3x112xi32, #tpu.memory_space<hbm>>) target(%dma_start3A_153 : memref<3x112xi32, #tpu.memory_space<vmem>>) target_semaphore(%arg17 : memref<!tpu.dma_semaphore, #tpu.memory_space<semaphore_mem>>)
      %dma_start3A_158 = arith.constant 2 : i32
      %dma_start3A_159 = arith.constant 0 : i32
      %dma_start3A_160 = tpu.memref_slice %arg8[%rem3A_128, %dma_start3A_158, %dma_start3A_159] : memref<2x3x112xi32, #tpu.memory_space<vmem>> -> memref<1x1x112xi32, #tpu.memory_space<vmem>>
      %dma_start3A_161 = tpu.memref_squeeze %dma_start3A_160 : memref<1x1x112xi32, #tpu.memory_space<vmem>> -> memref<112xi32, #tpu.memory_space<vmem>>
      %dma_start3A_162 = arith.constant 0 : i32
      %dma_start3A_163 = arith.constant 0 : i32
      %dma_start3A_164 = tpu.memref_slice %arg2[%dma_start3A_162, %dma_start3A_163] : memref<20000x128xf32, #tpu.memory_space<hbm>> -> memref<20000x128xf32, #tpu.memory_space<hbm>>
      tpu.enqueue_indirect_dma source(%dma_start3A_164 : memref<20000x128xf32, #tpu.memory_space<hbm>>) target(%arg12 : memref<112x128xf32, #tpu.memory_space<vmem>>) offsets(%dma_start3A_161 : memref<112xi32, #tpu.memory_space<vmem>>) semaphore(%arg16 : memref<!tpu.dma_semaphore, #tpu.memory_space<semaphore_mem>>)
      %dma_wait3A_165 = arith.constant 0 : i32
      %dma_wait3A_166 = arith.constant 0 : i32
      %dma_wait3A_167 = tpu.memref_slice %arg8[%rem3A_128, %dma_wait3A_165, %dma_wait3A_166] : memref<2x3x112xi32, #tpu.memory_space<vmem>> -> memref<1x1x112xi32, #tpu.memory_space<vmem>>
      %dma_wait3A_168 = tpu.memref_squeeze %dma_wait3A_167 : memref<1x1x112xi32, #tpu.memory_space<vmem>> -> memref<112xi32, #tpu.memory_space<vmem>>
      %dma_wait3A_169 = arith.constant 0 : i32
      %dma_wait3A_170 = arith.constant 0 : i32
      %dma_wait3A_171 = tpu.memref_slice %arg2[%dma_wait3A_169, %dma_wait3A_170] : memref<20000x128xf32, #tpu.memory_space<hbm>> -> memref<20000x128xf32, #tpu.memory_space<hbm>>
      tpu.wait_indirect_dma semaphore(%arg14 : memref<!tpu.dma_semaphore, #tpu.memory_space<semaphore_mem>>) src(%dma_wait3A_171 : memref<20000x128xf32, #tpu.memory_space<hbm>>) dst(%arg10 : memref<112x128xf32, #tpu.memory_space<vmem>>)
      %run_scoped3A = arith.constant 0 : i32
      "tpu.region"() ({
        %run_scoped3A_242 = tpu.sem_alloc : memref<!tpu.dma_semaphore, #tpu.memory_space<semaphore_mem>>
        %dma_start3A_243 = arith.constant 0 : i32
        %dma_start3A_244 = tpu.memref_slice %arg9[%rem3A_128, %run_scoped3A, %dma_start3A_243] : memref<2x3x112xi32, #tpu.memory_space<vmem>> -> memref<1x1x112xi32, #tpu.memory_space<vmem>>
        %dma_start3A_245 = tpu.memref_squeeze %dma_start3A_244 : memref<1x1x112xi32, #tpu.memory_space<vmem>> -> memref<112xi32, #tpu.memory_space<vmem>>
        %dma_start3A_246 = arith.constant 0 : i32
        %dma_start3A_247 = arith.constant 0 : i32
        %dma_start3A_248 = tpu.memref_slice %arg13[%dma_start3A_246, %dma_start3A_247] : memref<10008x128xf32, #tpu.memory_space<vmem_shared>> -> memref<10008x128xf32, #tpu.memory_space<vmem_shared>>
        tpu.enqueue_indirect_dma source(%arg10 : memref<112x128xf32, #tpu.memory_space<vmem>>) target(%dma_start3A_248 : memref<10008x128xf32, #tpu.memory_space<vmem_shared>>) offsets(%dma_start3A_245 : memref<112xi32, #tpu.memory_space<vmem>>) semaphore(%run_scoped3A_242 : memref<!tpu.dma_semaphore, #tpu.memory_space<semaphore_mem>>) {add = true}
        %dma_wait3A_249 = arith.constant 0 : i32
        %dma_wait3A_250 = tpu.memref_slice %arg9[%rem3A_128, %run_scoped3A, %dma_wait3A_249] : memref<2x3x112xi32, #tpu.memory_space<vmem>> -> memref<1x1x112xi32, #tpu.memory_space<vmem>>
        %dma_wait3A_251 = tpu.memref_squeeze %dma_wait3A_250 : memref<1x1x112xi32, #tpu.memory_space<vmem>> -> memref<112xi32, #tpu.memory_space<vmem>>
        %dma_wait3A_252 = arith.constant 0 : i32
        %dma_wait3A_253 = arith.constant 0 : i32
        %dma_wait3A_254 = tpu.memref_slice %arg13[%dma_wait3A_252, %dma_wait3A_253] : memref<10008x128xf32, #tpu.memory_space<vmem_shared>> -> memref<10008x128xf32, #tpu.memory_space<vmem_shared>>
        tpu.wait_indirect_dma semaphore(%run_scoped3A_242 : memref<!tpu.dma_semaphore, #tpu.memory_space<semaphore_mem>>) src(%arg10 : memref<112x128xf32, #tpu.memory_space<vmem>>) dst(%dma_wait3A_254 : memref<10008x128xf32, #tpu.memory_space<vmem_shared>>)
        tpu.yield
      }) : () -> ()
      %add3A_172 = arith.constant 1 : i32
      %add3A_173 = arith.addi %add3A_126, %add3A_172 : i32
      %sub3A_174 = arith.constant 1 : i32
      %sub3A_175 = arith.subi %sub3A_174, %rem3A_128 : i32
      %dma_wait3A_176 = arith.constant 0 : i32
      %dma_wait3A_177 = arith.constant 0 : i32
      %dma_wait3A_178 = tpu.memref_slice %arg8[%sub3A_175, %dma_wait3A_176, %dma_wait3A_177] : memref<2x3x112xi32, #tpu.memory_space<vmem>> -> memref<1x3x112xi32, #tpu.memory_space<vmem>>
      %dma_wait3A_179 = tpu.memref_squeeze %dma_wait3A_178 : memref<1x3x112xi32, #tpu.memory_space<vmem>> -> memref<3x112xi32, #tpu.memory_space<vmem>>
      %dma_wait3A_180 = arith.constant 0 : i32
      %dma_wait3A_181 = arith.constant 0 : i32
      %dma_wait3A_182 = tpu.memref_slice %arg3[%add3A, %add3A_173, %dma_wait3A_180, %dma_wait3A_181] : memref<32x31x3x112xi32, #tpu.memory_space<hbm>> -> memref<1x1x3x112xi32, #tpu.memory_space<hbm>>
      %dma_wait3A_183 = tpu.memref_squeeze %dma_wait3A_182 : memref<1x1x3x112xi32, #tpu.memory_space<hbm>> -> memref<3x112xi32, #tpu.memory_space<hbm>>
      %dma_wait3A_184 = arith.constant 0 : i32
      %dma_wait3A_185 = arith.constant 0 : i32
      %dma_wait3A_186 = tpu.memref_slice %arg8[%sub3A_175, %dma_wait3A_184, %dma_wait3A_185] : memref<2x3x112xi32, #tpu.memory_space<vmem>> -> memref<1x3x112xi32, #tpu.memory_space<vmem>>
      %dma_wait3A_187 = tpu.memref_squeeze %dma_wait3A_186 : memref<1x3x112xi32, #tpu.memory_space<vmem>> -> memref<3x112xi32, #tpu.memory_space<vmem>>
      %dma_wait3A_188 = arith.constant 0 : i32
      %dma_wait3A_189 = arith.constant 0 : i32
      %dma_wait3A_190 = tpu.memref_slice %arg3[%add3A, %add3A_173, %dma_wait3A_188, %dma_wait3A_189] : memref<32x31x3x112xi32, #tpu.memory_space<hbm>> -> memref<1x1x3x112xi32, #tpu.memory_space<hbm>>
      %dma_wait3A_191 = tpu.memref_squeeze %dma_wait3A_190 : memref<1x1x3x112xi32, #tpu.memory_space<hbm>> -> memref<3x112xi32, #tpu.memory_space<hbm>>
      tpu.wait_dma2 semaphore(%arg17 : memref<!tpu.dma_semaphore, #tpu.memory_space<semaphore_mem>>) src(%dma_wait3A_191 : memref<3x112xi32, #tpu.memory_space<hbm>>) dst(%dma_wait3A_187 : memref<3x112xi32, #tpu.memory_space<vmem>>)
      %dma_wait3A_192 = arith.constant 0 : i32
      %dma_wait3A_193 = arith.constant 0 : i32
      %dma_wait3A_194 = tpu.memref_slice %arg9[%sub3A_175, %dma_wait3A_192, %dma_wait3A_193] : memref<2x3x112xi32, #tpu.memory_space<vmem>> -> memref<1x3x112xi32, #tpu.memory_space<vmem>>
      %dma_wait3A_195 = tpu.memref_squeeze %dma_wait3A_194 : memref<1x3x112xi32, #tpu.memory_space<vmem>> -> memref<3x112xi32, #tpu.memory_space<vmem>>
      %dma_wait3A_196 = arith.constant 0 : i32
      %dma_wait3A_197 = arith.constant 0 : i32
      %dma_wait3A_198 = tpu.memref_slice %arg5[%add3A, %add3A_173, %dma_wait3A_196, %dma_wait3A_197] : memref<32x31x3x112xi32, #tpu.memory_space<hbm>> -> memref<1x1x3x112xi32, #tpu.memory_space<hbm>>
      %dma_wait3A_199 = tpu.memref_squeeze %dma_wait3A_198 : memref<1x1x3x112xi32, #tpu.memory_space<hbm>> -> memref<3x112xi32, #tpu.memory_space<hbm>>
      %dma_wait3A_200 = arith.constant 0 : i32
      %dma_wait3A_201 = arith.constant 0 : i32
      %dma_wait3A_202 = tpu.memref_slice %arg9[%sub3A_175, %dma_wait3A_200, %dma_wait3A_201] : memref<2x3x112xi32, #tpu.memory_space<vmem>> -> memref<1x3x112xi32, #tpu.memory_space<vmem>>
      %dma_wait3A_203 = tpu.memref_squeeze %dma_wait3A_202 : memref<1x3x112xi32, #tpu.memory_space<vmem>> -> memref<3x112xi32, #tpu.memory_space<vmem>>
      %dma_wait3A_204 = arith.constant 0 : i32
      %dma_wait3A_205 = arith.constant 0 : i32
      %dma_wait3A_206 = tpu.memref_slice %arg5[%add3A, %add3A_173, %dma_wait3A_204, %dma_wait3A_205] : memref<32x31x3x112xi32, #tpu.memory_space<hbm>> -> memref<1x1x3x112xi32, #tpu.memory_space<hbm>>
      %dma_wait3A_207 = tpu.memref_squeeze %dma_wait3A_206 : memref<1x1x3x112xi32, #tpu.memory_space<hbm>> -> memref<3x112xi32, #tpu.memory_space<hbm>>
      tpu.wait_dma2 semaphore(%arg17 : memref<!tpu.dma_semaphore, #tpu.memory_space<semaphore_mem>>) src(%dma_wait3A_207 : memref<3x112xi32, #tpu.memory_space<hbm>>) dst(%dma_wait3A_203 : memref<3x112xi32, #tpu.memory_space<vmem>>)
      %sub3A_208 = arith.constant 1 : i32
      %sub3A_209 = arith.subi %sub3A_208, %rem3A_128 : i32
      %dma_start3A_210 = arith.constant 0 : i32
      %dma_start3A_211 = arith.constant 0 : i32
      %dma_start3A_212 = tpu.memref_slice %arg8[%sub3A_209, %dma_start3A_210, %dma_start3A_211] : memref<2x3x112xi32, #tpu.memory_space<vmem>> -> memref<1x1x112xi32, #tpu.memory_space<vmem>>
      %dma_start3A_213 = tpu.memref_squeeze %dma_start3A_212 : memref<1x1x112xi32, #tpu.memory_space<vmem>> -> memref<112xi32, #tpu.memory_space<vmem>>
      %dma_start3A_214 = arith.constant 0 : i32
      %dma_start3A_215 = arith.constant 0 : i32
      %dma_start3A_216 = tpu.memref_slice %arg2[%dma_start3A_214, %dma_start3A_215] : memref<20000x128xf32, #tpu.memory_space<hbm>> -> memref<20000x128xf32, #tpu.memory_space<hbm>>
      tpu.enqueue_indirect_dma source(%dma_start3A_216 : memref<20000x128xf32, #tpu.memory_space<hbm>>) target(%arg10 : memref<112x128xf32, #tpu.memory_space<vmem>>) offsets(%dma_start3A_213 : memref<112xi32, #tpu.memory_space<vmem>>) semaphore(%arg14 : memref<!tpu.dma_semaphore, #tpu.memory_space<semaphore_mem>>)
      %dma_wait3A_217 = arith.constant 1 : i32
      %dma_wait3A_218 = arith.constant 0 : i32
      %dma_wait3A_219 = tpu.memref_slice %arg8[%rem3A_128, %dma_wait3A_217, %dma_wait3A_218] : memref<2x3x112xi32, #tpu.memory_space<vmem>> -> memref<1x1x112xi32, #tpu.memory_space<vmem>>
      %dma_wait3A_220 = tpu.memref_squeeze %dma_wait3A_219 : memref<1x1x112xi32, #tpu.memory_space<vmem>> -> memref<112xi32, #tpu.memory_space<vmem>>
      %dma_wait3A_221 = arith.constant 0 : i32
      %dma_wait3A_222 = arith.constant 0 : i32
      %dma_wait3A_223 = tpu.memref_slice %arg2[%dma_wait3A_221, %dma_wait3A_222] : memref<20000x128xf32, #tpu.memory_space<hbm>> -> memref<20000x128xf32, #tpu.memory_space<hbm>>
      tpu.wait_indirect_dma semaphore(%arg15 : memref<!tpu.dma_semaphore, #tpu.memory_space<semaphore_mem>>) src(%dma_wait3A_223 : memref<20000x128xf32, #tpu.memory_space<hbm>>) dst(%arg11 : memref<112x128xf32, #tpu.memory_space<vmem>>)
      %run_scoped3A_224 = arith.constant 1 : i32
      "tpu.region"() ({
        %run_scoped3A_242 = tpu.sem_alloc : memref<!tpu.dma_semaphore, #tpu.memory_space<semaphore_mem>>
        %dma_start3A_243 = arith.constant 0 : i32
        %dma_start3A_244 = tpu.memref_slice %arg9[%rem3A_128, %run_scoped3A_224, %dma_start3A_243] : memref<2x3x112xi32, #tpu.memory_space<vmem>> -> memref<1x1x112xi32, #tpu.memory_space<vmem>>
        %dma_start3A_245 = tpu.memref_squeeze %dma_start3A_244 : memref<1x1x112xi32, #tpu.memory_space<vmem>> -> memref<112xi32, #tpu.memory_space<vmem>>
        %dma_start3A_246 = arith.constant 0 : i32
        %dma_start3A_247 = arith.constant 0 : i32
        %dma_start3A_248 = tpu.memref_slice %arg13[%dma_start3A_246, %dma_start3A_247] : memref<10008x128xf32, #tpu.memory_space<vmem_shared>> -> memref<10008x128xf32, #tpu.memory_space<vmem_shared>>
        tpu.enqueue_indirect_dma source(%arg11 : memref<112x128xf32, #tpu.memory_space<vmem>>) target(%dma_start3A_248 : memref<10008x128xf32, #tpu.memory_space<vmem_shared>>) offsets(%dma_start3A_245 : memref<112xi32, #tpu.memory_space<vmem>>) semaphore(%run_scoped3A_242 : memref<!tpu.dma_semaphore, #tpu.memory_space<semaphore_mem>>) {add = true}
        %dma_wait3A_249 = arith.constant 0 : i32
        %dma_wait3A_250 = tpu.memref_slice %arg9[%rem3A_128, %run_scoped3A_224, %dma_wait3A_249] : memref<2x3x112xi32, #tpu.memory_space<vmem>> -> memref<1x1x112xi32, #tpu.memory_space<vmem>>
        %dma_wait3A_251 = tpu.memref_squeeze %dma_wait3A_250 : memref<1x1x112xi32, #tpu.memory_space<vmem>> -> memref<112xi32, #tpu.memory_space<vmem>>
        %dma_wait3A_252 = arith.constant 0 : i32
        %dma_wait3A_253 = arith.constant 0 : i32
        %dma_wait3A_254 = tpu.memref_slice %arg13[%dma_wait3A_252, %dma_wait3A_253] : memref<10008x128xf32, #tpu.memory_space<vmem_shared>> -> memref<10008x128xf32, #tpu.memory_space<vmem_shared>>
        tpu.wait_indirect_dma semaphore(%run_scoped3A_242 : memref<!tpu.dma_semaphore, #tpu.memory_space<semaphore_mem>>) src(%arg11 : memref<112x128xf32, #tpu.memory_space<vmem>>) dst(%dma_wait3A_254 : memref<10008x128xf32, #tpu.memory_space<vmem_shared>>)
        tpu.yield
      }) : () -> ()
      %sub3A_225 = arith.constant 1 : i32
      %sub3A_226 = arith.subi %sub3A_225, %rem3A_128 : i32
      %dma_start3A_227 = arith.constant 1 : i32
      %dma_start3A_228 = arith.constant 0 : i32
      %dma_start3A_229 = tpu.memref_slice %arg8[%sub3A_226, %dma_start3A_227, %dma_start3A_228] : memref<2x3x112xi32, #tpu.memory_space<vmem>> -> memref<1x1x112xi32, #tpu.memory_space<vmem>>
      %dma_start3A_230 = tpu.memref_squeeze %dma_start3A_229 : memref<1x1x112xi32, #tpu.memory_space<vmem>> -> memref<112xi32, #tpu.memory_space<vmem>>
      %dma_start3A_231 = arith.constant 0 : i32
      %dma_start3A_232 = arith.constant 0 : i32
      %dma_start3A_233 = tpu.memref_slice %arg2[%dma_start3A_231, %dma_start3A_232] : memref<20000x128xf32, #tpu.memory_space<hbm>> -> memref<20000x128xf32, #tpu.memory_space<hbm>>
      tpu.enqueue_indirect_dma source(%dma_start3A_233 : memref<20000x128xf32, #tpu.memory_space<hbm>>) target(%arg11 : memref<112x128xf32, #tpu.memory_space<vmem>>) offsets(%dma_start3A_230 : memref<112xi32, #tpu.memory_space<vmem>>) semaphore(%arg15 : memref<!tpu.dma_semaphore, #tpu.memory_space<semaphore_mem>>)
      %dma_wait3A_234 = arith.constant 2 : i32
      %dma_wait3A_235 = arith.constant 0 : i32
      %dma_wait3A_236 = tpu.memref_slice %arg8[%rem3A_128, %dma_wait3A_234, %dma_wait3A_235] : memref<2x3x112xi32, #tpu.memory_space<vmem>> -> memref<1x1x112xi32, #tpu.memory_space<vmem>>
      %dma_wait3A_237 = tpu.memref_squeeze %dma_wait3A_236 : memref<1x1x112xi32, #tpu.memory_space<vmem>> -> memref<112xi32, #tpu.memory_space<vmem>>
      %dma_wait3A_238 = arith.constant 0 : i32
      %dma_wait3A_239 = arith.constant 0 : i32
      %dma_wait3A_240 = tpu.memref_slice %arg2[%dma_wait3A_238, %dma_wait3A_239] : memref<20000x128xf32, #tpu.memory_space<hbm>> -> memref<20000x128xf32, #tpu.memory_space<hbm>>
      tpu.wait_indirect_dma semaphore(%arg16 : memref<!tpu.dma_semaphore, #tpu.memory_space<semaphore_mem>>) src(%dma_wait3A_240 : memref<20000x128xf32, #tpu.memory_space<hbm>>) dst(%arg12 : memref<112x128xf32, #tpu.memory_space<vmem>>)
      %run_scoped3A_241 = arith.constant 2 : i32
      "tpu.region"() ({
        %run_scoped3A_242 = tpu.sem_alloc : memref<!tpu.dma_semaphore, #tpu.memory_space<semaphore_mem>>
        %dma_start3A_243 = arith.constant 0 : i32
        %dma_start3A_244 = tpu.memref_slice %arg9[%rem3A_128, %run_scoped3A_241, %dma_start3A_243] : memref<2x3x112xi32, #tpu.memory_space<vmem>> -> memref<1x1x112xi32, #tpu.memory_space<vmem>>
        %dma_start3A_245 = tpu.memref_squeeze %dma_start3A_244 : memref<1x1x112xi32, #tpu.memory_space<vmem>> -> memref<112xi32, #tpu.memory_space<vmem>>
        %dma_start3A_246 = arith.constant 0 : i32
        %dma_start3A_247 = arith.constant 0 : i32
        %dma_start3A_248 = tpu.memref_slice %arg13[%dma_start3A_246, %dma_start3A_247] : memref<10008x128xf32, #tpu.memory_space<vmem_shared>> -> memref<10008x128xf32, #tpu.memory_space<vmem_shared>>
        tpu.enqueue_indirect_dma source(%arg12 : memref<112x128xf32, #tpu.memory_space<vmem>>) target(%dma_start3A_248 : memref<10008x128xf32, #tpu.memory_space<vmem_shared>>) offsets(%dma_start3A_245 : memref<112xi32, #tpu.memory_space<vmem>>) semaphore(%run_scoped3A_242 : memref<!tpu.dma_semaphore, #tpu.memory_space<semaphore_mem>>) {add = true}
        %dma_wait3A_249 = arith.constant 0 : i32
        %dma_wait3A_250 = tpu.memref_slice %arg9[%rem3A_128, %run_scoped3A_241, %dma_wait3A_249] : memref<2x3x112xi32, #tpu.memory_space<vmem>> -> memref<1x1x112xi32, #tpu.memory_space<vmem>>
        %dma_wait3A_251 = tpu.memref_squeeze %dma_wait3A_250 : memref<1x1x112xi32, #tpu.memory_space<vmem>> -> memref<112xi32, #tpu.memory_space<vmem>>
        %dma_wait3A_252 = arith.constant 0 : i32
        %dma_wait3A_253 = arith.constant 0 : i32
        %dma_wait3A_254 = tpu.memref_slice %arg13[%dma_wait3A_252, %dma_wait3A_253] : memref<10008x128xf32, #tpu.memory_space<vmem_shared>> -> memref<10008x128xf32, #tpu.memory_space<vmem_shared>>
        tpu.wait_indirect_dma semaphore(%run_scoped3A_242 : memref<!tpu.dma_semaphore, #tpu.memory_space<semaphore_mem>>) src(%arg12 : memref<112x128xf32, #tpu.memory_space<vmem>>) dst(%dma_wait3A_254 : memref<10008x128xf32, #tpu.memory_space<vmem_shared>>)
        tpu.yield
      }) : () -> ()
    }
    %scan3A_99 = arith.constant 30 : i32
    %rem3A = arith.constant 30 : i32
    %rem3A_100 = arith.constant 2 : i32
    %rem3A_101 = arith.remsi %rem3A, %rem3A_100 : i32
    %dma_wait3A_102 = arith.constant 0 : i32
    %dma_wait3A_103 = arith.constant 0 : i32
    %dma_wait3A_104 = tpu.memref_slice %arg8[%rem3A_101, %dma_wait3A_102, %dma_wait3A_103] : memref<2x3x112xi32, #tpu.memory_space<vmem>> -> memref<1x1x112xi32, #tpu.memory_space<vmem>>
    %dma_wait3A_105 = tpu.memref_squeeze %dma_wait3A_104 : memref<1x1x112xi32, #tpu.memory_space<vmem>> -> memref<112xi32, #tpu.memory_space<vmem>>
    %dma_wait3A_106 = arith.constant 0 : i32
    %dma_wait3A_107 = arith.constant 0 : i32
    %dma_wait3A_108 = tpu.memref_slice %arg2[%dma_wait3A_106, %dma_wait3A_107] : memref<20000x128xf32, #tpu.memory_space<hbm>> -> memref<20000x128xf32, #tpu.memory_space<hbm>>
    tpu.wait_indirect_dma semaphore(%arg14 : memref<!tpu.dma_semaphore, #tpu.memory_space<semaphore_mem>>) src(%dma_wait3A_108 : memref<20000x128xf32, #tpu.memory_space<hbm>>) dst(%arg10 : memref<112x128xf32, #tpu.memory_space<vmem>>)
    %dma_wait3A_109 = arith.constant 1 : i32
    %dma_wait3A_110 = arith.constant 0 : i32
    %dma_wait3A_111 = tpu.memref_slice %arg8[%rem3A_101, %dma_wait3A_109, %dma_wait3A_110] : memref<2x3x112xi32, #tpu.memory_space<vmem>> -> memref<1x1x112xi32, #tpu.memory_space<vmem>>
    %dma_wait3A_112 = tpu.memref_squeeze %dma_wait3A_111 : memref<1x1x112xi32, #tpu.memory_space<vmem>> -> memref<112xi32, #tpu.memory_space<vmem>>
    %dma_wait3A_113 = arith.constant 0 : i32
    %dma_wait3A_114 = arith.constant 0 : i32
    %dma_wait3A_115 = tpu.memref_slice %arg2[%dma_wait3A_113, %dma_wait3A_114] : memref<20000x128xf32, #tpu.memory_space<hbm>> -> memref<20000x128xf32, #tpu.memory_space<hbm>>
    tpu.wait_indirect_dma semaphore(%arg15 : memref<!tpu.dma_semaphore, #tpu.memory_space<semaphore_mem>>) src(%dma_wait3A_115 : memref<20000x128xf32, #tpu.memory_space<hbm>>) dst(%arg11 : memref<112x128xf32, #tpu.memory_space<vmem>>)
    %barrier3A_116 = arith.constant 0 : index
    tpu.barrier barrier_id(%barrier3A_116)
    "tpu.region"() ({
      %run_scoped3A = tpu.sem_alloc : memref<!tpu.dma_semaphore, #tpu.memory_space<semaphore_mem>>
      %dma_start3A_122 = arith.constant 0 : i32
      %dma_start3A_123 = tpu.memref_slice %arg7[%arg0, %mul3A_2, %dma_start3A_122] : memref<2x10000x128xf32, #tpu.memory_space<hbm>> -> memref<1x624x128xf32, #tpu.memory_space<hbm>>
      %dma_start3A_124 = tpu.memref_squeeze %dma_start3A_123 : memref<1x624x128xf32, #tpu.memory_space<hbm>> -> memref<624x128xf32, #tpu.memory_space<hbm>>
      %dma_start3A_125 = arith.constant 0 : i32
      %dma_start3A_126 = tpu.memref_slice %arg13[%mul3A_2, %dma_start3A_125] : memref<10008x128xf32, #tpu.memory_space<vmem_shared>> -> memref<624x128xf32, #tpu.memory_space<vmem_shared>>
      tpu.enqueue_dma source(%dma_start3A_126 : memref<624x128xf32, #tpu.memory_space<vmem_shared>>) target(%dma_start3A_124 : memref<624x128xf32, #tpu.memory_space<hbm>>) target_semaphore(%run_scoped3A : memref<!tpu.dma_semaphore, #tpu.memory_space<semaphore_mem>>)
      %dma_wait3A_127 = arith.constant 0 : i32
      %dma_wait3A_128 = tpu.memref_slice %arg7[%arg0, %mul3A_2, %dma_wait3A_127] : memref<2x10000x128xf32, #tpu.memory_space<hbm>> -> memref<1x624x128xf32, #tpu.memory_space<hbm>>
      %dma_wait3A_129 = tpu.memref_squeeze %dma_wait3A_128 : memref<1x624x128xf32, #tpu.memory_space<hbm>> -> memref<624x128xf32, #tpu.memory_space<hbm>>
      %dma_wait3A_130 = arith.constant 0 : i32
      %dma_wait3A_131 = tpu.memref_slice %arg13[%mul3A_2, %dma_wait3A_130] : memref<10008x128xf32, #tpu.memory_space<vmem_shared>> -> memref<624x128xf32, #tpu.memory_space<vmem_shared>>
      tpu.wait_dma2 semaphore(%run_scoped3A : memref<!tpu.dma_semaphore, #tpu.memory_space<semaphore_mem>>) src(%dma_wait3A_131 : memref<624x128xf32, #tpu.memory_space<vmem_shared>>) dst(%dma_wait3A_129 : memref<624x128xf32, #tpu.memory_space<hbm>>)
      tpu.yield
    }) : () -> ()
    %eq3A_117 = arith.constant 15 : i32
    %eq3A_118 = arith.cmpi eq, %arg1, %eq3A_117 : i32
    %convert_element_type3A_119 = arith.extui %eq3A_118 : i1 to i32
    %cond3A_120 = arith.constant 0 : i32
    %cond3A_121 = arith.cmpi ne, %convert_element_type3A_119, %cond3A_120 : i32
    scf.if %cond3A_121 {
      "tpu.region"() ({
        %run_scoped3A = tpu.sem_alloc : memref<!tpu.dma_semaphore, #tpu.memory_space<semaphore_mem>>
        %dma_start3A_122 = arith.constant 9984 : i32
        %dma_start3A_123 = arith.constant 0 : i32
        %dma_start3A_124 = tpu.memref_slice %arg7[%arg0, %dma_start3A_122, %dma_start3A_123] : memref<2x10000x128xf32, #tpu.memory_space<hbm>> -> memref<1x16x128xf32, #tpu.memory_space<hbm>>
        %dma_start3A_125 = tpu.memref_squeeze %dma_start3A_124 : memref<1x16x128xf32, #tpu.memory_space<hbm>> -> memref<16x128xf32, #tpu.memory_space<hbm>>
        %dma_start3A_126 = arith.constant 9984 : i32
        %dma_start3A_127 = arith.constant 0 : i32
        %dma_start3A_128 = tpu.memref_slice %arg13[%dma_start3A_126, %dma_start3A_127] : memref<10008x128xf32, #tpu.memory_space<vmem_shared>> -> memref<16x128xf32, #tpu.memory_space<vmem_shared>>
        tpu.enqueue_dma source(%dma_start3A_128 : memref<16x128xf32, #tpu.memory_space<vmem_shared>>) target(%dma_start3A_125 : memref<16x128xf32, #tpu.memory_space<hbm>>) target_semaphore(%run_scoped3A : memref<!tpu.dma_semaphore, #tpu.memory_space<semaphore_mem>>)
        %dma_wait3A_129 = arith.constant 9984 : i32
        %dma_wait3A_130 = arith.constant 0 : i32
        %dma_wait3A_131 = tpu.memref_slice %arg7[%arg0, %dma_wait3A_129, %dma_wait3A_130] : memref<2x10000x128xf32, #tpu.memory_space<hbm>> -> memref<1x16x128xf32, #tpu.memory_space<hbm>>
        %dma_wait3A_132 = tpu.memref_squeeze %dma_wait3A_131 : memref<1x16x128xf32, #tpu.memory_space<hbm>> -> memref<16x128xf32, #tpu.memory_space<hbm>>
        %dma_wait3A_133 = arith.constant 9984 : i32
        %dma_wait3A_134 = arith.constant 0 : i32
        %dma_wait3A_135 = tpu.memref_slice %arg13[%dma_wait3A_133, %dma_wait3A_134] : memref<10008x128xf32, #tpu.memory_space<vmem_shared>> -> memref<16x128xf32, #tpu.memory_space<vmem_shared>>
        tpu.wait_dma2 semaphore(%run_scoped3A : memref<!tpu.dma_semaphore, #tpu.memory_space<semaphore_mem>>) src(%dma_wait3A_135 : memref<16x128xf32, #tpu.memory_space<vmem_shared>>) dst(%dma_wait3A_132 : memref<16x128xf32, #tpu.memory_space<hbm>>)
        tpu.yield
      }) : () -> ()
    } else {
    }
    return
  }
}

#map = affine_map<(d0, d1) -> (0, 0)>
#map1 = affine_map<(d0, d1) -> (0, 0, 0, 0)>
#map2 = affine_map<(d0, d1) -> (0, 0, 0)>
module attributes {stable_mosaic.version = 14 : i64} {
  func.func @body(%arg0: i32, %arg1: i32, %arg2: memref<20000x128xf32, #tpu.memory_space<hbm>>, %arg3: memref<32x11x8x128xi32, #tpu.memory_space<hbm>>, %arg4: memref<32x11x8x128xi32, #tpu.memory_space<hbm>>, %arg5: memref<32x11x8x128xi32, #tpu.memory_space<hbm>>, %arg6: memref<624x128xf32, #tpu.memory_space<hbm>>, %arg7: memref<2x10000x128xf32, #tpu.memory_space<hbm>>, %arg8: memref<32x80x128xf32, #tpu.memory_space<hbm>>, %arg9: memref<2x8x128xi32, #tpu.memory_space<vmem>>, %arg10: memref<2x8x128xi32, #tpu.memory_space<vmem>>, %arg11: memref<128x128xf32, #tpu.memory_space<vmem>>, %arg12: memref<128x128xf32, #tpu.memory_space<vmem>>, %arg13: memref<80x128xf32, #tpu.memory_space<vmem>>, %arg14: memref<10008x128xf32, #tpu.memory_space<vmem_shared>>, %arg15: memref<!tpu.dma_semaphore, #tpu.memory_space<semaphore_mem>>, %arg16: memref<!tpu.dma_semaphore, #tpu.memory_space<semaphore_mem>>, %arg17: memref<!tpu.dma_semaphore, #tpu.memory_space<semaphore_mem>>) attributes {dimension_semantics = [#tpu.dimension_semantics<core_parallel>, #tpu.dimension_semantics<subcore_parallel>], iteration_bounds = array<i64: 2, 16>, scalar_prefetch = 0 : i64, scratch_operands = 9 : i64, tpu.core_type = #tpu.core_type<sc_vector_subcore>, window_params = [{transform_indices = #map}, {transform_indices = #map1}, {transform_indices = #map1}, {transform_indices = #map1}, {transform_indices = #map}, {transform_indices = #map2}, {transform_indices = #map2}]} {
    %mul3A = arith.constant 16 : i32
    %mul3A_0 = arith.muli %arg0, %mul3A : i32
    %add3A = arith.addi %mul3A_0, %arg1 : i32
    %mul3A_1 = arith.constant 624 : i32
    %mul3A_2 = arith.muli %arg1, %mul3A_1 : i32
    %eq3A = arith.constant 0 : i32
    %eq3A_3 = arith.cmpi eq, %arg0, %eq3A : i32
    %convert_element_type3A = arith.extui %eq3A_3 : i1 to i32
    %cond3A = arith.constant 0 : i32
    %cond3A_4 = arith.cmpi ne, %convert_element_type3A, %cond3A : i32
    scf.if %cond3A_4 {
      %dma_start3A_108 = arith.constant 0 : i32
      %dma_start3A_109 = arith.constant 0 : i32
      %dma_start3A_110 = arith.constant 0 : i32
      %dma_start3A_111 = arith.constant 0 : i32
      %dma_start3A_112 = tpu.memref_slice %arg9[%dma_start3A_109, %dma_start3A_110, %dma_start3A_111] : memref<2x8x128xi32, #tpu.memory_space<vmem>> -> memref<1x8x128xi32, #tpu.memory_space<vmem>>
      %dma_start3A_113 = tpu.memref_squeeze %dma_start3A_112 : memref<1x8x128xi32, #tpu.memory_space<vmem>> -> memref<8x128xi32, #tpu.memory_space<vmem>>
      %dma_start3A_114 = arith.constant 0 : i32
      %dma_start3A_115 = arith.constant 0 : i32
      %dma_start3A_116 = tpu.memref_slice %arg3[%add3A, %dma_start3A_108, %dma_start3A_114, %dma_start3A_115] : memref<32x11x8x128xi32, #tpu.memory_space<hbm>> -> memref<1x1x8x128xi32, #tpu.memory_space<hbm>>
      %dma_start3A_117 = tpu.memref_squeeze %dma_start3A_116 : memref<1x1x8x128xi32, #tpu.memory_space<hbm>> -> memref<8x128xi32, #tpu.memory_space<hbm>>
      %dma_start3A_118 = arith.constant 0 : i32
      %dma_start3A_119 = arith.constant 0 : i32
      %dma_start3A_120 = tpu.memref_slice %arg9[%dma_start3A_109, %dma_start3A_118, %dma_start3A_119] : memref<2x8x128xi32, #tpu.memory_space<vmem>> -> memref<1x8x128xi32, #tpu.memory_space<vmem>>
      %dma_start3A_121 = tpu.memref_squeeze %dma_start3A_120 : memref<1x8x128xi32, #tpu.memory_space<vmem>> -> memref<8x128xi32, #tpu.memory_space<vmem>>
      %dma_start3A_122 = arith.constant 0 : i32
      %dma_start3A_123 = arith.constant 0 : i32
      %dma_start3A_124 = tpu.memref_slice %arg3[%add3A, %dma_start3A_108, %dma_start3A_122, %dma_start3A_123] : memref<32x11x8x128xi32, #tpu.memory_space<hbm>> -> memref<1x1x8x128xi32, #tpu.memory_space<hbm>>
      %dma_start3A_125 = tpu.memref_squeeze %dma_start3A_124 : memref<1x1x8x128xi32, #tpu.memory_space<hbm>> -> memref<8x128xi32, #tpu.memory_space<hbm>>
      tpu.enqueue_dma source(%dma_start3A_125 : memref<8x128xi32, #tpu.memory_space<hbm>>) target(%dma_start3A_121 : memref<8x128xi32, #tpu.memory_space<vmem>>) target_semaphore(%arg17 : memref<!tpu.dma_semaphore, #tpu.memory_space<semaphore_mem>>)
    } else {
    }
    %eq3A_5 = arith.constant 1 : i32
    %eq3A_6 = arith.cmpi eq, %arg0, %eq3A_5 : i32
    %convert_element_type3A_7 = arith.extui %eq3A_6 : i1 to i32
    %cond3A_8 = arith.constant 0 : i32
    %cond3A_9 = arith.cmpi ne, %convert_element_type3A_7, %cond3A_8 : i32
    scf.if %cond3A_9 {
      %dma_start3A_108 = arith.constant 0 : i32
      %dma_start3A_109 = arith.constant 0 : i32
      %dma_start3A_110 = arith.constant 0 : i32
      %dma_start3A_111 = arith.constant 0 : i32
      %dma_start3A_112 = tpu.memref_slice %arg9[%dma_start3A_109, %dma_start3A_110, %dma_start3A_111] : memref<2x8x128xi32, #tpu.memory_space<vmem>> -> memref<1x8x128xi32, #tpu.memory_space<vmem>>
      %dma_start3A_113 = tpu.memref_squeeze %dma_start3A_112 : memref<1x8x128xi32, #tpu.memory_space<vmem>> -> memref<8x128xi32, #tpu.memory_space<vmem>>
      %dma_start3A_114 = arith.constant 0 : i32
      %dma_start3A_115 = arith.constant 0 : i32
      %dma_start3A_116 = tpu.memref_slice %arg4[%add3A, %dma_start3A_108, %dma_start3A_114, %dma_start3A_115] : memref<32x11x8x128xi32, #tpu.memory_space<hbm>> -> memref<1x1x8x128xi32, #tpu.memory_space<hbm>>
      %dma_start3A_117 = tpu.memref_squeeze %dma_start3A_116 : memref<1x1x8x128xi32, #tpu.memory_space<hbm>> -> memref<8x128xi32, #tpu.memory_space<hbm>>
      %dma_start3A_118 = arith.constant 0 : i32
      %dma_start3A_119 = arith.constant 0 : i32
      %dma_start3A_120 = tpu.memref_slice %arg9[%dma_start3A_109, %dma_start3A_118, %dma_start3A_119] : memref<2x8x128xi32, #tpu.memory_space<vmem>> -> memref<1x8x128xi32, #tpu.memory_space<vmem>>
      %dma_start3A_121 = tpu.memref_squeeze %dma_start3A_120 : memref<1x8x128xi32, #tpu.memory_space<vmem>> -> memref<8x128xi32, #tpu.memory_space<vmem>>
      %dma_start3A_122 = arith.constant 0 : i32
      %dma_start3A_123 = arith.constant 0 : i32
      %dma_start3A_124 = tpu.memref_slice %arg4[%add3A, %dma_start3A_108, %dma_start3A_122, %dma_start3A_123] : memref<32x11x8x128xi32, #tpu.memory_space<hbm>> -> memref<1x1x8x128xi32, #tpu.memory_space<hbm>>
      %dma_start3A_125 = tpu.memref_squeeze %dma_start3A_124 : memref<1x1x8x128xi32, #tpu.memory_space<hbm>> -> memref<8x128xi32, #tpu.memory_space<hbm>>
      tpu.enqueue_dma source(%dma_start3A_125 : memref<8x128xi32, #tpu.memory_space<hbm>>) target(%dma_start3A_121 : memref<8x128xi32, #tpu.memory_space<vmem>>) target_semaphore(%arg17 : memref<!tpu.dma_semaphore, #tpu.memory_space<semaphore_mem>>)
    } else {
    }
    %dma_start3A = arith.constant 0 : i32
    %dma_start3A_10 = arith.constant 0 : i32
    %dma_start3A_11 = arith.constant 0 : i32
    %dma_start3A_12 = arith.constant 0 : i32
    %dma_start3A_13 = tpu.memref_slice %arg10[%dma_start3A_10, %dma_start3A_11, %dma_start3A_12] : memref<2x8x128xi32, #tpu.memory_space<vmem>> -> memref<1x8x128xi32, #tpu.memory_space<vmem>>
    %dma_start3A_14 = tpu.memref_squeeze %dma_start3A_13 : memref<1x8x128xi32, #tpu.memory_space<vmem>> -> memref<8x128xi32, #tpu.memory_space<vmem>>
    %dma_start3A_15 = arith.constant 0 : i32
    %dma_start3A_16 = arith.constant 0 : i32
    %dma_start3A_17 = tpu.memref_slice %arg5[%add3A, %dma_start3A, %dma_start3A_15, %dma_start3A_16] : memref<32x11x8x128xi32, #tpu.memory_space<hbm>> -> memref<1x1x8x128xi32, #tpu.memory_space<hbm>>
    %dma_start3A_18 = tpu.memref_squeeze %dma_start3A_17 : memref<1x1x8x128xi32, #tpu.memory_space<hbm>> -> memref<8x128xi32, #tpu.memory_space<hbm>>
    %dma_start3A_19 = arith.constant 0 : i32
    %dma_start3A_20 = arith.constant 0 : i32
    %dma_start3A_21 = tpu.memref_slice %arg10[%dma_start3A_10, %dma_start3A_19, %dma_start3A_20] : memref<2x8x128xi32, #tpu.memory_space<vmem>> -> memref<1x8x128xi32, #tpu.memory_space<vmem>>
    %dma_start3A_22 = tpu.memref_squeeze %dma_start3A_21 : memref<1x8x128xi32, #tpu.memory_space<vmem>> -> memref<8x128xi32, #tpu.memory_space<vmem>>
    %dma_start3A_23 = arith.constant 0 : i32
    %dma_start3A_24 = arith.constant 0 : i32
    %dma_start3A_25 = tpu.memref_slice %arg5[%add3A, %dma_start3A, %dma_start3A_23, %dma_start3A_24] : memref<32x11x8x128xi32, #tpu.memory_space<hbm>> -> memref<1x1x8x128xi32, #tpu.memory_space<hbm>>
    %dma_start3A_26 = tpu.memref_squeeze %dma_start3A_25 : memref<1x1x8x128xi32, #tpu.memory_space<hbm>> -> memref<8x128xi32, #tpu.memory_space<hbm>>
    tpu.enqueue_dma source(%dma_start3A_26 : memref<8x128xi32, #tpu.memory_space<hbm>>) target(%dma_start3A_22 : memref<8x128xi32, #tpu.memory_space<vmem>>) target_semaphore(%arg17 : memref<!tpu.dma_semaphore, #tpu.memory_space<semaphore_mem>>)
    %dma_wait3A = arith.constant 0 : i32
    %dma_wait3A_27 = arith.constant 0 : i32
    %dma_wait3A_28 = arith.constant 0 : i32
    %dma_wait3A_29 = arith.constant 0 : i32
    %dma_wait3A_30 = tpu.memref_slice %arg9[%dma_wait3A_27, %dma_wait3A_28, %dma_wait3A_29] : memref<2x8x128xi32, #tpu.memory_space<vmem>> -> memref<1x8x128xi32, #tpu.memory_space<vmem>>
    %dma_wait3A_31 = tpu.memref_squeeze %dma_wait3A_30 : memref<1x8x128xi32, #tpu.memory_space<vmem>> -> memref<8x128xi32, #tpu.memory_space<vmem>>
    %dma_wait3A_32 = arith.constant 0 : i32
    %dma_wait3A_33 = arith.constant 0 : i32
    %dma_wait3A_34 = tpu.memref_slice %arg3[%add3A, %dma_wait3A, %dma_wait3A_32, %dma_wait3A_33] : memref<32x11x8x128xi32, #tpu.memory_space<hbm>> -> memref<1x1x8x128xi32, #tpu.memory_space<hbm>>
    %dma_wait3A_35 = tpu.memref_squeeze %dma_wait3A_34 : memref<1x1x8x128xi32, #tpu.memory_space<hbm>> -> memref<8x128xi32, #tpu.memory_space<hbm>>
    %dma_wait3A_36 = arith.constant 0 : i32
    %dma_wait3A_37 = arith.constant 0 : i32
    %dma_wait3A_38 = tpu.memref_slice %arg9[%dma_wait3A_27, %dma_wait3A_36, %dma_wait3A_37] : memref<2x8x128xi32, #tpu.memory_space<vmem>> -> memref<1x8x128xi32, #tpu.memory_space<vmem>>
    %dma_wait3A_39 = tpu.memref_squeeze %dma_wait3A_38 : memref<1x8x128xi32, #tpu.memory_space<vmem>> -> memref<8x128xi32, #tpu.memory_space<vmem>>
    %dma_wait3A_40 = arith.constant 0 : i32
    %dma_wait3A_41 = arith.constant 0 : i32
    %dma_wait3A_42 = tpu.memref_slice %arg3[%add3A, %dma_wait3A, %dma_wait3A_40, %dma_wait3A_41] : memref<32x11x8x128xi32, #tpu.memory_space<hbm>> -> memref<1x1x8x128xi32, #tpu.memory_space<hbm>>
    %dma_wait3A_43 = tpu.memref_squeeze %dma_wait3A_42 : memref<1x1x8x128xi32, #tpu.memory_space<hbm>> -> memref<8x128xi32, #tpu.memory_space<hbm>>
    tpu.wait_dma2 semaphore(%arg17 : memref<!tpu.dma_semaphore, #tpu.memory_space<semaphore_mem>>) src(%dma_wait3A_43 : memref<8x128xi32, #tpu.memory_space<hbm>>) dst(%dma_wait3A_39 : memref<8x128xi32, #tpu.memory_space<vmem>>)
    %dma_wait3A_44 = arith.constant 0 : i32
    %dma_wait3A_45 = arith.constant 0 : i32
    %dma_wait3A_46 = arith.constant 0 : i32
    %dma_wait3A_47 = arith.constant 0 : i32
    %dma_wait3A_48 = tpu.memref_slice %arg10[%dma_wait3A_45, %dma_wait3A_46, %dma_wait3A_47] : memref<2x8x128xi32, #tpu.memory_space<vmem>> -> memref<1x8x128xi32, #tpu.memory_space<vmem>>
    %dma_wait3A_49 = tpu.memref_squeeze %dma_wait3A_48 : memref<1x8x128xi32, #tpu.memory_space<vmem>> -> memref<8x128xi32, #tpu.memory_space<vmem>>
    %dma_wait3A_50 = arith.constant 0 : i32
    %dma_wait3A_51 = arith.constant 0 : i32
    %dma_wait3A_52 = tpu.memref_slice %arg5[%add3A, %dma_wait3A_44, %dma_wait3A_50, %dma_wait3A_51] : memref<32x11x8x128xi32, #tpu.memory_space<hbm>> -> memref<1x1x8x128xi32, #tpu.memory_space<hbm>>
    %dma_wait3A_53 = tpu.memref_squeeze %dma_wait3A_52 : memref<1x1x8x128xi32, #tpu.memory_space<hbm>> -> memref<8x128xi32, #tpu.memory_space<hbm>>
    %dma_wait3A_54 = arith.constant 0 : i32
    %dma_wait3A_55 = arith.constant 0 : i32
    %dma_wait3A_56 = tpu.memref_slice %arg10[%dma_wait3A_45, %dma_wait3A_54, %dma_wait3A_55] : memref<2x8x128xi32, #tpu.memory_space<vmem>> -> memref<1x8x128xi32, #tpu.memory_space<vmem>>
    %dma_wait3A_57 = tpu.memref_squeeze %dma_wait3A_56 : memref<1x8x128xi32, #tpu.memory_space<vmem>> -> memref<8x128xi32, #tpu.memory_space<vmem>>
    %dma_wait3A_58 = arith.constant 0 : i32
    %dma_wait3A_59 = arith.constant 0 : i32
    %dma_wait3A_60 = tpu.memref_slice %arg5[%add3A, %dma_wait3A_44, %dma_wait3A_58, %dma_wait3A_59] : memref<32x11x8x128xi32, #tpu.memory_space<hbm>> -> memref<1x1x8x128xi32, #tpu.memory_space<hbm>>
    %dma_wait3A_61 = tpu.memref_squeeze %dma_wait3A_60 : memref<1x1x8x128xi32, #tpu.memory_space<hbm>> -> memref<8x128xi32, #tpu.memory_space<hbm>>
    tpu.wait_dma2 semaphore(%arg17 : memref<!tpu.dma_semaphore, #tpu.memory_space<semaphore_mem>>) src(%dma_wait3A_61 : memref<8x128xi32, #tpu.memory_space<hbm>>) dst(%dma_wait3A_57 : memref<8x128xi32, #tpu.memory_space<vmem>>)
    %dma_start3A_62 = arith.constant 0 : i32
    %dma_start3A_63 = arith.constant 0 : i32
    %dma_start3A_64 = arith.constant 0 : i32
    %dma_start3A_65 = tpu.memref_slice %arg9[%dma_start3A_62, %dma_start3A_63, %dma_start3A_64] : memref<2x8x128xi32, #tpu.memory_space<vmem>> -> memref<1x1x128xi32, #tpu.memory_space<vmem>>
    %dma_start3A_66 = tpu.memref_squeeze %dma_start3A_65 : memref<1x1x128xi32, #tpu.memory_space<vmem>> -> memref<128xi32, #tpu.memory_space<vmem>>
    %dma_start3A_67 = arith.constant 0 : i32
    %dma_start3A_68 = arith.constant 0 : i32
    %dma_start3A_69 = tpu.memref_slice %arg2[%dma_start3A_67, %dma_start3A_68] : memref<20000x128xf32, #tpu.memory_space<hbm>> -> memref<20000x128xf32, #tpu.memory_space<hbm>>
    tpu.enqueue_indirect_dma source(%dma_start3A_69 : memref<20000x128xf32, #tpu.memory_space<hbm>>) target(%arg11 : memref<128x128xf32, #tpu.memory_space<vmem>>) offsets(%dma_start3A_66 : memref<128xi32, #tpu.memory_space<vmem>>) semaphore(%arg15 : memref<!tpu.dma_semaphore, #tpu.memory_space<semaphore_mem>>)
    "tpu.region"() ({
      %run_scoped3A = tpu.sem_alloc : memref<!tpu.dma_semaphore, #tpu.memory_space<semaphore_mem>>
      %dma_start3A_108 = arith.constant 0 : i32
      %dma_start3A_109 = arith.constant 0 : i32
      %dma_start3A_110 = tpu.memref_slice %arg6[%dma_start3A_108, %dma_start3A_109] : memref<624x128xf32, #tpu.memory_space<hbm>> -> memref<128x128xf32, #tpu.memory_space<hbm>>
      %dma_start3A_111 = arith.constant 0 : i32
      %dma_start3A_112 = arith.constant 0 : i32
      %dma_start3A_113 = tpu.memref_slice %arg6[%dma_start3A_111, %dma_start3A_112] : memref<624x128xf32, #tpu.memory_space<hbm>> -> memref<128x128xf32, #tpu.memory_space<hbm>>
      tpu.enqueue_dma source(%dma_start3A_113 : memref<128x128xf32, #tpu.memory_space<hbm>>) target(%arg12 : memref<128x128xf32, #tpu.memory_space<vmem>>) target_semaphore(%run_scoped3A : memref<!tpu.dma_semaphore, #tpu.memory_space<semaphore_mem>>)
      %dma_wait3A_114 = arith.constant 0 : i32
      %dma_wait3A_115 = arith.constant 0 : i32
      %dma_wait3A_116 = tpu.memref_slice %arg6[%dma_wait3A_114, %dma_wait3A_115] : memref<624x128xf32, #tpu.memory_space<hbm>> -> memref<128x128xf32, #tpu.memory_space<hbm>>
      %dma_wait3A_117 = arith.constant 0 : i32
      %dma_wait3A_118 = arith.constant 0 : i32
      %dma_wait3A_119 = tpu.memref_slice %arg6[%dma_wait3A_117, %dma_wait3A_118] : memref<624x128xf32, #tpu.memory_space<hbm>> -> memref<128x128xf32, #tpu.memory_space<hbm>>
      tpu.wait_dma2 semaphore(%run_scoped3A : memref<!tpu.dma_semaphore, #tpu.memory_space<semaphore_mem>>) src(%dma_wait3A_119 : memref<128x128xf32, #tpu.memory_space<hbm>>) dst(%arg12 : memref<128x128xf32, #tpu.memory_space<vmem>>)
      tpu.yield
    }) : () -> ()
    %add3A_70 = arith.constant 0 : i32
    %add3A_71 = arith.addi %mul3A_2, %add3A_70 : i32
    "tpu.region"() ({
      %run_scoped3A = tpu.sem_alloc : memref<!tpu.dma_semaphore, #tpu.memory_space<semaphore_mem>>
      %dma_start3A_108 = arith.constant 0 : i32
      %dma_start3A_109 = tpu.memref_slice %arg14[%add3A_71, %dma_start3A_108] : memref<10008x128xf32, #tpu.memory_space<vmem_shared>> -> memref<128x128xf32, #tpu.memory_space<vmem_shared>>
      %dma_start3A_110 = arith.constant 0 : i32
      %dma_start3A_111 = tpu.memref_slice %arg14[%add3A_71, %dma_start3A_110] : memref<10008x128xf32, #tpu.memory_space<vmem_shared>> -> memref<128x128xf32, #tpu.memory_space<vmem_shared>>
      tpu.enqueue_dma source(%arg12 : memref<128x128xf32, #tpu.memory_space<vmem>>) target(%dma_start3A_111 : memref<128x128xf32, #tpu.memory_space<vmem_shared>>) target_semaphore(%run_scoped3A : memref<!tpu.dma_semaphore, #tpu.memory_space<semaphore_mem>>)
      %dma_wait3A_112 = arith.constant 0 : i32
      %dma_wait3A_113 = tpu.memref_slice %arg14[%add3A_71, %dma_wait3A_112] : memref<10008x128xf32, #tpu.memory_space<vmem_shared>> -> memref<128x128xf32, #tpu.memory_space<vmem_shared>>
      %dma_wait3A_114 = arith.constant 0 : i32
      %dma_wait3A_115 = tpu.memref_slice %arg14[%add3A_71, %dma_wait3A_114] : memref<10008x128xf32, #tpu.memory_space<vmem_shared>> -> memref<128x128xf32, #tpu.memory_space<vmem_shared>>
      tpu.wait_dma2 semaphore(%run_scoped3A : memref<!tpu.dma_semaphore, #tpu.memory_space<semaphore_mem>>) src(%arg12 : memref<128x128xf32, #tpu.memory_space<vmem>>) dst(%dma_wait3A_115 : memref<128x128xf32, #tpu.memory_space<vmem_shared>>)
      tpu.yield
    }) : () -> ()
    %add3A_72 = arith.constant 128 : i32
    %add3A_73 = arith.addi %mul3A_2, %add3A_72 : i32
    "tpu.region"() ({
      %run_scoped3A = tpu.sem_alloc : memref<!tpu.dma_semaphore, #tpu.memory_space<semaphore_mem>>
      %dma_start3A_108 = arith.constant 0 : i32
      %dma_start3A_109 = tpu.memref_slice %arg14[%add3A_73, %dma_start3A_108] : memref<10008x128xf32, #tpu.memory_space<vmem_shared>> -> memref<128x128xf32, #tpu.memory_space<vmem_shared>>
      %dma_start3A_110 = arith.constant 0 : i32
      %dma_start3A_111 = tpu.memref_slice %arg14[%add3A_73, %dma_start3A_110] : memref<10008x128xf32, #tpu.memory_space<vmem_shared>> -> memref<128x128xf32, #tpu.memory_space<vmem_shared>>
      tpu.enqueue_dma source(%arg12 : memref<128x128xf32, #tpu.memory_space<vmem>>) target(%dma_start3A_111 : memref<128x128xf32, #tpu.memory_space<vmem_shared>>) target_semaphore(%run_scoped3A : memref<!tpu.dma_semaphore, #tpu.memory_space<semaphore_mem>>)
      %dma_wait3A_112 = arith.constant 0 : i32
      %dma_wait3A_113 = tpu.memref_slice %arg14[%add3A_73, %dma_wait3A_112] : memref<10008x128xf32, #tpu.memory_space<vmem_shared>> -> memref<128x128xf32, #tpu.memory_space<vmem_shared>>
      %dma_wait3A_114 = arith.constant 0 : i32
      %dma_wait3A_115 = tpu.memref_slice %arg14[%add3A_73, %dma_wait3A_114] : memref<10008x128xf32, #tpu.memory_space<vmem_shared>> -> memref<128x128xf32, #tpu.memory_space<vmem_shared>>
      tpu.wait_dma2 semaphore(%run_scoped3A : memref<!tpu.dma_semaphore, #tpu.memory_space<semaphore_mem>>) src(%arg12 : memref<128x128xf32, #tpu.memory_space<vmem>>) dst(%dma_wait3A_115 : memref<128x128xf32, #tpu.memory_space<vmem_shared>>)
      tpu.yield
    }) : () -> ()
    %add3A_74 = arith.constant 256 : i32
    %add3A_75 = arith.addi %mul3A_2, %add3A_74 : i32
    "tpu.region"() ({
      %run_scoped3A = tpu.sem_alloc : memref<!tpu.dma_semaphore, #tpu.memory_space<semaphore_mem>>
      %dma_start3A_108 = arith.constant 0 : i32
      %dma_start3A_109 = tpu.memref_slice %arg14[%add3A_75, %dma_start3A_108] : memref<10008x128xf32, #tpu.memory_space<vmem_shared>> -> memref<128x128xf32, #tpu.memory_space<vmem_shared>>
      %dma_start3A_110 = arith.constant 0 : i32
      %dma_start3A_111 = tpu.memref_slice %arg14[%add3A_75, %dma_start3A_110] : memref<10008x128xf32, #tpu.memory_space<vmem_shared>> -> memref<128x128xf32, #tpu.memory_space<vmem_shared>>
      tpu.enqueue_dma source(%arg12 : memref<128x128xf32, #tpu.memory_space<vmem>>) target(%dma_start3A_111 : memref<128x128xf32, #tpu.memory_space<vmem_shared>>) target_semaphore(%run_scoped3A : memref<!tpu.dma_semaphore, #tpu.memory_space<semaphore_mem>>)
      %dma_wait3A_112 = arith.constant 0 : i32
      %dma_wait3A_113 = tpu.memref_slice %arg14[%add3A_75, %dma_wait3A_112] : memref<10008x128xf32, #tpu.memory_space<vmem_shared>> -> memref<128x128xf32, #tpu.memory_space<vmem_shared>>
      %dma_wait3A_114 = arith.constant 0 : i32
      %dma_wait3A_115 = tpu.memref_slice %arg14[%add3A_75, %dma_wait3A_114] : memref<10008x128xf32, #tpu.memory_space<vmem_shared>> -> memref<128x128xf32, #tpu.memory_space<vmem_shared>>
      tpu.wait_dma2 semaphore(%run_scoped3A : memref<!tpu.dma_semaphore, #tpu.memory_space<semaphore_mem>>) src(%arg12 : memref<128x128xf32, #tpu.memory_space<vmem>>) dst(%dma_wait3A_115 : memref<128x128xf32, #tpu.memory_space<vmem_shared>>)
      tpu.yield
    }) : () -> ()
    %add3A_76 = arith.constant 384 : i32
    %add3A_77 = arith.addi %mul3A_2, %add3A_76 : i32
    "tpu.region"() ({
      %run_scoped3A = tpu.sem_alloc : memref<!tpu.dma_semaphore, #tpu.memory_space<semaphore_mem>>
      %dma_start3A_108 = arith.constant 0 : i32
      %dma_start3A_109 = tpu.memref_slice %arg14[%add3A_77, %dma_start3A_108] : memref<10008x128xf32, #tpu.memory_space<vmem_shared>> -> memref<128x128xf32, #tpu.memory_space<vmem_shared>>
      %dma_start3A_110 = arith.constant 0 : i32
      %dma_start3A_111 = tpu.memref_slice %arg14[%add3A_77, %dma_start3A_110] : memref<10008x128xf32, #tpu.memory_space<vmem_shared>> -> memref<128x128xf32, #tpu.memory_space<vmem_shared>>
      tpu.enqueue_dma source(%arg12 : memref<128x128xf32, #tpu.memory_space<vmem>>) target(%dma_start3A_111 : memref<128x128xf32, #tpu.memory_space<vmem_shared>>) target_semaphore(%run_scoped3A : memref<!tpu.dma_semaphore, #tpu.memory_space<semaphore_mem>>)
      %dma_wait3A_112 = arith.constant 0 : i32
      %dma_wait3A_113 = tpu.memref_slice %arg14[%add3A_77, %dma_wait3A_112] : memref<10008x128xf32, #tpu.memory_space<vmem_shared>> -> memref<128x128xf32, #tpu.memory_space<vmem_shared>>
      %dma_wait3A_114 = arith.constant 0 : i32
      %dma_wait3A_115 = tpu.memref_slice %arg14[%add3A_77, %dma_wait3A_114] : memref<10008x128xf32, #tpu.memory_space<vmem_shared>> -> memref<128x128xf32, #tpu.memory_space<vmem_shared>>
      tpu.wait_dma2 semaphore(%run_scoped3A : memref<!tpu.dma_semaphore, #tpu.memory_space<semaphore_mem>>) src(%arg12 : memref<128x128xf32, #tpu.memory_space<vmem>>) dst(%dma_wait3A_115 : memref<128x128xf32, #tpu.memory_space<vmem_shared>>)
      tpu.yield
    }) : () -> ()
    %add3A_78 = arith.constant 512 : i32
    %add3A_79 = arith.addi %mul3A_2, %add3A_78 : i32
    "tpu.region"() ({
      %run_scoped3A = tpu.sem_alloc : memref<!tpu.dma_semaphore, #tpu.memory_space<semaphore_mem>>
      %dma_start3A_108 = arith.constant 0 : i32
      %dma_start3A_109 = arith.constant 0 : i32
      %dma_start3A_110 = tpu.memref_slice %arg12[%dma_start3A_108, %dma_start3A_109] : memref<128x128xf32, #tpu.memory_space<vmem>> -> memref<112x128xf32, #tpu.memory_space<vmem>>
      %dma_start3A_111 = arith.constant 0 : i32
      %dma_start3A_112 = tpu.memref_slice %arg14[%add3A_79, %dma_start3A_111] : memref<10008x128xf32, #tpu.memory_space<vmem_shared>> -> memref<112x128xf32, #tpu.memory_space<vmem_shared>>
      %dma_start3A_113 = arith.constant 0 : i32
      %dma_start3A_114 = tpu.memref_slice %arg14[%add3A_79, %dma_start3A_113] : memref<10008x128xf32, #tpu.memory_space<vmem_shared>> -> memref<112x128xf32, #tpu.memory_space<vmem_shared>>
      %dma_start3A_115 = arith.constant 0 : i32
      %dma_start3A_116 = arith.constant 0 : i32
      %dma_start3A_117 = tpu.memref_slice %arg12[%dma_start3A_115, %dma_start3A_116] : memref<128x128xf32, #tpu.memory_space<vmem>> -> memref<112x128xf32, #tpu.memory_space<vmem>>
      tpu.enqueue_dma source(%dma_start3A_117 : memref<112x128xf32, #tpu.memory_space<vmem>>) target(%dma_start3A_114 : memref<112x128xf32, #tpu.memory_space<vmem_shared>>) target_semaphore(%run_scoped3A : memref<!tpu.dma_semaphore, #tpu.memory_space<semaphore_mem>>)
      %dma_wait3A_118 = arith.constant 0 : i32
      %dma_wait3A_119 = arith.constant 0 : i32
      %dma_wait3A_120 = tpu.memref_slice %arg12[%dma_wait3A_118, %dma_wait3A_119] : memref<128x128xf32, #tpu.memory_space<vmem>> -> memref<112x128xf32, #tpu.memory_space<vmem>>
      %dma_wait3A_121 = arith.constant 0 : i32
      %dma_wait3A_122 = tpu.memref_slice %arg14[%add3A_79, %dma_wait3A_121] : memref<10008x128xf32, #tpu.memory_space<vmem_shared>> -> memref<112x128xf32, #tpu.memory_space<vmem_shared>>
      %dma_wait3A_123 = arith.constant 0 : i32
      %dma_wait3A_124 = tpu.memref_slice %arg14[%add3A_79, %dma_wait3A_123] : memref<10008x128xf32, #tpu.memory_space<vmem_shared>> -> memref<112x128xf32, #tpu.memory_space<vmem_shared>>
      %dma_wait3A_125 = arith.constant 0 : i32
      %dma_wait3A_126 = arith.constant 0 : i32
      %dma_wait3A_127 = tpu.memref_slice %arg12[%dma_wait3A_125, %dma_wait3A_126] : memref<128x128xf32, #tpu.memory_space<vmem>> -> memref<112x128xf32, #tpu.memory_space<vmem>>
      tpu.wait_dma2 semaphore(%run_scoped3A : memref<!tpu.dma_semaphore, #tpu.memory_space<semaphore_mem>>) src(%dma_wait3A_127 : memref<112x128xf32, #tpu.memory_space<vmem>>) dst(%dma_wait3A_124 : memref<112x128xf32, #tpu.memory_space<vmem_shared>>)
      tpu.yield
    }) : () -> ()
    "tpu.region"() ({
      %run_scoped3A = tpu.sem_alloc : memref<!tpu.dma_semaphore, #tpu.memory_space<semaphore_mem>>
      %dma_start3A_108 = arith.constant 0 : i32
      %dma_start3A_109 = arith.constant 0 : i32
      %dma_start3A_110 = tpu.memref_slice %arg6[%dma_start3A_108, %dma_start3A_109] : memref<624x128xf32, #tpu.memory_space<hbm>> -> memref<80x128xf32, #tpu.memory_space<hbm>>
      %dma_start3A_111 = arith.constant 0 : i32
      %dma_start3A_112 = arith.constant 0 : i32
      %dma_start3A_113 = tpu.memref_slice %arg6[%dma_start3A_111, %dma_start3A_112] : memref<624x128xf32, #tpu.memory_space<hbm>> -> memref<80x128xf32, #tpu.memory_space<hbm>>
      tpu.enqueue_dma source(%dma_start3A_113 : memref<80x128xf32, #tpu.memory_space<hbm>>) target(%arg13 : memref<80x128xf32, #tpu.memory_space<vmem>>) target_semaphore(%run_scoped3A : memref<!tpu.dma_semaphore, #tpu.memory_space<semaphore_mem>>)
      %dma_wait3A_114 = arith.constant 0 : i32
      %dma_wait3A_115 = arith.constant 0 : i32
      %dma_wait3A_116 = tpu.memref_slice %arg6[%dma_wait3A_114, %dma_wait3A_115] : memref<624x128xf32, #tpu.memory_space<hbm>> -> memref<80x128xf32, #tpu.memory_space<hbm>>
      %dma_wait3A_117 = arith.constant 0 : i32
      %dma_wait3A_118 = arith.constant 0 : i32
      %dma_wait3A_119 = tpu.memref_slice %arg6[%dma_wait3A_117, %dma_wait3A_118] : memref<624x128xf32, #tpu.memory_space<hbm>> -> memref<80x128xf32, #tpu.memory_space<hbm>>
      tpu.wait_dma2 semaphore(%run_scoped3A : memref<!tpu.dma_semaphore, #tpu.memory_space<semaphore_mem>>) src(%dma_wait3A_119 : memref<80x128xf32, #tpu.memory_space<hbm>>) dst(%arg13 : memref<80x128xf32, #tpu.memory_space<vmem>>)
      tpu.yield
    }) : () -> ()
    %eq3A_80 = arith.constant 15 : i32
    %eq3A_81 = arith.cmpi eq, %arg1, %eq3A_80 : i32
    %convert_element_type3A_82 = arith.extui %eq3A_81 : i1 to i32
    %cond3A_83 = arith.constant 0 : i32
    %cond3A_84 = arith.cmpi ne, %convert_element_type3A_82, %cond3A_83 : i32
    scf.if %cond3A_84 {
      "tpu.region"() ({
        %run_scoped3A = tpu.sem_alloc : memref<!tpu.dma_semaphore, #tpu.memory_space<semaphore_mem>>
        %dma_start3A_108 = arith.constant 0 : i32
        %dma_start3A_109 = arith.constant 0 : i32
        %dma_start3A_110 = tpu.memref_slice %arg12[%dma_start3A_108, %dma_start3A_109] : memref<128x128xf32, #tpu.memory_space<vmem>> -> memref<24x128xf32, #tpu.memory_space<vmem>>
        %dma_start3A_111 = arith.constant 9984 : i32
        %dma_start3A_112 = arith.constant 0 : i32
        %dma_start3A_113 = tpu.memref_slice %arg14[%dma_start3A_111, %dma_start3A_112] : memref<10008x128xf32, #tpu.memory_space<vmem_shared>> -> memref<24x128xf32, #tpu.memory_space<vmem_shared>>
        %dma_start3A_114 = arith.constant 9984 : i32
        %dma_start3A_115 = arith.constant 0 : i32
        %dma_start3A_116 = tpu.memref_slice %arg14[%dma_start3A_114, %dma_start3A_115] : memref<10008x128xf32, #tpu.memory_space<vmem_shared>> -> memref<24x128xf32, #tpu.memory_space<vmem_shared>>
        %dma_start3A_117 = arith.constant 0 : i32
        %dma_start3A_118 = arith.constant 0 : i32
        %dma_start3A_119 = tpu.memref_slice %arg12[%dma_start3A_117, %dma_start3A_118] : memref<128x128xf32, #tpu.memory_space<vmem>> -> memref<24x128xf32, #tpu.memory_space<vmem>>
        tpu.enqueue_dma source(%dma_start3A_119 : memref<24x128xf32, #tpu.memory_space<vmem>>) target(%dma_start3A_116 : memref<24x128xf32, #tpu.memory_space<vmem_shared>>) target_semaphore(%run_scoped3A : memref<!tpu.dma_semaphore, #tpu.memory_space<semaphore_mem>>)
        %dma_wait3A_120 = arith.constant 0 : i32
        %dma_wait3A_121 = arith.constant 0 : i32
        %dma_wait3A_122 = tpu.memref_slice %arg12[%dma_wait3A_120, %dma_wait3A_121] : memref<128x128xf32, #tpu.memory_space<vmem>> -> memref<24x128xf32, #tpu.memory_space<vmem>>
        %dma_wait3A_123 = arith.constant 9984 : i32
        %dma_wait3A_124 = arith.constant 0 : i32
        %dma_wait3A_125 = tpu.memref_slice %arg14[%dma_wait3A_123, %dma_wait3A_124] : memref<10008x128xf32, #tpu.memory_space<vmem_shared>> -> memref<24x128xf32, #tpu.memory_space<vmem_shared>>
        %dma_wait3A_126 = arith.constant 9984 : i32
        %dma_wait3A_127 = arith.constant 0 : i32
        %dma_wait3A_128 = tpu.memref_slice %arg14[%dma_wait3A_126, %dma_wait3A_127] : memref<10008x128xf32, #tpu.memory_space<vmem_shared>> -> memref<24x128xf32, #tpu.memory_space<vmem_shared>>
        %dma_wait3A_129 = arith.constant 0 : i32
        %dma_wait3A_130 = arith.constant 0 : i32
        %dma_wait3A_131 = tpu.memref_slice %arg12[%dma_wait3A_129, %dma_wait3A_130] : memref<128x128xf32, #tpu.memory_space<vmem>> -> memref<24x128xf32, #tpu.memory_space<vmem>>
        tpu.wait_dma2 semaphore(%run_scoped3A : memref<!tpu.dma_semaphore, #tpu.memory_space<semaphore_mem>>) src(%dma_wait3A_131 : memref<24x128xf32, #tpu.memory_space<vmem>>) dst(%dma_wait3A_128 : memref<24x128xf32, #tpu.memory_space<vmem_shared>>)
        tpu.yield
      }) : () -> ()
    } else {
    }
    %barrier3A = arith.constant 0 : index
    tpu.barrier barrier_id(%barrier3A)
    %broadcast_in_dim3A = arith.constant 1.000000e+00 : f32
    %broadcast_in_dim3A_85 = vector.broadcast %broadcast_in_dim3A : f32 to vector<16xf32>
    %scan3A = arith.constant 0 : i32
    %scan3A_86 = arith.constant 10 : i32
    %scan3A_87 = arith.addi %scan3A, %scan3A_86 : i32
    %scan3A_88 = arith.constant 1 : i32
    scf.for %scan3A_108 = %scan3A to %scan3A_87 step %scan3A_88  : i32 {
      %mul3A_109 = arith.constant 1 : i32
      %mul3A_110 = arith.muli %scan3A_108, %mul3A_109 : i32
      %add3A_111 = arith.constant 0 : i32
      %add3A_112 = arith.addi %add3A_111, %mul3A_110 : i32
      %rem3A_113 = arith.constant 2 : i32
      %rem3A_114 = arith.remsi %add3A_112, %rem3A_113 : i32
      %add3A_115 = arith.constant 1 : i32
      %add3A_116 = arith.addi %add3A_112, %add3A_115 : i32
      %sub3A = arith.constant 1 : i32
      %sub3A_117 = arith.subi %sub3A, %rem3A_114 : i32
      %eq3A_118 = arith.constant 0 : i32
      %eq3A_119 = arith.cmpi eq, %arg0, %eq3A_118 : i32
      %convert_element_type3A_120 = arith.extui %eq3A_119 : i1 to i32
      %cond3A_121 = arith.constant 0 : i32
      %cond3A_122 = arith.cmpi ne, %convert_element_type3A_120, %cond3A_121 : i32
      scf.if %cond3A_122 {
        %dma_start3A_1002 = arith.constant 0 : i32
        %dma_start3A_1003 = arith.constant 0 : i32
        %dma_start3A_1004 = tpu.memref_slice %arg9[%sub3A_117, %dma_start3A_1002, %dma_start3A_1003] : memref<2x8x128xi32, #tpu.memory_space<vmem>> -> memref<1x8x128xi32, #tpu.memory_space<vmem>>
        %dma_start3A_1005 = tpu.memref_squeeze %dma_start3A_1004 : memref<1x8x128xi32, #tpu.memory_space<vmem>> -> memref<8x128xi32, #tpu.memory_space<vmem>>
        %dma_start3A_1006 = arith.constant 0 : i32
        %dma_start3A_1007 = arith.constant 0 : i32
        %dma_start3A_1008 = tpu.memref_slice %arg3[%add3A, %add3A_116, %dma_start3A_1006, %dma_start3A_1007] : memref<32x11x8x128xi32, #tpu.memory_space<hbm>> -> memref<1x1x8x128xi32, #tpu.memory_space<hbm>>
        %dma_start3A_1009 = tpu.memref_squeeze %dma_start3A_1008 : memref<1x1x8x128xi32, #tpu.memory_space<hbm>> -> memref<8x128xi32, #tpu.memory_space<hbm>>
        %dma_start3A_1010 = arith.constant 0 : i32
        %dma_start3A_1011 = arith.constant 0 : i32
        %dma_start3A_1012 = tpu.memref_slice %arg9[%sub3A_117, %dma_start3A_1010, %dma_start3A_1011] : memref<2x8x128xi32, #tpu.memory_space<vmem>> -> memref<1x8x128xi32, #tpu.memory_space<vmem>>
        %dma_start3A_1013 = tpu.memref_squeeze %dma_start3A_1012 : memref<1x8x128xi32, #tpu.memory_space<vmem>> -> memref<8x128xi32, #tpu.memory_space<vmem>>
        %dma_start3A_1014 = arith.constant 0 : i32
        %dma_start3A_1015 = arith.constant 0 : i32
        %dma_start3A_1016 = tpu.memref_slice %arg3[%add3A, %add3A_116, %dma_start3A_1014, %dma_start3A_1015] : memref<32x11x8x128xi32, #tpu.memory_space<hbm>> -> memref<1x1x8x128xi32, #tpu.memory_space<hbm>>
        %dma_start3A_1017 = tpu.memref_squeeze %dma_start3A_1016 : memref<1x1x8x128xi32, #tpu.memory_space<hbm>> -> memref<8x128xi32, #tpu.memory_space<hbm>>
        tpu.enqueue_dma source(%dma_start3A_1017 : memref<8x128xi32, #tpu.memory_space<hbm>>) target(%dma_start3A_1013 : memref<8x128xi32, #tpu.memory_space<vmem>>) target_semaphore(%arg17 : memref<!tpu.dma_semaphore, #tpu.memory_space<semaphore_mem>>)
      } else {
      }
      %eq3A_123 = arith.constant 1 : i32
      %eq3A_124 = arith.cmpi eq, %arg0, %eq3A_123 : i32
      %convert_element_type3A_125 = arith.extui %eq3A_124 : i1 to i32
      %cond3A_126 = arith.constant 0 : i32
      %cond3A_127 = arith.cmpi ne, %convert_element_type3A_125, %cond3A_126 : i32
      scf.if %cond3A_127 {
        %dma_start3A_1002 = arith.constant 0 : i32
        %dma_start3A_1003 = arith.constant 0 : i32
        %dma_start3A_1004 = tpu.memref_slice %arg9[%sub3A_117, %dma_start3A_1002, %dma_start3A_1003] : memref<2x8x128xi32, #tpu.memory_space<vmem>> -> memref<1x8x128xi32, #tpu.memory_space<vmem>>
        %dma_start3A_1005 = tpu.memref_squeeze %dma_start3A_1004 : memref<1x8x128xi32, #tpu.memory_space<vmem>> -> memref<8x128xi32, #tpu.memory_space<vmem>>
        %dma_start3A_1006 = arith.constant 0 : i32
        %dma_start3A_1007 = arith.constant 0 : i32
        %dma_start3A_1008 = tpu.memref_slice %arg4[%add3A, %add3A_116, %dma_start3A_1006, %dma_start3A_1007] : memref<32x11x8x128xi32, #tpu.memory_space<hbm>> -> memref<1x1x8x128xi32, #tpu.memory_space<hbm>>
        %dma_start3A_1009 = tpu.memref_squeeze %dma_start3A_1008 : memref<1x1x8x128xi32, #tpu.memory_space<hbm>> -> memref<8x128xi32, #tpu.memory_space<hbm>>
        %dma_start3A_1010 = arith.constant 0 : i32
        %dma_start3A_1011 = arith.constant 0 : i32
        %dma_start3A_1012 = tpu.memref_slice %arg9[%sub3A_117, %dma_start3A_1010, %dma_start3A_1011] : memref<2x8x128xi32, #tpu.memory_space<vmem>> -> memref<1x8x128xi32, #tpu.memory_space<vmem>>
        %dma_start3A_1013 = tpu.memref_squeeze %dma_start3A_1012 : memref<1x8x128xi32, #tpu.memory_space<vmem>> -> memref<8x128xi32, #tpu.memory_space<vmem>>
        %dma_start3A_1014 = arith.constant 0 : i32
        %dma_start3A_1015 = arith.constant 0 : i32
        %dma_start3A_1016 = tpu.memref_slice %arg4[%add3A, %add3A_116, %dma_start3A_1014, %dma_start3A_1015] : memref<32x11x8x128xi32, #tpu.memory_space<hbm>> -> memref<1x1x8x128xi32, #tpu.memory_space<hbm>>
        %dma_start3A_1017 = tpu.memref_squeeze %dma_start3A_1016 : memref<1x1x8x128xi32, #tpu.memory_space<hbm>> -> memref<8x128xi32, #tpu.memory_space<hbm>>
        tpu.enqueue_dma source(%dma_start3A_1017 : memref<8x128xi32, #tpu.memory_space<hbm>>) target(%dma_start3A_1013 : memref<8x128xi32, #tpu.memory_space<vmem>>) target_semaphore(%arg17 : memref<!tpu.dma_semaphore, #tpu.memory_space<semaphore_mem>>)
      } else {
      }
      %dma_start3A_128 = arith.constant 0 : i32
      %dma_start3A_129 = arith.constant 0 : i32
      %dma_start3A_130 = tpu.memref_slice %arg10[%sub3A_117, %dma_start3A_128, %dma_start3A_129] : memref<2x8x128xi32, #tpu.memory_space<vmem>> -> memref<1x8x128xi32, #tpu.memory_space<vmem>>
      %dma_start3A_131 = tpu.memref_squeeze %dma_start3A_130 : memref<1x8x128xi32, #tpu.memory_space<vmem>> -> memref<8x128xi32, #tpu.memory_space<vmem>>
      %dma_start3A_132 = arith.constant 0 : i32
      %dma_start3A_133 = arith.constant 0 : i32
      %dma_start3A_134 = tpu.memref_slice %arg5[%add3A, %add3A_116, %dma_start3A_132, %dma_start3A_133] : memref<32x11x8x128xi32, #tpu.memory_space<hbm>> -> memref<1x1x8x128xi32, #tpu.memory_space<hbm>>
      %dma_start3A_135 = tpu.memref_squeeze %dma_start3A_134 : memref<1x1x8x128xi32, #tpu.memory_space<hbm>> -> memref<8x128xi32, #tpu.memory_space<hbm>>
      %dma_start3A_136 = arith.constant 0 : i32
      %dma_start3A_137 = arith.constant 0 : i32
      %dma_start3A_138 = tpu.memref_slice %arg10[%sub3A_117, %dma_start3A_136, %dma_start3A_137] : memref<2x8x128xi32, #tpu.memory_space<vmem>> -> memref<1x8x128xi32, #tpu.memory_space<vmem>>
      %dma_start3A_139 = tpu.memref_squeeze %dma_start3A_138 : memref<1x8x128xi32, #tpu.memory_space<vmem>> -> memref<8x128xi32, #tpu.memory_space<vmem>>
      %dma_start3A_140 = arith.constant 0 : i32
      %dma_start3A_141 = arith.constant 0 : i32
      %dma_start3A_142 = tpu.memref_slice %arg5[%add3A, %add3A_116, %dma_start3A_140, %dma_start3A_141] : memref<32x11x8x128xi32, #tpu.memory_space<hbm>> -> memref<1x1x8x128xi32, #tpu.memory_space<hbm>>
      %dma_start3A_143 = tpu.memref_squeeze %dma_start3A_142 : memref<1x1x8x128xi32, #tpu.memory_space<hbm>> -> memref<8x128xi32, #tpu.memory_space<hbm>>
      tpu.enqueue_dma source(%dma_start3A_143 : memref<8x128xi32, #tpu.memory_space<hbm>>) target(%dma_start3A_139 : memref<8x128xi32, #tpu.memory_space<vmem>>) target_semaphore(%arg17 : memref<!tpu.dma_semaphore, #tpu.memory_space<semaphore_mem>>)
      %dma_start3A_144 = arith.constant 1 : i32
      %dma_start3A_145 = arith.constant 0 : i32
      %dma_start3A_146 = tpu.memref_slice %arg9[%rem3A_114, %dma_start3A_144, %dma_start3A_145] : memref<2x8x128xi32, #tpu.memory_space<vmem>> -> memref<1x1x128xi32, #tpu.memory_space<vmem>>
      %dma_start3A_147 = tpu.memref_squeeze %dma_start3A_146 : memref<1x1x128xi32, #tpu.memory_space<vmem>> -> memref<128xi32, #tpu.memory_space<vmem>>
      %dma_start3A_148 = arith.constant 0 : i32
      %dma_start3A_149 = arith.constant 0 : i32
      %dma_start3A_150 = tpu.memref_slice %arg2[%dma_start3A_148, %dma_start3A_149] : memref<20000x128xf32, #tpu.memory_space<hbm>> -> memref<20000x128xf32, #tpu.memory_space<hbm>>
      tpu.enqueue_indirect_dma source(%dma_start3A_150 : memref<20000x128xf32, #tpu.memory_space<hbm>>) target(%arg12 : memref<128x128xf32, #tpu.memory_space<vmem>>) offsets(%dma_start3A_147 : memref<128xi32, #tpu.memory_space<vmem>>) semaphore(%arg16 : memref<!tpu.dma_semaphore, #tpu.memory_space<semaphore_mem>>)
      %dma_wait3A_151 = arith.constant 0 : i32
      %dma_wait3A_152 = arith.constant 0 : i32
      %dma_wait3A_153 = tpu.memref_slice %arg9[%rem3A_114, %dma_wait3A_151, %dma_wait3A_152] : memref<2x8x128xi32, #tpu.memory_space<vmem>> -> memref<1x1x128xi32, #tpu.memory_space<vmem>>
      %dma_wait3A_154 = tpu.memref_squeeze %dma_wait3A_153 : memref<1x1x128xi32, #tpu.memory_space<vmem>> -> memref<128xi32, #tpu.memory_space<vmem>>
      %dma_wait3A_155 = arith.constant 0 : i32
      %dma_wait3A_156 = arith.constant 0 : i32
      %dma_wait3A_157 = tpu.memref_slice %arg2[%dma_wait3A_155, %dma_wait3A_156] : memref<20000x128xf32, #tpu.memory_space<hbm>> -> memref<20000x128xf32, #tpu.memory_space<hbm>>
      tpu.wait_indirect_dma semaphore(%arg15 : memref<!tpu.dma_semaphore, #tpu.memory_space<semaphore_mem>>) src(%dma_wait3A_157 : memref<20000x128xf32, #tpu.memory_space<hbm>>) dst(%arg11 : memref<128x128xf32, #tpu.memory_space<vmem>>)
      %run_scoped3A = arith.constant 0 : i32
      "tpu.region"() ({
        %run_scoped3A_1002 = tpu.sem_alloc : memref<!tpu.dma_semaphore, #tpu.memory_space<semaphore_mem>>
        %dma_start3A_1003 = arith.constant 0 : i32
        %dma_start3A_1004 = tpu.memref_slice %arg10[%rem3A_114, %run_scoped3A, %dma_start3A_1003] : memref<2x8x128xi32, #tpu.memory_space<vmem>> -> memref<1x1x128xi32, #tpu.memory_space<vmem>>
        %dma_start3A_1005 = tpu.memref_squeeze %dma_start3A_1004 : memref<1x1x128xi32, #tpu.memory_space<vmem>> -> memref<128xi32, #tpu.memory_space<vmem>>
        %dma_start3A_1006 = arith.constant 0 : i32
        %dma_start3A_1007 = arith.constant 0 : i32
        %dma_start3A_1008 = tpu.memref_slice %arg14[%dma_start3A_1006, %dma_start3A_1007] : memref<10008x128xf32, #tpu.memory_space<vmem_shared>> -> memref<10008x128xf32, #tpu.memory_space<vmem_shared>>
        tpu.enqueue_indirect_dma source(%arg11 : memref<128x128xf32, #tpu.memory_space<vmem>>) target(%dma_start3A_1008 : memref<10008x128xf32, #tpu.memory_space<vmem_shared>>) offsets(%dma_start3A_1005 : memref<128xi32, #tpu.memory_space<vmem>>) semaphore(%run_scoped3A_1002 : memref<!tpu.dma_semaphore, #tpu.memory_space<semaphore_mem>>) {add = true}
        %dma_wait3A_1009 = arith.constant 0 : i32
        %dma_wait3A_1010 = tpu.memref_slice %arg10[%rem3A_114, %run_scoped3A, %dma_wait3A_1009] : memref<2x8x128xi32, #tpu.memory_space<vmem>> -> memref<1x1x128xi32, #tpu.memory_space<vmem>>
        %dma_wait3A_1011 = tpu.memref_squeeze %dma_wait3A_1010 : memref<1x1x128xi32, #tpu.memory_space<vmem>> -> memref<128xi32, #tpu.memory_space<vmem>>
        %dma_wait3A_1012 = arith.constant 0 : i32
        %dma_wait3A_1013 = arith.constant 0 : i32
        %dma_wait3A_1014 = tpu.memref_slice %arg14[%dma_wait3A_1012, %dma_wait3A_1013] : memref<10008x128xf32, #tpu.memory_space<vmem_shared>> -> memref<10008x128xf32, #tpu.memory_space<vmem_shared>>
        tpu.wait_indirect_dma semaphore(%run_scoped3A_1002 : memref<!tpu.dma_semaphore, #tpu.memory_space<semaphore_mem>>) src(%arg11 : memref<128x128xf32, #tpu.memory_space<vmem>>) dst(%dma_wait3A_1014 : memref<10008x128xf32, #tpu.memory_space<vmem_shared>>)
        tpu.yield
      }) : () -> ()
      %get3A = arith.constant 0 : i32
      %get3A_158 = arith.index_cast %rem3A_114 : i32 to index
      %get3A_159 = arith.index_cast %get3A : i32 to index
      %get3A_160 = arith.constant 0 : index
      %get3A_161 = tpu.vector_load %arg10[%get3A_158, %get3A_159, %get3A_160] {strides = array<i32>} : memref<2x8x128xi32, #tpu.memory_space<vmem>>, vector<16xi32>,
      %shift_right_logical3A = arith.constant 7 : i32
      %shift_right_logical3A_162 = vector.broadcast %shift_right_logical3A : i32 to vector<16xi32>
      %shift_right_logical3A_163 = arith.shrui %get3A_161, %shift_right_logical3A_162 : vector<16xi32>
      %and3A = arith.constant 127 : i32
      %and3A_164 = vector.broadcast %and3A : i32 to vector<16xi32>
      %and3A_165 = arith.andi %get3A_161, %and3A_164 : vector<16xi32>
      tpu.vector_store_idx %arg13[%shift_right_logical3A_163, %and3A_165], %broadcast_in_dim3A_85 {add = true} : memref<80x128xf32, #tpu.memory_space<vmem>>[vector<16xi32>, vector<16xi32>], vector<16xf32>,
      %get3A_166 = arith.constant 0 : i32
      %get3A_167 = arith.index_cast %rem3A_114 : i32 to index
      %get3A_168 = arith.index_cast %get3A_166 : i32 to index
      %get3A_169 = arith.constant 16 : index
      %get3A_170 = tpu.vector_load %arg10[%get3A_167, %get3A_168, %get3A_169] {strides = array<i32>} : memref<2x8x128xi32, #tpu.memory_space<vmem>>, vector<16xi32>,
      %shift_right_logical3A_171 = arith.constant 7 : i32
      %shift_right_logical3A_172 = vector.broadcast %shift_right_logical3A_171 : i32 to vector<16xi32>
      %shift_right_logical3A_173 = arith.shrui %get3A_170, %shift_right_logical3A_172 : vector<16xi32>
      %and3A_174 = arith.constant 127 : i32
      %and3A_175 = vector.broadcast %and3A_174 : i32 to vector<16xi32>
      %and3A_176 = arith.andi %get3A_170, %and3A_175 : vector<16xi32>
      tpu.vector_store_idx %arg13[%shift_right_logical3A_173, %and3A_176], %broadcast_in_dim3A_85 {add = true} : memref<80x128xf32, #tpu.memory_space<vmem>>[vector<16xi32>, vector<16xi32>], vector<16xf32>,
      %get3A_177 = arith.constant 0 : i32
      %get3A_178 = arith.index_cast %rem3A_114 : i32 to index
      %get3A_179 = arith.index_cast %get3A_177 : i32 to index
      %get3A_180 = arith.constant 32 : index
      %get3A_181 = tpu.vector_load %arg10[%get3A_178, %get3A_179, %get3A_180] {strides = array<i32>} : memref<2x8x128xi32, #tpu.memory_space<vmem>>, vector<16xi32>,
      %shift_right_logical3A_182 = arith.constant 7 : i32
      %shift_right_logical3A_183 = vector.broadcast %shift_right_logical3A_182 : i32 to vector<16xi32>
      %shift_right_logical3A_184 = arith.shrui %get3A_181, %shift_right_logical3A_183 : vector<16xi32>
      %and3A_185 = arith.constant 127 : i32
      %and3A_186 = vector.broadcast %and3A_185 : i32 to vector<16xi32>
      %and3A_187 = arith.andi %get3A_181, %and3A_186 : vector<16xi32>
      tpu.vector_store_idx %arg13[%shift_right_logical3A_184, %and3A_187], %broadcast_in_dim3A_85 {add = true} : memref<80x128xf32, #tpu.memory_space<vmem>>[vector<16xi32>, vector<16xi32>], vector<16xf32>,
      %get3A_188 = arith.constant 0 : i32
      %get3A_189 = arith.index_cast %rem3A_114 : i32 to index
      %get3A_190 = arith.index_cast %get3A_188 : i32 to index
      %get3A_191 = arith.constant 48 : index
      %get3A_192 = tpu.vector_load %arg10[%get3A_189, %get3A_190, %get3A_191] {strides = array<i32>} : memref<2x8x128xi32, #tpu.memory_space<vmem>>, vector<16xi32>,
      %shift_right_logical3A_193 = arith.constant 7 : i32
      %shift_right_logical3A_194 = vector.broadcast %shift_right_logical3A_193 : i32 to vector<16xi32>
      %shift_right_logical3A_195 = arith.shrui %get3A_192, %shift_right_logical3A_194 : vector<16xi32>
      %and3A_196 = arith.constant 127 : i32
      %and3A_197 = vector.broadcast %and3A_196 : i32 to vector<16xi32>
      %and3A_198 = arith.andi %get3A_192, %and3A_197 : vector<16xi32>
      tpu.vector_store_idx %arg13[%shift_right_logical3A_195, %and3A_198], %broadcast_in_dim3A_85 {add = true} : memref<80x128xf32, #tpu.memory_space<vmem>>[vector<16xi32>, vector<16xi32>], vector<16xf32>,
      %get3A_199 = arith.constant 0 : i32
      %get3A_200 = arith.index_cast %rem3A_114 : i32 to index
      %get3A_201 = arith.index_cast %get3A_199 : i32 to index
      %get3A_202 = arith.constant 64 : index
      %get3A_203 = tpu.vector_load %arg10[%get3A_200, %get3A_201, %get3A_202] {strides = array<i32>} : memref<2x8x128xi32, #tpu.memory_space<vmem>>, vector<16xi32>,
      %shift_right_logical3A_204 = arith.constant 7 : i32
      %shift_right_logical3A_205 = vector.broadcast %shift_right_logical3A_204 : i32 to vector<16xi32>
      %shift_right_logical3A_206 = arith.shrui %get3A_203, %shift_right_logical3A_205 : vector<16xi32>
      %and3A_207 = arith.constant 127 : i32
      %and3A_208 = vector.broadcast %and3A_207 : i32 to vector<16xi32>
      %and3A_209 = arith.andi %get3A_203, %and3A_208 : vector<16xi32>
      tpu.vector_store_idx %arg13[%shift_right_logical3A_206, %and3A_209], %broadcast_in_dim3A_85 {add = true} : memref<80x128xf32, #tpu.memory_space<vmem>>[vector<16xi32>, vector<16xi32>], vector<16xf32>,
      %get3A_210 = arith.constant 0 : i32
      %get3A_211 = arith.index_cast %rem3A_114 : i32 to index
      %get3A_212 = arith.index_cast %get3A_210 : i32 to index
      %get3A_213 = arith.constant 80 : index
      %get3A_214 = tpu.vector_load %arg10[%get3A_211, %get3A_212, %get3A_213] {strides = array<i32>} : memref<2x8x128xi32, #tpu.memory_space<vmem>>, vector<16xi32>,
      %shift_right_logical3A_215 = arith.constant 7 : i32
      %shift_right_logical3A_216 = vector.broadcast %shift_right_logical3A_215 : i32 to vector<16xi32>
      %shift_right_logical3A_217 = arith.shrui %get3A_214, %shift_right_logical3A_216 : vector<16xi32>
      %and3A_218 = arith.constant 127 : i32
      %and3A_219 = vector.broadcast %and3A_218 : i32 to vector<16xi32>
      %and3A_220 = arith.andi %get3A_214, %and3A_219 : vector<16xi32>
      tpu.vector_store_idx %arg13[%shift_right_logical3A_217, %and3A_220], %broadcast_in_dim3A_85 {add = true} : memref<80x128xf32, #tpu.memory_space<vmem>>[vector<16xi32>, vector<16xi32>], vector<16xf32>,
      %get3A_221 = arith.constant 0 : i32
      %get3A_222 = arith.index_cast %rem3A_114 : i32 to index
      %get3A_223 = arith.index_cast %get3A_221 : i32 to index
      %get3A_224 = arith.constant 96 : index
      %get3A_225 = tpu.vector_load %arg10[%get3A_222, %get3A_223, %get3A_224] {strides = array<i32>} : memref<2x8x128xi32, #tpu.memory_space<vmem>>, vector<16xi32>,
      %shift_right_logical3A_226 = arith.constant 7 : i32
      %shift_right_logical3A_227 = vector.broadcast %shift_right_logical3A_226 : i32 to vector<16xi32>
      %shift_right_logical3A_228 = arith.shrui %get3A_225, %shift_right_logical3A_227 : vector<16xi32>
      %and3A_229 = arith.constant 127 : i32
      %and3A_230 = vector.broadcast %and3A_229 : i32 to vector<16xi32>
      %and3A_231 = arith.andi %get3A_225, %and3A_230 : vector<16xi32>
      tpu.vector_store_idx %arg13[%shift_right_logical3A_228, %and3A_231], %broadcast_in_dim3A_85 {add = true} : memref<80x128xf32, #tpu.memory_space<vmem>>[vector<16xi32>, vector<16xi32>], vector<16xf32>,
      %get3A_232 = arith.constant 0 : i32
      %get3A_233 = arith.index_cast %rem3A_114 : i32 to index
      %get3A_234 = arith.index_cast %get3A_232 : i32 to index
      %get3A_235 = arith.constant 112 : index
      %get3A_236 = tpu.vector_load %arg10[%get3A_233, %get3A_234, %get3A_235] {strides = array<i32>} : memref<2x8x128xi32, #tpu.memory_space<vmem>>, vector<16xi32>,
      %shift_right_logical3A_237 = arith.constant 7 : i32
      %shift_right_logical3A_238 = vector.broadcast %shift_right_logical3A_237 : i32 to vector<16xi32>
      %shift_right_logical3A_239 = arith.shrui %get3A_236, %shift_right_logical3A_238 : vector<16xi32>
      %and3A_240 = arith.constant 127 : i32
      %and3A_241 = vector.broadcast %and3A_240 : i32 to vector<16xi32>
      %and3A_242 = arith.andi %get3A_236, %and3A_241 : vector<16xi32>
      tpu.vector_store_idx %arg13[%shift_right_logical3A_239, %and3A_242], %broadcast_in_dim3A_85 {add = true} : memref<80x128xf32, #tpu.memory_space<vmem>>[vector<16xi32>, vector<16xi32>], vector<16xf32>,
      %dma_start3A_243 = arith.constant 2 : i32
      %dma_start3A_244 = arith.constant 0 : i32
      %dma_start3A_245 = tpu.memref_slice %arg9[%rem3A_114, %dma_start3A_243, %dma_start3A_244] : memref<2x8x128xi32, #tpu.memory_space<vmem>> -> memref<1x1x128xi32, #tpu.memory_space<vmem>>
      %dma_start3A_246 = tpu.memref_squeeze %dma_start3A_245 : memref<1x1x128xi32, #tpu.memory_space<vmem>> -> memref<128xi32, #tpu.memory_space<vmem>>
      %dma_start3A_247 = arith.constant 0 : i32
      %dma_start3A_248 = arith.constant 0 : i32
      %dma_start3A_249 = tpu.memref_slice %arg2[%dma_start3A_247, %dma_start3A_248] : memref<20000x128xf32, #tpu.memory_space<hbm>> -> memref<20000x128xf32, #tpu.memory_space<hbm>>
      tpu.enqueue_indirect_dma source(%dma_start3A_249 : memref<20000x128xf32, #tpu.memory_space<hbm>>) target(%arg11 : memref<128x128xf32, #tpu.memory_space<vmem>>) offsets(%dma_start3A_246 : memref<128xi32, #tpu.memory_space<vmem>>) semaphore(%arg15 : memref<!tpu.dma_semaphore, #tpu.memory_space<semaphore_mem>>)
      %dma_wait3A_250 = arith.constant 1 : i32
      %dma_wait3A_251 = arith.constant 0 : i32
      %dma_wait3A_252 = tpu.memref_slice %arg9[%rem3A_114, %dma_wait3A_250, %dma_wait3A_251] : memref<2x8x128xi32, #tpu.memory_space<vmem>> -> memref<1x1x128xi32, #tpu.memory_space<vmem>>
      %dma_wait3A_253 = tpu.memref_squeeze %dma_wait3A_252 : memref<1x1x128xi32, #tpu.memory_space<vmem>> -> memref<128xi32, #tpu.memory_space<vmem>>
      %dma_wait3A_254 = arith.constant 0 : i32
      %dma_wait3A_255 = arith.constant 0 : i32
      %dma_wait3A_256 = tpu.memref_slice %arg2[%dma_wait3A_254, %dma_wait3A_255] : memref<20000x128xf32, #tpu.memory_space<hbm>> -> memref<20000x128xf32, #tpu.memory_space<hbm>>
      tpu.wait_indirect_dma semaphore(%arg16 : memref<!tpu.dma_semaphore, #tpu.memory_space<semaphore_mem>>) src(%dma_wait3A_256 : memref<20000x128xf32, #tpu.memory_space<hbm>>) dst(%arg12 : memref<128x128xf32, #tpu.memory_space<vmem>>)
      %run_scoped3A_257 = arith.constant 1 : i32
      "tpu.region"() ({
        %run_scoped3A_1002 = tpu.sem_alloc : memref<!tpu.dma_semaphore, #tpu.memory_space<semaphore_mem>>
        %dma_start3A_1003 = arith.constant 0 : i32
        %dma_start3A_1004 = tpu.memref_slice %arg10[%rem3A_114, %run_scoped3A_257, %dma_start3A_1003] : memref<2x8x128xi32, #tpu.memory_space<vmem>> -> memref<1x1x128xi32, #tpu.memory_space<vmem>>
        %dma_start3A_1005 = tpu.memref_squeeze %dma_start3A_1004 : memref<1x1x128xi32, #tpu.memory_space<vmem>> -> memref<128xi32, #tpu.memory_space<vmem>>
        %dma_start3A_1006 = arith.constant 0 : i32
        %dma_start3A_1007 = arith.constant 0 : i32
        %dma_start3A_1008 = tpu.memref_slice %arg14[%dma_start3A_1006, %dma_start3A_1007] : memref<10008x128xf32, #tpu.memory_space<vmem_shared>> -> memref<10008x128xf32, #tpu.memory_space<vmem_shared>>
        tpu.enqueue_indirect_dma source(%arg12 : memref<128x128xf32, #tpu.memory_space<vmem>>) target(%dma_start3A_1008 : memref<10008x128xf32, #tpu.memory_space<vmem_shared>>) offsets(%dma_start3A_1005 : memref<128xi32, #tpu.memory_space<vmem>>) semaphore(%run_scoped3A_1002 : memref<!tpu.dma_semaphore, #tpu.memory_space<semaphore_mem>>) {add = true}
        %dma_wait3A_1009 = arith.constant 0 : i32
        %dma_wait3A_1010 = tpu.memref_slice %arg10[%rem3A_114, %run_scoped3A_257, %dma_wait3A_1009] : memref<2x8x128xi32, #tpu.memory_space<vmem>> -> memref<1x1x128xi32, #tpu.memory_space<vmem>>
        %dma_wait3A_1011 = tpu.memref_squeeze %dma_wait3A_1010 : memref<1x1x128xi32, #tpu.memory_space<vmem>> -> memref<128xi32, #tpu.memory_space<vmem>>
        %dma_wait3A_1012 = arith.constant 0 : i32
        %dma_wait3A_1013 = arith.constant 0 : i32
        %dma_wait3A_1014 = tpu.memref_slice %arg14[%dma_wait3A_1012, %dma_wait3A_1013] : memref<10008x128xf32, #tpu.memory_space<vmem_shared>> -> memref<10008x128xf32, #tpu.memory_space<vmem_shared>>
        tpu.wait_indirect_dma semaphore(%run_scoped3A_1002 : memref<!tpu.dma_semaphore, #tpu.memory_space<semaphore_mem>>) src(%arg12 : memref<128x128xf32, #tpu.memory_space<vmem>>) dst(%dma_wait3A_1014 : memref<10008x128xf32, #tpu.memory_space<vmem_shared>>)
        tpu.yield
      }) : () -> ()
      %get3A_258 = arith.constant 1 : i32
      %get3A_259 = arith.index_cast %rem3A_114 : i32 to index
      %get3A_260 = arith.index_cast %get3A_258 : i32 to index
      %get3A_261 = arith.constant 0 : index
      %get3A_262 = tpu.vector_load %arg10[%get3A_259, %get3A_260, %get3A_261] {strides = array<i32>} : memref<2x8x128xi32, #tpu.memory_space<vmem>>, vector<16xi32>,
      %shift_right_logical3A_263 = arith.constant 7 : i32
      %shift_right_logical3A_264 = vector.broadcast %shift_right_logical3A_263 : i32 to vector<16xi32>
      %shift_right_logical3A_265 = arith.shrui %get3A_262, %shift_right_logical3A_264 : vector<16xi32>
      %and3A_266 = arith.constant 127 : i32
      %and3A_267 = vector.broadcast %and3A_266 : i32 to vector<16xi32>
      %and3A_268 = arith.andi %get3A_262, %and3A_267 : vector<16xi32>
      tpu.vector_store_idx %arg13[%shift_right_logical3A_265, %and3A_268], %broadcast_in_dim3A_85 {add = true} : memref<80x128xf32, #tpu.memory_space<vmem>>[vector<16xi32>, vector<16xi32>], vector<16xf32>,
      %get3A_269 = arith.constant 1 : i32
      %get3A_270 = arith.index_cast %rem3A_114 : i32 to index
      %get3A_271 = arith.index_cast %get3A_269 : i32 to index
      %get3A_272 = arith.constant 16 : index
      %get3A_273 = tpu.vector_load %arg10[%get3A_270, %get3A_271, %get3A_272] {strides = array<i32>} : memref<2x8x128xi32, #tpu.memory_space<vmem>>, vector<16xi32>,
      %shift_right_logical3A_274 = arith.constant 7 : i32
      %shift_right_logical3A_275 = vector.broadcast %shift_right_logical3A_274 : i32 to vector<16xi32>
      %shift_right_logical3A_276 = arith.shrui %get3A_273, %shift_right_logical3A_275 : vector<16xi32>
      %and3A_277 = arith.constant 127 : i32
      %and3A_278 = vector.broadcast %and3A_277 : i32 to vector<16xi32>
      %and3A_279 = arith.andi %get3A_273, %and3A_278 : vector<16xi32>
      tpu.vector_store_idx %arg13[%shift_right_logical3A_276, %and3A_279], %broadcast_in_dim3A_85 {add = true} : memref<80x128xf32, #tpu.memory_space<vmem>>[vector<16xi32>, vector<16xi32>], vector<16xf32>,
      %get3A_280 = arith.constant 1 : i32
      %get3A_281 = arith.index_cast %rem3A_114 : i32 to index
      %get3A_282 = arith.index_cast %get3A_280 : i32 to index
      %get3A_283 = arith.constant 32 : index
      %get3A_284 = tpu.vector_load %arg10[%get3A_281, %get3A_282, %get3A_283] {strides = array<i32>} : memref<2x8x128xi32, #tpu.memory_space<vmem>>, vector<16xi32>,
      %shift_right_logical3A_285 = arith.constant 7 : i32
      %shift_right_logical3A_286 = vector.broadcast %shift_right_logical3A_285 : i32 to vector<16xi32>
      %shift_right_logical3A_287 = arith.shrui %get3A_284, %shift_right_logical3A_286 : vector<16xi32>
      %and3A_288 = arith.constant 127 : i32
      %and3A_289 = vector.broadcast %and3A_288 : i32 to vector<16xi32>
      %and3A_290 = arith.andi %get3A_284, %and3A_289 : vector<16xi32>
      tpu.vector_store_idx %arg13[%shift_right_logical3A_287, %and3A_290], %broadcast_in_dim3A_85 {add = true} : memref<80x128xf32, #tpu.memory_space<vmem>>[vector<16xi32>, vector<16xi32>], vector<16xf32>,
      %get3A_291 = arith.constant 1 : i32
      %get3A_292 = arith.index_cast %rem3A_114 : i32 to index
      %get3A_293 = arith.index_cast %get3A_291 : i32 to index
      %get3A_294 = arith.constant 48 : index
      %get3A_295 = tpu.vector_load %arg10[%get3A_292, %get3A_293, %get3A_294] {strides = array<i32>} : memref<2x8x128xi32, #tpu.memory_space<vmem>>, vector<16xi32>,
      %shift_right_logical3A_296 = arith.constant 7 : i32
      %shift_right_logical3A_297 = vector.broadcast %shift_right_logical3A_296 : i32 to vector<16xi32>
      %shift_right_logical3A_298 = arith.shrui %get3A_295, %shift_right_logical3A_297 : vector<16xi32>
      %and3A_299 = arith.constant 127 : i32
      %and3A_300 = vector.broadcast %and3A_299 : i32 to vector<16xi32>
      %and3A_301 = arith.andi %get3A_295, %and3A_300 : vector<16xi32>
      tpu.vector_store_idx %arg13[%shift_right_logical3A_298, %and3A_301], %broadcast_in_dim3A_85 {add = true} : memref<80x128xf32, #tpu.memory_space<vmem>>[vector<16xi32>, vector<16xi32>], vector<16xf32>,
      %get3A_302 = arith.constant 1 : i32
      %get3A_303 = arith.index_cast %rem3A_114 : i32 to index
      %get3A_304 = arith.index_cast %get3A_302 : i32 to index
      %get3A_305 = arith.constant 64 : index
      %get3A_306 = tpu.vector_load %arg10[%get3A_303, %get3A_304, %get3A_305] {strides = array<i32>} : memref<2x8x128xi32, #tpu.memory_space<vmem>>, vector<16xi32>,
      %shift_right_logical3A_307 = arith.constant 7 : i32
      %shift_right_logical3A_308 = vector.broadcast %shift_right_logical3A_307 : i32 to vector<16xi32>
      %shift_right_logical3A_309 = arith.shrui %get3A_306, %shift_right_logical3A_308 : vector<16xi32>
      %and3A_310 = arith.constant 127 : i32
      %and3A_311 = vector.broadcast %and3A_310 : i32 to vector<16xi32>
      %and3A_312 = arith.andi %get3A_306, %and3A_311 : vector<16xi32>
      tpu.vector_store_idx %arg13[%shift_right_logical3A_309, %and3A_312], %broadcast_in_dim3A_85 {add = true} : memref<80x128xf32, #tpu.memory_space<vmem>>[vector<16xi32>, vector<16xi32>], vector<16xf32>,
      %get3A_313 = arith.constant 1 : i32
      %get3A_314 = arith.index_cast %rem3A_114 : i32 to index
      %get3A_315 = arith.index_cast %get3A_313 : i32 to index
      %get3A_316 = arith.constant 80 : index
      %get3A_317 = tpu.vector_load %arg10[%get3A_314, %get3A_315, %get3A_316] {strides = array<i32>} : memref<2x8x128xi32, #tpu.memory_space<vmem>>, vector<16xi32>,
      %shift_right_logical3A_318 = arith.constant 7 : i32
      %shift_right_logical3A_319 = vector.broadcast %shift_right_logical3A_318 : i32 to vector<16xi32>
      %shift_right_logical3A_320 = arith.shrui %get3A_317, %shift_right_logical3A_319 : vector<16xi32>
      %and3A_321 = arith.constant 127 : i32
      %and3A_322 = vector.broadcast %and3A_321 : i32 to vector<16xi32>
      %and3A_323 = arith.andi %get3A_317, %and3A_322 : vector<16xi32>
      tpu.vector_store_idx %arg13[%shift_right_logical3A_320, %and3A_323], %broadcast_in_dim3A_85 {add = true} : memref<80x128xf32, #tpu.memory_space<vmem>>[vector<16xi32>, vector<16xi32>], vector<16xf32>,
      %get3A_324 = arith.constant 1 : i32
      %get3A_325 = arith.index_cast %rem3A_114 : i32 to index
      %get3A_326 = arith.index_cast %get3A_324 : i32 to index
      %get3A_327 = arith.constant 96 : index
      %get3A_328 = tpu.vector_load %arg10[%get3A_325, %get3A_326, %get3A_327] {strides = array<i32>} : memref<2x8x128xi32, #tpu.memory_space<vmem>>, vector<16xi32>,
      %shift_right_logical3A_329 = arith.constant 7 : i32
      %shift_right_logical3A_330 = vector.broadcast %shift_right_logical3A_329 : i32 to vector<16xi32>
      %shift_right_logical3A_331 = arith.shrui %get3A_328, %shift_right_logical3A_330 : vector<16xi32>
      %and3A_332 = arith.constant 127 : i32
      %and3A_333 = vector.broadcast %and3A_332 : i32 to vector<16xi32>
      %and3A_334 = arith.andi %get3A_328, %and3A_333 : vector<16xi32>
      tpu.vector_store_idx %arg13[%shift_right_logical3A_331, %and3A_334], %broadcast_in_dim3A_85 {add = true} : memref<80x128xf32, #tpu.memory_space<vmem>>[vector<16xi32>, vector<16xi32>], vector<16xf32>,
      %get3A_335 = arith.constant 1 : i32
      %get3A_336 = arith.index_cast %rem3A_114 : i32 to index
      %get3A_337 = arith.index_cast %get3A_335 : i32 to index
      %get3A_338 = arith.constant 112 : index
      %get3A_339 = tpu.vector_load %arg10[%get3A_336, %get3A_337, %get3A_338] {strides = array<i32>} : memref<2x8x128xi32, #tpu.memory_space<vmem>>, vector<16xi32>,
      %shift_right_logical3A_340 = arith.constant 7 : i32
      %shift_right_logical3A_341 = vector.broadcast %shift_right_logical3A_340 : i32 to vector<16xi32>
      %shift_right_logical3A_342 = arith.shrui %get3A_339, %shift_right_logical3A_341 : vector<16xi32>
      %and3A_343 = arith.constant 127 : i32
      %and3A_344 = vector.broadcast %and3A_343 : i32 to vector<16xi32>
      %and3A_345 = arith.andi %get3A_339, %and3A_344 : vector<16xi32>
      tpu.vector_store_idx %arg13[%shift_right_logical3A_342, %and3A_345], %broadcast_in_dim3A_85 {add = true} : memref<80x128xf32, #tpu.memory_space<vmem>>[vector<16xi32>, vector<16xi32>], vector<16xf32>,
      %dma_start3A_346 = arith.constant 3 : i32
      %dma_start3A_347 = arith.constant 0 : i32
      %dma_start3A_348 = tpu.memref_slice %arg9[%rem3A_114, %dma_start3A_346, %dma_start3A_347] : memref<2x8x128xi32, #tpu.memory_space<vmem>> -> memref<1x1x128xi32, #tpu.memory_space<vmem>>
      %dma_start3A_349 = tpu.memref_squeeze %dma_start3A_348 : memref<1x1x128xi32, #tpu.memory_space<vmem>> -> memref<128xi32, #tpu.memory_space<vmem>>
      %dma_start3A_350 = arith.constant 0 : i32
      %dma_start3A_351 = arith.constant 0 : i32
      %dma_start3A_352 = tpu.memref_slice %arg2[%dma_start3A_350, %dma_start3A_351] : memref<20000x128xf32, #tpu.memory_space<hbm>> -> memref<20000x128xf32, #tpu.memory_space<hbm>>
      tpu.enqueue_indirect_dma source(%dma_start3A_352 : memref<20000x128xf32, #tpu.memory_space<hbm>>) target(%arg12 : memref<128x128xf32, #tpu.memory_space<vmem>>) offsets(%dma_start3A_349 : memref<128xi32, #tpu.memory_space<vmem>>) semaphore(%arg16 : memref<!tpu.dma_semaphore, #tpu.memory_space<semaphore_mem>>)
      %dma_wait3A_353 = arith.constant 2 : i32
      %dma_wait3A_354 = arith.constant 0 : i32
      %dma_wait3A_355 = tpu.memref_slice %arg9[%rem3A_114, %dma_wait3A_353, %dma_wait3A_354] : memref<2x8x128xi32, #tpu.memory_space<vmem>> -> memref<1x1x128xi32, #tpu.memory_space<vmem>>
      %dma_wait3A_356 = tpu.memref_squeeze %dma_wait3A_355 : memref<1x1x128xi32, #tpu.memory_space<vmem>> -> memref<128xi32, #tpu.memory_space<vmem>>
      %dma_wait3A_357 = arith.constant 0 : i32
      %dma_wait3A_358 = arith.constant 0 : i32
      %dma_wait3A_359 = tpu.memref_slice %arg2[%dma_wait3A_357, %dma_wait3A_358] : memref<20000x128xf32, #tpu.memory_space<hbm>> -> memref<20000x128xf32, #tpu.memory_space<hbm>>
      tpu.wait_indirect_dma semaphore(%arg15 : memref<!tpu.dma_semaphore, #tpu.memory_space<semaphore_mem>>) src(%dma_wait3A_359 : memref<20000x128xf32, #tpu.memory_space<hbm>>) dst(%arg11 : memref<128x128xf32, #tpu.memory_space<vmem>>)
      %run_scoped3A_360 = arith.constant 2 : i32
      "tpu.region"() ({
        %run_scoped3A_1002 = tpu.sem_alloc : memref<!tpu.dma_semaphore, #tpu.memory_space<semaphore_mem>>
        %dma_start3A_1003 = arith.constant 0 : i32
        %dma_start3A_1004 = tpu.memref_slice %arg10[%rem3A_114, %run_scoped3A_360, %dma_start3A_1003] : memref<2x8x128xi32, #tpu.memory_space<vmem>> -> memref<1x1x128xi32, #tpu.memory_space<vmem>>
        %dma_start3A_1005 = tpu.memref_squeeze %dma_start3A_1004 : memref<1x1x128xi32, #tpu.memory_space<vmem>> -> memref<128xi32, #tpu.memory_space<vmem>>
        %dma_start3A_1006 = arith.constant 0 : i32
        %dma_start3A_1007 = arith.constant 0 : i32
        %dma_start3A_1008 = tpu.memref_slice %arg14[%dma_start3A_1006, %dma_start3A_1007] : memref<10008x128xf32, #tpu.memory_space<vmem_shared>> -> memref<10008x128xf32, #tpu.memory_space<vmem_shared>>
        tpu.enqueue_indirect_dma source(%arg11 : memref<128x128xf32, #tpu.memory_space<vmem>>) target(%dma_start3A_1008 : memref<10008x128xf32, #tpu.memory_space<vmem_shared>>) offsets(%dma_start3A_1005 : memref<128xi32, #tpu.memory_space<vmem>>) semaphore(%run_scoped3A_1002 : memref<!tpu.dma_semaphore, #tpu.memory_space<semaphore_mem>>) {add = true}
        %dma_wait3A_1009 = arith.constant 0 : i32
        %dma_wait3A_1010 = tpu.memref_slice %arg10[%rem3A_114, %run_scoped3A_360, %dma_wait3A_1009] : memref<2x8x128xi32, #tpu.memory_space<vmem>> -> memref<1x1x128xi32, #tpu.memory_space<vmem>>
        %dma_wait3A_1011 = tpu.memref_squeeze %dma_wait3A_1010 : memref<1x1x128xi32, #tpu.memory_space<vmem>> -> memref<128xi32, #tpu.memory_space<vmem>>
        %dma_wait3A_1012 = arith.constant 0 : i32
        %dma_wait3A_1013 = arith.constant 0 : i32
        %dma_wait3A_1014 = tpu.memref_slice %arg14[%dma_wait3A_1012, %dma_wait3A_1013] : memref<10008x128xf32, #tpu.memory_space<vmem_shared>> -> memref<10008x128xf32, #tpu.memory_space<vmem_shared>>
        tpu.wait_indirect_dma semaphore(%run_scoped3A_1002 : memref<!tpu.dma_semaphore, #tpu.memory_space<semaphore_mem>>) src(%arg11 : memref<128x128xf32, #tpu.memory_space<vmem>>) dst(%dma_wait3A_1014 : memref<10008x128xf32, #tpu.memory_space<vmem_shared>>)
        tpu.yield
      }) : () -> ()
      %get3A_361 = arith.constant 2 : i32
      %get3A_362 = arith.index_cast %rem3A_114 : i32 to index
      %get3A_363 = arith.index_cast %get3A_361 : i32 to index
      %get3A_364 = arith.constant 0 : index
      %get3A_365 = tpu.vector_load %arg10[%get3A_362, %get3A_363, %get3A_364] {strides = array<i32>} : memref<2x8x128xi32, #tpu.memory_space<vmem>>, vector<16xi32>,
      %shift_right_logical3A_366 = arith.constant 7 : i32
      %shift_right_logical3A_367 = vector.broadcast %shift_right_logical3A_366 : i32 to vector<16xi32>
      %shift_right_logical3A_368 = arith.shrui %get3A_365, %shift_right_logical3A_367 : vector<16xi32>
      %and3A_369 = arith.constant 127 : i32
      %and3A_370 = vector.broadcast %and3A_369 : i32 to vector<16xi32>
      %and3A_371 = arith.andi %get3A_365, %and3A_370 : vector<16xi32>
      tpu.vector_store_idx %arg13[%shift_right_logical3A_368, %and3A_371], %broadcast_in_dim3A_85 {add = true} : memref<80x128xf32, #tpu.memory_space<vmem>>[vector<16xi32>, vector<16xi32>], vector<16xf32>,
      %get3A_372 = arith.constant 2 : i32
      %get3A_373 = arith.index_cast %rem3A_114 : i32 to index
      %get3A_374 = arith.index_cast %get3A_372 : i32 to index
      %get3A_375 = arith.constant 16 : index
      %get3A_376 = tpu.vector_load %arg10[%get3A_373, %get3A_374, %get3A_375] {strides = array<i32>} : memref<2x8x128xi32, #tpu.memory_space<vmem>>, vector<16xi32>,
      %shift_right_logical3A_377 = arith.constant 7 : i32
      %shift_right_logical3A_378 = vector.broadcast %shift_right_logical3A_377 : i32 to vector<16xi32>
      %shift_right_logical3A_379 = arith.shrui %get3A_376, %shift_right_logical3A_378 : vector<16xi32>
      %and3A_380 = arith.constant 127 : i32
      %and3A_381 = vector.broadcast %and3A_380 : i32 to vector<16xi32>
      %and3A_382 = arith.andi %get3A_376, %and3A_381 : vector<16xi32>
      tpu.vector_store_idx %arg13[%shift_right_logical3A_379, %and3A_382], %broadcast_in_dim3A_85 {add = true} : memref<80x128xf32, #tpu.memory_space<vmem>>[vector<16xi32>, vector<16xi32>], vector<16xf32>,
      %get3A_383 = arith.constant 2 : i32
      %get3A_384 = arith.index_cast %rem3A_114 : i32 to index
      %get3A_385 = arith.index_cast %get3A_383 : i32 to index
      %get3A_386 = arith.constant 32 : index
      %get3A_387 = tpu.vector_load %arg10[%get3A_384, %get3A_385, %get3A_386] {strides = array<i32>} : memref<2x8x128xi32, #tpu.memory_space<vmem>>, vector<16xi32>,
      %shift_right_logical3A_388 = arith.constant 7 : i32
      %shift_right_logical3A_389 = vector.broadcast %shift_right_logical3A_388 : i32 to vector<16xi32>
      %shift_right_logical3A_390 = arith.shrui %get3A_387, %shift_right_logical3A_389 : vector<16xi32>
      %and3A_391 = arith.constant 127 : i32
      %and3A_392 = vector.broadcast %and3A_391 : i32 to vector<16xi32>
      %and3A_393 = arith.andi %get3A_387, %and3A_392 : vector<16xi32>
      tpu.vector_store_idx %arg13[%shift_right_logical3A_390, %and3A_393], %broadcast_in_dim3A_85 {add = true} : memref<80x128xf32, #tpu.memory_space<vmem>>[vector<16xi32>, vector<16xi32>], vector<16xf32>,
      %get3A_394 = arith.constant 2 : i32
      %get3A_395 = arith.index_cast %rem3A_114 : i32 to index
      %get3A_396 = arith.index_cast %get3A_394 : i32 to index
      %get3A_397 = arith.constant 48 : index
      %get3A_398 = tpu.vector_load %arg10[%get3A_395, %get3A_396, %get3A_397] {strides = array<i32>} : memref<2x8x128xi32, #tpu.memory_space<vmem>>, vector<16xi32>,
      %shift_right_logical3A_399 = arith.constant 7 : i32
      %shift_right_logical3A_400 = vector.broadcast %shift_right_logical3A_399 : i32 to vector<16xi32>
      %shift_right_logical3A_401 = arith.shrui %get3A_398, %shift_right_logical3A_400 : vector<16xi32>
      %and3A_402 = arith.constant 127 : i32
      %and3A_403 = vector.broadcast %and3A_402 : i32 to vector<16xi32>
      %and3A_404 = arith.andi %get3A_398, %and3A_403 : vector<16xi32>
      tpu.vector_store_idx %arg13[%shift_right_logical3A_401, %and3A_404], %broadcast_in_dim3A_85 {add = true} : memref<80x128xf32, #tpu.memory_space<vmem>>[vector<16xi32>, vector<16xi32>], vector<16xf32>,
      %get3A_405 = arith.constant 2 : i32
      %get3A_406 = arith.index_cast %rem3A_114 : i32 to index
      %get3A_407 = arith.index_cast %get3A_405 : i32 to index
      %get3A_408 = arith.constant 64 : index
      %get3A_409 = tpu.vector_load %arg10[%get3A_406, %get3A_407, %get3A_408] {strides = array<i32>} : memref<2x8x128xi32, #tpu.memory_space<vmem>>, vector<16xi32>,
      %shift_right_logical3A_410 = arith.constant 7 : i32
      %shift_right_logical3A_411 = vector.broadcast %shift_right_logical3A_410 : i32 to vector<16xi32>
      %shift_right_logical3A_412 = arith.shrui %get3A_409, %shift_right_logical3A_411 : vector<16xi32>
      %and3A_413 = arith.constant 127 : i32
      %and3A_414 = vector.broadcast %and3A_413 : i32 to vector<16xi32>
      %and3A_415 = arith.andi %get3A_409, %and3A_414 : vector<16xi32>
      tpu.vector_store_idx %arg13[%shift_right_logical3A_412, %and3A_415], %broadcast_in_dim3A_85 {add = true} : memref<80x128xf32, #tpu.memory_space<vmem>>[vector<16xi32>, vector<16xi32>], vector<16xf32>,
      %get3A_416 = arith.constant 2 : i32
      %get3A_417 = arith.index_cast %rem3A_114 : i32 to index
      %get3A_418 = arith.index_cast %get3A_416 : i32 to index
      %get3A_419 = arith.constant 80 : index
      %get3A_420 = tpu.vector_load %arg10[%get3A_417, %get3A_418, %get3A_419] {strides = array<i32>} : memref<2x8x128xi32, #tpu.memory_space<vmem>>, vector<16xi32>,
      %shift_right_logical3A_421 = arith.constant 7 : i32
      %shift_right_logical3A_422 = vector.broadcast %shift_right_logical3A_421 : i32 to vector<16xi32>
      %shift_right_logical3A_423 = arith.shrui %get3A_420, %shift_right_logical3A_422 : vector<16xi32>
      %and3A_424 = arith.constant 127 : i32
      %and3A_425 = vector.broadcast %and3A_424 : i32 to vector<16xi32>
      %and3A_426 = arith.andi %get3A_420, %and3A_425 : vector<16xi32>
      tpu.vector_store_idx %arg13[%shift_right_logical3A_423, %and3A_426], %broadcast_in_dim3A_85 {add = true} : memref<80x128xf32, #tpu.memory_space<vmem>>[vector<16xi32>, vector<16xi32>], vector<16xf32>,
      %get3A_427 = arith.constant 2 : i32
      %get3A_428 = arith.index_cast %rem3A_114 : i32 to index
      %get3A_429 = arith.index_cast %get3A_427 : i32 to index
      %get3A_430 = arith.constant 96 : index
      %get3A_431 = tpu.vector_load %arg10[%get3A_428, %get3A_429, %get3A_430] {strides = array<i32>} : memref<2x8x128xi32, #tpu.memory_space<vmem>>, vector<16xi32>,
      %shift_right_logical3A_432 = arith.constant 7 : i32
      %shift_right_logical3A_433 = vector.broadcast %shift_right_logical3A_432 : i32 to vector<16xi32>
      %shift_right_logical3A_434 = arith.shrui %get3A_431, %shift_right_logical3A_433 : vector<16xi32>
      %and3A_435 = arith.constant 127 : i32
      %and3A_436 = vector.broadcast %and3A_435 : i32 to vector<16xi32>
      %and3A_437 = arith.andi %get3A_431, %and3A_436 : vector<16xi32>
      tpu.vector_store_idx %arg13[%shift_right_logical3A_434, %and3A_437], %broadcast_in_dim3A_85 {add = true} : memref<80x128xf32, #tpu.memory_space<vmem>>[vector<16xi32>, vector<16xi32>], vector<16xf32>,
      %get3A_438 = arith.constant 2 : i32
      %get3A_439 = arith.index_cast %rem3A_114 : i32 to index
      %get3A_440 = arith.index_cast %get3A_438 : i32 to index
      %get3A_441 = arith.constant 112 : index
      %get3A_442 = tpu.vector_load %arg10[%get3A_439, %get3A_440, %get3A_441] {strides = array<i32>} : memref<2x8x128xi32, #tpu.memory_space<vmem>>, vector<16xi32>,
      %shift_right_logical3A_443 = arith.constant 7 : i32
      %shift_right_logical3A_444 = vector.broadcast %shift_right_logical3A_443 : i32 to vector<16xi32>
      %shift_right_logical3A_445 = arith.shrui %get3A_442, %shift_right_logical3A_444 : vector<16xi32>
      %and3A_446 = arith.constant 127 : i32
      %and3A_447 = vector.broadcast %and3A_446 : i32 to vector<16xi32>
      %and3A_448 = arith.andi %get3A_442, %and3A_447 : vector<16xi32>
      tpu.vector_store_idx %arg13[%shift_right_logical3A_445, %and3A_448], %broadcast_in_dim3A_85 {add = true} : memref<80x128xf32, #tpu.memory_space<vmem>>[vector<16xi32>, vector<16xi32>], vector<16xf32>,
      %dma_start3A_449 = arith.constant 4 : i32
      %dma_start3A_450 = arith.constant 0 : i32
      %dma_start3A_451 = tpu.memref_slice %arg9[%rem3A_114, %dma_start3A_449, %dma_start3A_450] : memref<2x8x128xi32, #tpu.memory_space<vmem>> -> memref<1x1x128xi32, #tpu.memory_space<vmem>>
      %dma_start3A_452 = tpu.memref_squeeze %dma_start3A_451 : memref<1x1x128xi32, #tpu.memory_space<vmem>> -> memref<128xi32, #tpu.memory_space<vmem>>
      %dma_start3A_453 = arith.constant 0 : i32
      %dma_start3A_454 = arith.constant 0 : i32
      %dma_start3A_455 = tpu.memref_slice %arg2[%dma_start3A_453, %dma_start3A_454] : memref<20000x128xf32, #tpu.memory_space<hbm>> -> memref<20000x128xf32, #tpu.memory_space<hbm>>
      tpu.enqueue_indirect_dma source(%dma_start3A_455 : memref<20000x128xf32, #tpu.memory_space<hbm>>) target(%arg11 : memref<128x128xf32, #tpu.memory_space<vmem>>) offsets(%dma_start3A_452 : memref<128xi32, #tpu.memory_space<vmem>>) semaphore(%arg15 : memref<!tpu.dma_semaphore, #tpu.memory_space<semaphore_mem>>)
      %dma_wait3A_456 = arith.constant 3 : i32
      %dma_wait3A_457 = arith.constant 0 : i32
      %dma_wait3A_458 = tpu.memref_slice %arg9[%rem3A_114, %dma_wait3A_456, %dma_wait3A_457] : memref<2x8x128xi32, #tpu.memory_space<vmem>> -> memref<1x1x128xi32, #tpu.memory_space<vmem>>
      %dma_wait3A_459 = tpu.memref_squeeze %dma_wait3A_458 : memref<1x1x128xi32, #tpu.memory_space<vmem>> -> memref<128xi32, #tpu.memory_space<vmem>>
      %dma_wait3A_460 = arith.constant 0 : i32
      %dma_wait3A_461 = arith.constant 0 : i32
      %dma_wait3A_462 = tpu.memref_slice %arg2[%dma_wait3A_460, %dma_wait3A_461] : memref<20000x128xf32, #tpu.memory_space<hbm>> -> memref<20000x128xf32, #tpu.memory_space<hbm>>
      tpu.wait_indirect_dma semaphore(%arg16 : memref<!tpu.dma_semaphore, #tpu.memory_space<semaphore_mem>>) src(%dma_wait3A_462 : memref<20000x128xf32, #tpu.memory_space<hbm>>) dst(%arg12 : memref<128x128xf32, #tpu.memory_space<vmem>>)
      %run_scoped3A_463 = arith.constant 3 : i32
      "tpu.region"() ({
        %run_scoped3A_1002 = tpu.sem_alloc : memref<!tpu.dma_semaphore, #tpu.memory_space<semaphore_mem>>
        %dma_start3A_1003 = arith.constant 0 : i32
        %dma_start3A_1004 = tpu.memref_slice %arg10[%rem3A_114, %run_scoped3A_463, %dma_start3A_1003] : memref<2x8x128xi32, #tpu.memory_space<vmem>> -> memref<1x1x128xi32, #tpu.memory_space<vmem>>
        %dma_start3A_1005 = tpu.memref_squeeze %dma_start3A_1004 : memref<1x1x128xi32, #tpu.memory_space<vmem>> -> memref<128xi32, #tpu.memory_space<vmem>>
        %dma_start3A_1006 = arith.constant 0 : i32
        %dma_start3A_1007 = arith.constant 0 : i32
        %dma_start3A_1008 = tpu.memref_slice %arg14[%dma_start3A_1006, %dma_start3A_1007] : memref<10008x128xf32, #tpu.memory_space<vmem_shared>> -> memref<10008x128xf32, #tpu.memory_space<vmem_shared>>
        tpu.enqueue_indirect_dma source(%arg12 : memref<128x128xf32, #tpu.memory_space<vmem>>) target(%dma_start3A_1008 : memref<10008x128xf32, #tpu.memory_space<vmem_shared>>) offsets(%dma_start3A_1005 : memref<128xi32, #tpu.memory_space<vmem>>) semaphore(%run_scoped3A_1002 : memref<!tpu.dma_semaphore, #tpu.memory_space<semaphore_mem>>) {add = true}
        %dma_wait3A_1009 = arith.constant 0 : i32
        %dma_wait3A_1010 = tpu.memref_slice %arg10[%rem3A_114, %run_scoped3A_463, %dma_wait3A_1009] : memref<2x8x128xi32, #tpu.memory_space<vmem>> -> memref<1x1x128xi32, #tpu.memory_space<vmem>>
        %dma_wait3A_1011 = tpu.memref_squeeze %dma_wait3A_1010 : memref<1x1x128xi32, #tpu.memory_space<vmem>> -> memref<128xi32, #tpu.memory_space<vmem>>
        %dma_wait3A_1012 = arith.constant 0 : i32
        %dma_wait3A_1013 = arith.constant 0 : i32
        %dma_wait3A_1014 = tpu.memref_slice %arg14[%dma_wait3A_1012, %dma_wait3A_1013] : memref<10008x128xf32, #tpu.memory_space<vmem_shared>> -> memref<10008x128xf32, #tpu.memory_space<vmem_shared>>
        tpu.wait_indirect_dma semaphore(%run_scoped3A_1002 : memref<!tpu.dma_semaphore, #tpu.memory_space<semaphore_mem>>) src(%arg12 : memref<128x128xf32, #tpu.memory_space<vmem>>) dst(%dma_wait3A_1014 : memref<10008x128xf32, #tpu.memory_space<vmem_shared>>)
        tpu.yield
      }) : () -> ()
      %get3A_464 = arith.constant 3 : i32
      %get3A_465 = arith.index_cast %rem3A_114 : i32 to index
      %get3A_466 = arith.index_cast %get3A_464 : i32 to index
      %get3A_467 = arith.constant 0 : index
      %get3A_468 = tpu.vector_load %arg10[%get3A_465, %get3A_466, %get3A_467] {strides = array<i32>} : memref<2x8x128xi32, #tpu.memory_space<vmem>>, vector<16xi32>,
      %shift_right_logical3A_469 = arith.constant 7 : i32
      %shift_right_logical3A_470 = vector.broadcast %shift_right_logical3A_469 : i32 to vector<16xi32>
      %shift_right_logical3A_471 = arith.shrui %get3A_468, %shift_right_logical3A_470 : vector<16xi32>
      %and3A_472 = arith.constant 127 : i32
      %and3A_473 = vector.broadcast %and3A_472 : i32 to vector<16xi32>
      %and3A_474 = arith.andi %get3A_468, %and3A_473 : vector<16xi32>
      tpu.vector_store_idx %arg13[%shift_right_logical3A_471, %and3A_474], %broadcast_in_dim3A_85 {add = true} : memref<80x128xf32, #tpu.memory_space<vmem>>[vector<16xi32>, vector<16xi32>], vector<16xf32>,
      %get3A_475 = arith.constant 3 : i32
      %get3A_476 = arith.index_cast %rem3A_114 : i32 to index
      %get3A_477 = arith.index_cast %get3A_475 : i32 to index
      %get3A_478 = arith.constant 16 : index
      %get3A_479 = tpu.vector_load %arg10[%get3A_476, %get3A_477, %get3A_478] {strides = array<i32>} : memref<2x8x128xi32, #tpu.memory_space<vmem>>, vector<16xi32>,
      %shift_right_logical3A_480 = arith.constant 7 : i32
      %shift_right_logical3A_481 = vector.broadcast %shift_right_logical3A_480 : i32 to vector<16xi32>
      %shift_right_logical3A_482 = arith.shrui %get3A_479, %shift_right_logical3A_481 : vector<16xi32>
      %and3A_483 = arith.constant 127 : i32
      %and3A_484 = vector.broadcast %and3A_483 : i32 to vector<16xi32>
      %and3A_485 = arith.andi %get3A_479, %and3A_484 : vector<16xi32>
      tpu.vector_store_idx %arg13[%shift_right_logical3A_482, %and3A_485], %broadcast_in_dim3A_85 {add = true} : memref<80x128xf32, #tpu.memory_space<vmem>>[vector<16xi32>, vector<16xi32>], vector<16xf32>,
      %get3A_486 = arith.constant 3 : i32
      %get3A_487 = arith.index_cast %rem3A_114 : i32 to index
      %get3A_488 = arith.index_cast %get3A_486 : i32 to index
      %get3A_489 = arith.constant 32 : index
      %get3A_490 = tpu.vector_load %arg10[%get3A_487, %get3A_488, %get3A_489] {strides = array<i32>} : memref<2x8x128xi32, #tpu.memory_space<vmem>>, vector<16xi32>,
      %shift_right_logical3A_491 = arith.constant 7 : i32
      %shift_right_logical3A_492 = vector.broadcast %shift_right_logical3A_491 : i32 to vector<16xi32>
      %shift_right_logical3A_493 = arith.shrui %get3A_490, %shift_right_logical3A_492 : vector<16xi32>
      %and3A_494 = arith.constant 127 : i32
      %and3A_495 = vector.broadcast %and3A_494 : i32 to vector<16xi32>
      %and3A_496 = arith.andi %get3A_490, %and3A_495 : vector<16xi32>
      tpu.vector_store_idx %arg13[%shift_right_logical3A_493, %and3A_496], %broadcast_in_dim3A_85 {add = true} : memref<80x128xf32, #tpu.memory_space<vmem>>[vector<16xi32>, vector<16xi32>], vector<16xf32>,
      %get3A_497 = arith.constant 3 : i32
      %get3A_498 = arith.index_cast %rem3A_114 : i32 to index
      %get3A_499 = arith.index_cast %get3A_497 : i32 to index
      %get3A_500 = arith.constant 48 : index
      %get3A_501 = tpu.vector_load %arg10[%get3A_498, %get3A_499, %get3A_500] {strides = array<i32>} : memref<2x8x128xi32, #tpu.memory_space<vmem>>, vector<16xi32>,
      %shift_right_logical3A_502 = arith.constant 7 : i32
      %shift_right_logical3A_503 = vector.broadcast %shift_right_logical3A_502 : i32 to vector<16xi32>
      %shift_right_logical3A_504 = arith.shrui %get3A_501, %shift_right_logical3A_503 : vector<16xi32>
      %and3A_505 = arith.constant 127 : i32
      %and3A_506 = vector.broadcast %and3A_505 : i32 to vector<16xi32>
      %and3A_507 = arith.andi %get3A_501, %and3A_506 : vector<16xi32>
      tpu.vector_store_idx %arg13[%shift_right_logical3A_504, %and3A_507], %broadcast_in_dim3A_85 {add = true} : memref<80x128xf32, #tpu.memory_space<vmem>>[vector<16xi32>, vector<16xi32>], vector<16xf32>,
      %get3A_508 = arith.constant 3 : i32
      %get3A_509 = arith.index_cast %rem3A_114 : i32 to index
      %get3A_510 = arith.index_cast %get3A_508 : i32 to index
      %get3A_511 = arith.constant 64 : index
      %get3A_512 = tpu.vector_load %arg10[%get3A_509, %get3A_510, %get3A_511] {strides = array<i32>} : memref<2x8x128xi32, #tpu.memory_space<vmem>>, vector<16xi32>,
      %shift_right_logical3A_513 = arith.constant 7 : i32
      %shift_right_logical3A_514 = vector.broadcast %shift_right_logical3A_513 : i32 to vector<16xi32>
      %shift_right_logical3A_515 = arith.shrui %get3A_512, %shift_right_logical3A_514 : vector<16xi32>
      %and3A_516 = arith.constant 127 : i32
      %and3A_517 = vector.broadcast %and3A_516 : i32 to vector<16xi32>
      %and3A_518 = arith.andi %get3A_512, %and3A_517 : vector<16xi32>
      tpu.vector_store_idx %arg13[%shift_right_logical3A_515, %and3A_518], %broadcast_in_dim3A_85 {add = true} : memref<80x128xf32, #tpu.memory_space<vmem>>[vector<16xi32>, vector<16xi32>], vector<16xf32>,
      %get3A_519 = arith.constant 3 : i32
      %get3A_520 = arith.index_cast %rem3A_114 : i32 to index
      %get3A_521 = arith.index_cast %get3A_519 : i32 to index
      %get3A_522 = arith.constant 80 : index
      %get3A_523 = tpu.vector_load %arg10[%get3A_520, %get3A_521, %get3A_522] {strides = array<i32>} : memref<2x8x128xi32, #tpu.memory_space<vmem>>, vector<16xi32>,
      %shift_right_logical3A_524 = arith.constant 7 : i32
      %shift_right_logical3A_525 = vector.broadcast %shift_right_logical3A_524 : i32 to vector<16xi32>
      %shift_right_logical3A_526 = arith.shrui %get3A_523, %shift_right_logical3A_525 : vector<16xi32>
      %and3A_527 = arith.constant 127 : i32
      %and3A_528 = vector.broadcast %and3A_527 : i32 to vector<16xi32>
      %and3A_529 = arith.andi %get3A_523, %and3A_528 : vector<16xi32>
      tpu.vector_store_idx %arg13[%shift_right_logical3A_526, %and3A_529], %broadcast_in_dim3A_85 {add = true} : memref<80x128xf32, #tpu.memory_space<vmem>>[vector<16xi32>, vector<16xi32>], vector<16xf32>,
      %get3A_530 = arith.constant 3 : i32
      %get3A_531 = arith.index_cast %rem3A_114 : i32 to index
      %get3A_532 = arith.index_cast %get3A_530 : i32 to index
      %get3A_533 = arith.constant 96 : index
      %get3A_534 = tpu.vector_load %arg10[%get3A_531, %get3A_532, %get3A_533] {strides = array<i32>} : memref<2x8x128xi32, #tpu.memory_space<vmem>>, vector<16xi32>,
      %shift_right_logical3A_535 = arith.constant 7 : i32
      %shift_right_logical3A_536 = vector.broadcast %shift_right_logical3A_535 : i32 to vector<16xi32>
      %shift_right_logical3A_537 = arith.shrui %get3A_534, %shift_right_logical3A_536 : vector<16xi32>
      %and3A_538 = arith.constant 127 : i32
      %and3A_539 = vector.broadcast %and3A_538 : i32 to vector<16xi32>
      %and3A_540 = arith.andi %get3A_534, %and3A_539 : vector<16xi32>
      tpu.vector_store_idx %arg13[%shift_right_logical3A_537, %and3A_540], %broadcast_in_dim3A_85 {add = true} : memref<80x128xf32, #tpu.memory_space<vmem>>[vector<16xi32>, vector<16xi32>], vector<16xf32>,
      %get3A_541 = arith.constant 3 : i32
      %get3A_542 = arith.index_cast %rem3A_114 : i32 to index
      %get3A_543 = arith.index_cast %get3A_541 : i32 to index
      %get3A_544 = arith.constant 112 : index
      %get3A_545 = tpu.vector_load %arg10[%get3A_542, %get3A_543, %get3A_544] {strides = array<i32>} : memref<2x8x128xi32, #tpu.memory_space<vmem>>, vector<16xi32>,
      %shift_right_logical3A_546 = arith.constant 7 : i32
      %shift_right_logical3A_547 = vector.broadcast %shift_right_logical3A_546 : i32 to vector<16xi32>
      %shift_right_logical3A_548 = arith.shrui %get3A_545, %shift_right_logical3A_547 : vector<16xi32>
      %and3A_549 = arith.constant 127 : i32
      %and3A_550 = vector.broadcast %and3A_549 : i32 to vector<16xi32>
      %and3A_551 = arith.andi %get3A_545, %and3A_550 : vector<16xi32>
      tpu.vector_store_idx %arg13[%shift_right_logical3A_548, %and3A_551], %broadcast_in_dim3A_85 {add = true} : memref<80x128xf32, #tpu.memory_space<vmem>>[vector<16xi32>, vector<16xi32>], vector<16xf32>,
      %dma_start3A_552 = arith.constant 5 : i32
      %dma_start3A_553 = arith.constant 0 : i32
      %dma_start3A_554 = tpu.memref_slice %arg9[%rem3A_114, %dma_start3A_552, %dma_start3A_553] : memref<2x8x128xi32, #tpu.memory_space<vmem>> -> memref<1x1x128xi32, #tpu.memory_space<vmem>>
      %dma_start3A_555 = tpu.memref_squeeze %dma_start3A_554 : memref<1x1x128xi32, #tpu.memory_space<vmem>> -> memref<128xi32, #tpu.memory_space<vmem>>
      %dma_start3A_556 = arith.constant 0 : i32
      %dma_start3A_557 = arith.constant 0 : i32
      %dma_start3A_558 = tpu.memref_slice %arg2[%dma_start3A_556, %dma_start3A_557] : memref<20000x128xf32, #tpu.memory_space<hbm>> -> memref<20000x128xf32, #tpu.memory_space<hbm>>
      tpu.enqueue_indirect_dma source(%dma_start3A_558 : memref<20000x128xf32, #tpu.memory_space<hbm>>) target(%arg12 : memref<128x128xf32, #tpu.memory_space<vmem>>) offsets(%dma_start3A_555 : memref<128xi32, #tpu.memory_space<vmem>>) semaphore(%arg16 : memref<!tpu.dma_semaphore, #tpu.memory_space<semaphore_mem>>)
      %dma_wait3A_559 = arith.constant 4 : i32
      %dma_wait3A_560 = arith.constant 0 : i32
      %dma_wait3A_561 = tpu.memref_slice %arg9[%rem3A_114, %dma_wait3A_559, %dma_wait3A_560] : memref<2x8x128xi32, #tpu.memory_space<vmem>> -> memref<1x1x128xi32, #tpu.memory_space<vmem>>
      %dma_wait3A_562 = tpu.memref_squeeze %dma_wait3A_561 : memref<1x1x128xi32, #tpu.memory_space<vmem>> -> memref<128xi32, #tpu.memory_space<vmem>>
      %dma_wait3A_563 = arith.constant 0 : i32
      %dma_wait3A_564 = arith.constant 0 : i32
      %dma_wait3A_565 = tpu.memref_slice %arg2[%dma_wait3A_563, %dma_wait3A_564] : memref<20000x128xf32, #tpu.memory_space<hbm>> -> memref<20000x128xf32, #tpu.memory_space<hbm>>
      tpu.wait_indirect_dma semaphore(%arg15 : memref<!tpu.dma_semaphore, #tpu.memory_space<semaphore_mem>>) src(%dma_wait3A_565 : memref<20000x128xf32, #tpu.memory_space<hbm>>) dst(%arg11 : memref<128x128xf32, #tpu.memory_space<vmem>>)
      %run_scoped3A_566 = arith.constant 4 : i32
      "tpu.region"() ({
        %run_scoped3A_1002 = tpu.sem_alloc : memref<!tpu.dma_semaphore, #tpu.memory_space<semaphore_mem>>
        %dma_start3A_1003 = arith.constant 0 : i32
        %dma_start3A_1004 = tpu.memref_slice %arg10[%rem3A_114, %run_scoped3A_566, %dma_start3A_1003] : memref<2x8x128xi32, #tpu.memory_space<vmem>> -> memref<1x1x128xi32, #tpu.memory_space<vmem>>
        %dma_start3A_1005 = tpu.memref_squeeze %dma_start3A_1004 : memref<1x1x128xi32, #tpu.memory_space<vmem>> -> memref<128xi32, #tpu.memory_space<vmem>>
        %dma_start3A_1006 = arith.constant 0 : i32
        %dma_start3A_1007 = arith.constant 0 : i32
        %dma_start3A_1008 = tpu.memref_slice %arg14[%dma_start3A_1006, %dma_start3A_1007] : memref<10008x128xf32, #tpu.memory_space<vmem_shared>> -> memref<10008x128xf32, #tpu.memory_space<vmem_shared>>
        tpu.enqueue_indirect_dma source(%arg11 : memref<128x128xf32, #tpu.memory_space<vmem>>) target(%dma_start3A_1008 : memref<10008x128xf32, #tpu.memory_space<vmem_shared>>) offsets(%dma_start3A_1005 : memref<128xi32, #tpu.memory_space<vmem>>) semaphore(%run_scoped3A_1002 : memref<!tpu.dma_semaphore, #tpu.memory_space<semaphore_mem>>) {add = true}
        %dma_wait3A_1009 = arith.constant 0 : i32
        %dma_wait3A_1010 = tpu.memref_slice %arg10[%rem3A_114, %run_scoped3A_566, %dma_wait3A_1009] : memref<2x8x128xi32, #tpu.memory_space<vmem>> -> memref<1x1x128xi32, #tpu.memory_space<vmem>>
        %dma_wait3A_1011 = tpu.memref_squeeze %dma_wait3A_1010 : memref<1x1x128xi32, #tpu.memory_space<vmem>> -> memref<128xi32, #tpu.memory_space<vmem>>
        %dma_wait3A_1012 = arith.constant 0 : i32
        %dma_wait3A_1013 = arith.constant 0 : i32
        %dma_wait3A_1014 = tpu.memref_slice %arg14[%dma_wait3A_1012, %dma_wait3A_1013] : memref<10008x128xf32, #tpu.memory_space<vmem_shared>> -> memref<10008x128xf32, #tpu.memory_space<vmem_shared>>
        tpu.wait_indirect_dma semaphore(%run_scoped3A_1002 : memref<!tpu.dma_semaphore, #tpu.memory_space<semaphore_mem>>) src(%arg11 : memref<128x128xf32, #tpu.memory_space<vmem>>) dst(%dma_wait3A_1014 : memref<10008x128xf32, #tpu.memory_space<vmem_shared>>)
        tpu.yield
      }) : () -> ()
      %get3A_567 = arith.constant 4 : i32
      %get3A_568 = arith.index_cast %rem3A_114 : i32 to index
      %get3A_569 = arith.index_cast %get3A_567 : i32 to index
      %get3A_570 = arith.constant 0 : index
      %get3A_571 = tpu.vector_load %arg10[%get3A_568, %get3A_569, %get3A_570] {strides = array<i32>} : memref<2x8x128xi32, #tpu.memory_space<vmem>>, vector<16xi32>,
      %shift_right_logical3A_572 = arith.constant 7 : i32
      %shift_right_logical3A_573 = vector.broadcast %shift_right_logical3A_572 : i32 to vector<16xi32>
      %shift_right_logical3A_574 = arith.shrui %get3A_571, %shift_right_logical3A_573 : vector<16xi32>
      %and3A_575 = arith.constant 127 : i32
      %and3A_576 = vector.broadcast %and3A_575 : i32 to vector<16xi32>
      %and3A_577 = arith.andi %get3A_571, %and3A_576 : vector<16xi32>
      tpu.vector_store_idx %arg13[%shift_right_logical3A_574, %and3A_577], %broadcast_in_dim3A_85 {add = true} : memref<80x128xf32, #tpu.memory_space<vmem>>[vector<16xi32>, vector<16xi32>], vector<16xf32>,
      %get3A_578 = arith.constant 4 : i32
      %get3A_579 = arith.index_cast %rem3A_114 : i32 to index
      %get3A_580 = arith.index_cast %get3A_578 : i32 to index
      %get3A_581 = arith.constant 16 : index
      %get3A_582 = tpu.vector_load %arg10[%get3A_579, %get3A_580, %get3A_581] {strides = array<i32>} : memref<2x8x128xi32, #tpu.memory_space<vmem>>, vector<16xi32>,
      %shift_right_logical3A_583 = arith.constant 7 : i32
      %shift_right_logical3A_584 = vector.broadcast %shift_right_logical3A_583 : i32 to vector<16xi32>
      %shift_right_logical3A_585 = arith.shrui %get3A_582, %shift_right_logical3A_584 : vector<16xi32>
      %and3A_586 = arith.constant 127 : i32
      %and3A_587 = vector.broadcast %and3A_586 : i32 to vector<16xi32>
      %and3A_588 = arith.andi %get3A_582, %and3A_587 : vector<16xi32>
      tpu.vector_store_idx %arg13[%shift_right_logical3A_585, %and3A_588], %broadcast_in_dim3A_85 {add = true} : memref<80x128xf32, #tpu.memory_space<vmem>>[vector<16xi32>, vector<16xi32>], vector<16xf32>,
      %get3A_589 = arith.constant 4 : i32
      %get3A_590 = arith.index_cast %rem3A_114 : i32 to index
      %get3A_591 = arith.index_cast %get3A_589 : i32 to index
      %get3A_592 = arith.constant 32 : index
      %get3A_593 = tpu.vector_load %arg10[%get3A_590, %get3A_591, %get3A_592] {strides = array<i32>} : memref<2x8x128xi32, #tpu.memory_space<vmem>>, vector<16xi32>,
      %shift_right_logical3A_594 = arith.constant 7 : i32
      %shift_right_logical3A_595 = vector.broadcast %shift_right_logical3A_594 : i32 to vector<16xi32>
      %shift_right_logical3A_596 = arith.shrui %get3A_593, %shift_right_logical3A_595 : vector<16xi32>
      %and3A_597 = arith.constant 127 : i32
      %and3A_598 = vector.broadcast %and3A_597 : i32 to vector<16xi32>
      %and3A_599 = arith.andi %get3A_593, %and3A_598 : vector<16xi32>
      tpu.vector_store_idx %arg13[%shift_right_logical3A_596, %and3A_599], %broadcast_in_dim3A_85 {add = true} : memref<80x128xf32, #tpu.memory_space<vmem>>[vector<16xi32>, vector<16xi32>], vector<16xf32>,
      %get3A_600 = arith.constant 4 : i32
      %get3A_601 = arith.index_cast %rem3A_114 : i32 to index
      %get3A_602 = arith.index_cast %get3A_600 : i32 to index
      %get3A_603 = arith.constant 48 : index
      %get3A_604 = tpu.vector_load %arg10[%get3A_601, %get3A_602, %get3A_603] {strides = array<i32>} : memref<2x8x128xi32, #tpu.memory_space<vmem>>, vector<16xi32>,
      %shift_right_logical3A_605 = arith.constant 7 : i32
      %shift_right_logical3A_606 = vector.broadcast %shift_right_logical3A_605 : i32 to vector<16xi32>
      %shift_right_logical3A_607 = arith.shrui %get3A_604, %shift_right_logical3A_606 : vector<16xi32>
      %and3A_608 = arith.constant 127 : i32
      %and3A_609 = vector.broadcast %and3A_608 : i32 to vector<16xi32>
      %and3A_610 = arith.andi %get3A_604, %and3A_609 : vector<16xi32>
      tpu.vector_store_idx %arg13[%shift_right_logical3A_607, %and3A_610], %broadcast_in_dim3A_85 {add = true} : memref<80x128xf32, #tpu.memory_space<vmem>>[vector<16xi32>, vector<16xi32>], vector<16xf32>,
      %get3A_611 = arith.constant 4 : i32
      %get3A_612 = arith.index_cast %rem3A_114 : i32 to index
      %get3A_613 = arith.index_cast %get3A_611 : i32 to index
      %get3A_614 = arith.constant 64 : index
      %get3A_615 = tpu.vector_load %arg10[%get3A_612, %get3A_613, %get3A_614] {strides = array<i32>} : memref<2x8x128xi32, #tpu.memory_space<vmem>>, vector<16xi32>,
      %shift_right_logical3A_616 = arith.constant 7 : i32
      %shift_right_logical3A_617 = vector.broadcast %shift_right_logical3A_616 : i32 to vector<16xi32>
      %shift_right_logical3A_618 = arith.shrui %get3A_615, %shift_right_logical3A_617 : vector<16xi32>
      %and3A_619 = arith.constant 127 : i32
      %and3A_620 = vector.broadcast %and3A_619 : i32 to vector<16xi32>
      %and3A_621 = arith.andi %get3A_615, %and3A_620 : vector<16xi32>
      tpu.vector_store_idx %arg13[%shift_right_logical3A_618, %and3A_621], %broadcast_in_dim3A_85 {add = true} : memref<80x128xf32, #tpu.memory_space<vmem>>[vector<16xi32>, vector<16xi32>], vector<16xf32>,
      %get3A_622 = arith.constant 4 : i32
      %get3A_623 = arith.index_cast %rem3A_114 : i32 to index
      %get3A_624 = arith.index_cast %get3A_622 : i32 to index
      %get3A_625 = arith.constant 80 : index
      %get3A_626 = tpu.vector_load %arg10[%get3A_623, %get3A_624, %get3A_625] {strides = array<i32>} : memref<2x8x128xi32, #tpu.memory_space<vmem>>, vector<16xi32>,
      %shift_right_logical3A_627 = arith.constant 7 : i32
      %shift_right_logical3A_628 = vector.broadcast %shift_right_logical3A_627 : i32 to vector<16xi32>
      %shift_right_logical3A_629 = arith.shrui %get3A_626, %shift_right_logical3A_628 : vector<16xi32>
      %and3A_630 = arith.constant 127 : i32
      %and3A_631 = vector.broadcast %and3A_630 : i32 to vector<16xi32>
      %and3A_632 = arith.andi %get3A_626, %and3A_631 : vector<16xi32>
      tpu.vector_store_idx %arg13[%shift_right_logical3A_629, %and3A_632], %broadcast_in_dim3A_85 {add = true} : memref<80x128xf32, #tpu.memory_space<vmem>>[vector<16xi32>, vector<16xi32>], vector<16xf32>,
      %get3A_633 = arith.constant 4 : i32
      %get3A_634 = arith.index_cast %rem3A_114 : i32 to index
      %get3A_635 = arith.index_cast %get3A_633 : i32 to index
      %get3A_636 = arith.constant 96 : index
      %get3A_637 = tpu.vector_load %arg10[%get3A_634, %get3A_635, %get3A_636] {strides = array<i32>} : memref<2x8x128xi32, #tpu.memory_space<vmem>>, vector<16xi32>,
      %shift_right_logical3A_638 = arith.constant 7 : i32
      %shift_right_logical3A_639 = vector.broadcast %shift_right_logical3A_638 : i32 to vector<16xi32>
      %shift_right_logical3A_640 = arith.shrui %get3A_637, %shift_right_logical3A_639 : vector<16xi32>
      %and3A_641 = arith.constant 127 : i32
      %and3A_642 = vector.broadcast %and3A_641 : i32 to vector<16xi32>
      %and3A_643 = arith.andi %get3A_637, %and3A_642 : vector<16xi32>
      tpu.vector_store_idx %arg13[%shift_right_logical3A_640, %and3A_643], %broadcast_in_dim3A_85 {add = true} : memref<80x128xf32, #tpu.memory_space<vmem>>[vector<16xi32>, vector<16xi32>], vector<16xf32>,
      %get3A_644 = arith.constant 4 : i32
      %get3A_645 = arith.index_cast %rem3A_114 : i32 to index
      %get3A_646 = arith.index_cast %get3A_644 : i32 to index
      %get3A_647 = arith.constant 112 : index
      %get3A_648 = tpu.vector_load %arg10[%get3A_645, %get3A_646, %get3A_647] {strides = array<i32>} : memref<2x8x128xi32, #tpu.memory_space<vmem>>, vector<16xi32>,
      %shift_right_logical3A_649 = arith.constant 7 : i32
      %shift_right_logical3A_650 = vector.broadcast %shift_right_logical3A_649 : i32 to vector<16xi32>
      %shift_right_logical3A_651 = arith.shrui %get3A_648, %shift_right_logical3A_650 : vector<16xi32>
      %and3A_652 = arith.constant 127 : i32
      %and3A_653 = vector.broadcast %and3A_652 : i32 to vector<16xi32>
      %and3A_654 = arith.andi %get3A_648, %and3A_653 : vector<16xi32>
      tpu.vector_store_idx %arg13[%shift_right_logical3A_651, %and3A_654], %broadcast_in_dim3A_85 {add = true} : memref<80x128xf32, #tpu.memory_space<vmem>>[vector<16xi32>, vector<16xi32>], vector<16xf32>,
      %dma_start3A_655 = arith.constant 6 : i32
      %dma_start3A_656 = arith.constant 0 : i32
      %dma_start3A_657 = tpu.memref_slice %arg9[%rem3A_114, %dma_start3A_655, %dma_start3A_656] : memref<2x8x128xi32, #tpu.memory_space<vmem>> -> memref<1x1x128xi32, #tpu.memory_space<vmem>>
      %dma_start3A_658 = tpu.memref_squeeze %dma_start3A_657 : memref<1x1x128xi32, #tpu.memory_space<vmem>> -> memref<128xi32, #tpu.memory_space<vmem>>
      %dma_start3A_659 = arith.constant 0 : i32
      %dma_start3A_660 = arith.constant 0 : i32
      %dma_start3A_661 = tpu.memref_slice %arg2[%dma_start3A_659, %dma_start3A_660] : memref<20000x128xf32, #tpu.memory_space<hbm>> -> memref<20000x128xf32, #tpu.memory_space<hbm>>
      tpu.enqueue_indirect_dma source(%dma_start3A_661 : memref<20000x128xf32, #tpu.memory_space<hbm>>) target(%arg11 : memref<128x128xf32, #tpu.memory_space<vmem>>) offsets(%dma_start3A_658 : memref<128xi32, #tpu.memory_space<vmem>>) semaphore(%arg15 : memref<!tpu.dma_semaphore, #tpu.memory_space<semaphore_mem>>)
      %dma_wait3A_662 = arith.constant 5 : i32
      %dma_wait3A_663 = arith.constant 0 : i32
      %dma_wait3A_664 = tpu.memref_slice %arg9[%rem3A_114, %dma_wait3A_662, %dma_wait3A_663] : memref<2x8x128xi32, #tpu.memory_space<vmem>> -> memref<1x1x128xi32, #tpu.memory_space<vmem>>
      %dma_wait3A_665 = tpu.memref_squeeze %dma_wait3A_664 : memref<1x1x128xi32, #tpu.memory_space<vmem>> -> memref<128xi32, #tpu.memory_space<vmem>>
      %dma_wait3A_666 = arith.constant 0 : i32
      %dma_wait3A_667 = arith.constant 0 : i32
      %dma_wait3A_668 = tpu.memref_slice %arg2[%dma_wait3A_666, %dma_wait3A_667] : memref<20000x128xf32, #tpu.memory_space<hbm>> -> memref<20000x128xf32, #tpu.memory_space<hbm>>
      tpu.wait_indirect_dma semaphore(%arg16 : memref<!tpu.dma_semaphore, #tpu.memory_space<semaphore_mem>>) src(%dma_wait3A_668 : memref<20000x128xf32, #tpu.memory_space<hbm>>) dst(%arg12 : memref<128x128xf32, #tpu.memory_space<vmem>>)
      %run_scoped3A_669 = arith.constant 5 : i32
      "tpu.region"() ({
        %run_scoped3A_1002 = tpu.sem_alloc : memref<!tpu.dma_semaphore, #tpu.memory_space<semaphore_mem>>
        %dma_start3A_1003 = arith.constant 0 : i32
        %dma_start3A_1004 = tpu.memref_slice %arg10[%rem3A_114, %run_scoped3A_669, %dma_start3A_1003] : memref<2x8x128xi32, #tpu.memory_space<vmem>> -> memref<1x1x128xi32, #tpu.memory_space<vmem>>
        %dma_start3A_1005 = tpu.memref_squeeze %dma_start3A_1004 : memref<1x1x128xi32, #tpu.memory_space<vmem>> -> memref<128xi32, #tpu.memory_space<vmem>>
        %dma_start3A_1006 = arith.constant 0 : i32
        %dma_start3A_1007 = arith.constant 0 : i32
        %dma_start3A_1008 = tpu.memref_slice %arg14[%dma_start3A_1006, %dma_start3A_1007] : memref<10008x128xf32, #tpu.memory_space<vmem_shared>> -> memref<10008x128xf32, #tpu.memory_space<vmem_shared>>
        tpu.enqueue_indirect_dma source(%arg12 : memref<128x128xf32, #tpu.memory_space<vmem>>) target(%dma_start3A_1008 : memref<10008x128xf32, #tpu.memory_space<vmem_shared>>) offsets(%dma_start3A_1005 : memref<128xi32, #tpu.memory_space<vmem>>) semaphore(%run_scoped3A_1002 : memref<!tpu.dma_semaphore, #tpu.memory_space<semaphore_mem>>) {add = true}
        %dma_wait3A_1009 = arith.constant 0 : i32
        %dma_wait3A_1010 = tpu.memref_slice %arg10[%rem3A_114, %run_scoped3A_669, %dma_wait3A_1009] : memref<2x8x128xi32, #tpu.memory_space<vmem>> -> memref<1x1x128xi32, #tpu.memory_space<vmem>>
        %dma_wait3A_1011 = tpu.memref_squeeze %dma_wait3A_1010 : memref<1x1x128xi32, #tpu.memory_space<vmem>> -> memref<128xi32, #tpu.memory_space<vmem>>
        %dma_wait3A_1012 = arith.constant 0 : i32
        %dma_wait3A_1013 = arith.constant 0 : i32
        %dma_wait3A_1014 = tpu.memref_slice %arg14[%dma_wait3A_1012, %dma_wait3A_1013] : memref<10008x128xf32, #tpu.memory_space<vmem_shared>> -> memref<10008x128xf32, #tpu.memory_space<vmem_shared>>
        tpu.wait_indirect_dma semaphore(%run_scoped3A_1002 : memref<!tpu.dma_semaphore, #tpu.memory_space<semaphore_mem>>) src(%arg12 : memref<128x128xf32, #tpu.memory_space<vmem>>) dst(%dma_wait3A_1014 : memref<10008x128xf32, #tpu.memory_space<vmem_shared>>)
        tpu.yield
      }) : () -> ()
      %get3A_670 = arith.constant 5 : i32
      %get3A_671 = arith.index_cast %rem3A_114 : i32 to index
      %get3A_672 = arith.index_cast %get3A_670 : i32 to index
      %get3A_673 = arith.constant 0 : index
      %get3A_674 = tpu.vector_load %arg10[%get3A_671, %get3A_672, %get3A_673] {strides = array<i32>} : memref<2x8x128xi32, #tpu.memory_space<vmem>>, vector<16xi32>,
      %shift_right_logical3A_675 = arith.constant 7 : i32
      %shift_right_logical3A_676 = vector.broadcast %shift_right_logical3A_675 : i32 to vector<16xi32>
      %shift_right_logical3A_677 = arith.shrui %get3A_674, %shift_right_logical3A_676 : vector<16xi32>
      %and3A_678 = arith.constant 127 : i32
      %and3A_679 = vector.broadcast %and3A_678 : i32 to vector<16xi32>
      %and3A_680 = arith.andi %get3A_674, %and3A_679 : vector<16xi32>
      tpu.vector_store_idx %arg13[%shift_right_logical3A_677, %and3A_680], %broadcast_in_dim3A_85 {add = true} : memref<80x128xf32, #tpu.memory_space<vmem>>[vector<16xi32>, vector<16xi32>], vector<16xf32>,
      %get3A_681 = arith.constant 5 : i32
      %get3A_682 = arith.index_cast %rem3A_114 : i32 to index
      %get3A_683 = arith.index_cast %get3A_681 : i32 to index
      %get3A_684 = arith.constant 16 : index
      %get3A_685 = tpu.vector_load %arg10[%get3A_682, %get3A_683, %get3A_684] {strides = array<i32>} : memref<2x8x128xi32, #tpu.memory_space<vmem>>, vector<16xi32>,
      %shift_right_logical3A_686 = arith.constant 7 : i32
      %shift_right_logical3A_687 = vector.broadcast %shift_right_logical3A_686 : i32 to vector<16xi32>
      %shift_right_logical3A_688 = arith.shrui %get3A_685, %shift_right_logical3A_687 : vector<16xi32>
      %and3A_689 = arith.constant 127 : i32
      %and3A_690 = vector.broadcast %and3A_689 : i32 to vector<16xi32>
      %and3A_691 = arith.andi %get3A_685, %and3A_690 : vector<16xi32>
      tpu.vector_store_idx %arg13[%shift_right_logical3A_688, %and3A_691], %broadcast_in_dim3A_85 {add = true} : memref<80x128xf32, #tpu.memory_space<vmem>>[vector<16xi32>, vector<16xi32>], vector<16xf32>,
      %get3A_692 = arith.constant 5 : i32
      %get3A_693 = arith.index_cast %rem3A_114 : i32 to index
      %get3A_694 = arith.index_cast %get3A_692 : i32 to index
      %get3A_695 = arith.constant 32 : index
      %get3A_696 = tpu.vector_load %arg10[%get3A_693, %get3A_694, %get3A_695] {strides = array<i32>} : memref<2x8x128xi32, #tpu.memory_space<vmem>>, vector<16xi32>,
      %shift_right_logical3A_697 = arith.constant 7 : i32
      %shift_right_logical3A_698 = vector.broadcast %shift_right_logical3A_697 : i32 to vector<16xi32>
      %shift_right_logical3A_699 = arith.shrui %get3A_696, %shift_right_logical3A_698 : vector<16xi32>
      %and3A_700 = arith.constant 127 : i32
      %and3A_701 = vector.broadcast %and3A_700 : i32 to vector<16xi32>
      %and3A_702 = arith.andi %get3A_696, %and3A_701 : vector<16xi32>
      tpu.vector_store_idx %arg13[%shift_right_logical3A_699, %and3A_702], %broadcast_in_dim3A_85 {add = true} : memref<80x128xf32, #tpu.memory_space<vmem>>[vector<16xi32>, vector<16xi32>], vector<16xf32>,
      %get3A_703 = arith.constant 5 : i32
      %get3A_704 = arith.index_cast %rem3A_114 : i32 to index
      %get3A_705 = arith.index_cast %get3A_703 : i32 to index
      %get3A_706 = arith.constant 48 : index
      %get3A_707 = tpu.vector_load %arg10[%get3A_704, %get3A_705, %get3A_706] {strides = array<i32>} : memref<2x8x128xi32, #tpu.memory_space<vmem>>, vector<16xi32>,
      %shift_right_logical3A_708 = arith.constant 7 : i32
      %shift_right_logical3A_709 = vector.broadcast %shift_right_logical3A_708 : i32 to vector<16xi32>
      %shift_right_logical3A_710 = arith.shrui %get3A_707, %shift_right_logical3A_709 : vector<16xi32>
      %and3A_711 = arith.constant 127 : i32
      %and3A_712 = vector.broadcast %and3A_711 : i32 to vector<16xi32>
      %and3A_713 = arith.andi %get3A_707, %and3A_712 : vector<16xi32>
      tpu.vector_store_idx %arg13[%shift_right_logical3A_710, %and3A_713], %broadcast_in_dim3A_85 {add = true} : memref<80x128xf32, #tpu.memory_space<vmem>>[vector<16xi32>, vector<16xi32>], vector<16xf32>,
      %get3A_714 = arith.constant 5 : i32
      %get3A_715 = arith.index_cast %rem3A_114 : i32 to index
      %get3A_716 = arith.index_cast %get3A_714 : i32 to index
      %get3A_717 = arith.constant 64 : index
      %get3A_718 = tpu.vector_load %arg10[%get3A_715, %get3A_716, %get3A_717] {strides = array<i32>} : memref<2x8x128xi32, #tpu.memory_space<vmem>>, vector<16xi32>,
      %shift_right_logical3A_719 = arith.constant 7 : i32
      %shift_right_logical3A_720 = vector.broadcast %shift_right_logical3A_719 : i32 to vector<16xi32>
      %shift_right_logical3A_721 = arith.shrui %get3A_718, %shift_right_logical3A_720 : vector<16xi32>
      %and3A_722 = arith.constant 127 : i32
      %and3A_723 = vector.broadcast %and3A_722 : i32 to vector<16xi32>
      %and3A_724 = arith.andi %get3A_718, %and3A_723 : vector<16xi32>
      tpu.vector_store_idx %arg13[%shift_right_logical3A_721, %and3A_724], %broadcast_in_dim3A_85 {add = true} : memref<80x128xf32, #tpu.memory_space<vmem>>[vector<16xi32>, vector<16xi32>], vector<16xf32>,
      %get3A_725 = arith.constant 5 : i32
      %get3A_726 = arith.index_cast %rem3A_114 : i32 to index
      %get3A_727 = arith.index_cast %get3A_725 : i32 to index
      %get3A_728 = arith.constant 80 : index
      %get3A_729 = tpu.vector_load %arg10[%get3A_726, %get3A_727, %get3A_728] {strides = array<i32>} : memref<2x8x128xi32, #tpu.memory_space<vmem>>, vector<16xi32>,
      %shift_right_logical3A_730 = arith.constant 7 : i32
      %shift_right_logical3A_731 = vector.broadcast %shift_right_logical3A_730 : i32 to vector<16xi32>
      %shift_right_logical3A_732 = arith.shrui %get3A_729, %shift_right_logical3A_731 : vector<16xi32>
      %and3A_733 = arith.constant 127 : i32
      %and3A_734 = vector.broadcast %and3A_733 : i32 to vector<16xi32>
      %and3A_735 = arith.andi %get3A_729, %and3A_734 : vector<16xi32>
      tpu.vector_store_idx %arg13[%shift_right_logical3A_732, %and3A_735], %broadcast_in_dim3A_85 {add = true} : memref<80x128xf32, #tpu.memory_space<vmem>>[vector<16xi32>, vector<16xi32>], vector<16xf32>,
      %get3A_736 = arith.constant 5 : i32
      %get3A_737 = arith.index_cast %rem3A_114 : i32 to index
      %get3A_738 = arith.index_cast %get3A_736 : i32 to index
      %get3A_739 = arith.constant 96 : index
      %get3A_740 = tpu.vector_load %arg10[%get3A_737, %get3A_738, %get3A_739] {strides = array<i32>} : memref<2x8x128xi32, #tpu.memory_space<vmem>>, vector<16xi32>,
      %shift_right_logical3A_741 = arith.constant 7 : i32
      %shift_right_logical3A_742 = vector.broadcast %shift_right_logical3A_741 : i32 to vector<16xi32>
      %shift_right_logical3A_743 = arith.shrui %get3A_740, %shift_right_logical3A_742 : vector<16xi32>
      %and3A_744 = arith.constant 127 : i32
      %and3A_745 = vector.broadcast %and3A_744 : i32 to vector<16xi32>
      %and3A_746 = arith.andi %get3A_740, %and3A_745 : vector<16xi32>
      tpu.vector_store_idx %arg13[%shift_right_logical3A_743, %and3A_746], %broadcast_in_dim3A_85 {add = true} : memref<80x128xf32, #tpu.memory_space<vmem>>[vector<16xi32>, vector<16xi32>], vector<16xf32>,
      %get3A_747 = arith.constant 5 : i32
      %get3A_748 = arith.index_cast %rem3A_114 : i32 to index
      %get3A_749 = arith.index_cast %get3A_747 : i32 to index
      %get3A_750 = arith.constant 112 : index
      %get3A_751 = tpu.vector_load %arg10[%get3A_748, %get3A_749, %get3A_750] {strides = array<i32>} : memref<2x8x128xi32, #tpu.memory_space<vmem>>, vector<16xi32>,
      %shift_right_logical3A_752 = arith.constant 7 : i32
      %shift_right_logical3A_753 = vector.broadcast %shift_right_logical3A_752 : i32 to vector<16xi32>
      %shift_right_logical3A_754 = arith.shrui %get3A_751, %shift_right_logical3A_753 : vector<16xi32>
      %and3A_755 = arith.constant 127 : i32
      %and3A_756 = vector.broadcast %and3A_755 : i32 to vector<16xi32>
      %and3A_757 = arith.andi %get3A_751, %and3A_756 : vector<16xi32>
      tpu.vector_store_idx %arg13[%shift_right_logical3A_754, %and3A_757], %broadcast_in_dim3A_85 {add = true} : memref<80x128xf32, #tpu.memory_space<vmem>>[vector<16xi32>, vector<16xi32>], vector<16xf32>,
      %dma_start3A_758 = arith.constant 7 : i32
      %dma_start3A_759 = arith.constant 0 : i32
      %dma_start3A_760 = tpu.memref_slice %arg9[%rem3A_114, %dma_start3A_758, %dma_start3A_759] : memref<2x8x128xi32, #tpu.memory_space<vmem>> -> memref<1x1x128xi32, #tpu.memory_space<vmem>>
      %dma_start3A_761 = tpu.memref_squeeze %dma_start3A_760 : memref<1x1x128xi32, #tpu.memory_space<vmem>> -> memref<128xi32, #tpu.memory_space<vmem>>
      %dma_start3A_762 = arith.constant 0 : i32
      %dma_start3A_763 = arith.constant 0 : i32
      %dma_start3A_764 = tpu.memref_slice %arg2[%dma_start3A_762, %dma_start3A_763] : memref<20000x128xf32, #tpu.memory_space<hbm>> -> memref<20000x128xf32, #tpu.memory_space<hbm>>
      tpu.enqueue_indirect_dma source(%dma_start3A_764 : memref<20000x128xf32, #tpu.memory_space<hbm>>) target(%arg12 : memref<128x128xf32, #tpu.memory_space<vmem>>) offsets(%dma_start3A_761 : memref<128xi32, #tpu.memory_space<vmem>>) semaphore(%arg16 : memref<!tpu.dma_semaphore, #tpu.memory_space<semaphore_mem>>)
      %dma_wait3A_765 = arith.constant 6 : i32
      %dma_wait3A_766 = arith.constant 0 : i32
      %dma_wait3A_767 = tpu.memref_slice %arg9[%rem3A_114, %dma_wait3A_765, %dma_wait3A_766] : memref<2x8x128xi32, #tpu.memory_space<vmem>> -> memref<1x1x128xi32, #tpu.memory_space<vmem>>
      %dma_wait3A_768 = tpu.memref_squeeze %dma_wait3A_767 : memref<1x1x128xi32, #tpu.memory_space<vmem>> -> memref<128xi32, #tpu.memory_space<vmem>>
      %dma_wait3A_769 = arith.constant 0 : i32
      %dma_wait3A_770 = arith.constant 0 : i32
      %dma_wait3A_771 = tpu.memref_slice %arg2[%dma_wait3A_769, %dma_wait3A_770] : memref<20000x128xf32, #tpu.memory_space<hbm>> -> memref<20000x128xf32, #tpu.memory_space<hbm>>
      tpu.wait_indirect_dma semaphore(%arg15 : memref<!tpu.dma_semaphore, #tpu.memory_space<semaphore_mem>>) src(%dma_wait3A_771 : memref<20000x128xf32, #tpu.memory_space<hbm>>) dst(%arg11 : memref<128x128xf32, #tpu.memory_space<vmem>>)
      %run_scoped3A_772 = arith.constant 6 : i32
      "tpu.region"() ({
        %run_scoped3A_1002 = tpu.sem_alloc : memref<!tpu.dma_semaphore, #tpu.memory_space<semaphore_mem>>
        %dma_start3A_1003 = arith.constant 0 : i32
        %dma_start3A_1004 = tpu.memref_slice %arg10[%rem3A_114, %run_scoped3A_772, %dma_start3A_1003] : memref<2x8x128xi32, #tpu.memory_space<vmem>> -> memref<1x1x128xi32, #tpu.memory_space<vmem>>
        %dma_start3A_1005 = tpu.memref_squeeze %dma_start3A_1004 : memref<1x1x128xi32, #tpu.memory_space<vmem>> -> memref<128xi32, #tpu.memory_space<vmem>>
        %dma_start3A_1006 = arith.constant 0 : i32
        %dma_start3A_1007 = arith.constant 0 : i32
        %dma_start3A_1008 = tpu.memref_slice %arg14[%dma_start3A_1006, %dma_start3A_1007] : memref<10008x128xf32, #tpu.memory_space<vmem_shared>> -> memref<10008x128xf32, #tpu.memory_space<vmem_shared>>
        tpu.enqueue_indirect_dma source(%arg11 : memref<128x128xf32, #tpu.memory_space<vmem>>) target(%dma_start3A_1008 : memref<10008x128xf32, #tpu.memory_space<vmem_shared>>) offsets(%dma_start3A_1005 : memref<128xi32, #tpu.memory_space<vmem>>) semaphore(%run_scoped3A_1002 : memref<!tpu.dma_semaphore, #tpu.memory_space<semaphore_mem>>) {add = true}
        %dma_wait3A_1009 = arith.constant 0 : i32
        %dma_wait3A_1010 = tpu.memref_slice %arg10[%rem3A_114, %run_scoped3A_772, %dma_wait3A_1009] : memref<2x8x128xi32, #tpu.memory_space<vmem>> -> memref<1x1x128xi32, #tpu.memory_space<vmem>>
        %dma_wait3A_1011 = tpu.memref_squeeze %dma_wait3A_1010 : memref<1x1x128xi32, #tpu.memory_space<vmem>> -> memref<128xi32, #tpu.memory_space<vmem>>
        %dma_wait3A_1012 = arith.constant 0 : i32
        %dma_wait3A_1013 = arith.constant 0 : i32
        %dma_wait3A_1014 = tpu.memref_slice %arg14[%dma_wait3A_1012, %dma_wait3A_1013] : memref<10008x128xf32, #tpu.memory_space<vmem_shared>> -> memref<10008x128xf32, #tpu.memory_space<vmem_shared>>
        tpu.wait_indirect_dma semaphore(%run_scoped3A_1002 : memref<!tpu.dma_semaphore, #tpu.memory_space<semaphore_mem>>) src(%arg11 : memref<128x128xf32, #tpu.memory_space<vmem>>) dst(%dma_wait3A_1014 : memref<10008x128xf32, #tpu.memory_space<vmem_shared>>)
        tpu.yield
      }) : () -> ()
      %get3A_773 = arith.constant 6 : i32
      %get3A_774 = arith.index_cast %rem3A_114 : i32 to index
      %get3A_775 = arith.index_cast %get3A_773 : i32 to index
      %get3A_776 = arith.constant 0 : index
      %get3A_777 = tpu.vector_load %arg10[%get3A_774, %get3A_775, %get3A_776] {strides = array<i32>} : memref<2x8x128xi32, #tpu.memory_space<vmem>>, vector<16xi32>,
      %shift_right_logical3A_778 = arith.constant 7 : i32
      %shift_right_logical3A_779 = vector.broadcast %shift_right_logical3A_778 : i32 to vector<16xi32>
      %shift_right_logical3A_780 = arith.shrui %get3A_777, %shift_right_logical3A_779 : vector<16xi32>
      %and3A_781 = arith.constant 127 : i32
      %and3A_782 = vector.broadcast %and3A_781 : i32 to vector<16xi32>
      %and3A_783 = arith.andi %get3A_777, %and3A_782 : vector<16xi32>
      tpu.vector_store_idx %arg13[%shift_right_logical3A_780, %and3A_783], %broadcast_in_dim3A_85 {add = true} : memref<80x128xf32, #tpu.memory_space<vmem>>[vector<16xi32>, vector<16xi32>], vector<16xf32>,
      %get3A_784 = arith.constant 6 : i32
      %get3A_785 = arith.index_cast %rem3A_114 : i32 to index
      %get3A_786 = arith.index_cast %get3A_784 : i32 to index
      %get3A_787 = arith.constant 16 : index
      %get3A_788 = tpu.vector_load %arg10[%get3A_785, %get3A_786, %get3A_787] {strides = array<i32>} : memref<2x8x128xi32, #tpu.memory_space<vmem>>, vector<16xi32>,
      %shift_right_logical3A_789 = arith.constant 7 : i32
      %shift_right_logical3A_790 = vector.broadcast %shift_right_logical3A_789 : i32 to vector<16xi32>
      %shift_right_logical3A_791 = arith.shrui %get3A_788, %shift_right_logical3A_790 : vector<16xi32>
      %and3A_792 = arith.constant 127 : i32
      %and3A_793 = vector.broadcast %and3A_792 : i32 to vector<16xi32>
      %and3A_794 = arith.andi %get3A_788, %and3A_793 : vector<16xi32>
      tpu.vector_store_idx %arg13[%shift_right_logical3A_791, %and3A_794], %broadcast_in_dim3A_85 {add = true} : memref<80x128xf32, #tpu.memory_space<vmem>>[vector<16xi32>, vector<16xi32>], vector<16xf32>,
      %get3A_795 = arith.constant 6 : i32
      %get3A_796 = arith.index_cast %rem3A_114 : i32 to index
      %get3A_797 = arith.index_cast %get3A_795 : i32 to index
      %get3A_798 = arith.constant 32 : index
      %get3A_799 = tpu.vector_load %arg10[%get3A_796, %get3A_797, %get3A_798] {strides = array<i32>} : memref<2x8x128xi32, #tpu.memory_space<vmem>>, vector<16xi32>,
      %shift_right_logical3A_800 = arith.constant 7 : i32
      %shift_right_logical3A_801 = vector.broadcast %shift_right_logical3A_800 : i32 to vector<16xi32>
      %shift_right_logical3A_802 = arith.shrui %get3A_799, %shift_right_logical3A_801 : vector<16xi32>
      %and3A_803 = arith.constant 127 : i32
      %and3A_804 = vector.broadcast %and3A_803 : i32 to vector<16xi32>
      %and3A_805 = arith.andi %get3A_799, %and3A_804 : vector<16xi32>
      tpu.vector_store_idx %arg13[%shift_right_logical3A_802, %and3A_805], %broadcast_in_dim3A_85 {add = true} : memref<80x128xf32, #tpu.memory_space<vmem>>[vector<16xi32>, vector<16xi32>], vector<16xf32>,
      %get3A_806 = arith.constant 6 : i32
      %get3A_807 = arith.index_cast %rem3A_114 : i32 to index
      %get3A_808 = arith.index_cast %get3A_806 : i32 to index
      %get3A_809 = arith.constant 48 : index
      %get3A_810 = tpu.vector_load %arg10[%get3A_807, %get3A_808, %get3A_809] {strides = array<i32>} : memref<2x8x128xi32, #tpu.memory_space<vmem>>, vector<16xi32>,
      %shift_right_logical3A_811 = arith.constant 7 : i32
      %shift_right_logical3A_812 = vector.broadcast %shift_right_logical3A_811 : i32 to vector<16xi32>
      %shift_right_logical3A_813 = arith.shrui %get3A_810, %shift_right_logical3A_812 : vector<16xi32>
      %and3A_814 = arith.constant 127 : i32
      %and3A_815 = vector.broadcast %and3A_814 : i32 to vector<16xi32>
      %and3A_816 = arith.andi %get3A_810, %and3A_815 : vector<16xi32>
      tpu.vector_store_idx %arg13[%shift_right_logical3A_813, %and3A_816], %broadcast_in_dim3A_85 {add = true} : memref<80x128xf32, #tpu.memory_space<vmem>>[vector<16xi32>, vector<16xi32>], vector<16xf32>,
      %get3A_817 = arith.constant 6 : i32
      %get3A_818 = arith.index_cast %rem3A_114 : i32 to index
      %get3A_819 = arith.index_cast %get3A_817 : i32 to index
      %get3A_820 = arith.constant 64 : index
      %get3A_821 = tpu.vector_load %arg10[%get3A_818, %get3A_819, %get3A_820] {strides = array<i32>} : memref<2x8x128xi32, #tpu.memory_space<vmem>>, vector<16xi32>,
      %shift_right_logical3A_822 = arith.constant 7 : i32
      %shift_right_logical3A_823 = vector.broadcast %shift_right_logical3A_822 : i32 to vector<16xi32>
      %shift_right_logical3A_824 = arith.shrui %get3A_821, %shift_right_logical3A_823 : vector<16xi32>
      %and3A_825 = arith.constant 127 : i32
      %and3A_826 = vector.broadcast %and3A_825 : i32 to vector<16xi32>
      %and3A_827 = arith.andi %get3A_821, %and3A_826 : vector<16xi32>
      tpu.vector_store_idx %arg13[%shift_right_logical3A_824, %and3A_827], %broadcast_in_dim3A_85 {add = true} : memref<80x128xf32, #tpu.memory_space<vmem>>[vector<16xi32>, vector<16xi32>], vector<16xf32>,
      %get3A_828 = arith.constant 6 : i32
      %get3A_829 = arith.index_cast %rem3A_114 : i32 to index
      %get3A_830 = arith.index_cast %get3A_828 : i32 to index
      %get3A_831 = arith.constant 80 : index
      %get3A_832 = tpu.vector_load %arg10[%get3A_829, %get3A_830, %get3A_831] {strides = array<i32>} : memref<2x8x128xi32, #tpu.memory_space<vmem>>, vector<16xi32>,
      %shift_right_logical3A_833 = arith.constant 7 : i32
      %shift_right_logical3A_834 = vector.broadcast %shift_right_logical3A_833 : i32 to vector<16xi32>
      %shift_right_logical3A_835 = arith.shrui %get3A_832, %shift_right_logical3A_834 : vector<16xi32>
      %and3A_836 = arith.constant 127 : i32
      %and3A_837 = vector.broadcast %and3A_836 : i32 to vector<16xi32>
      %and3A_838 = arith.andi %get3A_832, %and3A_837 : vector<16xi32>
      tpu.vector_store_idx %arg13[%shift_right_logical3A_835, %and3A_838], %broadcast_in_dim3A_85 {add = true} : memref<80x128xf32, #tpu.memory_space<vmem>>[vector<16xi32>, vector<16xi32>], vector<16xf32>,
      %get3A_839 = arith.constant 6 : i32
      %get3A_840 = arith.index_cast %rem3A_114 : i32 to index
      %get3A_841 = arith.index_cast %get3A_839 : i32 to index
      %get3A_842 = arith.constant 96 : index
      %get3A_843 = tpu.vector_load %arg10[%get3A_840, %get3A_841, %get3A_842] {strides = array<i32>} : memref<2x8x128xi32, #tpu.memory_space<vmem>>, vector<16xi32>,
      %shift_right_logical3A_844 = arith.constant 7 : i32
      %shift_right_logical3A_845 = vector.broadcast %shift_right_logical3A_844 : i32 to vector<16xi32>
      %shift_right_logical3A_846 = arith.shrui %get3A_843, %shift_right_logical3A_845 : vector<16xi32>
      %and3A_847 = arith.constant 127 : i32
      %and3A_848 = vector.broadcast %and3A_847 : i32 to vector<16xi32>
      %and3A_849 = arith.andi %get3A_843, %and3A_848 : vector<16xi32>
      tpu.vector_store_idx %arg13[%shift_right_logical3A_846, %and3A_849], %broadcast_in_dim3A_85 {add = true} : memref<80x128xf32, #tpu.memory_space<vmem>>[vector<16xi32>, vector<16xi32>], vector<16xf32>,
      %get3A_850 = arith.constant 6 : i32
      %get3A_851 = arith.index_cast %rem3A_114 : i32 to index
      %get3A_852 = arith.index_cast %get3A_850 : i32 to index
      %get3A_853 = arith.constant 112 : index
      %get3A_854 = tpu.vector_load %arg10[%get3A_851, %get3A_852, %get3A_853] {strides = array<i32>} : memref<2x8x128xi32, #tpu.memory_space<vmem>>, vector<16xi32>,
      %shift_right_logical3A_855 = arith.constant 7 : i32
      %shift_right_logical3A_856 = vector.broadcast %shift_right_logical3A_855 : i32 to vector<16xi32>
      %shift_right_logical3A_857 = arith.shrui %get3A_854, %shift_right_logical3A_856 : vector<16xi32>
      %and3A_858 = arith.constant 127 : i32
      %and3A_859 = vector.broadcast %and3A_858 : i32 to vector<16xi32>
      %and3A_860 = arith.andi %get3A_854, %and3A_859 : vector<16xi32>
      tpu.vector_store_idx %arg13[%shift_right_logical3A_857, %and3A_860], %broadcast_in_dim3A_85 {add = true} : memref<80x128xf32, #tpu.memory_space<vmem>>[vector<16xi32>, vector<16xi32>], vector<16xf32>,
      %add3A_861 = arith.constant 1 : i32
      %add3A_862 = arith.addi %add3A_112, %add3A_861 : i32
      %sub3A_863 = arith.constant 1 : i32
      %sub3A_864 = arith.subi %sub3A_863, %rem3A_114 : i32
      %dma_wait3A_865 = arith.constant 0 : i32
      %dma_wait3A_866 = arith.constant 0 : i32
      %dma_wait3A_867 = tpu.memref_slice %arg9[%sub3A_864, %dma_wait3A_865, %dma_wait3A_866] : memref<2x8x128xi32, #tpu.memory_space<vmem>> -> memref<1x8x128xi32, #tpu.memory_space<vmem>>
      %dma_wait3A_868 = tpu.memref_squeeze %dma_wait3A_867 : memref<1x8x128xi32, #tpu.memory_space<vmem>> -> memref<8x128xi32, #tpu.memory_space<vmem>>
      %dma_wait3A_869 = arith.constant 0 : i32
      %dma_wait3A_870 = arith.constant 0 : i32
      %dma_wait3A_871 = tpu.memref_slice %arg3[%add3A, %add3A_862, %dma_wait3A_869, %dma_wait3A_870] : memref<32x11x8x128xi32, #tpu.memory_space<hbm>> -> memref<1x1x8x128xi32, #tpu.memory_space<hbm>>
      %dma_wait3A_872 = tpu.memref_squeeze %dma_wait3A_871 : memref<1x1x8x128xi32, #tpu.memory_space<hbm>> -> memref<8x128xi32, #tpu.memory_space<hbm>>
      %dma_wait3A_873 = arith.constant 0 : i32
      %dma_wait3A_874 = arith.constant 0 : i32
      %dma_wait3A_875 = tpu.memref_slice %arg9[%sub3A_864, %dma_wait3A_873, %dma_wait3A_874] : memref<2x8x128xi32, #tpu.memory_space<vmem>> -> memref<1x8x128xi32, #tpu.memory_space<vmem>>
      %dma_wait3A_876 = tpu.memref_squeeze %dma_wait3A_875 : memref<1x8x128xi32, #tpu.memory_space<vmem>> -> memref<8x128xi32, #tpu.memory_space<vmem>>
      %dma_wait3A_877 = arith.constant 0 : i32
      %dma_wait3A_878 = arith.constant 0 : i32
      %dma_wait3A_879 = tpu.memref_slice %arg3[%add3A, %add3A_862, %dma_wait3A_877, %dma_wait3A_878] : memref<32x11x8x128xi32, #tpu.memory_space<hbm>> -> memref<1x1x8x128xi32, #tpu.memory_space<hbm>>
      %dma_wait3A_880 = tpu.memref_squeeze %dma_wait3A_879 : memref<1x1x8x128xi32, #tpu.memory_space<hbm>> -> memref<8x128xi32, #tpu.memory_space<hbm>>
      tpu.wait_dma2 semaphore(%arg17 : memref<!tpu.dma_semaphore, #tpu.memory_space<semaphore_mem>>) src(%dma_wait3A_880 : memref<8x128xi32, #tpu.memory_space<hbm>>) dst(%dma_wait3A_876 : memref<8x128xi32, #tpu.memory_space<vmem>>)
      %dma_wait3A_881 = arith.constant 0 : i32
      %dma_wait3A_882 = arith.constant 0 : i32
      %dma_wait3A_883 = tpu.memref_slice %arg10[%sub3A_864, %dma_wait3A_881, %dma_wait3A_882] : memref<2x8x128xi32, #tpu.memory_space<vmem>> -> memref<1x8x128xi32, #tpu.memory_space<vmem>>
      %dma_wait3A_884 = tpu.memref_squeeze %dma_wait3A_883 : memref<1x8x128xi32, #tpu.memory_space<vmem>> -> memref<8x128xi32, #tpu.memory_space<vmem>>
      %dma_wait3A_885 = arith.constant 0 : i32
      %dma_wait3A_886 = arith.constant 0 : i32
      %dma_wait3A_887 = tpu.memref_slice %arg5[%add3A, %add3A_862, %dma_wait3A_885, %dma_wait3A_886] : memref<32x11x8x128xi32, #tpu.memory_space<hbm>> -> memref<1x1x8x128xi32, #tpu.memory_space<hbm>>
      %dma_wait3A_888 = tpu.memref_squeeze %dma_wait3A_887 : memref<1x1x8x128xi32, #tpu.memory_space<hbm>> -> memref<8x128xi32, #tpu.memory_space<hbm>>
      %dma_wait3A_889 = arith.constant 0 : i32
      %dma_wait3A_890 = arith.constant 0 : i32
      %dma_wait3A_891 = tpu.memref_slice %arg10[%sub3A_864, %dma_wait3A_889, %dma_wait3A_890] : memref<2x8x128xi32, #tpu.memory_space<vmem>> -> memref<1x8x128xi32, #tpu.memory_space<vmem>>
      %dma_wait3A_892 = tpu.memref_squeeze %dma_wait3A_891 : memref<1x8x128xi32, #tpu.memory_space<vmem>> -> memref<8x128xi32, #tpu.memory_space<vmem>>
      %dma_wait3A_893 = arith.constant 0 : i32
      %dma_wait3A_894 = arith.constant 0 : i32
      %dma_wait3A_895 = tpu.memref_slice %arg5[%add3A, %add3A_862, %dma_wait3A_893, %dma_wait3A_894] : memref<32x11x8x128xi32, #tpu.memory_space<hbm>> -> memref<1x1x8x128xi32, #tpu.memory_space<hbm>>
      %dma_wait3A_896 = tpu.memref_squeeze %dma_wait3A_895 : memref<1x1x8x128xi32, #tpu.memory_space<hbm>> -> memref<8x128xi32, #tpu.memory_space<hbm>>
      tpu.wait_dma2 semaphore(%arg17 : memref<!tpu.dma_semaphore, #tpu.memory_space<semaphore_mem>>) src(%dma_wait3A_896 : memref<8x128xi32, #tpu.memory_space<hbm>>) dst(%dma_wait3A_892 : memref<8x128xi32, #tpu.memory_space<vmem>>)
      %sub3A_897 = arith.constant 1 : i32
      %sub3A_898 = arith.subi %sub3A_897, %rem3A_114 : i32
      %dma_start3A_899 = arith.constant 0 : i32
      %dma_start3A_900 = arith.constant 0 : i32
      %dma_start3A_901 = tpu.memref_slice %arg9[%sub3A_898, %dma_start3A_899, %dma_start3A_900] : memref<2x8x128xi32, #tpu.memory_space<vmem>> -> memref<1x1x128xi32, #tpu.memory_space<vmem>>
      %dma_start3A_902 = tpu.memref_squeeze %dma_start3A_901 : memref<1x1x128xi32, #tpu.memory_space<vmem>> -> memref<128xi32, #tpu.memory_space<vmem>>
      %dma_start3A_903 = arith.constant 0 : i32
      %dma_start3A_904 = arith.constant 0 : i32
      %dma_start3A_905 = tpu.memref_slice %arg2[%dma_start3A_903, %dma_start3A_904] : memref<20000x128xf32, #tpu.memory_space<hbm>> -> memref<20000x128xf32, #tpu.memory_space<hbm>>
      tpu.enqueue_indirect_dma source(%dma_start3A_905 : memref<20000x128xf32, #tpu.memory_space<hbm>>) target(%arg11 : memref<128x128xf32, #tpu.memory_space<vmem>>) offsets(%dma_start3A_902 : memref<128xi32, #tpu.memory_space<vmem>>) semaphore(%arg15 : memref<!tpu.dma_semaphore, #tpu.memory_space<semaphore_mem>>)
      %dma_wait3A_906 = arith.constant 7 : i32
      %dma_wait3A_907 = arith.constant 0 : i32
      %dma_wait3A_908 = tpu.memref_slice %arg9[%rem3A_114, %dma_wait3A_906, %dma_wait3A_907] : memref<2x8x128xi32, #tpu.memory_space<vmem>> -> memref<1x1x128xi32, #tpu.memory_space<vmem>>
      %dma_wait3A_909 = tpu.memref_squeeze %dma_wait3A_908 : memref<1x1x128xi32, #tpu.memory_space<vmem>> -> memref<128xi32, #tpu.memory_space<vmem>>
      %dma_wait3A_910 = arith.constant 0 : i32
      %dma_wait3A_911 = arith.constant 0 : i32
      %dma_wait3A_912 = tpu.memref_slice %arg2[%dma_wait3A_910, %dma_wait3A_911] : memref<20000x128xf32, #tpu.memory_space<hbm>> -> memref<20000x128xf32, #tpu.memory_space<hbm>>
      tpu.wait_indirect_dma semaphore(%arg16 : memref<!tpu.dma_semaphore, #tpu.memory_space<semaphore_mem>>) src(%dma_wait3A_912 : memref<20000x128xf32, #tpu.memory_space<hbm>>) dst(%arg12 : memref<128x128xf32, #tpu.memory_space<vmem>>)
      %run_scoped3A_913 = arith.constant 7 : i32
      "tpu.region"() ({
        %run_scoped3A_1002 = tpu.sem_alloc : memref<!tpu.dma_semaphore, #tpu.memory_space<semaphore_mem>>
        %dma_start3A_1003 = arith.constant 0 : i32
        %dma_start3A_1004 = tpu.memref_slice %arg10[%rem3A_114, %run_scoped3A_913, %dma_start3A_1003] : memref<2x8x128xi32, #tpu.memory_space<vmem>> -> memref<1x1x128xi32, #tpu.memory_space<vmem>>
        %dma_start3A_1005 = tpu.memref_squeeze %dma_start3A_1004 : memref<1x1x128xi32, #tpu.memory_space<vmem>> -> memref<128xi32, #tpu.memory_space<vmem>>
        %dma_start3A_1006 = arith.constant 0 : i32
        %dma_start3A_1007 = arith.constant 0 : i32
        %dma_start3A_1008 = tpu.memref_slice %arg14[%dma_start3A_1006, %dma_start3A_1007] : memref<10008x128xf32, #tpu.memory_space<vmem_shared>> -> memref<10008x128xf32, #tpu.memory_space<vmem_shared>>
        tpu.enqueue_indirect_dma source(%arg12 : memref<128x128xf32, #tpu.memory_space<vmem>>) target(%dma_start3A_1008 : memref<10008x128xf32, #tpu.memory_space<vmem_shared>>) offsets(%dma_start3A_1005 : memref<128xi32, #tpu.memory_space<vmem>>) semaphore(%run_scoped3A_1002 : memref<!tpu.dma_semaphore, #tpu.memory_space<semaphore_mem>>) {add = true}
        %dma_wait3A_1009 = arith.constant 0 : i32
        %dma_wait3A_1010 = tpu.memref_slice %arg10[%rem3A_114, %run_scoped3A_913, %dma_wait3A_1009] : memref<2x8x128xi32, #tpu.memory_space<vmem>> -> memref<1x1x128xi32, #tpu.memory_space<vmem>>
        %dma_wait3A_1011 = tpu.memref_squeeze %dma_wait3A_1010 : memref<1x1x128xi32, #tpu.memory_space<vmem>> -> memref<128xi32, #tpu.memory_space<vmem>>
        %dma_wait3A_1012 = arith.constant 0 : i32
        %dma_wait3A_1013 = arith.constant 0 : i32
        %dma_wait3A_1014 = tpu.memref_slice %arg14[%dma_wait3A_1012, %dma_wait3A_1013] : memref<10008x128xf32, #tpu.memory_space<vmem_shared>> -> memref<10008x128xf32, #tpu.memory_space<vmem_shared>>
        tpu.wait_indirect_dma semaphore(%run_scoped3A_1002 : memref<!tpu.dma_semaphore, #tpu.memory_space<semaphore_mem>>) src(%arg12 : memref<128x128xf32, #tpu.memory_space<vmem>>) dst(%dma_wait3A_1014 : memref<10008x128xf32, #tpu.memory_space<vmem_shared>>)
        tpu.yield
      }) : () -> ()
      %get3A_914 = arith.constant 7 : i32
      %get3A_915 = arith.index_cast %rem3A_114 : i32 to index
      %get3A_916 = arith.index_cast %get3A_914 : i32 to index
      %get3A_917 = arith.constant 0 : index
      %get3A_918 = tpu.vector_load %arg10[%get3A_915, %get3A_916, %get3A_917] {strides = array<i32>} : memref<2x8x128xi32, #tpu.memory_space<vmem>>, vector<16xi32>,
      %shift_right_logical3A_919 = arith.constant 7 : i32
      %shift_right_logical3A_920 = vector.broadcast %shift_right_logical3A_919 : i32 to vector<16xi32>
      %shift_right_logical3A_921 = arith.shrui %get3A_918, %shift_right_logical3A_920 : vector<16xi32>
      %and3A_922 = arith.constant 127 : i32
      %and3A_923 = vector.broadcast %and3A_922 : i32 to vector<16xi32>
      %and3A_924 = arith.andi %get3A_918, %and3A_923 : vector<16xi32>
      tpu.vector_store_idx %arg13[%shift_right_logical3A_921, %and3A_924], %broadcast_in_dim3A_85 {add = true} : memref<80x128xf32, #tpu.memory_space<vmem>>[vector<16xi32>, vector<16xi32>], vector<16xf32>,
      %get3A_925 = arith.constant 7 : i32
      %get3A_926 = arith.index_cast %rem3A_114 : i32 to index
      %get3A_927 = arith.index_cast %get3A_925 : i32 to index
      %get3A_928 = arith.constant 16 : index
      %get3A_929 = tpu.vector_load %arg10[%get3A_926, %get3A_927, %get3A_928] {strides = array<i32>} : memref<2x8x128xi32, #tpu.memory_space<vmem>>, vector<16xi32>,
      %shift_right_logical3A_930 = arith.constant 7 : i32
      %shift_right_logical3A_931 = vector.broadcast %shift_right_logical3A_930 : i32 to vector<16xi32>
      %shift_right_logical3A_932 = arith.shrui %get3A_929, %shift_right_logical3A_931 : vector<16xi32>
      %and3A_933 = arith.constant 127 : i32
      %and3A_934 = vector.broadcast %and3A_933 : i32 to vector<16xi32>
      %and3A_935 = arith.andi %get3A_929, %and3A_934 : vector<16xi32>
      tpu.vector_store_idx %arg13[%shift_right_logical3A_932, %and3A_935], %broadcast_in_dim3A_85 {add = true} : memref<80x128xf32, #tpu.memory_space<vmem>>[vector<16xi32>, vector<16xi32>], vector<16xf32>,
      %get3A_936 = arith.constant 7 : i32
      %get3A_937 = arith.index_cast %rem3A_114 : i32 to index
      %get3A_938 = arith.index_cast %get3A_936 : i32 to index
      %get3A_939 = arith.constant 32 : index
      %get3A_940 = tpu.vector_load %arg10[%get3A_937, %get3A_938, %get3A_939] {strides = array<i32>} : memref<2x8x128xi32, #tpu.memory_space<vmem>>, vector<16xi32>,
      %shift_right_logical3A_941 = arith.constant 7 : i32
      %shift_right_logical3A_942 = vector.broadcast %shift_right_logical3A_941 : i32 to vector<16xi32>
      %shift_right_logical3A_943 = arith.shrui %get3A_940, %shift_right_logical3A_942 : vector<16xi32>
      %and3A_944 = arith.constant 127 : i32
      %and3A_945 = vector.broadcast %and3A_944 : i32 to vector<16xi32>
      %and3A_946 = arith.andi %get3A_940, %and3A_945 : vector<16xi32>
      tpu.vector_store_idx %arg13[%shift_right_logical3A_943, %and3A_946], %broadcast_in_dim3A_85 {add = true} : memref<80x128xf32, #tpu.memory_space<vmem>>[vector<16xi32>, vector<16xi32>], vector<16xf32>,
      %get3A_947 = arith.constant 7 : i32
      %get3A_948 = arith.index_cast %rem3A_114 : i32 to index
      %get3A_949 = arith.index_cast %get3A_947 : i32 to index
      %get3A_950 = arith.constant 48 : index
      %get3A_951 = tpu.vector_load %arg10[%get3A_948, %get3A_949, %get3A_950] {strides = array<i32>} : memref<2x8x128xi32, #tpu.memory_space<vmem>>, vector<16xi32>,
      %shift_right_logical3A_952 = arith.constant 7 : i32
      %shift_right_logical3A_953 = vector.broadcast %shift_right_logical3A_952 : i32 to vector<16xi32>
      %shift_right_logical3A_954 = arith.shrui %get3A_951, %shift_right_logical3A_953 : vector<16xi32>
      %and3A_955 = arith.constant 127 : i32
      %and3A_956 = vector.broadcast %and3A_955 : i32 to vector<16xi32>
      %and3A_957 = arith.andi %get3A_951, %and3A_956 : vector<16xi32>
      tpu.vector_store_idx %arg13[%shift_right_logical3A_954, %and3A_957], %broadcast_in_dim3A_85 {add = true} : memref<80x128xf32, #tpu.memory_space<vmem>>[vector<16xi32>, vector<16xi32>], vector<16xf32>,
      %get3A_958 = arith.constant 7 : i32
      %get3A_959 = arith.index_cast %rem3A_114 : i32 to index
      %get3A_960 = arith.index_cast %get3A_958 : i32 to index
      %get3A_961 = arith.constant 64 : index
      %get3A_962 = tpu.vector_load %arg10[%get3A_959, %get3A_960, %get3A_961] {strides = array<i32>} : memref<2x8x128xi32, #tpu.memory_space<vmem>>, vector<16xi32>,
      %shift_right_logical3A_963 = arith.constant 7 : i32
      %shift_right_logical3A_964 = vector.broadcast %shift_right_logical3A_963 : i32 to vector<16xi32>
      %shift_right_logical3A_965 = arith.shrui %get3A_962, %shift_right_logical3A_964 : vector<16xi32>
      %and3A_966 = arith.constant 127 : i32
      %and3A_967 = vector.broadcast %and3A_966 : i32 to vector<16xi32>
      %and3A_968 = arith.andi %get3A_962, %and3A_967 : vector<16xi32>
      tpu.vector_store_idx %arg13[%shift_right_logical3A_965, %and3A_968], %broadcast_in_dim3A_85 {add = true} : memref<80x128xf32, #tpu.memory_space<vmem>>[vector<16xi32>, vector<16xi32>], vector<16xf32>,
      %get3A_969 = arith.constant 7 : i32
      %get3A_970 = arith.index_cast %rem3A_114 : i32 to index
      %get3A_971 = arith.index_cast %get3A_969 : i32 to index
      %get3A_972 = arith.constant 80 : index
      %get3A_973 = tpu.vector_load %arg10[%get3A_970, %get3A_971, %get3A_972] {strides = array<i32>} : memref<2x8x128xi32, #tpu.memory_space<vmem>>, vector<16xi32>,
      %shift_right_logical3A_974 = arith.constant 7 : i32
      %shift_right_logical3A_975 = vector.broadcast %shift_right_logical3A_974 : i32 to vector<16xi32>
      %shift_right_logical3A_976 = arith.shrui %get3A_973, %shift_right_logical3A_975 : vector<16xi32>
      %and3A_977 = arith.constant 127 : i32
      %and3A_978 = vector.broadcast %and3A_977 : i32 to vector<16xi32>
      %and3A_979 = arith.andi %get3A_973, %and3A_978 : vector<16xi32>
      tpu.vector_store_idx %arg13[%shift_right_logical3A_976, %and3A_979], %broadcast_in_dim3A_85 {add = true} : memref<80x128xf32, #tpu.memory_space<vmem>>[vector<16xi32>, vector<16xi32>], vector<16xf32>,
      %get3A_980 = arith.constant 7 : i32
      %get3A_981 = arith.index_cast %rem3A_114 : i32 to index
      %get3A_982 = arith.index_cast %get3A_980 : i32 to index
      %get3A_983 = arith.constant 96 : index
      %get3A_984 = tpu.vector_load %arg10[%get3A_981, %get3A_982, %get3A_983] {strides = array<i32>} : memref<2x8x128xi32, #tpu.memory_space<vmem>>, vector<16xi32>,
      %shift_right_logical3A_985 = arith.constant 7 : i32
      %shift_right_logical3A_986 = vector.broadcast %shift_right_logical3A_985 : i32 to vector<16xi32>
      %shift_right_logical3A_987 = arith.shrui %get3A_984, %shift_right_logical3A_986 : vector<16xi32>
      %and3A_988 = arith.constant 127 : i32
      %and3A_989 = vector.broadcast %and3A_988 : i32 to vector<16xi32>
      %and3A_990 = arith.andi %get3A_984, %and3A_989 : vector<16xi32>
      tpu.vector_store_idx %arg13[%shift_right_logical3A_987, %and3A_990], %broadcast_in_dim3A_85 {add = true} : memref<80x128xf32, #tpu.memory_space<vmem>>[vector<16xi32>, vector<16xi32>], vector<16xf32>,
      %get3A_991 = arith.constant 7 : i32
      %get3A_992 = arith.index_cast %rem3A_114 : i32 to index
      %get3A_993 = arith.index_cast %get3A_991 : i32 to index
      %get3A_994 = arith.constant 112 : index
      %get3A_995 = tpu.vector_load %arg10[%get3A_992, %get3A_993, %get3A_994] {strides = array<i32>} : memref<2x8x128xi32, #tpu.memory_space<vmem>>, vector<16xi32>,
      %shift_right_logical3A_996 = arith.constant 7 : i32
      %shift_right_logical3A_997 = vector.broadcast %shift_right_logical3A_996 : i32 to vector<16xi32>
      %shift_right_logical3A_998 = arith.shrui %get3A_995, %shift_right_logical3A_997 : vector<16xi32>
      %and3A_999 = arith.constant 127 : i32
      %and3A_1000 = vector.broadcast %and3A_999 : i32 to vector<16xi32>
      %and3A_1001 = arith.andi %get3A_995, %and3A_1000 : vector<16xi32>
      tpu.vector_store_idx %arg13[%shift_right_logical3A_998, %and3A_1001], %broadcast_in_dim3A_85 {add = true} : memref<80x128xf32, #tpu.memory_space<vmem>>[vector<16xi32>, vector<16xi32>], vector<16xf32>,
    }
    %scan3A_89 = arith.constant 10 : i32
    %rem3A = arith.constant 10 : i32
    %rem3A_90 = arith.constant 2 : i32
    %rem3A_91 = arith.remsi %rem3A, %rem3A_90 : i32
    %dma_wait3A_92 = arith.constant 0 : i32
    %dma_wait3A_93 = arith.constant 0 : i32
    %dma_wait3A_94 = tpu.memref_slice %arg9[%rem3A_91, %dma_wait3A_92, %dma_wait3A_93] : memref<2x8x128xi32, #tpu.memory_space<vmem>> -> memref<1x1x128xi32, #tpu.memory_space<vmem>>
    %dma_wait3A_95 = tpu.memref_squeeze %dma_wait3A_94 : memref<1x1x128xi32, #tpu.memory_space<vmem>> -> memref<128xi32, #tpu.memory_space<vmem>>
    %dma_wait3A_96 = arith.constant 0 : i32
    %dma_wait3A_97 = arith.constant 0 : i32
    %dma_wait3A_98 = tpu.memref_slice %arg2[%dma_wait3A_96, %dma_wait3A_97] : memref<20000x128xf32, #tpu.memory_space<hbm>> -> memref<20000x128xf32, #tpu.memory_space<hbm>>
    tpu.wait_indirect_dma semaphore(%arg15 : memref<!tpu.dma_semaphore, #tpu.memory_space<semaphore_mem>>) src(%dma_wait3A_98 : memref<20000x128xf32, #tpu.memory_space<hbm>>) dst(%arg11 : memref<128x128xf32, #tpu.memory_space<vmem>>)
    %barrier3A_99 = arith.constant 0 : index
    tpu.barrier barrier_id(%barrier3A_99)
    "tpu.region"() ({
      %run_scoped3A = tpu.sem_alloc : memref<!tpu.dma_semaphore, #tpu.memory_space<semaphore_mem>>
      %dma_start3A_108 = arith.constant 0 : i32
      %dma_start3A_109 = tpu.memref_slice %arg7[%arg0, %mul3A_2, %dma_start3A_108] : memref<2x10000x128xf32, #tpu.memory_space<hbm>> -> memref<1x624x128xf32, #tpu.memory_space<hbm>>
      %dma_start3A_110 = tpu.memref_squeeze %dma_start3A_109 : memref<1x624x128xf32, #tpu.memory_space<hbm>> -> memref<624x128xf32, #tpu.memory_space<hbm>>
      %dma_start3A_111 = arith.constant 0 : i32
      %dma_start3A_112 = tpu.memref_slice %arg14[%mul3A_2, %dma_start3A_111] : memref<10008x128xf32, #tpu.memory_space<vmem_shared>> -> memref<624x128xf32, #tpu.memory_space<vmem_shared>>
      tpu.enqueue_dma source(%dma_start3A_112 : memref<624x128xf32, #tpu.memory_space<vmem_shared>>) target(%dma_start3A_110 : memref<624x128xf32, #tpu.memory_space<hbm>>) target_semaphore(%run_scoped3A : memref<!tpu.dma_semaphore, #tpu.memory_space<semaphore_mem>>)
      %dma_wait3A_113 = arith.constant 0 : i32
      %dma_wait3A_114 = tpu.memref_slice %arg7[%arg0, %mul3A_2, %dma_wait3A_113] : memref<2x10000x128xf32, #tpu.memory_space<hbm>> -> memref<1x624x128xf32, #tpu.memory_space<hbm>>
      %dma_wait3A_115 = tpu.memref_squeeze %dma_wait3A_114 : memref<1x624x128xf32, #tpu.memory_space<hbm>> -> memref<624x128xf32, #tpu.memory_space<hbm>>
      %dma_wait3A_116 = arith.constant 0 : i32
      %dma_wait3A_117 = tpu.memref_slice %arg14[%mul3A_2, %dma_wait3A_116] : memref<10008x128xf32, #tpu.memory_space<vmem_shared>> -> memref<624x128xf32, #tpu.memory_space<vmem_shared>>
      tpu.wait_dma2 semaphore(%run_scoped3A : memref<!tpu.dma_semaphore, #tpu.memory_space<semaphore_mem>>) src(%dma_wait3A_117 : memref<624x128xf32, #tpu.memory_space<vmem_shared>>) dst(%dma_wait3A_115 : memref<624x128xf32, #tpu.memory_space<hbm>>)
      tpu.yield
    }) : () -> ()
    %mul3A_100 = arith.constant 16 : i32
    %mul3A_101 = arith.muli %arg0, %mul3A_100 : i32
    %add3A_102 = arith.addi %mul3A_101, %arg1 : i32
    "tpu.region"() ({
      %run_scoped3A = tpu.sem_alloc : memref<!tpu.dma_semaphore, #tpu.memory_space<semaphore_mem>>
      %dma_start3A_108 = arith.constant 0 : i32
      %dma_start3A_109 = arith.constant 0 : i32
      %dma_start3A_110 = tpu.memref_slice %arg8[%add3A_102, %dma_start3A_108, %dma_start3A_109] : memref<32x80x128xf32, #tpu.memory_space<hbm>> -> memref<1x80x128xf32, #tpu.memory_space<hbm>>
      %dma_start3A_111 = tpu.memref_squeeze %dma_start3A_110 : memref<1x80x128xf32, #tpu.memory_space<hbm>> -> memref<80x128xf32, #tpu.memory_space<hbm>>
      %dma_start3A_112 = arith.constant 0 : i32
      %dma_start3A_113 = arith.constant 0 : i32
      %dma_start3A_114 = tpu.memref_slice %arg8[%add3A_102, %dma_start3A_112, %dma_start3A_113] : memref<32x80x128xf32, #tpu.memory_space<hbm>> -> memref<1x80x128xf32, #tpu.memory_space<hbm>>
      %dma_start3A_115 = tpu.memref_squeeze %dma_start3A_114 : memref<1x80x128xf32, #tpu.memory_space<hbm>> -> memref<80x128xf32, #tpu.memory_space<hbm>>
      tpu.enqueue_dma source(%arg13 : memref<80x128xf32, #tpu.memory_space<vmem>>) target(%dma_start3A_115 : memref<80x128xf32, #tpu.memory_space<hbm>>) target_semaphore(%run_scoped3A : memref<!tpu.dma_semaphore, #tpu.memory_space<semaphore_mem>>)
      %dma_wait3A_116 = arith.constant 0 : i32
      %dma_wait3A_117 = arith.constant 0 : i32
      %dma_wait3A_118 = tpu.memref_slice %arg8[%add3A_102, %dma_wait3A_116, %dma_wait3A_117] : memref<32x80x128xf32, #tpu.memory_space<hbm>> -> memref<1x80x128xf32, #tpu.memory_space<hbm>>
      %dma_wait3A_119 = tpu.memref_squeeze %dma_wait3A_118 : memref<1x80x128xf32, #tpu.memory_space<hbm>> -> memref<80x128xf32, #tpu.memory_space<hbm>>
      %dma_wait3A_120 = arith.constant 0 : i32
      %dma_wait3A_121 = arith.constant 0 : i32
      %dma_wait3A_122 = tpu.memref_slice %arg8[%add3A_102, %dma_wait3A_120, %dma_wait3A_121] : memref<32x80x128xf32, #tpu.memory_space<hbm>> -> memref<1x80x128xf32, #tpu.memory_space<hbm>>
      %dma_wait3A_123 = tpu.memref_squeeze %dma_wait3A_122 : memref<1x80x128xf32, #tpu.memory_space<hbm>> -> memref<80x128xf32, #tpu.memory_space<hbm>>
      tpu.wait_dma2 semaphore(%run_scoped3A : memref<!tpu.dma_semaphore, #tpu.memory_space<semaphore_mem>>) src(%arg13 : memref<80x128xf32, #tpu.memory_space<vmem>>) dst(%dma_wait3A_123 : memref<80x128xf32, #tpu.memory_space<hbm>>)
      tpu.yield
    }) : () -> ()
    %eq3A_103 = arith.constant 15 : i32
    %eq3A_104 = arith.cmpi eq, %arg1, %eq3A_103 : i32
    %convert_element_type3A_105 = arith.extui %eq3A_104 : i1 to i32
    %cond3A_106 = arith.constant 0 : i32
    %cond3A_107 = arith.cmpi ne, %convert_element_type3A_105, %cond3A_106 : i32
    scf.if %cond3A_107 {
      "tpu.region"() ({
        %run_scoped3A = tpu.sem_alloc : memref<!tpu.dma_semaphore, #tpu.memory_space<semaphore_mem>>
        %dma_start3A_108 = arith.constant 9984 : i32
        %dma_start3A_109 = arith.constant 0 : i32
        %dma_start3A_110 = tpu.memref_slice %arg7[%arg0, %dma_start3A_108, %dma_start3A_109] : memref<2x10000x128xf32, #tpu.memory_space<hbm>> -> memref<1x16x128xf32, #tpu.memory_space<hbm>>
        %dma_start3A_111 = tpu.memref_squeeze %dma_start3A_110 : memref<1x16x128xf32, #tpu.memory_space<hbm>> -> memref<16x128xf32, #tpu.memory_space<hbm>>
        %dma_start3A_112 = arith.constant 9984 : i32
        %dma_start3A_113 = arith.constant 0 : i32
        %dma_start3A_114 = tpu.memref_slice %arg14[%dma_start3A_112, %dma_start3A_113] : memref<10008x128xf32, #tpu.memory_space<vmem_shared>> -> memref<16x128xf32, #tpu.memory_space<vmem_shared>>
        tpu.enqueue_dma source(%dma_start3A_114 : memref<16x128xf32, #tpu.memory_space<vmem_shared>>) target(%dma_start3A_111 : memref<16x128xf32, #tpu.memory_space<hbm>>) target_semaphore(%run_scoped3A : memref<!tpu.dma_semaphore, #tpu.memory_space<semaphore_mem>>)
        %dma_wait3A_115 = arith.constant 9984 : i32
        %dma_wait3A_116 = arith.constant 0 : i32
        %dma_wait3A_117 = tpu.memref_slice %arg7[%arg0, %dma_wait3A_115, %dma_wait3A_116] : memref<2x10000x128xf32, #tpu.memory_space<hbm>> -> memref<1x16x128xf32, #tpu.memory_space<hbm>>
        %dma_wait3A_118 = tpu.memref_squeeze %dma_wait3A_117 : memref<1x16x128xf32, #tpu.memory_space<hbm>> -> memref<16x128xf32, #tpu.memory_space<hbm>>
        %dma_wait3A_119 = arith.constant 9984 : i32
        %dma_wait3A_120 = arith.constant 0 : i32
        %dma_wait3A_121 = tpu.memref_slice %arg14[%dma_wait3A_119, %dma_wait3A_120] : memref<10008x128xf32, #tpu.memory_space<vmem_shared>> -> memref<16x128xf32, #tpu.memory_space<vmem_shared>>
        tpu.wait_dma2 semaphore(%run_scoped3A : memref<!tpu.dma_semaphore, #tpu.memory_space<semaphore_mem>>) src(%dma_wait3A_121 : memref<16x128xf32, #tpu.memory_space<vmem_shared>>) dst(%dma_wait3A_118 : memref<16x128xf32, #tpu.memory_space<hbm>>)
        tpu.yield
      }) : () -> ()
    } else {
    }
    return
  }
}

#map = affine_map<(d0, d1) -> (0, 0)>
#map1 = affine_map<(d0, d1) -> (0, 0, 0, 0)>
#map2 = affine_map<(d0, d1) -> (0, 0, 0)>
module attributes {stable_mosaic.version = 14 : i64} {
  func.func @body(%arg0: i32, %arg1: i32, %arg2: memref<20000x128xf32, #tpu.memory_space<hbm>>, %arg3: memref<16x61x3x112xi32, #tpu.memory_space<hbm>>, %arg4: memref<16x61x3x112xi32, #tpu.memory_space<hbm>>, %arg5: memref<16x61x3x112xi32, #tpu.memory_space<hbm>>, %arg6: memref<624x128xf32, #tpu.memory_space<hbm>>, %arg7: memref<2x10000x128xf32, #tpu.memory_space<hbm>>, %arg8: memref<2x3x112xi32, #tpu.memory_space<vmem>>, %arg9: memref<2x3x112xi32, #tpu.memory_space<vmem>>, %arg10: memref<112x128xf32, #tpu.memory_space<vmem>>, %arg11: memref<112x128xf32, #tpu.memory_space<vmem>>, %arg12: memref<112x128xf32, #tpu.memory_space<vmem>>, %arg13: memref<10008x128xf32, #tpu.memory_space<vmem_shared>>, %arg14: memref<!tpu.dma_semaphore, #tpu.memory_space<semaphore_mem>>, %arg15: memref<!tpu.dma_semaphore, #tpu.memory_space<semaphore_mem>>, %arg16: memref<!tpu.dma_semaphore, #tpu.memory_space<semaphore_mem>>, %arg17: memref<!tpu.dma_semaphore, #tpu.memory_space<semaphore_mem>>) attributes {dimension_semantics = [#tpu.dimension_semantics<core_parallel>, #tpu.dimension_semantics<subcore_parallel>], iteration_bounds = array<i64: 2, 16>, scalar_prefetch = 0 : i64, scratch_operands = 10 : i64, tpu.core_type = #tpu.core_type<sc_vector_subcore>, window_params = [{transform_indices = #map}, {transform_indices = #map1}, {transform_indices = #map1}, {transform_indices = #map1}, {transform_indices = #map}, {transform_indices = #map2}]} {
    %mul3A = arith.constant 624 : i32
    %mul3A_0 = arith.muli %arg1, %mul3A : i32
    %eq3A = arith.constant 0 : i32
    %eq3A_1 = arith.cmpi eq, %arg0, %eq3A : i32
    %convert_element_type3A = arith.extui %eq3A_1 : i1 to i32
    %cond3A = arith.constant 0 : i32
    %cond3A_2 = arith.cmpi ne, %convert_element_type3A, %cond3A : i32
    scf.if %cond3A_2 {
      %dma_start3A_119 = arith.constant 0 : i32
      %dma_start3A_120 = arith.constant 0 : i32
      %dma_start3A_121 = arith.constant 0 : i32
      %dma_start3A_122 = arith.constant 0 : i32
      %dma_start3A_123 = tpu.memref_slice %arg8[%dma_start3A_120, %dma_start3A_121, %dma_start3A_122] : memref<2x3x112xi32, #tpu.memory_space<vmem>> -> memref<1x3x112xi32, #tpu.memory_space<vmem>>
      %dma_start3A_124 = tpu.memref_squeeze %dma_start3A_123 : memref<1x3x112xi32, #tpu.memory_space<vmem>> -> memref<3x112xi32, #tpu.memory_space<vmem>>
      %dma_start3A_125 = arith.constant 0 : i32
      %dma_start3A_126 = arith.constant 0 : i32
      %dma_start3A_127 = tpu.memref_slice %arg3[%arg1, %dma_start3A_119, %dma_start3A_125, %dma_start3A_126] : memref<16x61x3x112xi32, #tpu.memory_space<hbm>> -> memref<1x1x3x112xi32, #tpu.memory_space<hbm>>
      %dma_start3A_128 = tpu.memref_squeeze %dma_start3A_127 : memref<1x1x3x112xi32, #tpu.memory_space<hbm>> -> memref<3x112xi32, #tpu.memory_space<hbm>>
      %dma_start3A_129 = arith.constant 0 : i32
      %dma_start3A_130 = arith.constant 0 : i32
      %dma_start3A_131 = tpu.memref_slice %arg8[%dma_start3A_120, %dma_start3A_129, %dma_start3A_130] : memref<2x3x112xi32, #tpu.memory_space<vmem>> -> memref<1x3x112xi32, #tpu.memory_space<vmem>>
      %dma_start3A_132 = tpu.memref_squeeze %dma_start3A_131 : memref<1x3x112xi32, #tpu.memory_space<vmem>> -> memref<3x112xi32, #tpu.memory_space<vmem>>
      %dma_start3A_133 = arith.constant 0 : i32
      %dma_start3A_134 = arith.constant 0 : i32
      %dma_start3A_135 = tpu.memref_slice %arg3[%arg1, %dma_start3A_119, %dma_start3A_133, %dma_start3A_134] : memref<16x61x3x112xi32, #tpu.memory_space<hbm>> -> memref<1x1x3x112xi32, #tpu.memory_space<hbm>>
      %dma_start3A_136 = tpu.memref_squeeze %dma_start3A_135 : memref<1x1x3x112xi32, #tpu.memory_space<hbm>> -> memref<3x112xi32, #tpu.memory_space<hbm>>
      tpu.enqueue_dma source(%dma_start3A_136 : memref<3x112xi32, #tpu.memory_space<hbm>>) target(%dma_start3A_132 : memref<3x112xi32, #tpu.memory_space<vmem>>) target_semaphore(%arg17 : memref<!tpu.dma_semaphore, #tpu.memory_space<semaphore_mem>>)
    } else {
    }
    %eq3A_3 = arith.constant 1 : i32
    %eq3A_4 = arith.cmpi eq, %arg0, %eq3A_3 : i32
    %convert_element_type3A_5 = arith.extui %eq3A_4 : i1 to i32
    %cond3A_6 = arith.constant 0 : i32
    %cond3A_7 = arith.cmpi ne, %convert_element_type3A_5, %cond3A_6 : i32
    scf.if %cond3A_7 {
      %dma_start3A_119 = arith.constant 0 : i32
      %dma_start3A_120 = arith.constant 0 : i32
      %dma_start3A_121 = arith.constant 0 : i32
      %dma_start3A_122 = arith.constant 0 : i32
      %dma_start3A_123 = tpu.memref_slice %arg8[%dma_start3A_120, %dma_start3A_121, %dma_start3A_122] : memref<2x3x112xi32, #tpu.memory_space<vmem>> -> memref<1x3x112xi32, #tpu.memory_space<vmem>>
      %dma_start3A_124 = tpu.memref_squeeze %dma_start3A_123 : memref<1x3x112xi32, #tpu.memory_space<vmem>> -> memref<3x112xi32, #tpu.memory_space<vmem>>
      %dma_start3A_125 = arith.constant 0 : i32
      %dma_start3A_126 = arith.constant 0 : i32
      %dma_start3A_127 = tpu.memref_slice %arg4[%arg1, %dma_start3A_119, %dma_start3A_125, %dma_start3A_126] : memref<16x61x3x112xi32, #tpu.memory_space<hbm>> -> memref<1x1x3x112xi32, #tpu.memory_space<hbm>>
      %dma_start3A_128 = tpu.memref_squeeze %dma_start3A_127 : memref<1x1x3x112xi32, #tpu.memory_space<hbm>> -> memref<3x112xi32, #tpu.memory_space<hbm>>
      %dma_start3A_129 = arith.constant 0 : i32
      %dma_start3A_130 = arith.constant 0 : i32
      %dma_start3A_131 = tpu.memref_slice %arg8[%dma_start3A_120, %dma_start3A_129, %dma_start3A_130] : memref<2x3x112xi32, #tpu.memory_space<vmem>> -> memref<1x3x112xi32, #tpu.memory_space<vmem>>
      %dma_start3A_132 = tpu.memref_squeeze %dma_start3A_131 : memref<1x3x112xi32, #tpu.memory_space<vmem>> -> memref<3x112xi32, #tpu.memory_space<vmem>>
      %dma_start3A_133 = arith.constant 0 : i32
      %dma_start3A_134 = arith.constant 0 : i32
      %dma_start3A_135 = tpu.memref_slice %arg4[%arg1, %dma_start3A_119, %dma_start3A_133, %dma_start3A_134] : memref<16x61x3x112xi32, #tpu.memory_space<hbm>> -> memref<1x1x3x112xi32, #tpu.memory_space<hbm>>
      %dma_start3A_136 = tpu.memref_squeeze %dma_start3A_135 : memref<1x1x3x112xi32, #tpu.memory_space<hbm>> -> memref<3x112xi32, #tpu.memory_space<hbm>>
      tpu.enqueue_dma source(%dma_start3A_136 : memref<3x112xi32, #tpu.memory_space<hbm>>) target(%dma_start3A_132 : memref<3x112xi32, #tpu.memory_space<vmem>>) target_semaphore(%arg17 : memref<!tpu.dma_semaphore, #tpu.memory_space<semaphore_mem>>)
    } else {
    }
    %dma_start3A = arith.constant 0 : i32
    %dma_start3A_8 = arith.constant 0 : i32
    %dma_start3A_9 = arith.constant 0 : i32
    %dma_start3A_10 = arith.constant 0 : i32
    %dma_start3A_11 = tpu.memref_slice %arg9[%dma_start3A_8, %dma_start3A_9, %dma_start3A_10] : memref<2x3x112xi32, #tpu.memory_space<vmem>> -> memref<1x3x112xi32, #tpu.memory_space<vmem>>
    %dma_start3A_12 = tpu.memref_squeeze %dma_start3A_11 : memref<1x3x112xi32, #tpu.memory_space<vmem>> -> memref<3x112xi32, #tpu.memory_space<vmem>>
    %dma_start3A_13 = arith.constant 0 : i32
    %dma_start3A_14 = arith.constant 0 : i32
    %dma_start3A_15 = tpu.memref_slice %arg5[%arg1, %dma_start3A, %dma_start3A_13, %dma_start3A_14] : memref<16x61x3x112xi32, #tpu.memory_space<hbm>> -> memref<1x1x3x112xi32, #tpu.memory_space<hbm>>
    %dma_start3A_16 = tpu.memref_squeeze %dma_start3A_15 : memref<1x1x3x112xi32, #tpu.memory_space<hbm>> -> memref<3x112xi32, #tpu.memory_space<hbm>>
    %dma_start3A_17 = arith.constant 0 : i32
    %dma_start3A_18 = arith.constant 0 : i32
    %dma_start3A_19 = tpu.memref_slice %arg9[%dma_start3A_8, %dma_start3A_17, %dma_start3A_18] : memref<2x3x112xi32, #tpu.memory_space<vmem>> -> memref<1x3x112xi32, #tpu.memory_space<vmem>>
    %dma_start3A_20 = tpu.memref_squeeze %dma_start3A_19 : memref<1x3x112xi32, #tpu.memory_space<vmem>> -> memref<3x112xi32, #tpu.memory_space<vmem>>
    %dma_start3A_21 = arith.constant 0 : i32
    %dma_start3A_22 = arith.constant 0 : i32
    %dma_start3A_23 = tpu.memref_slice %arg5[%arg1, %dma_start3A, %dma_start3A_21, %dma_start3A_22] : memref<16x61x3x112xi32, #tpu.memory_space<hbm>> -> memref<1x1x3x112xi32, #tpu.memory_space<hbm>>
    %dma_start3A_24 = tpu.memref_squeeze %dma_start3A_23 : memref<1x1x3x112xi32, #tpu.memory_space<hbm>> -> memref<3x112xi32, #tpu.memory_space<hbm>>
    tpu.enqueue_dma source(%dma_start3A_24 : memref<3x112xi32, #tpu.memory_space<hbm>>) target(%dma_start3A_20 : memref<3x112xi32, #tpu.memory_space<vmem>>) target_semaphore(%arg17 : memref<!tpu.dma_semaphore, #tpu.memory_space<semaphore_mem>>)
    %dma_wait3A = arith.constant 0 : i32
    %dma_wait3A_25 = arith.constant 0 : i32
    %dma_wait3A_26 = arith.constant 0 : i32
    %dma_wait3A_27 = arith.constant 0 : i32
    %dma_wait3A_28 = tpu.memref_slice %arg8[%dma_wait3A_25, %dma_wait3A_26, %dma_wait3A_27] : memref<2x3x112xi32, #tpu.memory_space<vmem>> -> memref<1x3x112xi32, #tpu.memory_space<vmem>>
    %dma_wait3A_29 = tpu.memref_squeeze %dma_wait3A_28 : memref<1x3x112xi32, #tpu.memory_space<vmem>> -> memref<3x112xi32, #tpu.memory_space<vmem>>
    %dma_wait3A_30 = arith.constant 0 : i32
    %dma_wait3A_31 = arith.constant 0 : i32
    %dma_wait3A_32 = tpu.memref_slice %arg3[%arg1, %dma_wait3A, %dma_wait3A_30, %dma_wait3A_31] : memref<16x61x3x112xi32, #tpu.memory_space<hbm>> -> memref<1x1x3x112xi32, #tpu.memory_space<hbm>>
    %dma_wait3A_33 = tpu.memref_squeeze %dma_wait3A_32 : memref<1x1x3x112xi32, #tpu.memory_space<hbm>> -> memref<3x112xi32, #tpu.memory_space<hbm>>
    %dma_wait3A_34 = arith.constant 0 : i32
    %dma_wait3A_35 = arith.constant 0 : i32
    %dma_wait3A_36 = tpu.memref_slice %arg8[%dma_wait3A_25, %dma_wait3A_34, %dma_wait3A_35] : memref<2x3x112xi32, #tpu.memory_space<vmem>> -> memref<1x3x112xi32, #tpu.memory_space<vmem>>
    %dma_wait3A_37 = tpu.memref_squeeze %dma_wait3A_36 : memref<1x3x112xi32, #tpu.memory_space<vmem>> -> memref<3x112xi32, #tpu.memory_space<vmem>>
    %dma_wait3A_38 = arith.constant 0 : i32
    %dma_wait3A_39 = arith.constant 0 : i32
    %dma_wait3A_40 = tpu.memref_slice %arg3[%arg1, %dma_wait3A, %dma_wait3A_38, %dma_wait3A_39] : memref<16x61x3x112xi32, #tpu.memory_space<hbm>> -> memref<1x1x3x112xi32, #tpu.memory_space<hbm>>
    %dma_wait3A_41 = tpu.memref_squeeze %dma_wait3A_40 : memref<1x1x3x112xi32, #tpu.memory_space<hbm>> -> memref<3x112xi32, #tpu.memory_space<hbm>>
    tpu.wait_dma2 semaphore(%arg17 : memref<!tpu.dma_semaphore, #tpu.memory_space<semaphore_mem>>) src(%dma_wait3A_41 : memref<3x112xi32, #tpu.memory_space<hbm>>) dst(%dma_wait3A_37 : memref<3x112xi32, #tpu.memory_space<vmem>>)
    %dma_wait3A_42 = arith.constant 0 : i32
    %dma_wait3A_43 = arith.constant 0 : i32
    %dma_wait3A_44 = arith.constant 0 : i32
    %dma_wait3A_45 = arith.constant 0 : i32
    %dma_wait3A_46 = tpu.memref_slice %arg9[%dma_wait3A_43, %dma_wait3A_44, %dma_wait3A_45] : memref<2x3x112xi32, #tpu.memory_space<vmem>> -> memref<1x3x112xi32, #tpu.memory_space<vmem>>
    %dma_wait3A_47 = tpu.memref_squeeze %dma_wait3A_46 : memref<1x3x112xi32, #tpu.memory_space<vmem>> -> memref<3x112xi32, #tpu.memory_space<vmem>>
    %dma_wait3A_48 = arith.constant 0 : i32
    %dma_wait3A_49 = arith.constant 0 : i32
    %dma_wait3A_50 = tpu.memref_slice %arg5[%arg1, %dma_wait3A_42, %dma_wait3A_48, %dma_wait3A_49] : memref<16x61x3x112xi32, #tpu.memory_space<hbm>> -> memref<1x1x3x112xi32, #tpu.memory_space<hbm>>
    %dma_wait3A_51 = tpu.memref_squeeze %dma_wait3A_50 : memref<1x1x3x112xi32, #tpu.memory_space<hbm>> -> memref<3x112xi32, #tpu.memory_space<hbm>>
    %dma_wait3A_52 = arith.constant 0 : i32
    %dma_wait3A_53 = arith.constant 0 : i32
    %dma_wait3A_54 = tpu.memref_slice %arg9[%dma_wait3A_43, %dma_wait3A_52, %dma_wait3A_53] : memref<2x3x112xi32, #tpu.memory_space<vmem>> -> memref<1x3x112xi32, #tpu.memory_space<vmem>>
    %dma_wait3A_55 = tpu.memref_squeeze %dma_wait3A_54 : memref<1x3x112xi32, #tpu.memory_space<vmem>> -> memref<3x112xi32, #tpu.memory_space<vmem>>
    %dma_wait3A_56 = arith.constant 0 : i32
    %dma_wait3A_57 = arith.constant 0 : i32
    %dma_wait3A_58 = tpu.memref_slice %arg5[%arg1, %dma_wait3A_42, %dma_wait3A_56, %dma_wait3A_57] : memref<16x61x3x112xi32, #tpu.memory_space<hbm>> -> memref<1x1x3x112xi32, #tpu.memory_space<hbm>>
    %dma_wait3A_59 = tpu.memref_squeeze %dma_wait3A_58 : memref<1x1x3x112xi32, #tpu.memory_space<hbm>> -> memref<3x112xi32, #tpu.memory_space<hbm>>
    tpu.wait_dma2 semaphore(%arg17 : memref<!tpu.dma_semaphore, #tpu.memory_space<semaphore_mem>>) src(%dma_wait3A_59 : memref<3x112xi32, #tpu.memory_space<hbm>>) dst(%dma_wait3A_55 : memref<3x112xi32, #tpu.memory_space<vmem>>)
    %dma_start3A_60 = arith.constant 0 : i32
    %dma_start3A_61 = arith.constant 0 : i32
    %dma_start3A_62 = arith.constant 0 : i32
    %dma_start3A_63 = tpu.memref_slice %arg8[%dma_start3A_60, %dma_start3A_61, %dma_start3A_62] : memref<2x3x112xi32, #tpu.memory_space<vmem>> -> memref<1x1x112xi32, #tpu.memory_space<vmem>>
    %dma_start3A_64 = tpu.memref_squeeze %dma_start3A_63 : memref<1x1x112xi32, #tpu.memory_space<vmem>> -> memref<112xi32, #tpu.memory_space<vmem>>
    %dma_start3A_65 = arith.constant 0 : i32
    %dma_start3A_66 = arith.constant 0 : i32
    %dma_start3A_67 = tpu.memref_slice %arg2[%dma_start3A_65, %dma_start3A_66] : memref<20000x128xf32, #tpu.memory_space<hbm>> -> memref<20000x128xf32, #tpu.memory_space<hbm>>
    tpu.enqueue_indirect_dma source(%dma_start3A_67 : memref<20000x128xf32, #tpu.memory_space<hbm>>) target(%arg10 : memref<112x128xf32, #tpu.memory_space<vmem>>) offsets(%dma_start3A_64 : memref<112xi32, #tpu.memory_space<vmem>>) semaphore(%arg14 : memref<!tpu.dma_semaphore, #tpu.memory_space<semaphore_mem>>)
    %dma_start3A_68 = arith.constant 0 : i32
    %dma_start3A_69 = arith.constant 1 : i32
    %dma_start3A_70 = arith.constant 0 : i32
    %dma_start3A_71 = tpu.memref_slice %arg8[%dma_start3A_68, %dma_start3A_69, %dma_start3A_70] : memref<2x3x112xi32, #tpu.memory_space<vmem>> -> memref<1x1x112xi32, #tpu.memory_space<vmem>>
    %dma_start3A_72 = tpu.memref_squeeze %dma_start3A_71 : memref<1x1x112xi32, #tpu.memory_space<vmem>> -> memref<112xi32, #tpu.memory_space<vmem>>
    %dma_start3A_73 = arith.constant 0 : i32
    %dma_start3A_74 = arith.constant 0 : i32
    %dma_start3A_75 = tpu.memref_slice %arg2[%dma_start3A_73, %dma_start3A_74] : memref<20000x128xf32, #tpu.memory_space<hbm>> -> memref<20000x128xf32, #tpu.memory_space<hbm>>
    tpu.enqueue_indirect_dma source(%dma_start3A_75 : memref<20000x128xf32, #tpu.memory_space<hbm>>) target(%arg11 : memref<112x128xf32, #tpu.memory_space<vmem>>) offsets(%dma_start3A_72 : memref<112xi32, #tpu.memory_space<vmem>>) semaphore(%arg15 : memref<!tpu.dma_semaphore, #tpu.memory_space<semaphore_mem>>)
    "tpu.region"() ({
      %run_scoped3A = tpu.sem_alloc : memref<!tpu.dma_semaphore, #tpu.memory_space<semaphore_mem>>
      %dma_start3A_119 = arith.constant 0 : i32
      %dma_start3A_120 = arith.constant 0 : i32
      %dma_start3A_121 = tpu.memref_slice %arg6[%dma_start3A_119, %dma_start3A_120] : memref<624x128xf32, #tpu.memory_space<hbm>> -> memref<112x128xf32, #tpu.memory_space<hbm>>
      %dma_start3A_122 = arith.constant 0 : i32
      %dma_start3A_123 = arith.constant 0 : i32
      %dma_start3A_124 = tpu.memref_slice %arg6[%dma_start3A_122, %dma_start3A_123] : memref<624x128xf32, #tpu.memory_space<hbm>> -> memref<112x128xf32, #tpu.memory_space<hbm>>
      tpu.enqueue_dma source(%dma_start3A_124 : memref<112x128xf32, #tpu.memory_space<hbm>>) target(%arg12 : memref<112x128xf32, #tpu.memory_space<vmem>>) target_semaphore(%run_scoped3A : memref<!tpu.dma_semaphore, #tpu.memory_space<semaphore_mem>>)
      %dma_wait3A_125 = arith.constant 0 : i32
      %dma_wait3A_126 = arith.constant 0 : i32
      %dma_wait3A_127 = tpu.memref_slice %arg6[%dma_wait3A_125, %dma_wait3A_126] : memref<624x128xf32, #tpu.memory_space<hbm>> -> memref<112x128xf32, #tpu.memory_space<hbm>>
      %dma_wait3A_128 = arith.constant 0 : i32
      %dma_wait3A_129 = arith.constant 0 : i32
      %dma_wait3A_130 = tpu.memref_slice %arg6[%dma_wait3A_128, %dma_wait3A_129] : memref<624x128xf32, #tpu.memory_space<hbm>> -> memref<112x128xf32, #tpu.memory_space<hbm>>
      tpu.wait_dma2 semaphore(%run_scoped3A : memref<!tpu.dma_semaphore, #tpu.memory_space<semaphore_mem>>) src(%dma_wait3A_130 : memref<112x128xf32, #tpu.memory_space<hbm>>) dst(%arg12 : memref<112x128xf32, #tpu.memory_space<vmem>>)
      tpu.yield
    }) : () -> ()
    %add3A = arith.constant 0 : i32
    %add3A_76 = arith.addi %mul3A_0, %add3A : i32
    "tpu.region"() ({
      %run_scoped3A = tpu.sem_alloc : memref<!tpu.dma_semaphore, #tpu.memory_space<semaphore_mem>>
      %dma_start3A_119 = arith.constant 0 : i32
      %dma_start3A_120 = tpu.memref_slice %arg13[%add3A_76, %dma_start3A_119] : memref<10008x128xf32, #tpu.memory_space<vmem_shared>> -> memref<112x128xf32, #tpu.memory_space<vmem_shared>>
      %dma_start3A_121 = arith.constant 0 : i32
      %dma_start3A_122 = tpu.memref_slice %arg13[%add3A_76, %dma_start3A_121] : memref<10008x128xf32, #tpu.memory_space<vmem_shared>> -> memref<112x128xf32, #tpu.memory_space<vmem_shared>>
      tpu.enqueue_dma source(%arg12 : memref<112x128xf32, #tpu.memory_space<vmem>>) target(%dma_start3A_122 : memref<112x128xf32, #tpu.memory_space<vmem_shared>>) target_semaphore(%run_scoped3A : memref<!tpu.dma_semaphore, #tpu.memory_space<semaphore_mem>>)
      %dma_wait3A_123 = arith.constant 0 : i32
      %dma_wait3A_124 = tpu.memref_slice %arg13[%add3A_76, %dma_wait3A_123] : memref<10008x128xf32, #tpu.memory_space<vmem_shared>> -> memref<112x128xf32, #tpu.memory_space<vmem_shared>>
      %dma_wait3A_125 = arith.constant 0 : i32
      %dma_wait3A_126 = tpu.memref_slice %arg13[%add3A_76, %dma_wait3A_125] : memref<10008x128xf32, #tpu.memory_space<vmem_shared>> -> memref<112x128xf32, #tpu.memory_space<vmem_shared>>
      tpu.wait_dma2 semaphore(%run_scoped3A : memref<!tpu.dma_semaphore, #tpu.memory_space<semaphore_mem>>) src(%arg12 : memref<112x128xf32, #tpu.memory_space<vmem>>) dst(%dma_wait3A_126 : memref<112x128xf32, #tpu.memory_space<vmem_shared>>)
      tpu.yield
    }) : () -> ()
    %add3A_77 = arith.constant 112 : i32
    %add3A_78 = arith.addi %mul3A_0, %add3A_77 : i32
    "tpu.region"() ({
      %run_scoped3A = tpu.sem_alloc : memref<!tpu.dma_semaphore, #tpu.memory_space<semaphore_mem>>
      %dma_start3A_119 = arith.constant 0 : i32
      %dma_start3A_120 = tpu.memref_slice %arg13[%add3A_78, %dma_start3A_119] : memref<10008x128xf32, #tpu.memory_space<vmem_shared>> -> memref<112x128xf32, #tpu.memory_space<vmem_shared>>
      %dma_start3A_121 = arith.constant 0 : i32
      %dma_start3A_122 = tpu.memref_slice %arg13[%add3A_78, %dma_start3A_121] : memref<10008x128xf32, #tpu.memory_space<vmem_shared>> -> memref<112x128xf32, #tpu.memory_space<vmem_shared>>
      tpu.enqueue_dma source(%arg12 : memref<112x128xf32, #tpu.memory_space<vmem>>) target(%dma_start3A_122 : memref<112x128xf32, #tpu.memory_space<vmem_shared>>) target_semaphore(%run_scoped3A : memref<!tpu.dma_semaphore, #tpu.memory_space<semaphore_mem>>)
      %dma_wait3A_123 = arith.constant 0 : i32
      %dma_wait3A_124 = tpu.memref_slice %arg13[%add3A_78, %dma_wait3A_123] : memref<10008x128xf32, #tpu.memory_space<vmem_shared>> -> memref<112x128xf32, #tpu.memory_space<vmem_shared>>
      %dma_wait3A_125 = arith.constant 0 : i32
      %dma_wait3A_126 = tpu.memref_slice %arg13[%add3A_78, %dma_wait3A_125] : memref<10008x128xf32, #tpu.memory_space<vmem_shared>> -> memref<112x128xf32, #tpu.memory_space<vmem_shared>>
      tpu.wait_dma2 semaphore(%run_scoped3A : memref<!tpu.dma_semaphore, #tpu.memory_space<semaphore_mem>>) src(%arg12 : memref<112x128xf32, #tpu.memory_space<vmem>>) dst(%dma_wait3A_126 : memref<112x128xf32, #tpu.memory_space<vmem_shared>>)
      tpu.yield
    }) : () -> ()
    %add3A_79 = arith.constant 224 : i32
    %add3A_80 = arith.addi %mul3A_0, %add3A_79 : i32
    "tpu.region"() ({
      %run_scoped3A = tpu.sem_alloc : memref<!tpu.dma_semaphore, #tpu.memory_space<semaphore_mem>>
      %dma_start3A_119 = arith.constant 0 : i32
      %dma_start3A_120 = tpu.memref_slice %arg13[%add3A_80, %dma_start3A_119] : memref<10008x128xf32, #tpu.memory_space<vmem_shared>> -> memref<112x128xf32, #tpu.memory_space<vmem_shared>>
      %dma_start3A_121 = arith.constant 0 : i32
      %dma_start3A_122 = tpu.memref_slice %arg13[%add3A_80, %dma_start3A_121] : memref<10008x128xf32, #tpu.memory_space<vmem_shared>> -> memref<112x128xf32, #tpu.memory_space<vmem_shared>>
      tpu.enqueue_dma source(%arg12 : memref<112x128xf32, #tpu.memory_space<vmem>>) target(%dma_start3A_122 : memref<112x128xf32, #tpu.memory_space<vmem_shared>>) target_semaphore(%run_scoped3A : memref<!tpu.dma_semaphore, #tpu.memory_space<semaphore_mem>>)
      %dma_wait3A_123 = arith.constant 0 : i32
      %dma_wait3A_124 = tpu.memref_slice %arg13[%add3A_80, %dma_wait3A_123] : memref<10008x128xf32, #tpu.memory_space<vmem_shared>> -> memref<112x128xf32, #tpu.memory_space<vmem_shared>>
      %dma_wait3A_125 = arith.constant 0 : i32
      %dma_wait3A_126 = tpu.memref_slice %arg13[%add3A_80, %dma_wait3A_125] : memref<10008x128xf32, #tpu.memory_space<vmem_shared>> -> memref<112x128xf32, #tpu.memory_space<vmem_shared>>
      tpu.wait_dma2 semaphore(%run_scoped3A : memref<!tpu.dma_semaphore, #tpu.memory_space<semaphore_mem>>) src(%arg12 : memref<112x128xf32, #tpu.memory_space<vmem>>) dst(%dma_wait3A_126 : memref<112x128xf32, #tpu.memory_space<vmem_shared>>)
      tpu.yield
    }) : () -> ()
    %add3A_81 = arith.constant 336 : i32
    %add3A_82 = arith.addi %mul3A_0, %add3A_81 : i32
    "tpu.region"() ({
      %run_scoped3A = tpu.sem_alloc : memref<!tpu.dma_semaphore, #tpu.memory_space<semaphore_mem>>
      %dma_start3A_119 = arith.constant 0 : i32
      %dma_start3A_120 = tpu.memref_slice %arg13[%add3A_82, %dma_start3A_119] : memref<10008x128xf32, #tpu.memory_space<vmem_shared>> -> memref<112x128xf32, #tpu.memory_space<vmem_shared>>
      %dma_start3A_121 = arith.constant 0 : i32
      %dma_start3A_122 = tpu.memref_slice %arg13[%add3A_82, %dma_start3A_121] : memref<10008x128xf32, #tpu.memory_space<vmem_shared>> -> memref<112x128xf32, #tpu.memory_space<vmem_shared>>
      tpu.enqueue_dma source(%arg12 : memref<112x128xf32, #tpu.memory_space<vmem>>) target(%dma_start3A_122 : memref<112x128xf32, #tpu.memory_space<vmem_shared>>) target_semaphore(%run_scoped3A : memref<!tpu.dma_semaphore, #tpu.memory_space<semaphore_mem>>)
      %dma_wait3A_123 = arith.constant 0 : i32
      %dma_wait3A_124 = tpu.memref_slice %arg13[%add3A_82, %dma_wait3A_123] : memref<10008x128xf32, #tpu.memory_space<vmem_shared>> -> memref<112x128xf32, #tpu.memory_space<vmem_shared>>
      %dma_wait3A_125 = arith.constant 0 : i32
      %dma_wait3A_126 = tpu.memref_slice %arg13[%add3A_82, %dma_wait3A_125] : memref<10008x128xf32, #tpu.memory_space<vmem_shared>> -> memref<112x128xf32, #tpu.memory_space<vmem_shared>>
      tpu.wait_dma2 semaphore(%run_scoped3A : memref<!tpu.dma_semaphore, #tpu.memory_space<semaphore_mem>>) src(%arg12 : memref<112x128xf32, #tpu.memory_space<vmem>>) dst(%dma_wait3A_126 : memref<112x128xf32, #tpu.memory_space<vmem_shared>>)
      tpu.yield
    }) : () -> ()
    %add3A_83 = arith.constant 448 : i32
    %add3A_84 = arith.addi %mul3A_0, %add3A_83 : i32
    "tpu.region"() ({
      %run_scoped3A = tpu.sem_alloc : memref<!tpu.dma_semaphore, #tpu.memory_space<semaphore_mem>>
      %dma_start3A_119 = arith.constant 0 : i32
      %dma_start3A_120 = tpu.memref_slice %arg13[%add3A_84, %dma_start3A_119] : memref<10008x128xf32, #tpu.memory_space<vmem_shared>> -> memref<112x128xf32, #tpu.memory_space<vmem_shared>>
      %dma_start3A_121 = arith.constant 0 : i32
      %dma_start3A_122 = tpu.memref_slice %arg13[%add3A_84, %dma_start3A_121] : memref<10008x128xf32, #tpu.memory_space<vmem_shared>> -> memref<112x128xf32, #tpu.memory_space<vmem_shared>>
      tpu.enqueue_dma source(%arg12 : memref<112x128xf32, #tpu.memory_space<vmem>>) target(%dma_start3A_122 : memref<112x128xf32, #tpu.memory_space<vmem_shared>>) target_semaphore(%run_scoped3A : memref<!tpu.dma_semaphore, #tpu.memory_space<semaphore_mem>>)
      %dma_wait3A_123 = arith.constant 0 : i32
      %dma_wait3A_124 = tpu.memref_slice %arg13[%add3A_84, %dma_wait3A_123] : memref<10008x128xf32, #tpu.memory_space<vmem_shared>> -> memref<112x128xf32, #tpu.memory_space<vmem_shared>>
      %dma_wait3A_125 = arith.constant 0 : i32
      %dma_wait3A_126 = tpu.memref_slice %arg13[%add3A_84, %dma_wait3A_125] : memref<10008x128xf32, #tpu.memory_space<vmem_shared>> -> memref<112x128xf32, #tpu.memory_space<vmem_shared>>
      tpu.wait_dma2 semaphore(%run_scoped3A : memref<!tpu.dma_semaphore, #tpu.memory_space<semaphore_mem>>) src(%arg12 : memref<112x128xf32, #tpu.memory_space<vmem>>) dst(%dma_wait3A_126 : memref<112x128xf32, #tpu.memory_space<vmem_shared>>)
      tpu.yield
    }) : () -> ()
    %add3A_85 = arith.constant 560 : i32
    %add3A_86 = arith.addi %mul3A_0, %add3A_85 : i32
    "tpu.region"() ({
      %run_scoped3A = tpu.sem_alloc : memref<!tpu.dma_semaphore, #tpu.memory_space<semaphore_mem>>
      %dma_start3A_119 = arith.constant 0 : i32
      %dma_start3A_120 = arith.constant 0 : i32
      %dma_start3A_121 = tpu.memref_slice %arg12[%dma_start3A_119, %dma_start3A_120] : memref<112x128xf32, #tpu.memory_space<vmem>> -> memref<64x128xf32, #tpu.memory_space<vmem>>
      %dma_start3A_122 = arith.constant 0 : i32
      %dma_start3A_123 = tpu.memref_slice %arg13[%add3A_86, %dma_start3A_122] : memref<10008x128xf32, #tpu.memory_space<vmem_shared>> -> memref<64x128xf32, #tpu.memory_space<vmem_shared>>
      %dma_start3A_124 = arith.constant 0 : i32
      %dma_start3A_125 = tpu.memref_slice %arg13[%add3A_86, %dma_start3A_124] : memref<10008x128xf32, #tpu.memory_space<vmem_shared>> -> memref<64x128xf32, #tpu.memory_space<vmem_shared>>
      %dma_start3A_126 = arith.constant 0 : i32
      %dma_start3A_127 = arith.constant 0 : i32
      %dma_start3A_128 = tpu.memref_slice %arg12[%dma_start3A_126, %dma_start3A_127] : memref<112x128xf32, #tpu.memory_space<vmem>> -> memref<64x128xf32, #tpu.memory_space<vmem>>
      tpu.enqueue_dma source(%dma_start3A_128 : memref<64x128xf32, #tpu.memory_space<vmem>>) target(%dma_start3A_125 : memref<64x128xf32, #tpu.memory_space<vmem_shared>>) target_semaphore(%run_scoped3A : memref<!tpu.dma_semaphore, #tpu.memory_space<semaphore_mem>>)
      %dma_wait3A_129 = arith.constant 0 : i32
      %dma_wait3A_130 = arith.constant 0 : i32
      %dma_wait3A_131 = tpu.memref_slice %arg12[%dma_wait3A_129, %dma_wait3A_130] : memref<112x128xf32, #tpu.memory_space<vmem>> -> memref<64x128xf32, #tpu.memory_space<vmem>>
      %dma_wait3A_132 = arith.constant 0 : i32
      %dma_wait3A_133 = tpu.memref_slice %arg13[%add3A_86, %dma_wait3A_132] : memref<10008x128xf32, #tpu.memory_space<vmem_shared>> -> memref<64x128xf32, #tpu.memory_space<vmem_shared>>
      %dma_wait3A_134 = arith.constant 0 : i32
      %dma_wait3A_135 = tpu.memref_slice %arg13[%add3A_86, %dma_wait3A_134] : memref<10008x128xf32, #tpu.memory_space<vmem_shared>> -> memref<64x128xf32, #tpu.memory_space<vmem_shared>>
      %dma_wait3A_136 = arith.constant 0 : i32
      %dma_wait3A_137 = arith.constant 0 : i32
      %dma_wait3A_138 = tpu.memref_slice %arg12[%dma_wait3A_136, %dma_wait3A_137] : memref<112x128xf32, #tpu.memory_space<vmem>> -> memref<64x128xf32, #tpu.memory_space<vmem>>
      tpu.wait_dma2 semaphore(%run_scoped3A : memref<!tpu.dma_semaphore, #tpu.memory_space<semaphore_mem>>) src(%dma_wait3A_138 : memref<64x128xf32, #tpu.memory_space<vmem>>) dst(%dma_wait3A_135 : memref<64x128xf32, #tpu.memory_space<vmem_shared>>)
      tpu.yield
    }) : () -> ()
    %eq3A_87 = arith.constant 15 : i32
    %eq3A_88 = arith.cmpi eq, %arg1, %eq3A_87 : i32
    %convert_element_type3A_89 = arith.extui %eq3A_88 : i1 to i32
    %cond3A_90 = arith.constant 0 : i32
    %cond3A_91 = arith.cmpi ne, %convert_element_type3A_89, %cond3A_90 : i32
    scf.if %cond3A_91 {
      "tpu.region"() ({
        %run_scoped3A = tpu.sem_alloc : memref<!tpu.dma_semaphore, #tpu.memory_space<semaphore_mem>>
        %dma_start3A_119 = arith.constant 0 : i32
        %dma_start3A_120 = arith.constant 0 : i32
        %dma_start3A_121 = tpu.memref_slice %arg12[%dma_start3A_119, %dma_start3A_120] : memref<112x128xf32, #tpu.memory_space<vmem>> -> memref<24x128xf32, #tpu.memory_space<vmem>>
        %dma_start3A_122 = arith.constant 9984 : i32
        %dma_start3A_123 = arith.constant 0 : i32
        %dma_start3A_124 = tpu.memref_slice %arg13[%dma_start3A_122, %dma_start3A_123] : memref<10008x128xf32, #tpu.memory_space<vmem_shared>> -> memref<24x128xf32, #tpu.memory_space<vmem_shared>>
        %dma_start3A_125 = arith.constant 9984 : i32
        %dma_start3A_126 = arith.constant 0 : i32
        %dma_start3A_127 = tpu.memref_slice %arg13[%dma_start3A_125, %dma_start3A_126] : memref<10008x128xf32, #tpu.memory_space<vmem_shared>> -> memref<24x128xf32, #tpu.memory_space<vmem_shared>>
        %dma_start3A_128 = arith.constant 0 : i32
        %dma_start3A_129 = arith.constant 0 : i32
        %dma_start3A_130 = tpu.memref_slice %arg12[%dma_start3A_128, %dma_start3A_129] : memref<112x128xf32, #tpu.memory_space<vmem>> -> memref<24x128xf32, #tpu.memory_space<vmem>>
        tpu.enqueue_dma source(%dma_start3A_130 : memref<24x128xf32, #tpu.memory_space<vmem>>) target(%dma_start3A_127 : memref<24x128xf32, #tpu.memory_space<vmem_shared>>) target_semaphore(%run_scoped3A : memref<!tpu.dma_semaphore, #tpu.memory_space<semaphore_mem>>)
        %dma_wait3A_131 = arith.constant 0 : i32
        %dma_wait3A_132 = arith.constant 0 : i32
        %dma_wait3A_133 = tpu.memref_slice %arg12[%dma_wait3A_131, %dma_wait3A_132] : memref<112x128xf32, #tpu.memory_space<vmem>> -> memref<24x128xf32, #tpu.memory_space<vmem>>
        %dma_wait3A_134 = arith.constant 9984 : i32
        %dma_wait3A_135 = arith.constant 0 : i32
        %dma_wait3A_136 = tpu.memref_slice %arg13[%dma_wait3A_134, %dma_wait3A_135] : memref<10008x128xf32, #tpu.memory_space<vmem_shared>> -> memref<24x128xf32, #tpu.memory_space<vmem_shared>>
        %dma_wait3A_137 = arith.constant 9984 : i32
        %dma_wait3A_138 = arith.constant 0 : i32
        %dma_wait3A_139 = tpu.memref_slice %arg13[%dma_wait3A_137, %dma_wait3A_138] : memref<10008x128xf32, #tpu.memory_space<vmem_shared>> -> memref<24x128xf32, #tpu.memory_space<vmem_shared>>
        %dma_wait3A_140 = arith.constant 0 : i32
        %dma_wait3A_141 = arith.constant 0 : i32
        %dma_wait3A_142 = tpu.memref_slice %arg12[%dma_wait3A_140, %dma_wait3A_141] : memref<112x128xf32, #tpu.memory_space<vmem>> -> memref<24x128xf32, #tpu.memory_space<vmem>>
        tpu.wait_dma2 semaphore(%run_scoped3A : memref<!tpu.dma_semaphore, #tpu.memory_space<semaphore_mem>>) src(%dma_wait3A_142 : memref<24x128xf32, #tpu.memory_space<vmem>>) dst(%dma_wait3A_139 : memref<24x128xf32, #tpu.memory_space<vmem_shared>>)
        tpu.yield
      }) : () -> ()
    } else {
    }
    %barrier3A = arith.constant 0 : index
    tpu.barrier barrier_id(%barrier3A)
    %broadcast_in_dim3A = arith.constant 1.000000e+00 : f32
    %broadcast_in_dim3A_92 = vector.broadcast %broadcast_in_dim3A : f32 to vector<16xf32>
    %scan3A = arith.constant 0 : i32
    %scan3A_93 = arith.constant 60 : i32
    %scan3A_94 = arith.addi %scan3A, %scan3A_93 : i32
    %scan3A_95 = arith.constant 1 : i32
    scf.for %scan3A_119 = %scan3A to %scan3A_94 step %scan3A_95  : i32 {
      %mul3A_120 = arith.constant 1 : i32
      %mul3A_121 = arith.muli %scan3A_119, %mul3A_120 : i32
      %add3A_122 = arith.constant 0 : i32
      %add3A_123 = arith.addi %add3A_122, %mul3A_121 : i32
      %rem3A_124 = arith.constant 2 : i32
      %rem3A_125 = arith.remsi %add3A_123, %rem3A_124 : i32
      %add3A_126 = arith.constant 1 : i32
      %add3A_127 = arith.addi %add3A_123, %add3A_126 : i32
      %sub3A = arith.constant 1 : i32
      %sub3A_128 = arith.subi %sub3A, %rem3A_125 : i32
      %eq3A_129 = arith.constant 0 : i32
      %eq3A_130 = arith.cmpi eq, %arg0, %eq3A_129 : i32
      %convert_element_type3A_131 = arith.extui %eq3A_130 : i1 to i32
      %cond3A_132 = arith.constant 0 : i32
      %cond3A_133 = arith.cmpi ne, %convert_element_type3A_131, %cond3A_132 : i32
      scf.if %cond3A_133 {
        %dma_start3A_239 = arith.constant 0 : i32
        %dma_start3A_240 = arith.constant 0 : i32
        %dma_start3A_241 = tpu.memref_slice %arg8[%sub3A_128, %dma_start3A_239, %dma_start3A_240] : memref<2x3x112xi32, #tpu.memory_space<vmem>> -> memref<1x3x112xi32, #tpu.memory_space<vmem>>
        %dma_start3A_242 = tpu.memref_squeeze %dma_start3A_241 : memref<1x3x112xi32, #tpu.memory_space<vmem>> -> memref<3x112xi32, #tpu.memory_space<vmem>>
        %dma_start3A_243 = arith.constant 0 : i32
        %dma_start3A_244 = arith.constant 0 : i32
        %dma_start3A_245 = tpu.memref_slice %arg3[%arg1, %add3A_127, %dma_start3A_243, %dma_start3A_244] : memref<16x61x3x112xi32, #tpu.memory_space<hbm>> -> memref<1x1x3x112xi32, #tpu.memory_space<hbm>>
        %dma_start3A_246 = tpu.memref_squeeze %dma_start3A_245 : memref<1x1x3x112xi32, #tpu.memory_space<hbm>> -> memref<3x112xi32, #tpu.memory_space<hbm>>
        %dma_start3A_247 = arith.constant 0 : i32
        %dma_start3A_248 = arith.constant 0 : i32
        %dma_start3A_249 = tpu.memref_slice %arg8[%sub3A_128, %dma_start3A_247, %dma_start3A_248] : memref<2x3x112xi32, #tpu.memory_space<vmem>> -> memref<1x3x112xi32, #tpu.memory_space<vmem>>
        %dma_start3A_250 = tpu.memref_squeeze %dma_start3A_249 : memref<1x3x112xi32, #tpu.memory_space<vmem>> -> memref<3x112xi32, #tpu.memory_space<vmem>>
        %dma_start3A_251 = arith.constant 0 : i32
        %dma_start3A_252 = arith.constant 0 : i32
        %dma_start3A_253 = tpu.memref_slice %arg3[%arg1, %add3A_127, %dma_start3A_251, %dma_start3A_252] : memref<16x61x3x112xi32, #tpu.memory_space<hbm>> -> memref<1x1x3x112xi32, #tpu.memory_space<hbm>>
        %dma_start3A_254 = tpu.memref_squeeze %dma_start3A_253 : memref<1x1x3x112xi32, #tpu.memory_space<hbm>> -> memref<3x112xi32, #tpu.memory_space<hbm>>
        tpu.enqueue_dma source(%dma_start3A_254 : memref<3x112xi32, #tpu.memory_space<hbm>>) target(%dma_start3A_250 : memref<3x112xi32, #tpu.memory_space<vmem>>) target_semaphore(%arg17 : memref<!tpu.dma_semaphore, #tpu.memory_space<semaphore_mem>>)
      } else {
      }
      %eq3A_134 = arith.constant 1 : i32
      %eq3A_135 = arith.cmpi eq, %arg0, %eq3A_134 : i32
      %convert_element_type3A_136 = arith.extui %eq3A_135 : i1 to i32
      %cond3A_137 = arith.constant 0 : i32
      %cond3A_138 = arith.cmpi ne, %convert_element_type3A_136, %cond3A_137 : i32
      scf.if %cond3A_138 {
        %dma_start3A_239 = arith.constant 0 : i32
        %dma_start3A_240 = arith.constant 0 : i32
        %dma_start3A_241 = tpu.memref_slice %arg8[%sub3A_128, %dma_start3A_239, %dma_start3A_240] : memref<2x3x112xi32, #tpu.memory_space<vmem>> -> memref<1x3x112xi32, #tpu.memory_space<vmem>>
        %dma_start3A_242 = tpu.memref_squeeze %dma_start3A_241 : memref<1x3x112xi32, #tpu.memory_space<vmem>> -> memref<3x112xi32, #tpu.memory_space<vmem>>
        %dma_start3A_243 = arith.constant 0 : i32
        %dma_start3A_244 = arith.constant 0 : i32
        %dma_start3A_245 = tpu.memref_slice %arg4[%arg1, %add3A_127, %dma_start3A_243, %dma_start3A_244] : memref<16x61x3x112xi32, #tpu.memory_space<hbm>> -> memref<1x1x3x112xi32, #tpu.memory_space<hbm>>
        %dma_start3A_246 = tpu.memref_squeeze %dma_start3A_245 : memref<1x1x3x112xi32, #tpu.memory_space<hbm>> -> memref<3x112xi32, #tpu.memory_space<hbm>>
        %dma_start3A_247 = arith.constant 0 : i32
        %dma_start3A_248 = arith.constant 0 : i32
        %dma_start3A_249 = tpu.memref_slice %arg8[%sub3A_128, %dma_start3A_247, %dma_start3A_248] : memref<2x3x112xi32, #tpu.memory_space<vmem>> -> memref<1x3x112xi32, #tpu.memory_space<vmem>>
        %dma_start3A_250 = tpu.memref_squeeze %dma_start3A_249 : memref<1x3x112xi32, #tpu.memory_space<vmem>> -> memref<3x112xi32, #tpu.memory_space<vmem>>
        %dma_start3A_251 = arith.constant 0 : i32
        %dma_start3A_252 = arith.constant 0 : i32
        %dma_start3A_253 = tpu.memref_slice %arg4[%arg1, %add3A_127, %dma_start3A_251, %dma_start3A_252] : memref<16x61x3x112xi32, #tpu.memory_space<hbm>> -> memref<1x1x3x112xi32, #tpu.memory_space<hbm>>
        %dma_start3A_254 = tpu.memref_squeeze %dma_start3A_253 : memref<1x1x3x112xi32, #tpu.memory_space<hbm>> -> memref<3x112xi32, #tpu.memory_space<hbm>>
        tpu.enqueue_dma source(%dma_start3A_254 : memref<3x112xi32, #tpu.memory_space<hbm>>) target(%dma_start3A_250 : memref<3x112xi32, #tpu.memory_space<vmem>>) target_semaphore(%arg17 : memref<!tpu.dma_semaphore, #tpu.memory_space<semaphore_mem>>)
      } else {
      }
      %dma_start3A_139 = arith.constant 0 : i32
      %dma_start3A_140 = arith.constant 0 : i32
      %dma_start3A_141 = tpu.memref_slice %arg9[%sub3A_128, %dma_start3A_139, %dma_start3A_140] : memref<2x3x112xi32, #tpu.memory_space<vmem>> -> memref<1x3x112xi32, #tpu.memory_space<vmem>>
      %dma_start3A_142 = tpu.memref_squeeze %dma_start3A_141 : memref<1x3x112xi32, #tpu.memory_space<vmem>> -> memref<3x112xi32, #tpu.memory_space<vmem>>
      %dma_start3A_143 = arith.constant 0 : i32
      %dma_start3A_144 = arith.constant 0 : i32
      %dma_start3A_145 = tpu.memref_slice %arg5[%arg1, %add3A_127, %dma_start3A_143, %dma_start3A_144] : memref<16x61x3x112xi32, #tpu.memory_space<hbm>> -> memref<1x1x3x112xi32, #tpu.memory_space<hbm>>
      %dma_start3A_146 = tpu.memref_squeeze %dma_start3A_145 : memref<1x1x3x112xi32, #tpu.memory_space<hbm>> -> memref<3x112xi32, #tpu.memory_space<hbm>>
      %dma_start3A_147 = arith.constant 0 : i32
      %dma_start3A_148 = arith.constant 0 : i32
      %dma_start3A_149 = tpu.memref_slice %arg9[%sub3A_128, %dma_start3A_147, %dma_start3A_148] : memref<2x3x112xi32, #tpu.memory_space<vmem>> -> memref<1x3x112xi32, #tpu.memory_space<vmem>>
      %dma_start3A_150 = tpu.memref_squeeze %dma_start3A_149 : memref<1x3x112xi32, #tpu.memory_space<vmem>> -> memref<3x112xi32, #tpu.memory_space<vmem>>
      %dma_start3A_151 = arith.constant 0 : i32
      %dma_start3A_152 = arith.constant 0 : i32
      %dma_start3A_153 = tpu.memref_slice %arg5[%arg1, %add3A_127, %dma_start3A_151, %dma_start3A_152] : memref<16x61x3x112xi32, #tpu.memory_space<hbm>> -> memref<1x1x3x112xi32, #tpu.memory_space<hbm>>
      %dma_start3A_154 = tpu.memref_squeeze %dma_start3A_153 : memref<1x1x3x112xi32, #tpu.memory_space<hbm>> -> memref<3x112xi32, #tpu.memory_space<hbm>>
      tpu.enqueue_dma source(%dma_start3A_154 : memref<3x112xi32, #tpu.memory_space<hbm>>) target(%dma_start3A_150 : memref<3x112xi32, #tpu.memory_space<vmem>>) target_semaphore(%arg17 : memref<!tpu.dma_semaphore, #tpu.memory_space<semaphore_mem>>)
      %dma_start3A_155 = arith.constant 2 : i32
      %dma_start3A_156 = arith.constant 0 : i32
      %dma_start3A_157 = tpu.memref_slice %arg8[%rem3A_125, %dma_start3A_155, %dma_start3A_156] : memref<2x3x112xi32, #tpu.memory_space<vmem>> -> memref<1x1x112xi32, #tpu.memory_space<vmem>>
      %dma_start3A_158 = tpu.memref_squeeze %dma_start3A_157 : memref<1x1x112xi32, #tpu.memory_space<vmem>> -> memref<112xi32, #tpu.memory_space<vmem>>
      %dma_start3A_159 = arith.constant 0 : i32
      %dma_start3A_160 = arith.constant 0 : i32
      %dma_start3A_161 = tpu.memref_slice %arg2[%dma_start3A_159, %dma_start3A_160] : memref<20000x128xf32, #tpu.memory_space<hbm>> -> memref<20000x128xf32, #tpu.memory_space<hbm>>
      tpu.enqueue_indirect_dma source(%dma_start3A_161 : memref<20000x128xf32, #tpu.memory_space<hbm>>) target(%arg12 : memref<112x128xf32, #tpu.memory_space<vmem>>) offsets(%dma_start3A_158 : memref<112xi32, #tpu.memory_space<vmem>>) semaphore(%arg16 : memref<!tpu.dma_semaphore, #tpu.memory_space<semaphore_mem>>)
      %dma_wait3A_162 = arith.constant 0 : i32
      %dma_wait3A_163 = arith.constant 0 : i32
      %dma_wait3A_164 = tpu.memref_slice %arg8[%rem3A_125, %dma_wait3A_162, %dma_wait3A_163] : memref<2x3x112xi32, #tpu.memory_space<vmem>> -> memref<1x1x112xi32, #tpu.memory_space<vmem>>
      %dma_wait3A_165 = tpu.memref_squeeze %dma_wait3A_164 : memref<1x1x112xi32, #tpu.memory_space<vmem>> -> memref<112xi32, #tpu.memory_space<vmem>>
      %dma_wait3A_166 = arith.constant 0 : i32
      %dma_wait3A_167 = arith.constant 0 : i32
      %dma_wait3A_168 = tpu.memref_slice %arg2[%dma_wait3A_166, %dma_wait3A_167] : memref<20000x128xf32, #tpu.memory_space<hbm>> -> memref<20000x128xf32, #tpu.memory_space<hbm>>
      tpu.wait_indirect_dma semaphore(%arg14 : memref<!tpu.dma_semaphore, #tpu.memory_space<semaphore_mem>>) src(%dma_wait3A_168 : memref<20000x128xf32, #tpu.memory_space<hbm>>) dst(%arg10 : memref<112x128xf32, #tpu.memory_space<vmem>>)
      %run_scoped3A = arith.constant 0 : i32
      "tpu.region"() ({
        %run_scoped3A_239 = tpu.sem_alloc : memref<!tpu.dma_semaphore, #tpu.memory_space<semaphore_mem>>
        %dma_start3A_240 = arith.constant 0 : i32
        %dma_start3A_241 = tpu.memref_slice %arg9[%rem3A_125, %run_scoped3A, %dma_start3A_240] : memref<2x3x112xi32, #tpu.memory_space<vmem>> -> memref<1x1x112xi32, #tpu.memory_space<vmem>>
        %dma_start3A_242 = tpu.memref_squeeze %dma_start3A_241 : memref<1x1x112xi32, #tpu.memory_space<vmem>> -> memref<112xi32, #tpu.memory_space<vmem>>
        %dma_start3A_243 = arith.constant 0 : i32
        %dma_start3A_244 = arith.constant 0 : i32
        %dma_start3A_245 = tpu.memref_slice %arg13[%dma_start3A_243, %dma_start3A_244] : memref<10008x128xf32, #tpu.memory_space<vmem_shared>> -> memref<10008x128xf32, #tpu.memory_space<vmem_shared>>
        tpu.enqueue_indirect_dma source(%arg10 : memref<112x128xf32, #tpu.memory_space<vmem>>) target(%dma_start3A_245 : memref<10008x128xf32, #tpu.memory_space<vmem_shared>>) offsets(%dma_start3A_242 : memref<112xi32, #tpu.memory_space<vmem>>) semaphore(%run_scoped3A_239 : memref<!tpu.dma_semaphore, #tpu.memory_space<semaphore_mem>>) {add = true}
        %dma_wait3A_246 = arith.constant 0 : i32
        %dma_wait3A_247 = tpu.memref_slice %arg9[%rem3A_125, %run_scoped3A, %dma_wait3A_246] : memref<2x3x112xi32, #tpu.memory_space<vmem>> -> memref<1x1x112xi32, #tpu.memory_space<vmem>>
        %dma_wait3A_248 = tpu.memref_squeeze %dma_wait3A_247 : memref<1x1x112xi32, #tpu.memory_space<vmem>> -> memref<112xi32, #tpu.memory_space<vmem>>
        %dma_wait3A_249 = arith.constant 0 : i32
        %dma_wait3A_250 = arith.constant 0 : i32
        %dma_wait3A_251 = tpu.memref_slice %arg13[%dma_wait3A_249, %dma_wait3A_250] : memref<10008x128xf32, #tpu.memory_space<vmem_shared>> -> memref<10008x128xf32, #tpu.memory_space<vmem_shared>>
        tpu.wait_indirect_dma semaphore(%run_scoped3A_239 : memref<!tpu.dma_semaphore, #tpu.memory_space<semaphore_mem>>) src(%arg10 : memref<112x128xf32, #tpu.memory_space<vmem>>) dst(%dma_wait3A_251 : memref<10008x128xf32, #tpu.memory_space<vmem_shared>>)
        tpu.yield
      }) : () -> ()
      %add3A_169 = arith.constant 1 : i32
      %add3A_170 = arith.addi %add3A_123, %add3A_169 : i32
      %sub3A_171 = arith.constant 1 : i32
      %sub3A_172 = arith.subi %sub3A_171, %rem3A_125 : i32
      %dma_wait3A_173 = arith.constant 0 : i32
      %dma_wait3A_174 = arith.constant 0 : i32
      %dma_wait3A_175 = tpu.memref_slice %arg8[%sub3A_172, %dma_wait3A_173, %dma_wait3A_174] : memref<2x3x112xi32, #tpu.memory_space<vmem>> -> memref<1x3x112xi32, #tpu.memory_space<vmem>>
      %dma_wait3A_176 = tpu.memref_squeeze %dma_wait3A_175 : memref<1x3x112xi32, #tpu.memory_space<vmem>> -> memref<3x112xi32, #tpu.memory_space<vmem>>
      %dma_wait3A_177 = arith.constant 0 : i32
      %dma_wait3A_178 = arith.constant 0 : i32
      %dma_wait3A_179 = tpu.memref_slice %arg3[%arg1, %add3A_170, %dma_wait3A_177, %dma_wait3A_178] : memref<16x61x3x112xi32, #tpu.memory_space<hbm>> -> memref<1x1x3x112xi32, #tpu.memory_space<hbm>>
      %dma_wait3A_180 = tpu.memref_squeeze %dma_wait3A_179 : memref<1x1x3x112xi32, #tpu.memory_space<hbm>> -> memref<3x112xi32, #tpu.memory_space<hbm>>
      %dma_wait3A_181 = arith.constant 0 : i32
      %dma_wait3A_182 = arith.constant 0 : i32
      %dma_wait3A_183 = tpu.memref_slice %arg8[%sub3A_172, %dma_wait3A_181, %dma_wait3A_182] : memref<2x3x112xi32, #tpu.memory_space<vmem>> -> memref<1x3x112xi32, #tpu.memory_space<vmem>>
      %dma_wait3A_184 = tpu.memref_squeeze %dma_wait3A_183 : memref<1x3x112xi32, #tpu.memory_space<vmem>> -> memref<3x112xi32, #tpu.memory_space<vmem>>
      %dma_wait3A_185 = arith.constant 0 : i32
      %dma_wait3A_186 = arith.constant 0 : i32
      %dma_wait3A_187 = tpu.memref_slice %arg3[%arg1, %add3A_170, %dma_wait3A_185, %dma_wait3A_186] : memref<16x61x3x112xi32, #tpu.memory_space<hbm>> -> memref<1x1x3x112xi32, #tpu.memory_space<hbm>>
      %dma_wait3A_188 = tpu.memref_squeeze %dma_wait3A_187 : memref<1x1x3x112xi32, #tpu.memory_space<hbm>> -> memref<3x112xi32, #tpu.memory_space<hbm>>
      tpu.wait_dma2 semaphore(%arg17 : memref<!tpu.dma_semaphore, #tpu.memory_space<semaphore_mem>>) src(%dma_wait3A_188 : memref<3x112xi32, #tpu.memory_space<hbm>>) dst(%dma_wait3A_184 : memref<3x112xi32, #tpu.memory_space<vmem>>)
      %dma_wait3A_189 = arith.constant 0 : i32
      %dma_wait3A_190 = arith.constant 0 : i32
      %dma_wait3A_191 = tpu.memref_slice %arg9[%sub3A_172, %dma_wait3A_189, %dma_wait3A_190] : memref<2x3x112xi32, #tpu.memory_space<vmem>> -> memref<1x3x112xi32, #tpu.memory_space<vmem>>
      %dma_wait3A_192 = tpu.memref_squeeze %dma_wait3A_191 : memref<1x3x112xi32, #tpu.memory_space<vmem>> -> memref<3x112xi32, #tpu.memory_space<vmem>>
      %dma_wait3A_193 = arith.constant 0 : i32
      %dma_wait3A_194 = arith.constant 0 : i32
      %dma_wait3A_195 = tpu.memref_slice %arg5[%arg1, %add3A_170, %dma_wait3A_193, %dma_wait3A_194] : memref<16x61x3x112xi32, #tpu.memory_space<hbm>> -> memref<1x1x3x112xi32, #tpu.memory_space<hbm>>
      %dma_wait3A_196 = tpu.memref_squeeze %dma_wait3A_195 : memref<1x1x3x112xi32, #tpu.memory_space<hbm>> -> memref<3x112xi32, #tpu.memory_space<hbm>>
      %dma_wait3A_197 = arith.constant 0 : i32
      %dma_wait3A_198 = arith.constant 0 : i32
      %dma_wait3A_199 = tpu.memref_slice %arg9[%sub3A_172, %dma_wait3A_197, %dma_wait3A_198] : memref<2x3x112xi32, #tpu.memory_space<vmem>> -> memref<1x3x112xi32, #tpu.memory_space<vmem>>
      %dma_wait3A_200 = tpu.memref_squeeze %dma_wait3A_199 : memref<1x3x112xi32, #tpu.memory_space<vmem>> -> memref<3x112xi32, #tpu.memory_space<vmem>>
      %dma_wait3A_201 = arith.constant 0 : i32
      %dma_wait3A_202 = arith.constant 0 : i32
      %dma_wait3A_203 = tpu.memref_slice %arg5[%arg1, %add3A_170, %dma_wait3A_201, %dma_wait3A_202] : memref<16x61x3x112xi32, #tpu.memory_space<hbm>> -> memref<1x1x3x112xi32, #tpu.memory_space<hbm>>
      %dma_wait3A_204 = tpu.memref_squeeze %dma_wait3A_203 : memref<1x1x3x112xi32, #tpu.memory_space<hbm>> -> memref<3x112xi32, #tpu.memory_space<hbm>>
      tpu.wait_dma2 semaphore(%arg17 : memref<!tpu.dma_semaphore, #tpu.memory_space<semaphore_mem>>) src(%dma_wait3A_204 : memref<3x112xi32, #tpu.memory_space<hbm>>) dst(%dma_wait3A_200 : memref<3x112xi32, #tpu.memory_space<vmem>>)
      %sub3A_205 = arith.constant 1 : i32
      %sub3A_206 = arith.subi %sub3A_205, %rem3A_125 : i32
      %dma_start3A_207 = arith.constant 0 : i32
      %dma_start3A_208 = arith.constant 0 : i32
      %dma_start3A_209 = tpu.memref_slice %arg8[%sub3A_206, %dma_start3A_207, %dma_start3A_208] : memref<2x3x112xi32, #tpu.memory_space<vmem>> -> memref<1x1x112xi32, #tpu.memory_space<vmem>>
      %dma_start3A_210 = tpu.memref_squeeze %dma_start3A_209 : memref<1x1x112xi32, #tpu.memory_space<vmem>> -> memref<112xi32, #tpu.memory_space<vmem>>
      %dma_start3A_211 = arith.constant 0 : i32
      %dma_start3A_212 = arith.constant 0 : i32
      %dma_start3A_213 = tpu.memref_slice %arg2[%dma_start3A_211, %dma_start3A_212] : memref<20000x128xf32, #tpu.memory_space<hbm>> -> memref<20000x128xf32, #tpu.memory_space<hbm>>
      tpu.enqueue_indirect_dma source(%dma_start3A_213 : memref<20000x128xf32, #tpu.memory_space<hbm>>) target(%arg10 : memref<112x128xf32, #tpu.memory_space<vmem>>) offsets(%dma_start3A_210 : memref<112xi32, #tpu.memory_space<vmem>>) semaphore(%arg14 : memref<!tpu.dma_semaphore, #tpu.memory_space<semaphore_mem>>)
      %dma_wait3A_214 = arith.constant 1 : i32
      %dma_wait3A_215 = arith.constant 0 : i32
      %dma_wait3A_216 = tpu.memref_slice %arg8[%rem3A_125, %dma_wait3A_214, %dma_wait3A_215] : memref<2x3x112xi32, #tpu.memory_space<vmem>> -> memref<1x1x112xi32, #tpu.memory_space<vmem>>
      %dma_wait3A_217 = tpu.memref_squeeze %dma_wait3A_216 : memref<1x1x112xi32, #tpu.memory_space<vmem>> -> memref<112xi32, #tpu.memory_space<vmem>>
      %dma_wait3A_218 = arith.constant 0 : i32
      %dma_wait3A_219 = arith.constant 0 : i32
      %dma_wait3A_220 = tpu.memref_slice %arg2[%dma_wait3A_218, %dma_wait3A_219] : memref<20000x128xf32, #tpu.memory_space<hbm>> -> memref<20000x128xf32, #tpu.memory_space<hbm>>
      tpu.wait_indirect_dma semaphore(%arg15 : memref<!tpu.dma_semaphore, #tpu.memory_space<semaphore_mem>>) src(%dma_wait3A_220 : memref<20000x128xf32, #tpu.memory_space<hbm>>) dst(%arg11 : memref<112x128xf32, #tpu.memory_space<vmem>>)
      %run_scoped3A_221 = arith.constant 1 : i32
      "tpu.region"() ({
        %run_scoped3A_239 = tpu.sem_alloc : memref<!tpu.dma_semaphore, #tpu.memory_space<semaphore_mem>>
        %dma_start3A_240 = arith.constant 0 : i32
        %dma_start3A_241 = tpu.memref_slice %arg9[%rem3A_125, %run_scoped3A_221, %dma_start3A_240] : memref<2x3x112xi32, #tpu.memory_space<vmem>> -> memref<1x1x112xi32, #tpu.memory_space<vmem>>
        %dma_start3A_242 = tpu.memref_squeeze %dma_start3A_241 : memref<1x1x112xi32, #tpu.memory_space<vmem>> -> memref<112xi32, #tpu.memory_space<vmem>>
        %dma_start3A_243 = arith.constant 0 : i32
        %dma_start3A_244 = arith.constant 0 : i32
        %dma_start3A_245 = tpu.memref_slice %arg13[%dma_start3A_243, %dma_start3A_244] : memref<10008x128xf32, #tpu.memory_space<vmem_shared>> -> memref<10008x128xf32, #tpu.memory_space<vmem_shared>>
        tpu.enqueue_indirect_dma source(%arg11 : memref<112x128xf32, #tpu.memory_space<vmem>>) target(%dma_start3A_245 : memref<10008x128xf32, #tpu.memory_space<vmem_shared>>) offsets(%dma_start3A_242 : memref<112xi32, #tpu.memory_space<vmem>>) semaphore(%run_scoped3A_239 : memref<!tpu.dma_semaphore, #tpu.memory_space<semaphore_mem>>) {add = true}
        %dma_wait3A_246 = arith.constant 0 : i32
        %dma_wait3A_247 = tpu.memref_slice %arg9[%rem3A_125, %run_scoped3A_221, %dma_wait3A_246] : memref<2x3x112xi32, #tpu.memory_space<vmem>> -> memref<1x1x112xi32, #tpu.memory_space<vmem>>
        %dma_wait3A_248 = tpu.memref_squeeze %dma_wait3A_247 : memref<1x1x112xi32, #tpu.memory_space<vmem>> -> memref<112xi32, #tpu.memory_space<vmem>>
        %dma_wait3A_249 = arith.constant 0 : i32
        %dma_wait3A_250 = arith.constant 0 : i32
        %dma_wait3A_251 = tpu.memref_slice %arg13[%dma_wait3A_249, %dma_wait3A_250] : memref<10008x128xf32, #tpu.memory_space<vmem_shared>> -> memref<10008x128xf32, #tpu.memory_space<vmem_shared>>
        tpu.wait_indirect_dma semaphore(%run_scoped3A_239 : memref<!tpu.dma_semaphore, #tpu.memory_space<semaphore_mem>>) src(%arg11 : memref<112x128xf32, #tpu.memory_space<vmem>>) dst(%dma_wait3A_251 : memref<10008x128xf32, #tpu.memory_space<vmem_shared>>)
        tpu.yield
      }) : () -> ()
      %sub3A_222 = arith.constant 1 : i32
      %sub3A_223 = arith.subi %sub3A_222, %rem3A_125 : i32
      %dma_start3A_224 = arith.constant 1 : i32
      %dma_start3A_225 = arith.constant 0 : i32
      %dma_start3A_226 = tpu.memref_slice %arg8[%sub3A_223, %dma_start3A_224, %dma_start3A_225] : memref<2x3x112xi32, #tpu.memory_space<vmem>> -> memref<1x1x112xi32, #tpu.memory_space<vmem>>
      %dma_start3A_227 = tpu.memref_squeeze %dma_start3A_226 : memref<1x1x112xi32, #tpu.memory_space<vmem>> -> memref<112xi32, #tpu.memory_space<vmem>>
      %dma_start3A_228 = arith.constant 0 : i32
      %dma_start3A_229 = arith.constant 0 : i32
      %dma_start3A_230 = tpu.memref_slice %arg2[%dma_start3A_228, %dma_start3A_229] : memref<20000x128xf32, #tpu.memory_space<hbm>> -> memref<20000x128xf32, #tpu.memory_space<hbm>>
      tpu.enqueue_indirect_dma source(%dma_start3A_230 : memref<20000x128xf32, #tpu.memory_space<hbm>>) target(%arg11 : memref<112x128xf32, #tpu.memory_space<vmem>>) offsets(%dma_start3A_227 : memref<112xi32, #tpu.memory_space<vmem>>) semaphore(%arg15 : memref<!tpu.dma_semaphore, #tpu.memory_space<semaphore_mem>>)
      %dma_wait3A_231 = arith.constant 2 : i32
      %dma_wait3A_232 = arith.constant 0 : i32
      %dma_wait3A_233 = tpu.memref_slice %arg8[%rem3A_125, %dma_wait3A_231, %dma_wait3A_232] : memref<2x3x112xi32, #tpu.memory_space<vmem>> -> memref<1x1x112xi32, #tpu.memory_space<vmem>>
      %dma_wait3A_234 = tpu.memref_squeeze %dma_wait3A_233 : memref<1x1x112xi32, #tpu.memory_space<vmem>> -> memref<112xi32, #tpu.memory_space<vmem>>
      %dma_wait3A_235 = arith.constant 0 : i32
      %dma_wait3A_236 = arith.constant 0 : i32
      %dma_wait3A_237 = tpu.memref_slice %arg2[%dma_wait3A_235, %dma_wait3A_236] : memref<20000x128xf32, #tpu.memory_space<hbm>> -> memref<20000x128xf32, #tpu.memory_space<hbm>>
      tpu.wait_indirect_dma semaphore(%arg16 : memref<!tpu.dma_semaphore, #tpu.memory_space<semaphore_mem>>) src(%dma_wait3A_237 : memref<20000x128xf32, #tpu.memory_space<hbm>>) dst(%arg12 : memref<112x128xf32, #tpu.memory_space<vmem>>)
      %run_scoped3A_238 = arith.constant 2 : i32
      "tpu.region"() ({
        %run_scoped3A_239 = tpu.sem_alloc : memref<!tpu.dma_semaphore, #tpu.memory_space<semaphore_mem>>
        %dma_start3A_240 = arith.constant 0 : i32
        %dma_start3A_241 = tpu.memref_slice %arg9[%rem3A_125, %run_scoped3A_238, %dma_start3A_240] : memref<2x3x112xi32, #tpu.memory_space<vmem>> -> memref<1x1x112xi32, #tpu.memory_space<vmem>>
        %dma_start3A_242 = tpu.memref_squeeze %dma_start3A_241 : memref<1x1x112xi32, #tpu.memory_space<vmem>> -> memref<112xi32, #tpu.memory_space<vmem>>
        %dma_start3A_243 = arith.constant 0 : i32
        %dma_start3A_244 = arith.constant 0 : i32
        %dma_start3A_245 = tpu.memref_slice %arg13[%dma_start3A_243, %dma_start3A_244] : memref<10008x128xf32, #tpu.memory_space<vmem_shared>> -> memref<10008x128xf32, #tpu.memory_space<vmem_shared>>
        tpu.enqueue_indirect_dma source(%arg12 : memref<112x128xf32, #tpu.memory_space<vmem>>) target(%dma_start3A_245 : memref<10008x128xf32, #tpu.memory_space<vmem_shared>>) offsets(%dma_start3A_242 : memref<112xi32, #tpu.memory_space<vmem>>) semaphore(%run_scoped3A_239 : memref<!tpu.dma_semaphore, #tpu.memory_space<semaphore_mem>>) {add = true}
        %dma_wait3A_246 = arith.constant 0 : i32
        %dma_wait3A_247 = tpu.memref_slice %arg9[%rem3A_125, %run_scoped3A_238, %dma_wait3A_246] : memref<2x3x112xi32, #tpu.memory_space<vmem>> -> memref<1x1x112xi32, #tpu.memory_space<vmem>>
        %dma_wait3A_248 = tpu.memref_squeeze %dma_wait3A_247 : memref<1x1x112xi32, #tpu.memory_space<vmem>> -> memref<112xi32, #tpu.memory_space<vmem>>
        %dma_wait3A_249 = arith.constant 0 : i32
        %dma_wait3A_250 = arith.constant 0 : i32
        %dma_wait3A_251 = tpu.memref_slice %arg13[%dma_wait3A_249, %dma_wait3A_250] : memref<10008x128xf32, #tpu.memory_space<vmem_shared>> -> memref<10008x128xf32, #tpu.memory_space<vmem_shared>>
        tpu.wait_indirect_dma semaphore(%run_scoped3A_239 : memref<!tpu.dma_semaphore, #tpu.memory_space<semaphore_mem>>) src(%arg12 : memref<112x128xf32, #tpu.memory_space<vmem>>) dst(%dma_wait3A_251 : memref<10008x128xf32, #tpu.memory_space<vmem_shared>>)
        tpu.yield
      }) : () -> ()
    }
    %scan3A_96 = arith.constant 60 : i32
    %rem3A = arith.constant 60 : i32
    %rem3A_97 = arith.constant 2 : i32
    %rem3A_98 = arith.remsi %rem3A, %rem3A_97 : i32
    %dma_wait3A_99 = arith.constant 0 : i32
    %dma_wait3A_100 = arith.constant 0 : i32
    %dma_wait3A_101 = tpu.memref_slice %arg8[%rem3A_98, %dma_wait3A_99, %dma_wait3A_100] : memref<2x3x112xi32, #tpu.memory_space<vmem>> -> memref<1x1x112xi32, #tpu.memory_space<vmem>>
    %dma_wait3A_102 = tpu.memref_squeeze %dma_wait3A_101 : memref<1x1x112xi32, #tpu.memory_space<vmem>> -> memref<112xi32, #tpu.memory_space<vmem>>
    %dma_wait3A_103 = arith.constant 0 : i32
    %dma_wait3A_104 = arith.constant 0 : i32
    %dma_wait3A_105 = tpu.memref_slice %arg2[%dma_wait3A_103, %dma_wait3A_104] : memref<20000x128xf32, #tpu.memory_space<hbm>> -> memref<20000x128xf32, #tpu.memory_space<hbm>>
    tpu.wait_indirect_dma semaphore(%arg14 : memref<!tpu.dma_semaphore, #tpu.memory_space<semaphore_mem>>) src(%dma_wait3A_105 : memref<20000x128xf32, #tpu.memory_space<hbm>>) dst(%arg10 : memref<112x128xf32, #tpu.memory_space<vmem>>)
    %dma_wait3A_106 = arith.constant 1 : i32
    %dma_wait3A_107 = arith.constant 0 : i32
    %dma_wait3A_108 = tpu.memref_slice %arg8[%rem3A_98, %dma_wait3A_106, %dma_wait3A_107] : memref<2x3x112xi32, #tpu.memory_space<vmem>> -> memref<1x1x112xi32, #tpu.memory_space<vmem>>
    %dma_wait3A_109 = tpu.memref_squeeze %dma_wait3A_108 : memref<1x1x112xi32, #tpu.memory_space<vmem>> -> memref<112xi32, #tpu.memory_space<vmem>>
    %dma_wait3A_110 = arith.constant 0 : i32
    %dma_wait3A_111 = arith.constant 0 : i32
    %dma_wait3A_112 = tpu.memref_slice %arg2[%dma_wait3A_110, %dma_wait3A_111] : memref<20000x128xf32, #tpu.memory_space<hbm>> -> memref<20000x128xf32, #tpu.memory_space<hbm>>
    tpu.wait_indirect_dma semaphore(%arg15 : memref<!tpu.dma_semaphore, #tpu.memory_space<semaphore_mem>>) src(%dma_wait3A_112 : memref<20000x128xf32, #tpu.memory_space<hbm>>) dst(%arg11 : memref<112x128xf32, #tpu.memory_space<vmem>>)
    %barrier3A_113 = arith.constant 0 : index
    tpu.barrier barrier_id(%barrier3A_113)
    "tpu.region"() ({
      %run_scoped3A = tpu.sem_alloc : memref<!tpu.dma_semaphore, #tpu.memory_space<semaphore_mem>>
      %dma_start3A_119 = arith.constant 0 : i32
      %dma_start3A_120 = tpu.memref_slice %arg7[%arg0, %mul3A_0, %dma_start3A_119] : memref<2x10000x128xf32, #tpu.memory_space<hbm>> -> memref<1x624x128xf32, #tpu.memory_space<hbm>>
      %dma_start3A_121 = tpu.memref_squeeze %dma_start3A_120 : memref<1x624x128xf32, #tpu.memory_space<hbm>> -> memref<624x128xf32, #tpu.memory_space<hbm>>
      %dma_start3A_122 = arith.constant 0 : i32
      %dma_start3A_123 = tpu.memref_slice %arg13[%mul3A_0, %dma_start3A_122] : memref<10008x128xf32, #tpu.memory_space<vmem_shared>> -> memref<624x128xf32, #tpu.memory_space<vmem_shared>>
      tpu.enqueue_dma source(%dma_start3A_123 : memref<624x128xf32, #tpu.memory_space<vmem_shared>>) target(%dma_start3A_121 : memref<624x128xf32, #tpu.memory_space<hbm>>) target_semaphore(%run_scoped3A : memref<!tpu.dma_semaphore, #tpu.memory_space<semaphore_mem>>)
      %dma_wait3A_124 = arith.constant 0 : i32
      %dma_wait3A_125 = tpu.memref_slice %arg7[%arg0, %mul3A_0, %dma_wait3A_124] : memref<2x10000x128xf32, #tpu.memory_space<hbm>> -> memref<1x624x128xf32, #tpu.memory_space<hbm>>
      %dma_wait3A_126 = tpu.memref_squeeze %dma_wait3A_125 : memref<1x624x128xf32, #tpu.memory_space<hbm>> -> memref<624x128xf32, #tpu.memory_space<hbm>>
      %dma_wait3A_127 = arith.constant 0 : i32
      %dma_wait3A_128 = tpu.memref_slice %arg13[%mul3A_0, %dma_wait3A_127] : memref<10008x128xf32, #tpu.memory_space<vmem_shared>> -> memref<624x128xf32, #tpu.memory_space<vmem_shared>>
      tpu.wait_dma2 semaphore(%run_scoped3A : memref<!tpu.dma_semaphore, #tpu.memory_space<semaphore_mem>>) src(%dma_wait3A_128 : memref<624x128xf32, #tpu.memory_space<vmem_shared>>) dst(%dma_wait3A_126 : memref<624x128xf32, #tpu.memory_space<hbm>>)
      tpu.yield
    }) : () -> ()
    %eq3A_114 = arith.constant 15 : i32
    %eq3A_115 = arith.cmpi eq, %arg1, %eq3A_114 : i32
    %convert_element_type3A_116 = arith.extui %eq3A_115 : i1 to i32
    %cond3A_117 = arith.constant 0 : i32
    %cond3A_118 = arith.cmpi ne, %convert_element_type3A_116, %cond3A_117 : i32
    scf.if %cond3A_118 {
      "tpu.region"() ({
        %run_scoped3A = tpu.sem_alloc : memref<!tpu.dma_semaphore, #tpu.memory_space<semaphore_mem>>
        %dma_start3A_119 = arith.constant 9984 : i32
        %dma_start3A_120 = arith.constant 0 : i32
        %dma_start3A_121 = tpu.memref_slice %arg7[%arg0, %dma_start3A_119, %dma_start3A_120] : memref<2x10000x128xf32, #tpu.memory_space<hbm>> -> memref<1x16x128xf32, #tpu.memory_space<hbm>>
        %dma_start3A_122 = tpu.memref_squeeze %dma_start3A_121 : memref<1x16x128xf32, #tpu.memory_space<hbm>> -> memref<16x128xf32, #tpu.memory_space<hbm>>
        %dma_start3A_123 = arith.constant 9984 : i32
        %dma_start3A_124 = arith.constant 0 : i32
        %dma_start3A_125 = tpu.memref_slice %arg13[%dma_start3A_123, %dma_start3A_124] : memref<10008x128xf32, #tpu.memory_space<vmem_shared>> -> memref<16x128xf32, #tpu.memory_space<vmem_shared>>
        tpu.enqueue_dma source(%dma_start3A_125 : memref<16x128xf32, #tpu.memory_space<vmem_shared>>) target(%dma_start3A_122 : memref<16x128xf32, #tpu.memory_space<hbm>>) target_semaphore(%run_scoped3A : memref<!tpu.dma_semaphore, #tpu.memory_space<semaphore_mem>>)
        %dma_wait3A_126 = arith.constant 9984 : i32
        %dma_wait3A_127 = arith.constant 0 : i32
        %dma_wait3A_128 = tpu.memref_slice %arg7[%arg0, %dma_wait3A_126, %dma_wait3A_127] : memref<2x10000x128xf32, #tpu.memory_space<hbm>> -> memref<1x16x128xf32, #tpu.memory_space<hbm>>
        %dma_wait3A_129 = tpu.memref_squeeze %dma_wait3A_128 : memref<1x16x128xf32, #tpu.memory_space<hbm>> -> memref<16x128xf32, #tpu.memory_space<hbm>>
        %dma_wait3A_130 = arith.constant 9984 : i32
        %dma_wait3A_131 = arith.constant 0 : i32
        %dma_wait3A_132 = tpu.memref_slice %arg13[%dma_wait3A_130, %dma_wait3A_131] : memref<10008x128xf32, #tpu.memory_space<vmem_shared>> -> memref<16x128xf32, #tpu.memory_space<vmem_shared>>
        tpu.wait_dma2 semaphore(%run_scoped3A : memref<!tpu.dma_semaphore, #tpu.memory_space<semaphore_mem>>) src(%dma_wait3A_132 : memref<16x128xf32, #tpu.memory_space<vmem_shared>>) dst(%dma_wait3A_129 : memref<16x128xf32, #tpu.memory_space<hbm>>)
        tpu.yield
      }) : () -> ()
    } else {
    }
    return
  }
}

module attributes {stable_mosaic.version = 14 : i64} {
  func.func @body(%arg0: i32, %arg1: memref<32x80x128xf32, #tpu.memory_space<vmem>>, %arg2: memref<10000x128xf32, #tpu.memory_space<vmem>>) attributes {dimension_semantics = [#tpu.dimension_semantics<arbitrary>], iteration_bounds = array<i64: 1>, scalar_prefetch = 0 : i64, scratch_operands = 0 : i64, tpu.core_type = #tpu.core_type<tc>, window_params = [{pipeline_mode = #tpu.pipeline_mode<synchronous>, transform_indices = @transform_0, window_bounds = array<i64: 32, 80, 128>}, {pipeline_mode = #tpu.pipeline_mode<synchronous>, transform_indices = @transform_1, window_bounds = array<i64: 10000, 128>}]} {
    %get3A = arith.constant 0 : index
    %get3A_0 = arith.constant 0 : index
    %get3A_1 = arith.constant 0 : index
    %get3A_2 = vector.load %arg1[%get3A, %get3A_0, %get3A_1] : memref<32x80x128xf32, #tpu.memory_space<vmem>>, vector<32x80x128xf32>
    %reduce_sum3A = arith.constant dense<0.000000e+00> : vector<80x128xf32>
    %reduce_sum3A_3 = vector.multi_reduction <add>, %get3A_2, %reduce_sum3A [0] : vector<32x80x128xf32> to vector<80x128xf32>
    %reshape3A = vector.shape_cast %reduce_sum3A_3 : vector<80x128xf32> to vector<10240xf32>
    %slice3A = vector.extract_strided_slice %reshape3A {offsets = [0], sizes = [10000], strides = [1]} : vector<10240xf32> to vector<10000xf32>
    %max3A = arith.constant 1.000000e+00 : f32
    %max3A_4 = vector.broadcast %max3A : f32 to vector<10000xf32>
    %max3A_5 = arith.maximumf %slice3A, %max3A_4 : vector<10000xf32>
    %div3A = arith.constant 1.000000e+00 : f32
    %div3A_6 = vector.broadcast %div3A : f32 to vector<10000xf32>
    %div3A_7 = arith.divf %div3A_6, %max3A_5 : vector<10000xf32>
    %broadcast_in_dim3A = vector.shape_cast %div3A_7 : vector<10000xf32> to vector<10000x1xf32>
    %broadcast_in_dim3A_8 = vector.shape_cast %broadcast_in_dim3A : vector<10000x1xf32> to vector<10000x1xf32>
    %broadcast_in_dim3A_9 = vector.broadcast %broadcast_in_dim3A_8 : vector<10000x1xf32> to vector<10000x128xf32>
    %swap3A = arith.constant 0 : index
    %swap3A_10 = arith.constant 0 : index
    %swap3A_11 = vector.load %arg2[%swap3A, %swap3A_10] : memref<10000x128xf32, #tpu.memory_space<vmem>>, vector<10000x128xf32>
    tpu.vector_store %arg2[%swap3A, %swap3A_10], %broadcast_in_dim3A_9 {strides = array<i32>} : memref<10000x128xf32, #tpu.memory_space<vmem>>, vector<10000x128xf32>,
    return
  }
  func.func @transform_0(%arg0: i32) -> (i32, i32, i32) {
    %c0_i32 = arith.constant 0 : i32
    %c0_i32_0 = arith.constant 0 : i32
    %c0_i32_1 = arith.constant 0 : i32
    %c0_i32_2 = arith.constant 0 : i32
    return %c0_i32, %c0_i32_0, %c0_i32_1 : i32, i32, i32
  }
  func.func @transform_1(%arg0: i32) -> (i32, i32) {
    %c0_i32 = arith.constant 0 : i32
    %c0_i32_0 = arith.constant 0 : i32
    %c0_i32_1 = arith.constant 0 : i32
    return %c0_i32, %c0_i32_0 : i32, i32
  }
}

module attributes {stable_mosaic.version = 14 : i64} {
  func.func @body(%arg0: i32, %arg1: memref<1000x128xf32, #tpu.memory_space<vmem>>, %arg2: memref<2x1000x128xf32, #tpu.memory_space<vmem>>, %arg3: memref<1000x128xf32, #tpu.memory_space<vmem>>, %arg4: memref<128x256xf32, #tpu.memory_space<vmem>>, %arg5: memref<1x256xf32, #tpu.memory_space<vmem>>, %arg6: memref<256x256xf32, #tpu.memory_space<vmem>>, %arg7: memref<1x256xf32, #tpu.memory_space<vmem>>, %arg8: memref<1x1xf32, #tpu.memory_space<vmem>>, %arg9: memref<1000x256xf32, #tpu.memory_space<vmem>>) attributes {dimension_semantics = [#tpu.dimension_semantics<arbitrary>], iteration_bounds = array<i64: 10>, scalar_prefetch = 0 : i64, scratch_operands = 0 : i64, tpu.core_type = #tpu.core_type<tc>, window_params = [{transform_indices = @transform_0, window_bounds = array<i64: 1000, 128>}, {transform_indices = @transform_1, window_bounds = array<i64: 2, 1000, 128>}, {transform_indices = @transform_2, window_bounds = array<i64: 1000, 128>}, {pipeline_mode = #tpu.pipeline_mode<synchronous>, transform_indices = @transform_3, window_bounds = array<i64: 128, 256>}, {pipeline_mode = #tpu.pipeline_mode<synchronous>, transform_indices = @transform_4, window_bounds = array<i64: 1, 256>}, {pipeline_mode = #tpu.pipeline_mode<synchronous>, transform_indices = @transform_5, window_bounds = array<i64: 256, 256>}, {pipeline_mode = #tpu.pipeline_mode<synchronous>, transform_indices = @transform_6, window_bounds = array<i64: 1, 256>}, {pipeline_mode = #tpu.pipeline_mode<synchronous>, transform_indices = @transform_7, window_bounds = array<i64: 1, 1>}, {transform_indices = @transform_8, window_bounds = array<i64: 1000, 256>}]} {
    %get3A = arith.constant 0 : index
    %get3A_0 = arith.constant 0 : index
    %get3A_1 = arith.constant 0 : index
    %get3A_2 = vector.load %arg2[%get3A, %get3A_0, %get3A_1] : memref<2x1000x128xf32, #tpu.memory_space<vmem>>, vector<1x1000x128xf32>
    %get3A_3 = vector.shape_cast %get3A_2 : vector<1x1000x128xf32> to vector<1000x128xf32>
    %get3A_4 = arith.constant 1 : index
    %get3A_5 = arith.constant 0 : index
    %get3A_6 = arith.constant 0 : index
    %get3A_7 = vector.load %arg2[%get3A_4, %get3A_5, %get3A_6] : memref<2x1000x128xf32, #tpu.memory_space<vmem>>, vector<1x1000x128xf32>
    %get3A_8 = vector.shape_cast %get3A_7 : vector<1x1000x128xf32> to vector<1000x128xf32>
    %add3A = arith.addf %get3A_3, %get3A_8 : vector<1000x128xf32>
    %get3A_9 = arith.constant 0 : index
    %get3A_10 = arith.constant 0 : index
    %get3A_11 = vector.load %arg3[%get3A_9, %get3A_10] : memref<1000x128xf32, #tpu.memory_space<vmem>>, vector<1000x128xf32>
    %mul3A = arith.mulf %add3A, %get3A_11 : vector<1000x128xf32>
    %get3A_12 = arith.constant 0 : index
    %get3A_13 = arith.constant 0 : index
    %get3A_14 = vector.load %arg8[%get3A_12, %get3A_13] : memref<1x1xf32, #tpu.memory_space<vmem>>, vector<1x1xf32>
    %get3A_15 = vector.extract %get3A_14[0, 0] : f32 from vector<1x1xf32>
    %add3A_16 = arith.constant 1.000000e+00 : f32
    %add3A_17 = arith.addf %add3A_16, %get3A_15 : f32
    %get3A_18 = arith.constant 0 : index
    %get3A_19 = arith.constant 0 : index
    %get3A_20 = vector.load %arg1[%get3A_18, %get3A_19] : memref<1000x128xf32, #tpu.memory_space<vmem>>, vector<1000x128xf32>
    %mul3A_21 = vector.broadcast %add3A_17 : f32 to vector<1000x128xf32>
    %mul3A_22 = arith.mulf %mul3A_21, %get3A_20 : vector<1000x128xf32>
    %add3A_23 = arith.addf %mul3A_22, %mul3A : vector<1000x128xf32>
    %get3A_24 = arith.constant 0 : index
    %get3A_25 = arith.constant 0 : index
    %get3A_26 = vector.load %arg4[%get3A_24, %get3A_25] : memref<128x256xf32, #tpu.memory_space<vmem>>, vector<128x256xf32>
    %dot_general3A = arith.constant dense<0.000000e+00> : vector<1000x256xf32>
    %dot_general3A_27 = tpu.matmul %add3A_23, %get3A_26, %dot_general3A {dimension_numbers = #tpu.dot_dimension_numbers<[1], [0], [0], [1], [0, 0, 1, 1], [], []>, transpose_lhs_hint = false} : vector<1000x128xf32>, vector<128x256xf32>, vector<1000x256xf32> -> vector<1000x256xf32>
    %get3A_28 = arith.constant 0 : index
    %get3A_29 = arith.constant 0 : index
    %get3A_30 = vector.load %arg5[%get3A_28, %get3A_29] : memref<1x256xf32, #tpu.memory_space<vmem>>, vector<1x256xf32>
    %add3A_31 = vector.broadcast %get3A_30 : vector<1x256xf32> to vector<1000x256xf32>
    %add3A_32 = arith.addf %dot_general3A_27, %add3A_31 : vector<1000x256xf32>
    %ge3A = arith.constant 0.000000e+00 : f32
    %ge3A_33 = vector.broadcast %ge3A : f32 to vector<1000x256xf32>
    %ge3A_34 = arith.cmpf oge, %add3A_32, %ge3A_33 : vector<1000x256xf32>
    %mul3A_35 = arith.constant 0.00999999977 : f32
    %mul3A_36 = vector.broadcast %mul3A_35 : f32 to vector<1000x256xf32>
    %mul3A_37 = arith.mulf %mul3A_36, %add3A_32 : vector<1000x256xf32>
    %select_n3A = arith.select %ge3A_34, %add3A_32, %mul3A_37 : vector<1000x256xi1>, vector<1000x256xf32>
    %get3A_38 = arith.constant 0 : index
    %get3A_39 = arith.constant 0 : index
    %get3A_40 = vector.load %arg6[%get3A_38, %get3A_39] : memref<256x256xf32, #tpu.memory_space<vmem>>, vector<256x256xf32>
    %dot_general3A_41 = arith.constant dense<0.000000e+00> : vector<1000x256xf32>
    %dot_general3A_42 = tpu.matmul %select_n3A, %get3A_40, %dot_general3A_41 {dimension_numbers = #tpu.dot_dimension_numbers<[1], [0], [0], [1], [0, 0, 1, 1], [], []>, transpose_lhs_hint = false} : vector<1000x256xf32>, vector<256x256xf32>, vector<1000x256xf32> -> vector<1000x256xf32>
    %get3A_43 = arith.constant 0 : index
    %get3A_44 = arith.constant 0 : index
    %get3A_45 = vector.load %arg7[%get3A_43, %get3A_44] : memref<1x256xf32, #tpu.memory_space<vmem>>, vector<1x256xf32>
    %add3A_46 = vector.broadcast %get3A_45 : vector<1x256xf32> to vector<1000x256xf32>
    %add3A_47 = arith.addf %dot_general3A_42, %add3A_46 : vector<1000x256xf32>
    %ge3A_48 = arith.constant 0.000000e+00 : f32
    %ge3A_49 = vector.broadcast %ge3A_48 : f32 to vector<1000x256xf32>
    %ge3A_50 = arith.cmpf oge, %add3A_47, %ge3A_49 : vector<1000x256xf32>
    %mul3A_51 = arith.constant 0.00999999977 : f32
    %mul3A_52 = vector.broadcast %mul3A_51 : f32 to vector<1000x256xf32>
    %mul3A_53 = arith.mulf %mul3A_52, %add3A_47 : vector<1000x256xf32>
    %select_n3A_54 = arith.select %ge3A_50, %add3A_47, %mul3A_53 : vector<1000x256xi1>, vector<1000x256xf32>
    %swap3A = arith.constant 0 : index
    %swap3A_55 = arith.constant 0 : index
    %swap3A_56 = vector.load %arg9[%swap3A, %swap3A_55] : memref<1000x256xf32, #tpu.memory_space<vmem>>, vector<1000x256xf32>
    tpu.vector_store %arg9[%swap3A, %swap3A_55], %select_n3A_54 {strides = array<i32>} : memref<1000x256xf32, #tpu.memory_space<vmem>>, vector<1000x256xf32>,
    return
  }
  func.func @transform_0(%arg0: i32) -> (i32, i32) {
    %c0_i32 = arith.constant 0 : i32
    %c0_i32_0 = arith.constant 0 : i32
    return %arg0, %c0_i32 : i32, i32
  }
  func.func @transform_1(%arg0: i32) -> (i32, i32, i32) {
    %c0_i32 = arith.constant 0 : i32
    %c0_i32_0 = arith.constant 0 : i32
    %c0_i32_1 = arith.constant 0 : i32
    return %c0_i32, %arg0, %c0_i32_0 : i32, i32, i32
  }
  func.func @transform_2(%arg0: i32) -> (i32, i32) {
    %c0_i32 = arith.constant 0 : i32
    %c0_i32_0 = arith.constant 0 : i32
    return %arg0, %c0_i32 : i32, i32
  }
  func.func @transform_3(%arg0: i32) -> (i32, i32) {
    %c0_i32 = arith.constant 0 : i32
    %c0_i32_0 = arith.constant 0 : i32
    %c0_i32_1 = arith.constant 0 : i32
    return %c0_i32, %c0_i32_0 : i32, i32
  }
  func.func @transform_4(%arg0: i32) -> (i32, i32) {
    %c0_i32 = arith.constant 0 : i32
    %c0_i32_0 = arith.constant 0 : i32
    %c0_i32_1 = arith.constant 0 : i32
    return %c0_i32, %c0_i32_0 : i32, i32
  }
  func.func @transform_5(%arg0: i32) -> (i32, i32) {
    %c0_i32 = arith.constant 0 : i32
    %c0_i32_0 = arith.constant 0 : i32
    %c0_i32_1 = arith.constant 0 : i32
    return %c0_i32, %c0_i32_0 : i32, i32
  }
  func.func @transform_6(%arg0: i32) -> (i32, i32) {
    %c0_i32 = arith.constant 0 : i32
    %c0_i32_0 = arith.constant 0 : i32
    %c0_i32_1 = arith.constant 0 : i32
    return %c0_i32, %c0_i32_0 : i32, i32
  }
  func.func @transform_7(%arg0: i32) -> (i32, i32) {
    %c0_i32 = arith.constant 0 : i32
    %c0_i32_0 = arith.constant 0 : i32
    %c0_i32_1 = arith.constant 0 : i32
    return %c0_i32, %c0_i32_0 : i32, i32
  }
  func.func @transform_8(%arg0: i32) -> (i32, i32) {
    %c0_i32 = arith.constant 0 : i32
    %c0_i32_0 = arith.constant 0 : i32
    return %arg0, %c0_i32 : i32, i32
  }
}

module attributes {stable_mosaic.version = 14 : i64} {
  func.func @body(%arg0: i32, %arg1: memref<1000x256xf32, #tpu.memory_space<vmem>>, %arg2: memref<2x1000x128xf32, #tpu.memory_space<vmem>>, %arg3: memref<1000x128xf32, #tpu.memory_space<vmem>>, %arg4: memref<256x256xf32, #tpu.memory_space<vmem>>, %arg5: memref<1x256xf32, #tpu.memory_space<vmem>>, %arg6: memref<256x256xf32, #tpu.memory_space<vmem>>, %arg7: memref<1x256xf32, #tpu.memory_space<vmem>>, %arg8: memref<256x128xf32, #tpu.memory_space<vmem>>, %arg9: memref<1x1xf32, #tpu.memory_space<vmem>>, %arg10: memref<2x1000x128xf32, #tpu.memory_space<vmem>>) attributes {dimension_semantics = [#tpu.dimension_semantics<arbitrary>], iteration_bounds = array<i64: 10>, scalar_prefetch = 0 : i64, scratch_operands = 0 : i64, tpu.core_type = #tpu.core_type<tc>, window_params = [{transform_indices = @transform_0, window_bounds = array<i64: 1000, 256>}, {transform_indices = @transform_1, window_bounds = array<i64: 2, 1000, 128>}, {transform_indices = @transform_2, window_bounds = array<i64: 1000, 128>}, {pipeline_mode = #tpu.pipeline_mode<synchronous>, transform_indices = @transform_3, window_bounds = array<i64: 256, 256>}, {pipeline_mode = #tpu.pipeline_mode<synchronous>, transform_indices = @transform_4, window_bounds = array<i64: 1, 256>}, {pipeline_mode = #tpu.pipeline_mode<synchronous>, transform_indices = @transform_5, window_bounds = array<i64: 256, 256>}, {pipeline_mode = #tpu.pipeline_mode<synchronous>, transform_indices = @transform_6, window_bounds = array<i64: 1, 256>}, {pipeline_mode = #tpu.pipeline_mode<synchronous>, transform_indices = @transform_7, window_bounds = array<i64: 256, 128>}, {pipeline_mode = #tpu.pipeline_mode<synchronous>, transform_indices = @transform_8, window_bounds = array<i64: 1, 1>}, {transform_indices = @transform_9, window_bounds = array<i64: 2, 1000, 128>}]} {
    %get3A = arith.constant 0 : index
    %get3A_0 = arith.constant 0 : index
    %get3A_1 = arith.constant 0 : index
    %get3A_2 = vector.load %arg2[%get3A, %get3A_0, %get3A_1] : memref<2x1000x128xf32, #tpu.memory_space<vmem>>, vector<1x1000x128xf32>
    %get3A_3 = vector.shape_cast %get3A_2 : vector<1x1000x128xf32> to vector<1000x128xf32>
    %get3A_4 = arith.constant 1 : index
    %get3A_5 = arith.constant 0 : index
    %get3A_6 = arith.constant 0 : index
    %get3A_7 = vector.load %arg2[%get3A_4, %get3A_5, %get3A_6] : memref<2x1000x128xf32, #tpu.memory_space<vmem>>, vector<1x1000x128xf32>
    %get3A_8 = vector.shape_cast %get3A_7 : vector<1x1000x128xf32> to vector<1000x128xf32>
    %concatenate3A = tpu.concatenate %get3A_3, %get3A_8 in 1 : vector<1000x128xf32>, vector<1000x128xf32> -> vector<1000x256xf32>
    %get3A_9 = arith.constant 0 : index
    %get3A_10 = arith.constant 0 : index
    %get3A_11 = vector.load %arg3[%get3A_9, %get3A_10] : memref<1000x128xf32, #tpu.memory_space<vmem>>, vector<1000x128xf32>
    %slice3A = vector.extract_strided_slice %get3A_11 {offsets = [0, 0], sizes = [1000, 1], strides = [1, 1]} : vector<1000x128xf32> to vector<1000x1xf32>
    %mul3A = vector.broadcast %slice3A : vector<1000x1xf32> to vector<1000x256xf32>
    %mul3A_12 = arith.mulf %concatenate3A, %mul3A : vector<1000x256xf32>
    %get3A_13 = arith.constant 0 : index
    %get3A_14 = arith.constant 0 : index
    %get3A_15 = vector.load %arg9[%get3A_13, %get3A_14] : memref<1x1xf32, #tpu.memory_space<vmem>>, vector<1x1xf32>
    %get3A_16 = vector.extract %get3A_15[0, 0] : f32 from vector<1x1xf32>
    %add3A = arith.constant 1.000000e+00 : f32
    %add3A_17 = arith.addf %add3A, %get3A_16 : f32
    %get3A_18 = arith.constant 0 : index
    %get3A_19 = arith.constant 0 : index
    %get3A_20 = vector.load %arg1[%get3A_18, %get3A_19] : memref<1000x256xf32, #tpu.memory_space<vmem>>, vector<1000x256xf32>
    %mul3A_21 = vector.broadcast %add3A_17 : f32 to vector<1000x256xf32>
    %mul3A_22 = arith.mulf %mul3A_21, %get3A_20 : vector<1000x256xf32>
    %add3A_23 = arith.addf %mul3A_22, %mul3A_12 : vector<1000x256xf32>
    %get3A_24 = arith.constant 0 : index
    %get3A_25 = arith.constant 0 : index
    %get3A_26 = vector.load %arg4[%get3A_24, %get3A_25] : memref<256x256xf32, #tpu.memory_space<vmem>>, vector<256x256xf32>
    %dot_general3A = arith.constant dense<0.000000e+00> : vector<1000x256xf32>
    %dot_general3A_27 = tpu.matmul %add3A_23, %get3A_26, %dot_general3A {dimension_numbers = #tpu.dot_dimension_numbers<[1], [0], [0], [1], [0, 0, 1, 1], [], []>, transpose_lhs_hint = false} : vector<1000x256xf32>, vector<256x256xf32>, vector<1000x256xf32> -> vector<1000x256xf32>
    %get3A_28 = arith.constant 0 : index
    %get3A_29 = arith.constant 0 : index
    %get3A_30 = vector.load %arg5[%get3A_28, %get3A_29] : memref<1x256xf32, #tpu.memory_space<vmem>>, vector<1x256xf32>
    %add3A_31 = vector.broadcast %get3A_30 : vector<1x256xf32> to vector<1000x256xf32>
    %add3A_32 = arith.addf %dot_general3A_27, %add3A_31 : vector<1000x256xf32>
    %ge3A = arith.constant 0.000000e+00 : f32
    %ge3A_33 = vector.broadcast %ge3A : f32 to vector<1000x256xf32>
    %ge3A_34 = arith.cmpf oge, %add3A_32, %ge3A_33 : vector<1000x256xf32>
    %mul3A_35 = arith.constant 0.00999999977 : f32
    %mul3A_36 = vector.broadcast %mul3A_35 : f32 to vector<1000x256xf32>
    %mul3A_37 = arith.mulf %mul3A_36, %add3A_32 : vector<1000x256xf32>
    %select_n3A = arith.select %ge3A_34, %add3A_32, %mul3A_37 : vector<1000x256xi1>, vector<1000x256xf32>
    %get3A_38 = arith.constant 0 : index
    %get3A_39 = arith.constant 0 : index
    %get3A_40 = vector.load %arg6[%get3A_38, %get3A_39] : memref<256x256xf32, #tpu.memory_space<vmem>>, vector<256x256xf32>
    %dot_general3A_41 = arith.constant dense<0.000000e+00> : vector<1000x256xf32>
    %dot_general3A_42 = tpu.matmul %select_n3A, %get3A_40, %dot_general3A_41 {dimension_numbers = #tpu.dot_dimension_numbers<[1], [0], [0], [1], [0, 0, 1, 1], [], []>, transpose_lhs_hint = false} : vector<1000x256xf32>, vector<256x256xf32>, vector<1000x256xf32> -> vector<1000x256xf32>
    %get3A_43 = arith.constant 0 : index
    %get3A_44 = arith.constant 0 : index
    %get3A_45 = vector.load %arg7[%get3A_43, %get3A_44] : memref<1x256xf32, #tpu.memory_space<vmem>>, vector<1x256xf32>
    %add3A_46 = vector.broadcast %get3A_45 : vector<1x256xf32> to vector<1000x256xf32>
    %add3A_47 = arith.addf %dot_general3A_42, %add3A_46 : vector<1000x256xf32>
    %ge3A_48 = arith.constant 0.000000e+00 : f32
    %ge3A_49 = vector.broadcast %ge3A_48 : f32 to vector<1000x256xf32>
    %ge3A_50 = arith.cmpf oge, %add3A_47, %ge3A_49 : vector<1000x256xf32>
    %mul3A_51 = arith.constant 0.00999999977 : f32
    %mul3A_52 = vector.broadcast %mul3A_51 : f32 to vector<1000x256xf32>
    %mul3A_53 = arith.mulf %mul3A_52, %add3A_47 : vector<1000x256xf32>
    %select_n3A_54 = arith.select %ge3A_50, %add3A_47, %mul3A_53 : vector<1000x256xi1>, vector<1000x256xf32>
    %get3A_55 = arith.constant 0 : index
    %get3A_56 = arith.constant 0 : index
    %get3A_57 = vector.load %arg8[%get3A_55, %get3A_56] : memref<256x128xf32, #tpu.memory_space<vmem>>, vector<256x128xf32>
    %dot_general3A_58 = arith.constant dense<0.000000e+00> : vector<1000x128xf32>
    %dot_general3A_59 = tpu.matmul %select_n3A_54, %get3A_57, %dot_general3A_58 {dimension_numbers = #tpu.dot_dimension_numbers<[1], [0], [0], [1], [0, 0, 1, 1], [], []>, transpose_lhs_hint = false} : vector<1000x256xf32>, vector<256x128xf32>, vector<1000x128xf32> -> vector<1000x128xf32>
    %swap3A = arith.constant 0 : index
    %swap3A_60 = arith.constant 0 : index
    %swap3A_61 = arith.constant 0 : index
    %swap3A_62 = vector.load %arg10[%swap3A, %swap3A_60, %swap3A_61] : memref<2x1000x128xf32, #tpu.memory_space<vmem>>, vector<1x1000x128xf32>
    %swap3A_63 = vector.shape_cast %swap3A_62 : vector<1x1000x128xf32> to vector<1000x128xf32>
    %swap3A_64 = vector.shape_cast %dot_general3A_59 : vector<1000x128xf32> to vector<1x1000x128xf32>
    tpu.vector_store %arg10[%swap3A, %swap3A_60, %swap3A_61], %swap3A_64 {strides = array<i32>} : memref<2x1000x128xf32, #tpu.memory_space<vmem>>, vector<1x1000x128xf32>,
    %swap3A_65 = arith.constant 1 : index
    %swap3A_66 = arith.constant 0 : index
    %swap3A_67 = arith.constant 0 : index
    %swap3A_68 = vector.load %arg10[%swap3A_65, %swap3A_66, %swap3A_67] : memref<2x1000x128xf32, #tpu.memory_space<vmem>>, vector<1x1000x128xf32>
    %swap3A_69 = vector.shape_cast %swap3A_68 : vector<1x1000x128xf32> to vector<1000x128xf32>
    %swap3A_70 = vector.shape_cast %dot_general3A_59 : vector<1000x128xf32> to vector<1x1000x128xf32>
    tpu.vector_store %arg10[%swap3A_65, %swap3A_66, %swap3A_67], %swap3A_70 {strides = array<i32>} : memref<2x1000x128xf32, #tpu.memory_space<vmem>>, vector<1x1000x128xf32>,
    return
  }
  func.func @transform_0(%arg0: i32) -> (i32, i32) {
    %c0_i32 = arith.constant 0 : i32
    %c0_i32_0 = arith.constant 0 : i32
    return %arg0, %c0_i32 : i32, i32
  }
  func.func @transform_1(%arg0: i32) -> (i32, i32, i32) {
    %c0_i32 = arith.constant 0 : i32
    %c0_i32_0 = arith.constant 0 : i32
    %c0_i32_1 = arith.constant 0 : i32
    return %c0_i32, %arg0, %c0_i32_0 : i32, i32, i32
  }
  func.func @transform_2(%arg0: i32) -> (i32, i32) {
    %c0_i32 = arith.constant 0 : i32
    %c0_i32_0 = arith.constant 0 : i32
    return %arg0, %c0_i32 : i32, i32
  }
  func.func @transform_3(%arg0: i32) -> (i32, i32) {
    %c0_i32 = arith.constant 0 : i32
    %c0_i32_0 = arith.constant 0 : i32
    %c0_i32_1 = arith.constant 0 : i32
    return %c0_i32, %c0_i32_0 : i32, i32
  }
  func.func @transform_4(%arg0: i32) -> (i32, i32) {
    %c0_i32 = arith.constant 0 : i32
    %c0_i32_0 = arith.constant 0 : i32
    %c0_i32_1 = arith.constant 0 : i32
    return %c0_i32, %c0_i32_0 : i32, i32
  }
  func.func @transform_5(%arg0: i32) -> (i32, i32) {
    %c0_i32 = arith.constant 0 : i32
    %c0_i32_0 = arith.constant 0 : i32
    %c0_i32_1 = arith.constant 0 : i32
    return %c0_i32, %c0_i32_0 : i32, i32
  }
  func.func @transform_6(%arg0: i32) -> (i32, i32) {
    %c0_i32 = arith.constant 0 : i32
    %c0_i32_0 = arith.constant 0 : i32
    %c0_i32_1 = arith.constant 0 : i32
    return %c0_i32, %c0_i32_0 : i32, i32
  }
  func.func @transform_7(%arg0: i32) -> (i32, i32) {
    %c0_i32 = arith.constant 0 : i32
    %c0_i32_0 = arith.constant 0 : i32
    %c0_i32_1 = arith.constant 0 : i32
    return %c0_i32, %c0_i32_0 : i32, i32
  }
  func.func @transform_8(%arg0: i32) -> (i32, i32) {
    %c0_i32 = arith.constant 0 : i32
    %c0_i32_0 = arith.constant 0 : i32
    %c0_i32_1 = arith.constant 0 : i32
    return %c0_i32, %c0_i32_0 : i32, i32
  }
  func.func @transform_9(%arg0: i32) -> (i32, i32, i32) {
    %c0_i32 = arith.constant 0 : i32
    %c0_i32_0 = arith.constant 0 : i32
    %c0_i32_1 = arith.constant 0 : i32
    return %c0_i32, %arg0, %c0_i32_0 : i32, i32, i32
  }
}

module attributes {stable_mosaic.version = 14 : i64} {
  func.func @body(%arg0: i32, %arg1: memref<1x1000x128xf32, #tpu.memory_space<vmem>>, %arg2: memref<2x1000x128xf32, #tpu.memory_space<vmem>>, %arg3: memref<1000x128xf32, #tpu.memory_space<vmem>>, %arg4: memref<1x128xf32, #tpu.memory_space<vmem>>, %arg5: memref<128x128xf32, #tpu.memory_space<vmem>>, %arg6: memref<1x128xf32, #tpu.memory_space<vmem>>, %arg7: memref<128x128xf32, #tpu.memory_space<vmem>>, %arg8: memref<1x128xf32, #tpu.memory_space<vmem>>, %arg9: memref<1x1xf32, #tpu.memory_space<vmem>>, %arg10: memref<1000x128xf32, #tpu.memory_space<vmem>>, %arg11: memref<1000x128xf32, #tpu.memory_space<vmem>>) attributes {dimension_semantics = [#tpu.dimension_semantics<arbitrary>], iteration_bounds = array<i64: 10>, scalar_prefetch = 0 : i64, scratch_operands = 0 : i64, tpu.core_type = #tpu.core_type<tc>, window_params = [{transform_indices = @transform_0, window_bounds = array<i64: 1, 1000, 128>}, {transform_indices = @transform_1, window_bounds = array<i64: 2, 1000, 128>}, {transform_indices = @transform_2, window_bounds = array<i64: 1000, 128>}, {pipeline_mode = #tpu.pipeline_mode<synchronous>, transform_indices = @transform_3, window_bounds = array<i64: 1, 128>}, {pipeline_mode = #tpu.pipeline_mode<synchronous>, transform_indices = @transform_4, window_bounds = array<i64: 128, 128>}, {pipeline_mode = #tpu.pipeline_mode<synchronous>, transform_indices = @transform_5, window_bounds = array<i64: 1, 128>}, {pipeline_mode = #tpu.pipeline_mode<synchronous>, transform_indices = @transform_6, window_bounds = array<i64: 128, 128>}, {pipeline_mode = #tpu.pipeline_mode<synchronous>, transform_indices = @transform_7, window_bounds = array<i64: 1, 128>}, {pipeline_mode = #tpu.pipeline_mode<synchronous>, transform_indices = @transform_8, window_bounds = array<i64: 1, 1>}, {transform_indices = @transform_9, window_bounds = array<i64: 1000, 128>}, {transform_indices = @transform_10, window_bounds = array<i64: 1000, 128>}]} {
    %get3A = arith.constant 0 : index
    %get3A_0 = arith.constant 0 : index
    %get3A_1 = arith.constant 0 : index
    %get3A_2 = vector.load %arg2[%get3A, %get3A_0, %get3A_1] : memref<2x1000x128xf32, #tpu.memory_space<vmem>>, vector<1x1000x128xf32>
    %get3A_3 = vector.shape_cast %get3A_2 : vector<1x1000x128xf32> to vector<1000x128xf32>
    %get3A_4 = arith.constant 1 : index
    %get3A_5 = arith.constant 0 : index
    %get3A_6 = arith.constant 0 : index
    %get3A_7 = vector.load %arg2[%get3A_4, %get3A_5, %get3A_6] : memref<2x1000x128xf32, #tpu.memory_space<vmem>>, vector<1x1000x128xf32>
    %get3A_8 = vector.shape_cast %get3A_7 : vector<1x1000x128xf32> to vector<1000x128xf32>
    %add3A = arith.addf %get3A_3, %get3A_8 : vector<1000x128xf32>
    %get3A_9 = arith.constant 0 : index
    %get3A_10 = arith.constant 0 : index
    %get3A_11 = vector.load %arg3[%get3A_9, %get3A_10] : memref<1000x128xf32, #tpu.memory_space<vmem>>, vector<1000x128xf32>
    %mul3A = arith.mulf %add3A, %get3A_11 : vector<1000x128xf32>
    %get3A_12 = arith.constant 0 : index
    %get3A_13 = arith.constant 0 : index
    %get3A_14 = vector.load %arg9[%get3A_12, %get3A_13] : memref<1x1xf32, #tpu.memory_space<vmem>>, vector<1x1xf32>
    %get3A_15 = vector.extract %get3A_14[0, 0] : f32 from vector<1x1xf32>
    %add3A_16 = arith.constant 1.000000e+00 : f32
    %add3A_17 = arith.addf %add3A_16, %get3A_15 : f32
    %get3A_18 = arith.constant 0 : index
    %get3A_19 = arith.constant 0 : index
    %get3A_20 = arith.constant 0 : index
    %get3A_21 = vector.load %arg1[%get3A_18, %get3A_19, %get3A_20] : memref<1x1000x128xf32, #tpu.memory_space<vmem>>, vector<1x1000x128xf32>
    %get3A_22 = vector.shape_cast %get3A_21 : vector<1x1000x128xf32> to vector<1000x128xf32>
    %mul3A_23 = vector.broadcast %add3A_17 : f32 to vector<1000x128xf32>
    %mul3A_24 = arith.mulf %mul3A_23, %get3A_22 : vector<1000x128xf32>
    %add3A_25 = arith.addf %mul3A_24, %mul3A : vector<1000x128xf32>
    %get3A_26 = arith.constant 0 : index
    %get3A_27 = arith.constant 0 : index
    %get3A_28 = vector.load %arg4[%get3A_26, %get3A_27] : memref<1x128xf32, #tpu.memory_space<vmem>>, vector<1x128xf32>
    %add3A_29 = vector.broadcast %get3A_28 : vector<1x128xf32> to vector<1000x128xf32>
    %add3A_30 = arith.addf %add3A_25, %add3A_29 : vector<1000x128xf32>
    %ge3A = arith.constant 0.000000e+00 : f32
    %ge3A_31 = vector.broadcast %ge3A : f32 to vector<1000x128xf32>
    %ge3A_32 = arith.cmpf oge, %add3A_30, %ge3A_31 : vector<1000x128xf32>
    %mul3A_33 = arith.constant 0.00999999977 : f32
    %mul3A_34 = vector.broadcast %mul3A_33 : f32 to vector<1000x128xf32>
    %mul3A_35 = arith.mulf %mul3A_34, %add3A_30 : vector<1000x128xf32>
    %select_n3A = arith.select %ge3A_32, %add3A_30, %mul3A_35 : vector<1000x128xi1>, vector<1000x128xf32>
    %get3A_36 = arith.constant 0 : index
    %get3A_37 = arith.constant 0 : index
    %get3A_38 = vector.load %arg5[%get3A_36, %get3A_37] : memref<128x128xf32, #tpu.memory_space<vmem>>, vector<128x128xf32>
    %dot_general3A = arith.constant dense<0.000000e+00> : vector<1000x128xf32>
    %dot_general3A_39 = tpu.matmul %select_n3A, %get3A_38, %dot_general3A {dimension_numbers = #tpu.dot_dimension_numbers<[1], [0], [0], [1], [0, 0, 1, 1], [], []>, transpose_lhs_hint = false} : vector<1000x128xf32>, vector<128x128xf32>, vector<1000x128xf32> -> vector<1000x128xf32>
    %get3A_40 = arith.constant 0 : index
    %get3A_41 = arith.constant 0 : index
    %get3A_42 = vector.load %arg6[%get3A_40, %get3A_41] : memref<1x128xf32, #tpu.memory_space<vmem>>, vector<1x128xf32>
    %add3A_43 = vector.broadcast %get3A_42 : vector<1x128xf32> to vector<1000x128xf32>
    %add3A_44 = arith.addf %dot_general3A_39, %add3A_43 : vector<1000x128xf32>
    %ge3A_45 = arith.constant 0.000000e+00 : f32
    %ge3A_46 = vector.broadcast %ge3A_45 : f32 to vector<1000x128xf32>
    %ge3A_47 = arith.cmpf oge, %add3A_44, %ge3A_46 : vector<1000x128xf32>
    %mul3A_48 = arith.constant 0.00999999977 : f32
    %mul3A_49 = vector.broadcast %mul3A_48 : f32 to vector<1000x128xf32>
    %mul3A_50 = arith.mulf %mul3A_49, %add3A_44 : vector<1000x128xf32>
    %select_n3A_51 = arith.select %ge3A_47, %add3A_44, %mul3A_50 : vector<1000x128xi1>, vector<1000x128xf32>
    %swap3A = arith.constant 0 : index
    %swap3A_52 = arith.constant 0 : index
    %swap3A_53 = vector.load %arg11[%swap3A, %swap3A_52] : memref<1000x128xf32, #tpu.memory_space<vmem>>, vector<1000x128xf32>
    tpu.vector_store %arg11[%swap3A, %swap3A_52], %select_n3A_51 {strides = array<i32>} : memref<1000x128xf32, #tpu.memory_space<vmem>>, vector<1000x128xf32>,
    %get3A_54 = arith.constant 0 : index
    %get3A_55 = arith.constant 0 : index
    %get3A_56 = vector.load %arg7[%get3A_54, %get3A_55] : memref<128x128xf32, #tpu.memory_space<vmem>>, vector<128x128xf32>
    %dot_general3A_57 = arith.constant dense<0.000000e+00> : vector<1000x128xf32>
    %dot_general3A_58 = tpu.matmul %select_n3A_51, %get3A_56, %dot_general3A_57 {dimension_numbers = #tpu.dot_dimension_numbers<[1], [0], [0], [1], [0, 0, 1, 1], [], []>, transpose_lhs_hint = false} : vector<1000x128xf32>, vector<128x128xf32>, vector<1000x128xf32> -> vector<1000x128xf32>
    %get3A_59 = arith.constant 0 : index
    %get3A_60 = arith.constant 0 : index
    %get3A_61 = vector.load %arg8[%get3A_59, %get3A_60] : memref<1x128xf32, #tpu.memory_space<vmem>>, vector<1x128xf32>
    %add3A_62 = vector.broadcast %get3A_61 : vector<1x128xf32> to vector<1000x128xf32>
    %add3A_63 = arith.addf %dot_general3A_58, %add3A_62 : vector<1000x128xf32>
    %swap3A_64 = arith.constant 0 : index
    %swap3A_65 = arith.constant 0 : index
    %swap3A_66 = vector.load %arg10[%swap3A_64, %swap3A_65] : memref<1000x128xf32, #tpu.memory_space<vmem>>, vector<1000x128xf32>
    tpu.vector_store %arg10[%swap3A_64, %swap3A_65], %add3A_63 {strides = array<i32>} : memref<1000x128xf32, #tpu.memory_space<vmem>>, vector<1000x128xf32>,
    return
  }
  func.func @transform_0(%arg0: i32) -> (i32, i32, i32) {
    %c0_i32 = arith.constant 0 : i32
    %c0_i32_0 = arith.constant 0 : i32
    %c0_i32_1 = arith.constant 0 : i32
    return %c0_i32, %arg0, %c0_i32_0 : i32, i32, i32
  }
  func.func @transform_1(%arg0: i32) -> (i32, i32, i32) {
    %c0_i32 = arith.constant 0 : i32
    %c0_i32_0 = arith.constant 0 : i32
    %c0_i32_1 = arith.constant 0 : i32
    return %c0_i32, %arg0, %c0_i32_0 : i32, i32, i32
  }
  func.func @transform_2(%arg0: i32) -> (i32, i32) {
    %c0_i32 = arith.constant 0 : i32
    %c0_i32_0 = arith.constant 0 : i32
    return %arg0, %c0_i32 : i32, i32
  }
  func.func @transform_3(%arg0: i32) -> (i32, i32) {
    %c0_i32 = arith.constant 0 : i32
    %c0_i32_0 = arith.constant 0 : i32
    %c0_i32_1 = arith.constant 0 : i32
    return %c0_i32, %c0_i32_0 : i32, i32
  }
  func.func @transform_4(%arg0: i32) -> (i32, i32) {
    %c0_i32 = arith.constant 0 : i32
    %c0_i32_0 = arith.constant 0 : i32
    %c0_i32_1 = arith.constant 0 : i32
    return %c0_i32, %c0_i32_0 : i32, i32
  }
  func.func @transform_5(%arg0: i32) -> (i32, i32) {
    %c0_i32 = arith.constant 0 : i32
    %c0_i32_0 = arith.constant 0 : i32
    %c0_i32_1 = arith.constant 0 : i32
    return %c0_i32, %c0_i32_0 : i32, i32
  }
  func.func @transform_6(%arg0: i32) -> (i32, i32) {
    %c0_i32 = arith.constant 0 : i32
    %c0_i32_0 = arith.constant 0 : i32
    %c0_i32_1 = arith.constant 0 : i32
    return %c0_i32, %c0_i32_0 : i32, i32
  }
  func.func @transform_7(%arg0: i32) -> (i32, i32) {
    %c0_i32 = arith.constant 0 : i32
    %c0_i32_0 = arith.constant 0 : i32
    %c0_i32_1 = arith.constant 0 : i32
    return %c0_i32, %c0_i32_0 : i32, i32
  }
  func.func @transform_8(%arg0: i32) -> (i32, i32) {
    %c0_i32 = arith.constant 0 : i32
    %c0_i32_0 = arith.constant 0 : i32
    %c0_i32_1 = arith.constant 0 : i32
    return %c0_i32, %c0_i32_0 : i32, i32
  }
  func.func @transform_9(%arg0: i32) -> (i32, i32) {
    %c0_i32 = arith.constant 0 : i32
    %c0_i32_0 = arith.constant 0 : i32
    return %arg0, %c0_i32 : i32, i32
  }
  func.func @transform_10(%arg0: i32) -> (i32, i32) {
    %c0_i32 = arith.constant 0 : i32
    %c0_i32_0 = arith.constant 0 : i32
    return %arg0, %c0_i32 : i32, i32
  }
}

</mosaic_0001>

<sc_bundles>
// kernel: kernel.12.cloned.1.call-start
scs
__scs_entry_jumppad:
0x0: {  	(pc) =	sbr.rel $0x88, $3  }
0x1: {  	(tag) =	ssettag $0x0;
	lr =	simm.s32 $0x1  }
0x2: {  	[smem:$0x3F8E] =	sst lr;
	_ =	strace $0xD0000000  }
0x3: {  	_ = 	snop  }
0x4: {  	_ = 	snop  }
0x5: {  	_ = 	snop  }
0x6: {  	_ = 	snop  }
0x7: {  	_ = 	snop  }
__scs_overlays_trampoline_lowered:
0x8: {  	[smem:$0x3F9D] =	sst s0  }
0x9: {  	[smem:$0x3F9E] =	sst s1  }
0xa: {  	[smem:$0x3F9F] =	sst s2  }
0xb: {  	[smem:$0x3FA0] =	sst s3  }
0xc: {  	[smem:$0x3FA1] =	sst s4  }
0xd: {  	[smem:$0x3FA2] =	sst s5  }
0xe: {  	[smem:$0x3FA3] =	sst s6  }
0xf: {  	[smem:$0x3FA4] =	sst s7  }
0x10: {  	[smem:$0x3FA5] =	sst s8  }
0x11: {  	[smem:$0x3FA6] =	sst s9;
	s0 =	simm.s32 @!p0 $0x0  }
0x12: {  	s1 =	sld [smem:$0x3F8C];
	s0 =	simm.s32 @p0 $0x1  }
0x13: {  	[smem:$0x3FA7] =	sst s0;
	s0 =	simm.s32 @!p1 $0x0  }
0x14: {  	s2 =	sld [smem:$0x3F8B];
	s0 =	simm.s32 @p1 $0x1  }
0x15: {  	[smem:$0x3FA8] =	sst s0;
	s0 =	simm.s32 @!p2 $0x0  }
0x16: {  	s3 =	sld [smem:$0x3FDB];
	s0 =	simm.s32 @p2 $0x1  }
0x17: {  	s4 =	simm.s32 $0x1BF5;
	[smem:$0x3FAA] =	sst s0  }
0x18: {  	s0 =	sld [smem:$0x3F8D];
	_ =	swait.ge [sflag:s4], $0x0  }
0x19: {  	s7 =	sld [smem:$0x3F8E]  }
0x1a: {  	s8 =	sadd.s32 $0xFFFFE003, lr  }
0x1b: {  	s9 =	sadd.s32 $0xFFFFFEF7, lr;
	s5 =	simm.s32 $0xFFFFFFFF;
	p2 =	slt.u32 s8, $0xFFFFF086  }
0x1c: {  	p1 =	slt.u32 s9, $0xF7A;
	s5 =	simm.s32 @!p2 $0x0  }
0x1d: {  	s5 =	simm.s32 @p1 $0x1;
	p0 =	seq.s32 s7, s2  }
0x1e: {  	s7 =	smul.u32 @!p0 $0xF7A, s2;
	p2 =	seq.s32 @!p0 s5, $0x0  }
0x1f: {  	s9 =	smul.u32 $0xF7A, s1;
	s8 =	simm.s32 @!p0 $0x1BF5;
	p2 =	por !p2, p0  }
0x20: {  	[sflag:s8] =	ssyncset.s32 @!p0 $0xFFFFF086;
	s6 =	sadd.s32 @!p0 s3, s7;
	s7 =	simm.s32 @!p0 $0x108  }
0x21: {  	s3 =	sadd.s32 s3, s9;
	s6 =	sadd.s32 @!p0 $0x88, s6;
	s7 =	simm.s32 @p2 $0x1082  }
0x22: {  	[simem:s7], [sflag:s8] =	dma.local @!p0 [hbm:s6], $0xF7A  }
0x23: {  	s9 =	sor.u32 $0xD0000000, s2;
	s6 =	simm.s32 $0x108;
	_ =	swait.ge @!p0 [sflag:s8], $0x0  }
0x24: {  	s3 =	sadd.s32 $0x88, s3;
	s6 =	simm.s32 @!p1 $0x1082;
	[sflag:s4] =	ssyncset.s32 $0xFFFFF086  }
0x25: {  	[simem:s6], [sflag:s4] =	dma.local [hbm:s3], $0xF7A  }
0x26: {  	[smem:$0x3F8E] =	sst s1;
	(tag) =	ssettag s2;
	_ =	strace s9  }
0x27: {  	s1 =	sld [smem:$0x3F9E]  }
0x28: {  	s2 =	sld [smem:$0x3F9F]  }
0x29: {  	s4 =	sld [smem:$0x3FA1]  }
0x2a: {  	p0 =	seq.s32 s5, $0x0;
	s5 =	sld [smem:$0x3FA2]  }
0x2b: {  	s6 =	sld [smem:$0x3FA3]  }
0x2c: {  	s7 =	sld [smem:$0x3FA4]  }
0x2d: {  	s3 =	simm.s32 $0x108;
	s8 =	sld [smem:$0x3FA5]  }
0x2e: {  	s3 =	simm.s32 @!p0 $0x1082;
	s9 =	sld [smem:$0x3FA6]  }
0x2f: {  	lr =	sadd.s32 s0, s3;
	s0 =	sld [smem:$0x3F9D]  }
0x30: {  	s3 =	sld [smem:$0x3FA0]  }
0x31: {  	[smem:$0x3FA9] =	sst s10  }
0x32: {  	s10 =	sld [smem:$0x3FA7];
	_ =	sdelay $0x3  }
0x33: {  	p0 =	seq.s32 s10, $0x1;
	s10 =	sld [smem:$0x3FA9];
	_ =	sdelay $0x3  }
0x34: {  	[smem:$0x3FA9] =	sst s10  }
0x35: {  	s10 =	sld [smem:$0x3FA8];
	_ =	sdelay $0x3  }
0x36: {  	p1 =	seq.s32 s10, $0x1;
	s10 =	sld [smem:$0x3FA9];
	_ =	sdelay $0x3  }
0x37: {  	[smem:$0x3FA9] =	sst s10  }
0x38: {  	s10 =	sld [smem:$0x3FAA]  }
0x39: {  	_ = 	snop;
	(pc) =	sbr.ind lr, $3  }
0x3a: {  	_ = 	snop  }
0x3b: {  	_ = 	snop  }
0x3c: {  	p2 =	seq.s32 s10, $0x1;
	s10 =	sld [smem:$0x3FA9]  }
0x3d: {  	_ =	shalt  }
0x3e: {  	_ =	shalt  }
0x3f: {  	_ =	shalt  }
0x40: {  	_ =	shalt  }
0x41: {  	_ =	shalt  }
0x42: {  	_ =	shalt  }
0x43: {  	_ =	shalt  }
0x44: {  	_ =	shalt  }
0x45: {  	_ =	shalt  }
0x46: {  	_ =	shalt  }
0x47: {  	_ =	shalt  }
0x48: {  	_ =	shalt  }
0x49: {  	_ =	shalt  }
0x4a: {  	_ =	shalt  }
0x4b: {  	_ =	shalt  }
0x4c: {  	_ =	shalt  }
0x4d: {  	_ =	shalt  }
0x4e: {  	_ =	shalt  }
0x4f: {  	_ =	shalt  }
0x50: {  	_ =	shalt  }
0x51: {  	_ =	shalt  }
0x52: {  	_ =	shalt  }
0x53: {  	_ =	shalt  }
0x54: {  	_ =	shalt  }
0x55: {  	_ =	shalt  }
0x56: {  	_ =	shalt  }
0x57: {  	_ =	shalt  }
0x58: {  	_ =	shalt  }
0x59: {  	_ =	shalt  }
0x5a: {  	_ =	shalt  }
0x5b: {  	_ =	shalt  }
0x5c: {  	_ =	shalt  }
0x5d: {  	_ =	shalt  }
0x5e: {  	_ =	shalt  }
0x5f: {  	_ =	shalt  }
0x60: {  	_ =	shalt  }
0x61: {  	_ =	shalt  }
0x62: {  	_ =	shalt  }
0x63: {  	_ =	shalt  }
0x64: {  	_ =	shalt  }
0x65: {  	_ =	shalt  }
0x66: {  	_ =	shalt  }
0x67: {  	_ =	shalt  }
0x68: {  	_ =	shalt  }
0x69: {  	_ =	shalt  }
0x6a: {  	_ =	shalt  }
0x6b: {  	_ =	shalt  }
0x6c: {  	_ =	shalt  }
0x6d: {  	_ =	shalt  }
0x6e: {  	_ =	shalt  }
0x6f: {  	_ =	shalt  }
0x70: {  	_ =	shalt  }
0x71: {  	_ =	shalt  }
0x72: {  	_ =	shalt  }
0x73: {  	_ =	shalt  }
0x74: {  	_ =	shalt  }
0x75: {  	_ =	shalt  }
0x76: {  	_ =	shalt  }
0x77: {  	_ =	shalt  }
0x78: {  	_ =	shalt  }
0x79: {  	_ =	shalt  }
0x7a: {  	_ =	shalt  }
0x7b: {  	_ =	shalt  }
0x7c: {  	_ =	shalt  }
0x7d: {  	_ =	shalt  }
0x7e: {  	_ =	shalt  }
0x7f: {  	_ =	shalt  }
0x80: {  	_ =	shalt  }
0x81: {  	_ =	shalt  }
0x82: {  	_ =	shalt  }
0x83: {  	_ =	shalt  }
0x84: {  	_ =	shalt  }
0x85: {  	_ =	shalt  }
0x86: {  	_ =	shalt  }
0x87: {  	_ =	shalt  }
.Lfunc_end0:
.L_simem_size_0:
called_computation.1_lowered:
.L_overlay_start_0:
0x88: {  	s2 =	sld [smem:$0x3FD9]  }
0x89: {  	s3 =	sld [smem:$0x3FFE];
	_ =	sdelay $0x1  }
0x8a: {  	s1 =	srdreg.scid  }
0x8b: {  	s0 =	sand.u32 $0x1, s1  }
0x8c: {  	s16 =	sshll.u32 s0, $0xA;
	s2 =	sadd.s32 s3, s2  }
0x8d: {  	s2 =	sadd.s32 s2, s16  }
0x8e: {  	[smem:$0x3FB5] =	sst s2  }
0x8f: {  	_ = 	snop  }
0x90: {  	(tm) =	ssettm $0x1  }
0x91: {  	s17 =	sld [smem:$0x3FFB];
	_ =	sdelay $0x3  }
0x92: {  	_ =	strace s17  }
0x93: {  	s2 =	sld [smem:$0x3FFC];
	_ =	sdelay $0x3  }
0x94: {  	_ =	strace s2  }
0x95: {  	s2 =	sld [smem:$0x3FFD];
	_ =	sdelay $0x3  }
0x96: {  	_ =	strace s2  }
0x97: {  	_ =	strace $0x8FFFFFFF  }
0x98: {  	s18 =	sld [smem:$0x3FDB];
	_ =	sdelay $0x1  }
0x99: {  	s19 =	simm.s32 $_scs_section_size  }
0x9a: {  	s4 =	simm.s32 $_size__tile_overlayer_lowered;
	s5 =	simm.s32 $_tile_overlayer_lowered  }
0x9b: {  	s22 =	simm.s32 $0x1BFF;
	s21 =	sshll.u32 s5, $0x1;
	s2 =	sadd.s32 s19, s18  }
0x9c: {  	s6 =	simm.s32 $0x0;
	s20 =	sshll.u32 s4, $0x1;
	s4 =	sadd.s32 s21, s2  }
0x9d: {  	[timem:s6], [sflag:s22] =	dma.local [hbm:s4], s20  }
0x9e: {  	_ =	swait.ge [sflag:s22], s20  }
0x9f: {  	s3 =	ssub.s32 $0x0, s20;
	[sflag:s22] =	ssyncset.done $0x0  }
0xa0: {  	[sflag:s22] =	ssyncadd.s32 s3;
	_ =	sdelay $0x1  }
0xa1: {  	s23 =	simm.s32 $0x1B8B  }
0xa2: {  	_ =	swait.ge [sflag:s23], $0x1  }
0xa3: {  	[sflag:s23] =	ssyncset.done $0x0  }
0xa4: {  	s25 =	simm.s32 $0x1B8E;
	s24 =	sld [smem:$0x3FFE];
	[sflag:s23] =	ssyncadd.s32 $0xFFFFFFFF  }
0xa5: {  	s26 =	simm.s32 $execute0_lowered;
	[smem:$0x3FD2] =	sst s25  }
0xa6: {  	s4 =	sshll.u32 s26, $0x1;
	_ =	strace $0x80000049;
	[dreg:$0x1] =	wrdreg $0xFFFFFFFF  }
0xa7: {  	s28 =	simm.s32 $_size_execute0_lowered;
	s2 =	sadd.s32 s2, s4;
	[dreg:$0x0] =	wrdreg $0x0  }
0xa8: {  	s4 =	sshll.u32 s28, $0x1;
	[dreg:$0x2] =	wrdreg s2  }
0xa9: {  	[dreg:$0x3] =	wrdreg s4  }
0xaa: {  	[dreg:$0x4] =	wrdreg $0xC0  }
0xab: {  	_ =	task [dreg:s6], $0x5FFFF  }
0xac: {  	[dreg:$0x1] =	wrdreg $0xFFFFFFFF  }
0xad: {  	[dreg:$0x0] =	wrdreg $0x60  }
0xae: {  	[dreg:$0x2] =	wrdreg s24  }
0xaf: {  	[dreg:$0x3] =	wrdreg $0xB0000  }
0xb0: {  	[dreg:$0x4] =	wrdreg $0x9  }
0xb1: {  	_ =	task.clear_ibuf [dreg:s6], $0x5FFFF;
	_ =	strace $0x90000049  }
0xb2: {  	s29 =	simm.s32 $0x9;
	_ =	strace $0x8000004B  }
0xb3: {  	_ =	swait.ge [sflag:s29], $0x1  }
0xb4: {  	[sflag:s29] =	ssyncadd.s32 $0xFFFFFFFF  }
0xb5: {  	_ =	strace $0x9000004B  }
0xb6: {  	_ =	sfence  }
0xb7: {  	s30 =	sld [smem:$0x0];
	_ =	sdelay $0x2  }
0xb8: {  	s31 =	sshll.u32 s1, $0xD;
	s1 =	sshrl.u32 s1, $0x2  }
0xb9: {  	s3 =	sand.u32 $0x4000, s31;
	s1 =	sadd.s32 s1, s30  }
0xba: {  	s0 =	sor.u32 s3, s0;
	s1 =	sshll.u32 s1, $0x11  }
0xbb: {  	s0 =	sor.u32 s1, s0  }
0xbc: {  	s0 =	sadd.s32 $0x8F2B, s0  }
0xbd: {  	[sflag:s0] =	ssyncadd.remote.s32 $0x1  }
0xbe: {  	_ =	sfence.sel $0xFFFF  }
0xbf: {  	[dreg:$0x0] =	wrdreg $0xFFFFFFFF;
	(pc) =	sbr.abs _section_cstart, $3  }
0xc0: {  	[dreg:$0x1] =	wrdreg $0xFFFFFFFF  }
0xc1: {  	_ =	task.clear_ibuf [dreg:s6], $0x2FFFF;
	_ =	strace $0x9FFFFFFF  }
0xc2: {  	(tm) =	ssettm $0x7FFFFFFF  }
0xc3: {  	_ =	shalt  }
tec
execute0_lowered:
.L_overlay_start_1:
0x0: {  	(tag) =	ssettag $0x1  }
0x1: {  	s0 =	rddreg [dreg:$0x0]  }
0x2: {  	s1 =	rddreg [dreg:$0x1];
	s2 =	simm.s32 $0x0  }
0x3: {  	s3 =	srdreg.scid;
	s20 =	stileid.u32;
	s17 =	simm.s32 $0xD1A00  }
0x4: {  	s28 =	simm.s32 $0x5;
	s29 =	simm.s32 $0x1;
	s30 =	simm.s32 $0x2  }
0x5: {  	s31 =	simm.s32 $0x3;
	[smem:$0x7FF] =	sst s2;
	s7 =	smul.u32 $0x4E000, s20  }
0x6: {  	s4 =	sadd.s32 $0x3A00, s0;
	s5 =	sadd.s32 $0xE0E00, s0;
	s10 =	smul.u32 $0x7A00, s20  }
0x7: {  	s3 =	sand.u32 $0x1, s3;
	s6 =	sadd.s32 $0x67C00, s0;
	s22 =	smul.u32 $0xF40, s20  }
0x8: {  	s8 =	sadd.s32 $0xF0200, s0;
	s14 =	smul.u32 $0x13800, s20;
	s13 =	sadd.s32 $0x138000, s1  }
0x9: {  	_ =	strace $0x8000004A;
	[dreg:$0x3] =	wrdreg s6;
	s19 =	ssub.s32 $0x2, s3  }
0xa: {  	p0 =	seq.s32 s3, $0x0;
	s3 =	smul.u32 $0x138800, s3;
	s9 =	sshrl.u32 s19, $0x1  }
0xb: {  	s21 =	sshrl.u32 s7, $0x2;
	s23 =	sshrl.u32 s10, $0x3;
	s17 =	simm.s32 @!p0 $0xC2600  }
0xc: {  	s26 =	sadd.s32 s22, s5;
	p0 =	sne.s32 s20, $0xF;
	s16 =	ssub.s32 s19, s9  }
0xd: {  	s6 =	sadd.s32 s21, s1;
	s9 =	sadd.s32 s5, s23;
	s14 =	sadd.s32 s14, s3  }
0xe: {  	s3 =	sshrl.u32 s3, $0x3;
	s0 =	sadd.s32 s17, s0;
	s18 =	sadd.s32 $0x40, s26  }
0xf: {  	s21 =	simm.s32 $0x4;
	s23 =	simm.s32 $0x800;
	s26 =	simm.s32 $0x7800  }
0x10: {  	[dreg:$0x4] =	wrdreg s9;
	s24 =	sadd.s32 $0x3800, s6;
	s25 =	sadd.s32 $0x7000, s6  }
0x11: {  	s10 =	sadd.s32 $0xA800, s6;
	s11 =	sadd.s32 $0xE000, s6;
	s12 =	sadd.s32 $0x11800, s6  }
0x12: {  	s14 =	sshrl.u32 s14, $0x3;
	s3 =	sadd.s32 s8, s3;
	s16 =	smax.u32 s16, $0x1  }
0x13: {  	s17 =	sadd.s32 s0, s22;
	s22 =	simm.s32 $0x70;
	[dreg:$0x5] =	wrdreg s24  }
0x14: {  	s0 =	simm.s32 $0x0;
	[dreg:$0x6] =	wrdreg s25;
	s14 =	sadd.s32 s8, s14  }
0x15: {  	s15 =	sadd.s32 $0x27000, s3;
	s19 =	sadd.s32 $0x40, s17;
	s25 =	simm.s32 $0x4000  }
.LBB2_1:
0x16: {  	[tilespmem:s2], [sflag:$0x4] =	stream.linear.gather [hbm4b:s17+s2], $0x180, $0x38;
	[tilespmem:$0x1E8C0] =	vst v63  }
0x17: {  	s3 =	rddreg [dreg:$0x4];
	s5 =	simm.s32 $0x400  }
0x18: {  	[tilespmem:s5], [sflag:$0x4] =	stream.linear.gather [hbm4b:s3+s2], $0x180, $0x38;
	[tilespmem:$0x1E8C0] =	vst v63  }
0x19: {  	_ =	swait.ge [sflag:s21], $0x180  }
0x1a: {  	[sflag:s21] =	ssyncset.done $0x0  }
0x1b: {  	[sflag:s21] =	ssyncadd.s32 $0xFFFFFE80  }
0x1c: {  	_ =	swait.ge [sflag:s21], $0x180  }
0x1d: {  	[sflag:s21] =	ssyncset.done $0x0  }
0x1e: {  	[sflag:s21] =	ssyncadd.s32 $0xFFFFFE80  }
0x1f: {  	[tilespmem:s23], [sflag:$0x1] =	stream.indirect.gather [hbm4b:s4+s22], $0x80, s2, s22, $0xb8;
	[tilespmem:$0x1E8C0] =	vst v63  }
0x20: {  	s20 =	simm.s32 $0x80  }
0x21: {  	[tilespmem:s25], [sflag:$0x2] =	stream.indirect.gather [hbm4b:s4+s22], $0x80, s20, s22, $0xb8;
	[tilespmem:$0x1E8C0] =	vst v63  }
0x22: {  	s24 =	rddreg [dreg:$0x3]  }
0x23: {  	[tilespmem:s26], [sflag:$0x5] =	stream.linear.gather [hbm4b:s24+s2], $0x3800, $0x38;
	[tilespmem:$0x1E8C0] =	vst v63  }
0x24: {  	_ =	swait.ge [sflag:s28], $0x3800  }
0x25: {  	[sflag:s28] =	ssyncset.done $0x0  }
0x26: {  	[sflag:s28] =	ssyncadd.s32 $0xFFFFC800  }
0x27: {  	[spmem:s6] =	stream.linear.scatter [tilespmem:s26], [sflag:$0x5], $0x3800, $0x38;
	[tilespmem:$0x1E8C0] =	vst v63  }
0x28: {  	_ =	swait.ge [sflag:s28], $0x3800  }
0x29: {  	[sflag:s28] =	ssyncset.done $0x0  }
0x2a: {  	s5 =	rddreg [dreg:$0x5];
	[sflag:s28] =	ssyncadd.s32 $0xFFFFC800  }
0x2b: {  	[spmem:s5] =	stream.linear.scatter [tilespmem:s26], [sflag:$0x5], $0x3800, $0x38;
	[tilespmem:$0x1E8C0] =	vst v63  }
0x2c: {  	_ =	swait.ge [sflag:s28], $0x3800  }
0x2d: {  	[sflag:s28] =	ssyncset.done $0x0  }
0x2e: {  	s7 =	rddreg [dreg:$0x6];
	[sflag:s28] =	ssyncadd.s32 $0xFFFFC800  }
0x2f: {  	[spmem:s7] =	stream.linear.scatter [tilespmem:s26], [sflag:$0x5], $0x3800, $0x38;
	[tilespmem:$0x1E8C0] =	vst v63  }
0x30: {  	_ =	swait.ge [sflag:s28], $0x3800  }
0x31: {  	[sflag:s28] =	ssyncset.done $0x0  }
0x32: {  	[sflag:s28] =	ssyncadd.s32 $0xFFFFC800  }
0x33: {  	[spmem:s10] =	stream.linear.scatter [tilespmem:s26], [sflag:$0x5], $0x3800, $0x38;
	[tilespmem:$0x1E8C0] =	vst v63  }
0x34: {  	_ =	swait.ge [sflag:s28], $0x3800  }
0x35: {  	[sflag:s28] =	ssyncset.done $0x0  }
0x36: {  	[sflag:s28] =	ssyncadd.s32 $0xFFFFC800  }
0x37: {  	[spmem:s11] =	stream.linear.scatter [tilespmem:s26], [sflag:$0x5], $0x3800, $0x38;
	[tilespmem:$0x1E8C0] =	vst v63  }
0x38: {  	_ =	swait.ge [sflag:s28], $0x3800  }
0x39: {  	[sflag:s28] =	ssyncset.done $0x0  }
0x3a: {  	[sflag:s28] =	ssyncadd.s32 $0xFFFFC800  }
0x3b: {  	[spmem:s12] =	stream.linear.scatter [tilespmem:s26], [sflag:$0x5], $0x2000, $0x38;
	[tilespmem:$0x1E8C0] =	vst v63  }
0x3c: {  	_ =	swait.ge [sflag:s28], $0x2000  }
0x3d: {  	[sflag:s28] =	ssyncset.done $0x0  }
0x3e: {  	s3 =	simm.s32 @!p0 $0x7800;
	[sflag:s28] =	ssyncadd.s32 $0xFFFFE000  }
0x3f: {  	[spmem:s13] =	stream.linear.scatter @!p0 [tilespmem:s3], [sflag:$0x5], $0xC00, $0x38;
	[tilespmem:$0x1E8C0] =	vst v63  }
0x40: {  	s3 =	simm.s32 @!p0 $0x5  }
0x41: {  	_ =	swait.ge @!p0 [sflag:s3], $0xC00  }
0x42: {  	s8 =	sand.u32 $0x1, s2;
	[sflag:s3] =	ssyncset.done @!p0 $0x0  }
0x43: {  	s9 =	sxor.u32 $0x1, s8;
	[sflag:s3] =	ssyncadd.s32 @!p0 $0xFFFFF400  }
0x44: {  	s3 =	sshll.u32 s9, $0x9;
	[bflag:$0x0] =	sbarrier.arrive $0xFFFF  }
0x45: {  	[tilespmem:s3], [sflag:$0x4] =	stream.linear.gather [hbm4b:s19+s2], $0x180, $0x38;
	[tilespmem:$0x1E8C0] =	vst v63  }
0x46: {  	s7 =	sshll.u32 s8, $0x9;
	s20 =	sor.u32 $0x400, s3  }
0x47: {  	[tilespmem:s20], [sflag:$0x4] =	stream.linear.gather [hbm4b:s18+s2], $0x180, $0x38;
	[tilespmem:$0x1E8C0] =	vst v63  }
0x48: {  	s24 =	sor.u32 $0x100, s7  }
0x49: {  	[tilespmem:s26], [sflag:$0x3] =	stream.indirect.gather [hbm4b:s4+s22], $0x80, s24, s22, $0xb8;
	[tilespmem:$0x1E8C0] =	vst v63  }
0x4a: {  	_ =	swait.ge [sflag:s29], $0x3800  }
0x4b: {  	[sflag:s29] =	ssyncset.done $0x0  }
0x4c: {  	s8 =	sor.u32 $0x400, s7;
	[sflag:s29] =	ssyncadd.s32 $0xFFFFC800  }
0x4d: {  	[spmem:s1] =	stream.indirect.scatter.add.f32 [tilespmem:s23], [sflag:$0x5], $0x80, s8, s22, $0xb8;
	[tilespmem:$0x1E8C0] =	vst v63  }
0x4e: {  	_ =	swait.ge [sflag:s28], $0x3800  }
0x4f: {  	[sflag:s28] =	ssyncset.done $0x0  }
0x50: {  	[sflag:s28] =	ssyncadd.s32 $0xFFFFC800  }
0x51: {  	_ =	swait.ge [sflag:s21], $0x180  }
0x52: {  	[sflag:s21] =	ssyncset.done $0x0  }
0x53: {  	[sflag:s21] =	ssyncadd.s32 $0xFFFFFE80  }
0x54: {  	_ =	swait.ge [sflag:s21], $0x180  }
0x55: {  	[sflag:s21] =	ssyncset.done $0x0  }
0x56: {  	[sflag:s21] =	ssyncadd.s32 $0xFFFFFE80  }
0x57: {  	[tilespmem:s23], [sflag:$0x1] =	stream.indirect.gather [hbm4b:s4+s22], $0x80, s3, s22, $0xb8;
	[tilespmem:$0x1E8C0] =	vst v63  }
0x58: {  	_ =	swait.ge [sflag:s30], $0x3800  }
0x59: {  	[sflag:s30] =	ssyncset.done $0x0  }
0x5a: {  	s9 =	sor.u32 $0x480, s7;
	[sflag:s30] =	ssyncadd.s32 $0xFFFFC800  }
0x5b: {  	[spmem:s1] =	stream.indirect.scatter.add.f32 [tilespmem:s25], [sflag:$0x5], $0x80, s9, s22, $0xb8;
	[tilespmem:$0x1E8C0] =	vst v63  }
0x5c: {  	_ =	swait.ge [sflag:s28], $0x3800  }
0x5d: {  	[sflag:s28] =	ssyncset.done $0x0  }
0x5e: {  	s3 =	sor.u32 $0x80, s3;
	[sflag:s28] =	ssyncadd.s32 $0xFFFFC800  }
0x5f: {  	[tilespmem:s25], [sflag:$0x2] =	stream.indirect.gather [hbm4b:s4+s22], $0x80, s3, s22, $0xb8;
	[tilespmem:$0x1E8C0] =	vst v63  }
0x60: {  	_ =	swait.ge [sflag:s31], $0x3800  }
0x61: {  	s5 =	simm.s32 $0x2;
	s20 =	simm.s32 $0x1;
	[sflag:s31] =	ssyncset.done $0x0  }
0x62: {  	s7 =	sor.u32 $0x500, s7;
	s8 =	sand.u32 $0x1, s20;
	[sflag:s31] =	ssyncadd.s32 $0xFFFFC800  }
0x63: {  	[spmem:s1] =	stream.indirect.scatter.add.f32 [tilespmem:s26], [sflag:$0x5], $0x80, s7, s22, $0xb8;
	[tilespmem:$0x1E8C0] =	vst v63  }
0x64: {  	s24 =	sadd.s32 $0x40, s19;
	s20 =	sshll.u32 s8, $0x9;
	_ =	swait.ge [sflag:s28], $0x3800  }
0x65: {  	s3 =	sadd.s32 $0x40, s18;
	s7 =	sxor.u32 $0x1, s8;
	[sflag:s28] =	ssyncset.done $0x0  }
.LBB2_2:
0x66: {  	s9 =	sshll.u32 s7, $0x9  }
0x67: {  	[sflag:s28] =	ssyncadd.s32 $0xFFFFC800;
	s7 =	smov.u32 s5;
	s8 =	sadd.s32 $0x1, s5  }
0x68: {  	[tilespmem:s9], [sflag:$0x4] =	stream.linear.gather [hbm4b:s24+s2], $0x180, $0x38;
	[tilespmem:$0x1E8C0] =	vst v63  }
0x69: {  	p1 =	sne.s32 s5, $0x3B;
	s5 =	sor.u32 $0x400, s9  }
0x6a: {  	[tilespmem:s5], [sflag:$0x4] =	stream.linear.gather [hbm4b:s3+s2], $0x180, $0x38;
	[tilespmem:$0x1E8C0] =	vst v63  }
0x6b: {  	s5 =	sor.u32 $0x100, s20  }
0x6c: {  	[tilespmem:s26], [sflag:$0x3] =	stream.indirect.gather [hbm4b:s4+s22], $0x80, s5, s22, $0xb8;
	[tilespmem:$0x1E8C0] =	vst v63  }
0x6d: {  	_ =	swait.ge [sflag:s29], $0x3800  }
0x6e: {  	[sflag:s29] =	ssyncset.done $0x0  }
0x6f: {  	s5 =	sor.u32 $0x400, s20;
	[sflag:s29] =	ssyncadd.s32 $0xFFFFC800  }
0x70: {  	[spmem:s1] =	stream.indirect.scatter.add.f32 [tilespmem:s23], [sflag:$0x5], $0x80, s5, s22, $0xb8;
	[tilespmem:$0x1E8C0] =	vst v63  }
0x71: {  	_ =	swait.ge [sflag:s28], $0x3800  }
0x72: {  	[sflag:s28] =	ssyncset.done $0x0  }
0x73: {  	[sflag:s28] =	ssyncadd.s32 $0xFFFFC800  }
0x74: {  	_ =	swait.ge [sflag:s21], $0x180  }
0x75: {  	[sflag:s21] =	ssyncset.done $0x0  }
0x76: {  	[sflag:s21] =	ssyncadd.s32 $0xFFFFFE80  }
0x77: {  	_ =	swait.ge [sflag:s21], $0x180  }
0x78: {  	[sflag:s21] =	ssyncset.done $0x0  }
0x79: {  	[sflag:s21] =	ssyncadd.s32 $0xFFFFFE80  }
0x7a: {  	[tilespmem:s23], [sflag:$0x1] =	stream.indirect.gather [hbm4b:s4+s22], $0x80, s9, s22, $0xb8;
	[tilespmem:$0x1E8C0] =	vst v63  }
0x7b: {  	_ =	swait.ge [sflag:s30], $0x3800  }
0x7c: {  	[sflag:s30] =	ssyncset.done $0x0  }
0x7d: {  	s5 =	sor.u32 $0x480, s20;
	[sflag:s30] =	ssyncadd.s32 $0xFFFFC800  }
0x7e: {  	[spmem:s1] =	stream.indirect.scatter.add.f32 [tilespmem:s25], [sflag:$0x5], $0x80, s5, s22, $0xb8;
	[tilespmem:$0x1E8C0] =	vst v63  }
0x7f: {  	_ =	swait.ge [sflag:s28], $0x3800  }
0x80: {  	[sflag:s28] =	ssyncset.done $0x0  }
0x81: {  	s5 =	sor.u32 $0x80, s9;
	[sflag:s28] =	ssyncadd.s32 $0xFFFFC800  }
0x82: {  	[tilespmem:s25], [sflag:$0x2] =	stream.indirect.gather [hbm4b:s4+s22], $0x80, s5, s22, $0xb8;
	[tilespmem:$0x1E8C0] =	vst v63  }
0x83: {  	_ =	swait.ge [sflag:s31], $0x3800  }
0x84: {  	s24 =	sadd.s32 $0x40, s24;
	[sflag:s31] =	ssyncset.done $0x0  }
.Ltmp0:
0x85: {  	s5 =	sor.u32 $0x500, s20;
	[sflag:s31] =	ssyncadd.s32 $0xFFFFC800;
	(pc) =	sbr.rel @p1 .LBB2_2-.Ltmp0, $4  }
0x86: {  	[spmem:s1] =	stream.indirect.scatter.add.f32 [tilespmem:s26], [sflag:$0x5], $0x80, s5, s22, $0xb8;
	[tilespmem:$0x1E8C0] =	vst v63  }
0x87: {  	s5 =	sand.u32 $0x1, s7  }
0x88: {  	s3 =	sadd.s32 $0x40, s3;
	_ =	swait.ge [sflag:s28], $0x3800;
	s7 =	sxor.u32 $0x1, s5  }
0x89: {  	s20 =	sshll.u32 s5, $0x9;
	s5 =	smov.u32 s8;
	[sflag:s28] =	ssyncset.done $0x0  }
0x8a: {  	s5 =	sshll.u32 s7, $0x9;
	[sflag:s28] =	ssyncadd.s32 $0xFFFFC800  }
0x8b: {  	[tilespmem:s5], [sflag:$0x4] =	stream.linear.gather [hbm4b:s24+s2], $0x180, $0x38;
	[tilespmem:$0x1E8C0] =	vst v63  }
0x8c: {  	s7 =	sor.u32 $0x400, s5  }
0x8d: {  	[tilespmem:s7], [sflag:$0x4] =	stream.linear.gather [hbm4b:s3+s2], $0x180, $0x38;
	[tilespmem:$0x1E8C0] =	vst v63  }
0x8e: {  	s9 =	sor.u32 $0x100, s20  }
0x8f: {  	[tilespmem:s26], [sflag:$0x3] =	stream.indirect.gather [hbm4b:s4+s22], $0x80, s9, s22, $0xb8;
	[tilespmem:$0x1E8C0] =	vst v63  }
0x90: {  	_ =	swait.ge [sflag:s29], $0x3800  }
0x91: {  	[sflag:s29] =	ssyncset.done $0x0  }
0x92: {  	s24 =	sor.u32 $0x400, s20;
	[sflag:s29] =	ssyncadd.s32 $0xFFFFC800  }
0x93: {  	[spmem:s1] =	stream.indirect.scatter.add.f32 [tilespmem:s23], [sflag:$0x5], $0x80, s24, s22, $0xb8;
	[tilespmem:$0x1E8C0] =	vst v63  }
0x94: {  	_ =	swait.ge [sflag:s28], $0x3800  }
0x95: {  	[sflag:s28] =	ssyncset.done $0x0  }
0x96: {  	[sflag:s28] =	ssyncadd.s32 $0xFFFFC800  }
0x97: {  	_ =	swait.ge [sflag:s21], $0x180  }
0x98: {  	[sflag:s21] =	ssyncset.done $0x0  }
0x99: {  	[sflag:s21] =	ssyncadd.s32 $0xFFFFFE80  }
0x9a: {  	_ =	swait.ge [sflag:s21], $0x180  }
0x9b: {  	[sflag:s21] =	ssyncset.done $0x0  }
0x9c: {  	[sflag:s21] =	ssyncadd.s32 $0xFFFFFE80  }
0x9d: {  	[tilespmem:s23], [sflag:$0x1] =	stream.indirect.gather [hbm4b:s4+s22], $0x80, s5, s22, $0xb8;
	[tilespmem:$0x1E8C0] =	vst v63  }
0x9e: {  	_ =	swait.ge [sflag:s30], $0x3800  }
0x9f: {  	[sflag:s30] =	ssyncset.done $0x0  }
0xa0: {  	s7 =	sor.u32 $0x480, s20;
	[sflag:s30] =	ssyncadd.s32 $0xFFFFC800  }
0xa1: {  	[spmem:s1] =	stream.indirect.scatter.add.f32 [tilespmem:s25], [sflag:$0x5], $0x80, s7, s22, $0xb8;
	[tilespmem:$0x1E8C0] =	vst v63  }
0xa2: {  	_ =	swait.ge [sflag:s28], $0x3800  }
0xa3: {  	[sflag:s28] =	ssyncset.done $0x0  }
0xa4: {  	s8 =	sor.u32 $0x80, s5;
	[sflag:s28] =	ssyncadd.s32 $0xFFFFC800  }
0xa5: {  	[tilespmem:s25], [sflag:$0x2] =	stream.indirect.gather [hbm4b:s4+s22], $0x80, s8, s22, $0xb8;
	[tilespmem:$0x1E8C0] =	vst v63  }
0xa6: {  	_ =	swait.ge [sflag:s31], $0x3800  }
0xa7: {  	[sflag:s31] =	ssyncset.done $0x0  }
0xa8: {  	s9 =	sor.u32 $0x500, s20;
	[sflag:s31] =	ssyncadd.s32 $0xFFFFC800  }
0xa9: {  	[spmem:s1] =	stream.indirect.scatter.add.f32 [tilespmem:s26], [sflag:$0x5], $0x80, s9, s22, $0xb8;
	[tilespmem:$0x1E8C0] =	vst v63  }
0xaa: {  	_ =	swait.ge [sflag:s28], $0x3800  }
0xab: {  	[sflag:s28] =	ssyncset.done $0x0  }
0xac: {  	[sflag:s28] =	ssyncadd.s32 $0xFFFFC800  }
0xad: {  	_ =	swait.ge [sflag:s29], $0x3800  }
0xae: {  	[sflag:s29] =	ssyncset.done $0x0  }
0xaf: {  	[sflag:s29] =	ssyncadd.s32 $0xFFFFC800  }
0xb0: {  	_ =	swait.ge [sflag:s30], $0x3800  }
0xb1: {  	s20 =	stileid.u32;
	[sflag:s30] =	ssyncset.done $0x0  }
0xb2: {  	s3 =	sshll.u32 s20, $0x6;
	[sflag:s30] =	ssyncadd.s32 $0xFFFFC800  }
0xb3: {  	s3 =	sor.u32 $0x1C05, s3;
	s24 =	sshrl.u32 s6, $0x3;
	[bflag:$0x0] =	sbarrier.arrive $0xFFFF  }
0xb4: {  	[hbm:s14], [sflag:s3] =	dma.local [spmem:s24], $0x2700  }
0xb5: {  	_ =	swait.ge [sflag:s28], $0x2700  }
0xb6: {  	s0 =	sadd.s32 $0x1, s0;
	[sflag:s28] =	ssyncset.done $0x0  }
0xb7: {  	p1 =	sne.s32 s0, s16;
	s5 =	sshrl.u32 @!p0 s13, $0x3;
	[sflag:s28] =	ssyncadd.s32 $0xFFFFD900  }
0xb8: {  	[hbm:s15], [sflag:s3] =	dma.local @!p0 [spmem:s5], $0x100  }
.Ltmp1:
0xb9: {  	_ = 	snop;
	(pc) =	sbr.rel @p1 .LBB2_1-.Ltmp1, $4  }
0xba: {  	s3 =	simm.s32 @!p0 $0x5  }
0xbb: {  	_ =	swait.ge @!p0 [sflag:s3], $0x100  }
0xbc: {  	[sflag:s3] =	ssyncset.done @!p0 $0x0  }
0xbd: {  	[sflag:s3] =	ssyncadd.s32 @!p0 $0xFFFFFF00  }
0xbe: {  	_ =	sfence.sel $0x180000  }
0xbf: {  	[bflag:$0x0] =	sbarrier.arrive $0xFFFF  }
0xc0: {  	_ =	strace $0x9000004A  }
0xc1: {  	s0 =	stileid.u32;
	[bflag:$0x2] =	sbarrier.arrive $0xFFFF  }
0xc2: {  	p0 =	sne.s32 s0, $0x0;
	s0 =	rddreg [dreg:$0x2]  }
0xc3: {  	s0 =	sadd.s32 @!p0 $0x100000, s0  }
0xc4: {  	[sflag:s0] =	ssyncadd.tile.s32 @!p0 $0x1;
	_ =	shalt  }
.Lfunc_end2:
_tile_overlayer_lowered:
.L_overlay_start_2:
0xc5: {  	(tag) =	ssettag $0x2  }
0xc6: {  	s0 =	rddreg [dreg:$0x0];
	s2 =	stileid.u32  }
0xc7: {  	s1 =	rddreg [dreg:$0x1];
	p0 =	sne.s32 s2, $0x0  }
0xc8: {  	s3 =	rddreg [dreg:$0x2];
	[bflag:$0x3] =	sbarrier.arrive $0xFFFF;
	s2 =	simm.s32 @!p0 $0x1C05  }
0xc9: {  	[timem:s3], [sflag:s2] =	dma.local @!p0 [hbm:s0], s1  }
0xca: {  	s0 =	simm.s32 @!p0 $0x5  }
0xcb: {  	_ =	swait.ge @!p0 [sflag:s0], s1  }
0xcc: {  	s1 =	ssub.s32 @!p0 $0x0, s1;
	[sflag:s0] =	ssyncset.done @!p0 $0x0  }
0xcd: {  	[sflag:s0] =	ssyncadd.s32 @!p0 s1  }
0xce: {  	[bflag:$0x3] =	sbarrier.arrive $0xFFFF  }
0xcf: {  	_ =	shalt  }

// kernel: kernel.15.cloned.1.call-start
scs
__scs_entry_jumppad:
0x0: {  	(pc) =	sbr.rel $0x88, $3  }
0x1: {  	(tag) =	ssettag $0x0;
	lr =	simm.s32 $0x1  }
0x2: {  	[smem:$0x3F8E] =	sst lr;
	_ =	strace $0xD0000000  }
0x3: {  	_ = 	snop  }
0x4: {  	_ = 	snop  }
0x5: {  	_ = 	snop  }
0x6: {  	_ = 	snop  }
0x7: {  	_ = 	snop  }
__scs_overlays_trampoline_lowered:
0x8: {  	[smem:$0x3F9D] =	sst s0  }
0x9: {  	[smem:$0x3F9E] =	sst s1  }
0xa: {  	[smem:$0x3F9F] =	sst s2  }
0xb: {  	[smem:$0x3FA0] =	sst s3  }
0xc: {  	[smem:$0x3FA1] =	sst s4  }
0xd: {  	[smem:$0x3FA2] =	sst s5  }
0xe: {  	[smem:$0x3FA3] =	sst s6  }
0xf: {  	[smem:$0x3FA4] =	sst s7  }
0x10: {  	[smem:$0x3FA5] =	sst s8  }
0x11: {  	[smem:$0x3FA6] =	sst s9;
	s0 =	simm.s32 @!p0 $0x0  }
0x12: {  	s1 =	sld [smem:$0x3F8C];
	s0 =	simm.s32 @p0 $0x1  }
0x13: {  	[smem:$0x3FA7] =	sst s0;
	s0 =	simm.s32 @!p1 $0x0  }
0x14: {  	s2 =	sld [smem:$0x3F8B];
	s0 =	simm.s32 @p1 $0x1  }
0x15: {  	[smem:$0x3FA8] =	sst s0;
	s0 =	simm.s32 @!p2 $0x0  }
0x16: {  	s3 =	sld [smem:$0x3FDB];
	s0 =	simm.s32 @p2 $0x1  }
0x17: {  	s4 =	simm.s32 $0x1BF5;
	[smem:$0x3FAA] =	sst s0  }
0x18: {  	s0 =	sld [smem:$0x3F8D];
	_ =	swait.ge [sflag:s4], $0x0  }
0x19: {  	s7 =	sld [smem:$0x3F8E]  }
0x1a: {  	s8 =	sadd.s32 $0xFFFFE003, lr  }
0x1b: {  	s9 =	sadd.s32 $0xFFFFFEF7, lr;
	s5 =	simm.s32 $0xFFFFFFFF;
	p2 =	slt.u32 s8, $0xFFFFF086  }
0x1c: {  	p1 =	slt.u32 s9, $0xF7A;
	s5 =	simm.s32 @!p2 $0x0  }
0x1d: {  	s5 =	simm.s32 @p1 $0x1;
	p0 =	seq.s32 s7, s2  }
0x1e: {  	s7 =	smul.u32 @!p0 $0xF7A, s2;
	p2 =	seq.s32 @!p0 s5, $0x0  }
0x1f: {  	s9 =	smul.u32 $0xF7A, s1;
	s8 =	simm.s32 @!p0 $0x1BF5;
	p2 =	por !p2, p0  }
0x20: {  	[sflag:s8] =	ssyncset.s32 @!p0 $0xFFFFF086;
	s6 =	sadd.s32 @!p0 s3, s7;
	s7 =	simm.s32 @!p0 $0x108  }
0x21: {  	s3 =	sadd.s32 s3, s9;
	s6 =	sadd.s32 @!p0 $0x88, s6;
	s7 =	simm.s32 @p2 $0x1082  }
0x22: {  	[simem:s7], [sflag:s8] =	dma.local @!p0 [hbm:s6], $0xF7A  }
0x23: {  	s9 =	sor.u32 $0xD0000000, s2;
	s6 =	simm.s32 $0x108;
	_ =	swait.ge @!p0 [sflag:s8], $0x0  }
0x24: {  	s3 =	sadd.s32 $0x88, s3;
	s6 =	simm.s32 @!p1 $0x1082;
	[sflag:s4] =	ssyncset.s32 $0xFFFFF086  }
0x25: {  	[simem:s6], [sflag:s4] =	dma.local [hbm:s3], $0xF7A  }
0x26: {  	[smem:$0x3F8E] =	sst s1;
	(tag) =	ssettag s2;
	_ =	strace s9  }
0x27: {  	s1 =	sld [smem:$0x3F9E]  }
0x28: {  	s2 =	sld [smem:$0x3F9F]  }
0x29: {  	s4 =	sld [smem:$0x3FA1]  }
0x2a: {  	p0 =	seq.s32 s5, $0x0;
	s5 =	sld [smem:$0x3FA2]  }
0x2b: {  	s6 =	sld [smem:$0x3FA3]  }
0x2c: {  	s7 =	sld [smem:$0x3FA4]  }
0x2d: {  	s3 =	simm.s32 $0x108;
	s8 =	sld [smem:$0x3FA5]  }
0x2e: {  	s3 =	simm.s32 @!p0 $0x1082;
	s9 =	sld [smem:$0x3FA6]  }
0x2f: {  	lr =	sadd.s32 s0, s3;
	s0 =	sld [smem:$0x3F9D]  }
0x30: {  	s3 =	sld [smem:$0x3FA0]  }
0x31: {  	[smem:$0x3FA9] =	sst s10  }
0x32: {  	s10 =	sld [smem:$0x3FA7];
	_ =	sdelay $0x3  }
0x33: {  	p0 =	seq.s32 s10, $0x1;
	s10 =	sld [smem:$0x3FA9];
	_ =	sdelay $0x3  }
0x34: {  	[smem:$0x3FA9] =	sst s10  }
0x35: {  	s10 =	sld [smem:$0x3FA8];
	_ =	sdelay $0x3  }
0x36: {  	p1 =	seq.s32 s10, $0x1;
	s10 =	sld [smem:$0x3FA9];
	_ =	sdelay $0x3  }
0x37: {  	[smem:$0x3FA9] =	sst s10  }
0x38: {  	s10 =	sld [smem:$0x3FAA]  }
0x39: {  	_ = 	snop;
	(pc) =	sbr.ind lr, $3  }
0x3a: {  	_ = 	snop  }
0x3b: {  	_ = 	snop  }
0x3c: {  	p2 =	seq.s32 s10, $0x1;
	s10 =	sld [smem:$0x3FA9]  }
0x3d: {  	_ =	shalt  }
0x3e: {  	_ =	shalt  }
0x3f: {  	_ =	shalt  }
0x40: {  	_ =	shalt  }
0x41: {  	_ =	shalt  }
0x42: {  	_ =	shalt  }
0x43: {  	_ =	shalt  }
0x44: {  	_ =	shalt  }
0x45: {  	_ =	shalt  }
0x46: {  	_ =	shalt  }
0x47: {  	_ =	shalt  }
0x48: {  	_ =	shalt  }
0x49: {  	_ =	shalt  }
0x4a: {  	_ =	shalt  }
0x4b: {  	_ =	shalt  }
0x4c: {  	_ =	shalt  }
0x4d: {  	_ =	shalt  }
0x4e: {  	_ =	shalt  }
0x4f: {  	_ =	shalt  }
0x50: {  	_ =	shalt  }
0x51: {  	_ =	shalt  }
0x52: {  	_ =	shalt  }
0x53: {  	_ =	shalt  }
0x54: {  	_ =	shalt  }
0x55: {  	_ =	shalt  }
0x56: {  	_ =	shalt  }
0x57: {  	_ =	shalt  }
0x58: {  	_ =	shalt  }
0x59: {  	_ =	shalt  }
0x5a: {  	_ =	shalt  }
0x5b: {  	_ =	shalt  }
0x5c: {  	_ =	shalt  }
0x5d: {  	_ =	shalt  }
0x5e: {  	_ =	shalt  }
0x5f: {  	_ =	shalt  }
0x60: {  	_ =	shalt  }
0x61: {  	_ =	shalt  }
0x62: {  	_ =	shalt  }
0x63: {  	_ =	shalt  }
0x64: {  	_ =	shalt  }
0x65: {  	_ =	shalt  }
0x66: {  	_ =	shalt  }
0x67: {  	_ =	shalt  }
0x68: {  	_ =	shalt  }
0x69: {  	_ =	shalt  }
0x6a: {  	_ =	shalt  }
0x6b: {  	_ =	shalt  }
0x6c: {  	_ =	shalt  }
0x6d: {  	_ =	shalt  }
0x6e: {  	_ =	shalt  }
0x6f: {  	_ =	shalt  }
0x70: {  	_ =	shalt  }
0x71: {  	_ =	shalt  }
0x72: {  	_ =	shalt  }
0x73: {  	_ =	shalt  }
0x74: {  	_ =	shalt  }
0x75: {  	_ =	shalt  }
0x76: {  	_ =	shalt  }
0x77: {  	_ =	shalt  }
0x78: {  	_ =	shalt  }
0x79: {  	_ =	shalt  }
0x7a: {  	_ =	shalt  }
0x7b: {  	_ =	shalt  }
0x7c: {  	_ =	shalt  }
0x7d: {  	_ =	shalt  }
0x7e: {  	_ =	shalt  }
0x7f: {  	_ =	shalt  }
0x80: {  	_ =	shalt  }
0x81: {  	_ =	shalt  }
0x82: {  	_ =	shalt  }
0x83: {  	_ =	shalt  }
0x84: {  	_ =	shalt  }
0x85: {  	_ =	shalt  }
0x86: {  	_ =	shalt  }
0x87: {  	_ =	shalt  }
.Lfunc_end0:
.L_simem_size_0:
called_computation.2_lowered:
.L_overlay_start_0:
0x88: {  	s2 =	sld [smem:$0x3FD9]  }
0x89: {  	s3 =	sld [smem:$0x3FFE];
	_ =	sdelay $0x1  }
0x8a: {  	s1 =	srdreg.scid  }
0x8b: {  	s0 =	sand.u32 $0x1, s1  }
0x8c: {  	s14 =	sshll.u32 s0, $0xA;
	s2 =	sadd.s32 s3, s2  }
0x8d: {  	s2 =	sadd.s32 s2, s14  }
0x8e: {  	[smem:$0x3FB5] =	sst s2  }
0x8f: {  	_ = 	snop  }
0x90: {  	s2 =	sld [smem:$0x3FD0];
	_ =	sdelay $0x2  }
0x91: {  	s15 =	simm.s32 $0xA;
	s4 =	simm.s32 $0x10  }
0x92: {  	[smem:s4], [sflag:s15] =	dma.local [hbm:s2], $0x1  }
0x93: {  	_ =	swait.eq [sflag:s15], $0x1  }
0x94: {  	[sflag:s15] =	ssyncset.done $0x0  }
0x95: {  	[sflag:s15] =	ssyncadd.s32 $0xFFFFFFFF  }
0x96: {  	s16 =	sld [smem:$0x11];
	(tm) =	ssettm $0x1  }
0x97: {  	s17 =	sld [smem:$0x3FFB];
	_ =	sdelay $0x3  }
0x98: {  	_ =	strace s17  }
0x99: {  	s3 =	sld [smem:$0x3FFC];
	_ =	sdelay $0x3  }
0x9a: {  	_ =	strace s3  }
0x9b: {  	s3 =	sld [smem:$0x3FFD];
	_ =	sdelay $0x3  }
0x9c: {  	_ =	strace s3  }
0x9d: {  	_ =	strace $0x8FFFFFFF  }
0x9e: {  	s18 =	sld [smem:$0x3FDB];
	_ =	sdelay $0x1  }
0x9f: {  	s19 =	simm.s32 $_scs_section_size  }
0xa0: {  	s5 =	simm.s32 $_size__tile_overlayer_lowered;
	s6 =	simm.s32 $_tile_overlayer_lowered  }
0xa1: {  	s22 =	simm.s32 $0x1BFF;
	s21 =	sshll.u32 s6, $0x1;
	s3 =	sadd.s32 s19, s18  }
0xa2: {  	s7 =	simm.s32 $0x0;
	s20 =	sshll.u32 s5, $0x1;
	s5 =	sadd.s32 s21, s3  }
0xa3: {  	[timem:s7], [sflag:s22] =	dma.local [hbm:s5], s20  }
0xa4: {  	_ =	swait.ge [sflag:s22], s20  }
0xa5: {  	s4 =	ssub.s32 $0x0, s20;
	[sflag:s22] =	ssyncset.done $0x0  }
0xa6: {  	[sflag:s22] =	ssyncadd.s32 s4;
	_ =	sdelay $0x1  }
0xa7: {  	s23 =	simm.s32 $0x1B8B  }
0xa8: {  	_ =	swait.ge [sflag:s23], $0x1  }
0xa9: {  	[sflag:s23] =	ssyncset.done $0x0  }
0xaa: {  	s25 =	simm.s32 $0x1B8E;
	s24 =	sld [smem:$0x3FFE];
	[sflag:s23] =	ssyncadd.s32 $0xFFFFFFFF  }
0xab: {  	s26 =	simm.s32 $execute0_lowered;
	[smem:$0x3FD2] =	sst s25  }
0xac: {  	s5 =	sshll.u32 s26, $0x1;
	_ =	strace $0x8000004C;
	[dreg:$0x1] =	wrdreg $0xFFFFFFFF  }
0xad: {  	s28 =	simm.s32 $_size_execute0_lowered;
	s3 =	sadd.s32 s3, s5;
	[dreg:$0x0] =	wrdreg $0x0  }
0xae: {  	s5 =	sshll.u32 s28, $0x1;
	[dreg:$0x2] =	wrdreg s3  }
0xaf: {  	[dreg:$0x3] =	wrdreg s5  }
0xb0: {  	[dreg:$0x4] =	wrdreg $0xC0  }
0xb1: {  	_ =	task [dreg:s7], $0x5FFFF  }
0xb2: {  	[dreg:$0x1] =	wrdreg $0xFFFFFFFF  }
0xb3: {  	[dreg:$0x0] =	wrdreg $0x60  }
0xb4: {  	[dreg:$0x2] =	wrdreg s24  }
0xb5: {  	[dreg:$0x3] =	wrdreg s16  }
0xb6: {  	[dreg:$0x4] =	wrdreg $0xB0000  }
0xb7: {  	[dreg:$0x5] =	wrdreg $0x9  }
0xb8: {  	_ =	task.clear_ibuf [dreg:s7], $0x6FFFF;
	_ =	strace $0x9000004C  }
0xb9: {  	s29 =	simm.s32 $0x9;
	_ =	strace $0x8000004E  }
0xba: {  	_ =	swait.ge [sflag:s29], $0x1  }
0xbb: {  	[sflag:s29] =	ssyncadd.s32 $0xFFFFFFFF  }
0xbc: {  	_ =	strace $0x9000004E  }
0xbd: {  	_ =	sfence  }
0xbe: {  	s30 =	sld [smem:$0x0];
	_ =	sdelay $0x2  }
0xbf: {  	s31 =	sshll.u32 s1, $0xD;
	s1 =	sshrl.u32 s1, $0x2  }
0xc0: {  	s3 =	sand.u32 $0x4000, s31;
	s1 =	sadd.s32 s1, s30  }
0xc1: {  	s0 =	sor.u32 s3, s0;
	s1 =	sshll.u32 s1, $0x11  }
0xc2: {  	s0 =	sor.u32 s1, s0  }
0xc3: {  	s0 =	sadd.s32 $0x8F2B, s0  }
0xc4: {  	[sflag:s0] =	ssyncadd.remote.s32 $0x1  }
0xc5: {  	_ =	sfence.sel $0xFFFF  }
0xc6: {  	[dreg:$0x0] =	wrdreg $0xFFFFFFFF;
	(pc) =	sbr.abs _section_cstart, $3  }
0xc7: {  	[dreg:$0x1] =	wrdreg $0xFFFFFFFF  }
0xc8: {  	_ =	task.clear_ibuf [dreg:s7], $0x2FFFF;
	_ =	strace $0x9FFFFFFF  }
0xc9: {  	(tm) =	ssettm $0x7FFFFFFF  }
tec
execute0_lowered:
.L_overlay_start_1:
0x0: {  	(tag) =	ssettag $0x1  }
0x1: {  	s0 =	rddreg [dreg:$0x0]  }
0x2: {  	s2 =	rddreg [dreg:$0x1]  }
0x3: {  	s1 =	rddreg [dreg:$0x2]  }
0x4: {  	s3 =	srdreg.scid;
	s14 =	stileid.u32  }
0x5: {  	s28 =	simm.s32 $0x7800;
	s29 =	simm.s32 $0x5;
	s30 =	simm.s32 $0x1  }
0x6: {  	s31 =	simm.s32 $0x2;
	s7 =	sand.u32 $0x1, s3;
	s10 =	smul.u32 $0x7C0, s14  }
0x7: {  	s3 =	simm.s32 $0x0;
	s5 =	sadd.s32 $0x51C00, s0;
	s13 =	smul.u32 $0x4E000, s14  }
0x8: {  	s6 =	sadd.s32 $0x13E400, s0;
	s11 =	sadd.s32 $0x67C00, s0;
	s16 =	smul.u32 $0x13800, s14  }
0x9: {  	s4 =	sshll.u32 s7, $0x4;
	[smem:$0x7FF] =	sst s3;
	s21 =	smul.u32 $0x138800, s7  }
0xa: {  	s17 =	ssub.s32 $0x2, s7;
	p0 =	seq.s32 s7, $0x0;
	s7 =	smul.u32 $0x3E000, s7  }
0xb: {  	s8 =	sor.u32 s14, s4;
	_ =	strace $0x8000004D;
	s4 =	sadd.s32 $0x3A00, s0  }
0xc: {  	[dreg:$0x4] =	wrdreg s11;
	s0 =	sadd.s32 $0x6A400, s0;
	s18 =	sshrl.u32 s17, $0x1  }
0xd: {  	s20 =	sshrl.u32 s13, $0x2;
	s9 =	smul.u32 $0x7C0, s8;
	s16 =	sadd.s32 s16, s21  }
0xe: {  	s12 =	smul.u32 $0x3E00, s8;
	s11 =	ssub.s32 s17, s18;
	s17 =	sshrl.u32 s16, $0x3  }
0xf: {  	s16 =	sadd.s32 $0x138000, s1;
	s8 =	sadd.s32 s5, s9;
	s9 =	sadd.s32 s2, s10  }
0x10: {  	s19 =	sshrl.u32 s12, $0x3;
	s12 =	sshrl.u32 s21, $0x3;
	s17 =	sadd.s32 s0, s17  }
0x11: {  	s5 =	smov.u32 @p0 s2;
	s21 =	simm.s32 $0x0;
	s10 =	sadd.s32 s6, s19  }
0x12: {  	s12 =	sadd.s32 s0, s12;
	[dreg:$0x5] =	wrdreg s10;
	s10 =	sadd.s32 s20, s1  }
0x13: {  	s19 =	smax.u32 s11, $0x1;
	s8 =	smov.u32 @p0 s9;
	s22 =	sadd.s32 $0x3800, s10  }
0x14: {  	p0 =	sne.s32 s14, $0xF;
	s23 =	sadd.s32 $0x7000, s10;
	[dreg:$0x6] =	wrdreg s22  }
0x15: {  	s0 =	simm.s32 $0x3;
	s24 =	sadd.s32 $0xA800, s10;
	[dreg:$0x7] =	wrdreg s23  }
0x16: {  	s20 =	smul.u32 $0x3E00, s14;
	s25 =	sadd.s32 $0xE000, s10;
	[dreg:$0x8] =	wrdreg s24  }
0x17: {  	s18 =	sadd.s32 $0x27000, s12;
	s15 =	sadd.s32 $0x11800, s10;
	[dreg:$0x9] =	wrdreg s25  }
0x18: {  	s26 =	sadd.s32 s20, s7;
	s22 =	simm.s32 $0x4;
	s23 =	simm.s32 $0x70  }
0x19: {  	s24 =	simm.s32 $0x800;
	s20 =	sadd.s32 $0x200, s26;
	s26 =	simm.s32 $0x4000  }
.LBB2_1:
0x1a: {  	[tilespmem:s3], [sflag:$0x4] =	stream.linear.gather [hbm4b:s8+s3], $0x180, $0x38;
	[tilespmem:$0x1E8C0] =	vst v63  }
0x1b: {  	s2 =	rddreg [dreg:$0x5];
	s7 =	simm.s32 $0x400  }
0x1c: {  	[tilespmem:s7], [sflag:$0x4] =	stream.linear.gather [hbm4b:s2+s3], $0x180, $0x38;
	[tilespmem:$0x1E8C0] =	vst v63  }
0x1d: {  	_ =	swait.ge [sflag:s22], $0x180  }
0x1e: {  	[sflag:s22] =	ssyncset.done $0x0  }
0x1f: {  	[sflag:s22] =	ssyncadd.s32 $0xFFFFFE80  }
0x20: {  	_ =	swait.ge [sflag:s22], $0x180  }
0x21: {  	[sflag:s22] =	ssyncset.done $0x0  }
0x22: {  	[sflag:s22] =	ssyncadd.s32 $0xFFFFFE80  }
0x23: {  	[tilespmem:s24], [sflag:$0x1] =	stream.indirect.gather [hbm4b:s4+s23], $0x80, s3, s23, $0xb8;
	[tilespmem:$0x1E8C0] =	vst v63  }
0x24: {  	s14 =	simm.s32 $0x80  }
0x25: {  	[tilespmem:s26], [sflag:$0x2] =	stream.indirect.gather [hbm4b:s4+s23], $0x80, s14, s23, $0xb8;
	[tilespmem:$0x1E8C0] =	vst v63  }
0x26: {  	s25 =	rddreg [dreg:$0x4]  }
0x27: {  	[tilespmem:s28], [sflag:$0x5] =	stream.linear.gather [hbm4b:s25+s3], $0x3800, $0x38;
	[tilespmem:$0x1E8C0] =	vst v63  }
0x28: {  	_ =	swait.ge [sflag:s29], $0x3800  }
0x29: {  	[sflag:s29] =	ssyncset.done $0x0  }
0x2a: {  	[sflag:s29] =	ssyncadd.s32 $0xFFFFC800  }
0x2b: {  	[spmem:s10] =	stream.linear.scatter [tilespmem:s28], [sflag:$0x5], $0x3800, $0x38;
	[tilespmem:$0x1E8C0] =	vst v63  }
0x2c: {  	_ =	swait.ge [sflag:s29], $0x3800  }
0x2d: {  	[sflag:s29] =	ssyncset.done $0x0  }
0x2e: {  	s7 =	rddreg [dreg:$0x6];
	[sflag:s29] =	ssyncadd.s32 $0xFFFFC800  }
0x2f: {  	[spmem:s7] =	stream.linear.scatter [tilespmem:s28], [sflag:$0x5], $0x3800, $0x38;
	[tilespmem:$0x1E8C0] =	vst v63  }
0x30: {  	_ =	swait.ge [sflag:s29], $0x3800  }
0x31: {  	[sflag:s29] =	ssyncset.done $0x0  }
0x32: {  	s9 =	rddreg [dreg:$0x7];
	[sflag:s29] =	ssyncadd.s32 $0xFFFFC800  }
0x33: {  	[spmem:s9] =	stream.linear.scatter [tilespmem:s28], [sflag:$0x5], $0x3800, $0x38;
	[tilespmem:$0x1E8C0] =	vst v63  }
0x34: {  	_ =	swait.ge [sflag:s29], $0x3800  }
0x35: {  	[sflag:s29] =	ssyncset.done $0x0  }
0x36: {  	s11 =	rddreg [dreg:$0x8];
	[sflag:s29] =	ssyncadd.s32 $0xFFFFC800  }
0x37: {  	[spmem:s11] =	stream.linear.scatter [tilespmem:s28], [sflag:$0x5], $0x3800, $0x38;
	[tilespmem:$0x1E8C0] =	vst v63  }
0x38: {  	_ =	swait.ge [sflag:s29], $0x3800  }
0x39: {  	[sflag:s29] =	ssyncset.done $0x0  }
0x3a: {  	s12 =	rddreg [dreg:$0x9];
	[sflag:s29] =	ssyncadd.s32 $0xFFFFC800  }
0x3b: {  	[spmem:s12] =	stream.linear.scatter [tilespmem:s28], [sflag:$0x5], $0x3800, $0x38;
	[tilespmem:$0x1E8C0] =	vst v63  }
0x3c: {  	_ =	swait.ge [sflag:s29], $0x3800  }
0x3d: {  	[sflag:s29] =	ssyncset.done $0x0  }
0x3e: {  	[sflag:s29] =	ssyncadd.s32 $0xFFFFC800  }
0x3f: {  	[spmem:s15] =	stream.linear.scatter [tilespmem:s28], [sflag:$0x5], $0x2000, $0x38;
	[tilespmem:$0x1E8C0] =	vst v63  }
0x40: {  	_ =	swait.ge [sflag:s29], $0x2000  }
0x41: {  	[sflag:s29] =	ssyncset.done $0x0  }
0x42: {  	s2 =	simm.s32 @!p0 $0x7800;
	[sflag:s29] =	ssyncadd.s32 $0xFFFFE000  }
0x43: {  	[spmem:s16] =	stream.linear.scatter @!p0 [tilespmem:s2], [sflag:$0x5], $0xC00, $0x38;
	[tilespmem:$0x1E8C0] =	vst v63  }
0x44: {  	s2 =	simm.s32 @!p0 $0x5  }
0x45: {  	_ =	swait.ge @!p0 [sflag:s2], $0xC00  }
0x46: {  	s13 =	sand.u32 $0x1, s3;
	[sflag:s2] =	ssyncset.done @!p0 $0x0  }
0x47: {  	s14 =	sshrl.u32 s20, $0x3;
	s9 =	sxor.u32 $0x1, s13;
	[sflag:s2] =	ssyncadd.s32 @!p0 $0xFFFFF400  }
0x48: {  	s9 =	sshll.u32 s9, $0x9;
	s11 =	sadd.s32 s5, s14;
	[bflag:$0x0] =	sbarrier.arrive $0xFFFF  }
0x49: {  	[tilespmem:s9], [sflag:$0x4] =	stream.linear.gather [hbm4b:s11+s3], $0x180, $0x38;
	[tilespmem:$0x1E8C0] =	vst v63  }
0x4a: {  	s25 =	sor.u32 $0x400, s9;
	s2 =	sadd.s32 s6, s14;
	s11 =	sshll.u32 s13, $0x9  }
0x4b: {  	[tilespmem:s25], [sflag:$0x4] =	stream.linear.gather [hbm4b:s2+s3], $0x180, $0x38;
	[tilespmem:$0x1E8C0] =	vst v63  }
0x4c: {  	s7 =	sor.u32 $0x100, s11  }
0x4d: {  	[tilespmem:s28], [sflag:$0x3] =	stream.indirect.gather [hbm4b:s4+s23], $0x80, s7, s23, $0xb8;
	[tilespmem:$0x1E8C0] =	vst v63  }
0x4e: {  	_ =	swait.ge [sflag:s30], $0x3800  }
0x4f: {  	[sflag:s30] =	ssyncset.done $0x0  }
0x50: {  	s12 =	sor.u32 $0x400, s11;
	[sflag:s30] =	ssyncadd.s32 $0xFFFFC800  }
0x51: {  	[spmem:s1] =	stream.indirect.scatter.add.f32 [tilespmem:s24], [sflag:$0x5], $0x80, s12, s23, $0xb8;
	[tilespmem:$0x1E8C0] =	vst v63  }
0x52: {  	_ =	swait.ge [sflag:s29], $0x3800  }
0x53: {  	[sflag:s29] =	ssyncset.done $0x0  }
0x54: {  	[sflag:s29] =	ssyncadd.s32 $0xFFFFC800  }
0x55: {  	_ =	swait.ge [sflag:s22], $0x180  }
0x56: {  	[sflag:s22] =	ssyncset.done $0x0  }
0x57: {  	[sflag:s22] =	ssyncadd.s32 $0xFFFFFE80  }
0x58: {  	_ =	swait.ge [sflag:s22], $0x180  }
0x59: {  	[sflag:s22] =	ssyncset.done $0x0  }
0x5a: {  	[sflag:s22] =	ssyncadd.s32 $0xFFFFFE80  }
0x5b: {  	[tilespmem:s24], [sflag:$0x1] =	stream.indirect.gather [hbm4b:s4+s23], $0x80, s9, s23, $0xb8;
	[tilespmem:$0x1E8C0] =	vst v63  }
0x5c: {  	_ =	swait.ge [sflag:s31], $0x3800  }
0x5d: {  	[sflag:s31] =	ssyncset.done $0x0  }
0x5e: {  	s13 =	sor.u32 $0x480, s11;
	[sflag:s31] =	ssyncadd.s32 $0xFFFFC800  }
0x5f: {  	[spmem:s1] =	stream.indirect.scatter.add.f32 [tilespmem:s26], [sflag:$0x5], $0x80, s13, s23, $0xb8;
	[tilespmem:$0x1E8C0] =	vst v63  }
0x60: {  	_ =	swait.ge [sflag:s29], $0x3800  }
0x61: {  	[sflag:s29] =	ssyncset.done $0x0  }
0x62: {  	s14 =	sor.u32 $0x80, s9;
	[sflag:s29] =	ssyncadd.s32 $0xFFFFC800  }
0x63: {  	[tilespmem:s26], [sflag:$0x2] =	stream.indirect.gather [hbm4b:s4+s23], $0x80, s14, s23, $0xb8;
	[tilespmem:$0x1E8C0] =	vst v63  }
0x64: {  	_ =	swait.ge [sflag:s0], $0x3800  }
0x65: {  	s11 =	sor.u32 $0x500, s11;
	s25 =	simm.s32 $0x1;
	[sflag:s0] =	ssyncset.done $0x0  }
0x66: {  	s2 =	sadd.s32 $0x200, s20;
	s12 =	sand.u32 $0x1, s25;
	[sflag:s0] =	ssyncadd.s32 $0xFFFFC800  }
0x67: {  	[spmem:s1] =	stream.indirect.scatter.add.f32 [tilespmem:s28], [sflag:$0x5], $0x80, s11, s23, $0xb8;
	[tilespmem:$0x1E8C0] =	vst v63  }
0x68: {  	s7 =	simm.s32 $0x2;
	s25 =	sshll.u32 s12, $0x9;
	_ =	swait.ge [sflag:s29], $0x3800  }
0x69: {  	s9 =	sxor.u32 $0x1, s12;
	s11 =	sshrl.u32 s2, $0x3;
	[sflag:s29] =	ssyncset.done $0x0  }
.LBB2_2:
0x6a: {  	s12 =	sadd.s32 s5, s11  }
0x6b: {  	s13 =	sshll.u32 s9, $0x9;
	[sflag:s29] =	ssyncadd.s32 $0xFFFFC800;
	s9 =	smov.u32 s7  }
0x6c: {  	[tilespmem:s13], [sflag:$0x4] =	stream.linear.gather [hbm4b:s12+s3], $0x180, $0x38;
	[tilespmem:$0x1E8C0] =	vst v63  }
0x6d: {  	s11 =	sadd.s32 s6, s11;
	s12 =	sadd.s32 $0x1, s7;
	s14 =	sor.u32 $0x400, s13  }
0x6e: {  	[tilespmem:s14], [sflag:$0x4] =	stream.linear.gather [hbm4b:s11+s3], $0x180, $0x38;
	[tilespmem:$0x1E8C0] =	vst v63  }
0x6f: {  	p1 =	sne.s32 s7, $0x1D;
	s7 =	sor.u32 $0x100, s25  }
0x70: {  	[tilespmem:s28], [sflag:$0x3] =	stream.indirect.gather [hbm4b:s4+s23], $0x80, s7, s23, $0xb8;
	[tilespmem:$0x1E8C0] =	vst v63  }
0x71: {  	_ =	swait.ge [sflag:s30], $0x3800  }
0x72: {  	[sflag:s30] =	ssyncset.done $0x0  }
0x73: {  	s7 =	sor.u32 $0x400, s25;
	[sflag:s30] =	ssyncadd.s32 $0xFFFFC800  }
0x74: {  	[spmem:s1] =	stream.indirect.scatter.add.f32 [tilespmem:s24], [sflag:$0x5], $0x80, s7, s23, $0xb8;
	[tilespmem:$0x1E8C0] =	vst v63  }
0x75: {  	_ =	swait.ge [sflag:s29], $0x3800  }
0x76: {  	[sflag:s29] =	ssyncset.done $0x0  }
0x77: {  	[sflag:s29] =	ssyncadd.s32 $0xFFFFC800  }
0x78: {  	_ =	swait.ge [sflag:s22], $0x180  }
0x79: {  	[sflag:s22] =	ssyncset.done $0x0  }
0x7a: {  	[sflag:s22] =	ssyncadd.s32 $0xFFFFFE80  }
0x7b: {  	_ =	swait.ge [sflag:s22], $0x180  }
0x7c: {  	[sflag:s22] =	ssyncset.done $0x0  }
0x7d: {  	[sflag:s22] =	ssyncadd.s32 $0xFFFFFE80  }
0x7e: {  	[tilespmem:s24], [sflag:$0x1] =	stream.indirect.gather [hbm4b:s4+s23], $0x80, s13, s23, $0xb8;
	[tilespmem:$0x1E8C0] =	vst v63  }
0x7f: {  	_ =	swait.ge [sflag:s31], $0x3800  }
0x80: {  	[sflag:s31] =	ssyncset.done $0x0  }
0x81: {  	s7 =	sor.u32 $0x480, s25;
	[sflag:s31] =	ssyncadd.s32 $0xFFFFC800  }
0x82: {  	[spmem:s1] =	stream.indirect.scatter.add.f32 [tilespmem:s26], [sflag:$0x5], $0x80, s7, s23, $0xb8;
	[tilespmem:$0x1E8C0] =	vst v63  }
0x83: {  	_ =	swait.ge [sflag:s29], $0x3800  }
0x84: {  	[sflag:s29] =	ssyncset.done $0x0  }
0x85: {  	s7 =	sor.u32 $0x80, s13;
	[sflag:s29] =	ssyncadd.s32 $0xFFFFC800  }
0x86: {  	[tilespmem:s26], [sflag:$0x2] =	stream.indirect.gather [hbm4b:s4+s23], $0x80, s7, s23, $0xb8;
	[tilespmem:$0x1E8C0] =	vst v63  }
0x87: {  	_ =	swait.ge [sflag:s0], $0x3800  }
0x88: {  	s2 =	sadd.s32 $0x200, s2;
	[sflag:s0] =	ssyncset.done $0x0  }
.Ltmp0:
0x89: {  	s7 =	sor.u32 $0x500, s25;
	[sflag:s0] =	ssyncadd.s32 $0xFFFFC800;
	(pc) =	sbr.rel @p1 .LBB2_2-.Ltmp0, $4  }
0x8a: {  	[spmem:s1] =	stream.indirect.scatter.add.f32 [tilespmem:s28], [sflag:$0x5], $0x80, s7, s23, $0xb8;
	[tilespmem:$0x1E8C0] =	vst v63  }
0x8b: {  	s7 =	sand.u32 $0x1, s9  }
0x8c: {  	s11 =	sshrl.u32 s2, $0x3;
	_ =	swait.ge [sflag:s29], $0x3800;
	s9 =	sxor.u32 $0x1, s7  }
0x8d: {  	s25 =	sshll.u32 s7, $0x9;
	s7 =	smov.u32 s12;
	[sflag:s29] =	ssyncset.done $0x0  }
0x8e: {  	s2 =	sadd.s32 s5, s11;
	s7 =	sshll.u32 s9, $0x9;
	[sflag:s29] =	ssyncadd.s32 $0xFFFFC800  }
0x8f: {  	[tilespmem:s7], [sflag:$0x4] =	stream.linear.gather [hbm4b:s2+s3], $0x180, $0x38;
	[tilespmem:$0x1E8C0] =	vst v63  }
0x90: {  	s13 =	sadd.s32 s6, s11;
	s12 =	sor.u32 $0x400, s7  }
0x91: {  	[tilespmem:s12], [sflag:$0x4] =	stream.linear.gather [hbm4b:s13+s3], $0x180, $0x38;
	[tilespmem:$0x1E8C0] =	vst v63  }
0x92: {  	s14 =	sor.u32 $0x100, s25  }
0x93: {  	[tilespmem:s28], [sflag:$0x3] =	stream.indirect.gather [hbm4b:s4+s23], $0x80, s14, s23, $0xb8;
	[tilespmem:$0x1E8C0] =	vst v63  }
0x94: {  	_ =	swait.ge [sflag:s30], $0x3800  }
0x95: {  	[sflag:s30] =	ssyncset.done $0x0  }
0x96: {  	s9 =	sor.u32 $0x400, s25;
	[sflag:s30] =	ssyncadd.s32 $0xFFFFC800  }
0x97: {  	[spmem:s1] =	stream.indirect.scatter.add.f32 [tilespmem:s24], [sflag:$0x5], $0x80, s9, s23, $0xb8;
	[tilespmem:$0x1E8C0] =	vst v63  }
0x98: {  	_ =	swait.ge [sflag:s29], $0x3800  }
0x99: {  	[sflag:s29] =	ssyncset.done $0x0  }
0x9a: {  	[sflag:s29] =	ssyncadd.s32 $0xFFFFC800  }
0x9b: {  	_ =	swait.ge [sflag:s22], $0x180  }
0x9c: {  	[sflag:s22] =	ssyncset.done $0x0  }
0x9d: {  	[sflag:s22] =	ssyncadd.s32 $0xFFFFFE80  }
0x9e: {  	_ =	swait.ge [sflag:s22], $0x180  }
0x9f: {  	[sflag:s22] =	ssyncset.done $0x0  }
0xa0: {  	[sflag:s22] =	ssyncadd.s32 $0xFFFFFE80  }
0xa1: {  	[tilespmem:s24], [sflag:$0x1] =	stream.indirect.gather [hbm4b:s4+s23], $0x80, s7, s23, $0xb8;
	[tilespmem:$0x1E8C0] =	vst v63  }
0xa2: {  	_ =	swait.ge [sflag:s31], $0x3800  }
0xa3: {  	[sflag:s31] =	ssyncset.done $0x0  }
0xa4: {  	s11 =	sor.u32 $0x480, s25;
	[sflag:s31] =	ssyncadd.s32 $0xFFFFC800  }
0xa5: {  	[spmem:s1] =	stream.indirect.scatter.add.f32 [tilespmem:s26], [sflag:$0x5], $0x80, s11, s23, $0xb8;
	[tilespmem:$0x1E8C0] =	vst v63  }
0xa6: {  	_ =	swait.ge [sflag:s29], $0x3800  }
0xa7: {  	[sflag:s29] =	ssyncset.done $0x0  }
0xa8: {  	s12 =	sor.u32 $0x80, s7;
	[sflag:s29] =	ssyncadd.s32 $0xFFFFC800  }
0xa9: {  	[tilespmem:s26], [sflag:$0x2] =	stream.indirect.gather [hbm4b:s4+s23], $0x80, s12, s23, $0xb8;
	[tilespmem:$0x1E8C0] =	vst v63  }
0xaa: {  	_ =	swait.ge [sflag:s0], $0x3800  }
0xab: {  	[sflag:s0] =	ssyncset.done $0x0  }
0xac: {  	s13 =	sor.u32 $0x500, s25;
	[sflag:s0] =	ssyncadd.s32 $0xFFFFC800  }
0xad: {  	[spmem:s1] =	stream.indirect.scatter.add.f32 [tilespmem:s28], [sflag:$0x5], $0x80, s13, s23, $0xb8;
	[tilespmem:$0x1E8C0] =	vst v63  }
0xae: {  	_ =	swait.ge [sflag:s29], $0x3800  }
0xaf: {  	[sflag:s29] =	ssyncset.done $0x0  }
0xb0: {  	[sflag:s29] =	ssyncadd.s32 $0xFFFFC800  }
0xb1: {  	_ =	swait.ge [sflag:s30], $0x3800  }
0xb2: {  	[sflag:s30] =	ssyncset.done $0x0  }
0xb3: {  	[sflag:s30] =	ssyncadd.s32 $0xFFFFC800  }
0xb4: {  	_ =	swait.ge [sflag:s31], $0x3800  }
0xb5: {  	s14 =	stileid.u32;
	[sflag:s31] =	ssyncset.done $0x0  }
0xb6: {  	s2 =	sshll.u32 s14, $0x6;
	[sflag:s31] =	ssyncadd.s32 $0xFFFFC800  }
0xb7: {  	s25 =	sshrl.u32 s10, $0x3;
	s2 =	sor.u32 $0x1C05, s2;
	[bflag:$0x0] =	sbarrier.arrive $0xFFFF  }
0xb8: {  	[hbm:s17], [sflag:s2] =	dma.local [spmem:s25], $0x2700  }
0xb9: {  	_ =	swait.ge [sflag:s29], $0x2700  }
0xba: {  	s21 =	sadd.s32 $0x1, s21;
	[sflag:s29] =	ssyncset.done $0x0  }
0xbb: {  	p1 =	sne.s32 s21, s19;
	s7 =	sshrl.u32 @!p0 s16, $0x3;
	[sflag:s29] =	ssyncadd.s32 $0xFFFFD900  }
0xbc: {  	[hbm:s18], [sflag:s2] =	dma.local @!p0 [spmem:s7], $0x100  }
.Ltmp1:
0xbd: {  	_ = 	snop;
	(pc) =	sbr.rel @p1 .LBB2_1-.Ltmp1, $4  }
0xbe: {  	s2 =	simm.s32 @!p0 $0x5  }
0xbf: {  	_ =	swait.ge @!p0 [sflag:s2], $0x100  }
0xc0: {  	[sflag:s2] =	ssyncset.done @!p0 $0x0  }
0xc1: {  	[sflag:s2] =	ssyncadd.s32 @!p0 $0xFFFFFF00  }
0xc2: {  	_ =	sfence.sel $0x180000  }
0xc3: {  	[bflag:$0x0] =	sbarrier.arrive $0xFFFF  }
0xc4: {  	_ =	strace $0x9000004D  }
0xc5: {  	s0 =	stileid.u32;
	[bflag:$0x2] =	sbarrier.arrive $0xFFFF  }
0xc6: {  	p0 =	sne.s32 s0, $0x0;
	s0 =	rddreg [dreg:$0x3]  }
0xc7: {  	s0 =	sadd.s32 @!p0 $0x100000, s0  }
0xc8: {  	[sflag:s0] =	ssyncadd.tile.s32 @!p0 $0x1;
	_ =	shalt  }
.Lfunc_end2:
_tile_overlayer_lowered:
.L_overlay_start_2:
0xc9: {  	(tag) =	ssettag $0x2  }
0xca: {  	s0 =	rddreg [dreg:$0x0];
	s2 =	stileid.u32  }
0xcb: {  	s1 =	rddreg [dreg:$0x1];
	p0 =	sne.s32 s2, $0x0  }
0xcc: {  	s3 =	rddreg [dreg:$0x2];
	[bflag:$0x3] =	sbarrier.arrive $0xFFFF;
	s2 =	simm.s32 @!p0 $0x1C05  }
0xcd: {  	[timem:s3], [sflag:s2] =	dma.local @!p0 [hbm:s0], s1  }
0xce: {  	s0 =	simm.s32 @!p0 $0x5  }
0xcf: {  	_ =	swait.ge @!p0 [sflag:s0], s1  }
0xd0: {  	s1 =	ssub.s32 @!p0 $0x0, s1;
	[sflag:s0] =	ssyncset.done @!p0 $0x0  }
0xd1: {  	[sflag:s0] =	ssyncadd.s32 @!p0 s1  }
0xd2: {  	[bflag:$0x3] =	sbarrier.arrive $0xFFFF  }
0xd3: {  	_ =	shalt  }

// kernel: kernel.9.cloned.1.call-start
scs
__scs_entry_jumppad:
0x0: {  	(pc) =	sbr.rel $0x88, $3  }
0x1: {  	(tag) =	ssettag $0x0;
	lr =	simm.s32 $0x1  }
0x2: {  	[smem:$0x3F8E] =	sst lr;
	_ =	strace $0xD0000000  }
0x3: {  	_ = 	snop  }
0x4: {  	_ = 	snop  }
0x5: {  	_ = 	snop  }
0x6: {  	_ = 	snop  }
0x7: {  	_ = 	snop  }
__scs_overlays_trampoline_lowered:
0x8: {  	[smem:$0x3F9D] =	sst s0  }
0x9: {  	[smem:$0x3F9E] =	sst s1  }
0xa: {  	[smem:$0x3F9F] =	sst s2  }
0xb: {  	[smem:$0x3FA0] =	sst s3  }
0xc: {  	[smem:$0x3FA1] =	sst s4  }
0xd: {  	[smem:$0x3FA2] =	sst s5  }
0xe: {  	[smem:$0x3FA3] =	sst s6  }
0xf: {  	[smem:$0x3FA4] =	sst s7  }
0x10: {  	[smem:$0x3FA5] =	sst s8  }
0x11: {  	[smem:$0x3FA6] =	sst s9;
	s0 =	simm.s32 @!p0 $0x0  }
0x12: {  	s1 =	sld [smem:$0x3F8C];
	s0 =	simm.s32 @p0 $0x1  }
0x13: {  	[smem:$0x3FA7] =	sst s0;
	s0 =	simm.s32 @!p1 $0x0  }
0x14: {  	s2 =	sld [smem:$0x3F8B];
	s0 =	simm.s32 @p1 $0x1  }
0x15: {  	[smem:$0x3FA8] =	sst s0;
	s0 =	simm.s32 @!p2 $0x0  }
0x16: {  	s3 =	sld [smem:$0x3FDB];
	s0 =	simm.s32 @p2 $0x1  }
0x17: {  	s4 =	simm.s32 $0x1BF5;
	[smem:$0x3FAA] =	sst s0  }
0x18: {  	s0 =	sld [smem:$0x3F8D];
	_ =	swait.ge [sflag:s4], $0x0  }
0x19: {  	s7 =	sld [smem:$0x3F8E]  }
0x1a: {  	s8 =	sadd.s32 $0xFFFFE003, lr  }
0x1b: {  	s9 =	sadd.s32 $0xFFFFFEF7, lr;
	s5 =	simm.s32 $0xFFFFFFFF;
	p2 =	slt.u32 s8, $0xFFFFF086  }
0x1c: {  	p1 =	slt.u32 s9, $0xF7A;
	s5 =	simm.s32 @!p2 $0x0  }
0x1d: {  	s5 =	simm.s32 @p1 $0x1;
	p0 =	seq.s32 s7, s2  }
0x1e: {  	s7 =	smul.u32 @!p0 $0xF7A, s2;
	p2 =	seq.s32 @!p0 s5, $0x0  }
0x1f: {  	s9 =	smul.u32 $0xF7A, s1;
	s8 =	simm.s32 @!p0 $0x1BF5;
	p2 =	por !p2, p0  }
0x20: {  	[sflag:s8] =	ssyncset.s32 @!p0 $0xFFFFF086;
	s6 =	sadd.s32 @!p0 s3, s7;
	s7 =	simm.s32 @!p0 $0x108  }
0x21: {  	s3 =	sadd.s32 s3, s9;
	s6 =	sadd.s32 @!p0 $0x88, s6;
	s7 =	simm.s32 @p2 $0x1082  }
0x22: {  	[simem:s7], [sflag:s8] =	dma.local @!p0 [hbm:s6], $0xF7A  }
0x23: {  	s9 =	sor.u32 $0xD0000000, s2;
	s6 =	simm.s32 $0x108;
	_ =	swait.ge @!p0 [sflag:s8], $0x0  }
0x24: {  	s3 =	sadd.s32 $0x88, s3;
	s6 =	simm.s32 @!p1 $0x1082;
	[sflag:s4] =	ssyncset.s32 $0xFFFFF086  }
0x25: {  	[simem:s6], [sflag:s4] =	dma.local [hbm:s3], $0xF7A  }
0x26: {  	[smem:$0x3F8E] =	sst s1;
	(tag) =	ssettag s2;
	_ =	strace s9  }
0x27: {  	s1 =	sld [smem:$0x3F9E]  }
0x28: {  	s2 =	sld [smem:$0x3F9F]  }
0x29: {  	s4 =	sld [smem:$0x3FA1]  }
0x2a: {  	p0 =	seq.s32 s5, $0x0;
	s5 =	sld [smem:$0x3FA2]  }
0x2b: {  	s6 =	sld [smem:$0x3FA3]  }
0x2c: {  	s7 =	sld [smem:$0x3FA4]  }
0x2d: {  	s3 =	simm.s32 $0x108;
	s8 =	sld [smem:$0x3FA5]  }
0x2e: {  	s3 =	simm.s32 @!p0 $0x1082;
	s9 =	sld [smem:$0x3FA6]  }
0x2f: {  	lr =	sadd.s32 s0, s3;
	s0 =	sld [smem:$0x3F9D]  }
0x30: {  	s3 =	sld [smem:$0x3FA0]  }
0x31: {  	[smem:$0x3FA9] =	sst s10  }
0x32: {  	s10 =	sld [smem:$0x3FA7];
	_ =	sdelay $0x3  }
0x33: {  	p0 =	seq.s32 s10, $0x1;
	s10 =	sld [smem:$0x3FA9];
	_ =	sdelay $0x3  }
0x34: {  	[smem:$0x3FA9] =	sst s10  }
0x35: {  	s10 =	sld [smem:$0x3FA8];
	_ =	sdelay $0x3  }
0x36: {  	p1 =	seq.s32 s10, $0x1;
	s10 =	sld [smem:$0x3FA9];
	_ =	sdelay $0x3  }
0x37: {  	[smem:$0x3FA9] =	sst s10  }
0x38: {  	s10 =	sld [smem:$0x3FAA]  }
0x39: {  	_ = 	snop;
	(pc) =	sbr.ind lr, $3  }
0x3a: {  	_ = 	snop  }
0x3b: {  	_ = 	snop  }
0x3c: {  	p2 =	seq.s32 s10, $0x1;
	s10 =	sld [smem:$0x3FA9]  }
0x3d: {  	_ =	shalt  }
0x3e: {  	_ =	shalt  }
0x3f: {  	_ =	shalt  }
0x40: {  	_ =	shalt  }
0x41: {  	_ =	shalt  }
0x42: {  	_ =	shalt  }
0x43: {  	_ =	shalt  }
0x44: {  	_ =	shalt  }
0x45: {  	_ =	shalt  }
0x46: {  	_ =	shalt  }
0x47: {  	_ =	shalt  }
0x48: {  	_ =	shalt  }
0x49: {  	_ =	shalt  }
0x4a: {  	_ =	shalt  }
0x4b: {  	_ =	shalt  }
0x4c: {  	_ =	shalt  }
0x4d: {  	_ =	shalt  }
0x4e: {  	_ =	shalt  }
0x4f: {  	_ =	shalt  }
0x50: {  	_ =	shalt  }
0x51: {  	_ =	shalt  }
0x52: {  	_ =	shalt  }
0x53: {  	_ =	shalt  }
0x54: {  	_ =	shalt  }
0x55: {  	_ =	shalt  }
0x56: {  	_ =	shalt  }
0x57: {  	_ =	shalt  }
0x58: {  	_ =	shalt  }
0x59: {  	_ =	shalt  }
0x5a: {  	_ =	shalt  }
0x5b: {  	_ =	shalt  }
0x5c: {  	_ =	shalt  }
0x5d: {  	_ =	shalt  }
0x5e: {  	_ =	shalt  }
0x5f: {  	_ =	shalt  }
0x60: {  	_ =	shalt  }
0x61: {  	_ =	shalt  }
0x62: {  	_ =	shalt  }
0x63: {  	_ =	shalt  }
0x64: {  	_ =	shalt  }
0x65: {  	_ =	shalt  }
0x66: {  	_ =	shalt  }
0x67: {  	_ =	shalt  }
0x68: {  	_ =	shalt  }
0x69: {  	_ =	shalt  }
0x6a: {  	_ =	shalt  }
0x6b: {  	_ =	shalt  }
0x6c: {  	_ =	shalt  }
0x6d: {  	_ =	shalt  }
0x6e: {  	_ =	shalt  }
0x6f: {  	_ =	shalt  }
0x70: {  	_ =	shalt  }
0x71: {  	_ =	shalt  }
0x72: {  	_ =	shalt  }
0x73: {  	_ =	shalt  }
0x74: {  	_ =	shalt  }
0x75: {  	_ =	shalt  }
0x76: {  	_ =	shalt  }
0x77: {  	_ =	shalt  }
0x78: {  	_ =	shalt  }
0x79: {  	_ =	shalt  }
0x7a: {  	_ =	shalt  }
0x7b: {  	_ =	shalt  }
0x7c: {  	_ =	shalt  }
0x7d: {  	_ =	shalt  }
0x7e: {  	_ =	shalt  }
0x7f: {  	_ =	shalt  }
0x80: {  	_ =	shalt  }
0x81: {  	_ =	shalt  }
0x82: {  	_ =	shalt  }
0x83: {  	_ =	shalt  }
0x84: {  	_ =	shalt  }
0x85: {  	_ =	shalt  }
0x86: {  	_ =	shalt  }
0x87: {  	_ =	shalt  }
.Lfunc_end0:
.L_simem_size_0:
called_computation_lowered:
.L_overlay_start_0:
0x88: {  	s2 =	sld [smem:$0x3FD9]  }
0x89: {  	s3 =	sld [smem:$0x3FFE];
	_ =	sdelay $0x1  }
0x8a: {  	s1 =	srdreg.scid  }
0x8b: {  	s0 =	sand.u32 $0x1, s1  }
0x8c: {  	s14 =	sshll.u32 s0, $0xA;
	s2 =	sadd.s32 s3, s2  }
0x8d: {  	s2 =	sadd.s32 s2, s14  }
0x8e: {  	[smem:$0x3FB5] =	sst s2  }
0x8f: {  	_ = 	snop  }
0x90: {  	s2 =	sld [smem:$0x3FD0];
	_ =	sdelay $0x2  }
0x91: {  	s15 =	simm.s32 $0xA;
	s4 =	simm.s32 $0x10  }
0x92: {  	[smem:s4], [sflag:s15] =	dma.local [hbm:s2], $0x1  }
0x93: {  	_ =	swait.eq [sflag:s15], $0x1  }
0x94: {  	[sflag:s15] =	ssyncset.done $0x0  }
0x95: {  	[sflag:s15] =	ssyncadd.s32 $0xFFFFFFFF  }
0x96: {  	s16 =	sld [smem:$0x11];
	(tm) =	ssettm $0x1  }
0x97: {  	s17 =	sld [smem:$0x3FFB];
	_ =	sdelay $0x3  }
0x98: {  	_ =	strace s17  }
0x99: {  	s3 =	sld [smem:$0x3FFC];
	_ =	sdelay $0x3  }
0x9a: {  	_ =	strace s3  }
0x9b: {  	s3 =	sld [smem:$0x3FFD];
	_ =	sdelay $0x3  }
0x9c: {  	_ =	strace s3  }
0x9d: {  	_ =	strace $0x8FFFFFFF  }
0x9e: {  	s18 =	sld [smem:$0x3FDB];
	_ =	sdelay $0x1  }
0x9f: {  	s19 =	simm.s32 $_scs_section_size  }
0xa0: {  	s5 =	simm.s32 $_size__tile_overlayer_lowered;
	s6 =	simm.s32 $_tile_overlayer_lowered  }
0xa1: {  	s22 =	simm.s32 $0x1BFF;
	s21 =	sshll.u32 s6, $0x1;
	s3 =	sadd.s32 s19, s18  }
0xa2: {  	s7 =	simm.s32 $0x0;
	s20 =	sshll.u32 s5, $0x1;
	s5 =	sadd.s32 s21, s3  }
0xa3: {  	[timem:s7], [sflag:s22] =	dma.local [hbm:s5], s20  }
0xa4: {  	_ =	swait.ge [sflag:s22], s20  }
0xa5: {  	s4 =	ssub.s32 $0x0, s20;
	[sflag:s22] =	ssyncset.done $0x0  }
0xa6: {  	[sflag:s22] =	ssyncadd.s32 s4;
	_ =	sdelay $0x1  }
0xa7: {  	s23 =	simm.s32 $0x1B8B  }
0xa8: {  	_ =	swait.ge [sflag:s23], $0x1  }
0xa9: {  	[sflag:s23] =	ssyncset.done $0x0  }
0xaa: {  	s25 =	simm.s32 $0x1B8E;
	s24 =	sld [smem:$0x3FFE];
	[sflag:s23] =	ssyncadd.s32 $0xFFFFFFFF  }
0xab: {  	s26 =	simm.s32 $execute0_lowered;
	[smem:$0x3FD2] =	sst s25  }
0xac: {  	s5 =	sshll.u32 s26, $0x1;
	_ =	strace $0x80000046;
	[dreg:$0x1] =	wrdreg $0xFFFFFFFF  }
0xad: {  	s28 =	simm.s32 $_size_execute0_lowered;
	s3 =	sadd.s32 s3, s5;
	[dreg:$0x0] =	wrdreg $0x0  }
0xae: {  	s5 =	sshll.u32 s28, $0x1;
	[dreg:$0x2] =	wrdreg s3  }
0xaf: {  	[dreg:$0x3] =	wrdreg s5  }
0xb0: {  	[dreg:$0x4] =	wrdreg $0xC0  }
0xb1: {  	_ =	task [dreg:s7], $0x5FFFF  }
0xb2: {  	[dreg:$0x1] =	wrdreg $0xFFFFFFFF  }
0xb3: {  	[dreg:$0x0] =	wrdreg $0x60  }
0xb4: {  	[dreg:$0x2] =	wrdreg s24  }
0xb5: {  	[dreg:$0x3] =	wrdreg s16  }
0xb6: {  	[dreg:$0x4] =	wrdreg $0xB8000  }
0xb7: {  	[dreg:$0x5] =	wrdreg $0x9  }
0xb8: {  	_ =	task.clear_ibuf [dreg:s7], $0x6FFFF;
	_ =	strace $0x90000046  }
0xb9: {  	s29 =	simm.s32 $0x9;
	_ =	strace $0x80000048  }
0xba: {  	_ =	swait.ge [sflag:s29], $0x1  }
0xbb: {  	[sflag:s29] =	ssyncadd.s32 $0xFFFFFFFF  }
0xbc: {  	_ =	strace $0x90000048  }
0xbd: {  	_ =	sfence  }
0xbe: {  	s30 =	sld [smem:$0x0];
	_ =	sdelay $0x2  }
0xbf: {  	s31 =	sshll.u32 s1, $0xD;
	s1 =	sshrl.u32 s1, $0x2  }
0xc0: {  	s3 =	sand.u32 $0x4000, s31;
	s1 =	sadd.s32 s1, s30  }
0xc1: {  	s0 =	sor.u32 s3, s0;
	s1 =	sshll.u32 s1, $0x11  }
0xc2: {  	s0 =	sor.u32 s1, s0  }
0xc3: {  	s0 =	sadd.s32 $0x8F2B, s0  }
0xc4: {  	[sflag:s0] =	ssyncadd.remote.s32 $0x1  }
0xc5: {  	_ =	sfence.sel $0xFFFF  }
0xc6: {  	[dreg:$0x0] =	wrdreg $0xFFFFFFFF;
	(pc) =	sbr.abs _section_cstart, $3  }
0xc7: {  	[dreg:$0x1] =	wrdreg $0xFFFFFFFF  }
0xc8: {  	_ =	task.clear_ibuf [dreg:s7], $0x2FFFF;
	_ =	strace $0x9FFFFFFF  }
0xc9: {  	(tm) =	ssettm $0x7FFFFFFF  }
tec
execute0_lowered:
.L_overlay_start_1:
0x0: {  	(tag) =	ssettag $0x1  }
0x1: {  	s0 =	rddreg [dreg:$0x0]  }
0x2: {  	s2 =	rddreg [dreg:$0x1]  }
0x3: {  	s1 =	rddreg [dreg:$0x2];
	s4 =	srdreg.scid  }
0x4: {  	s3 =	simm.s32 $0x0;
	s23 =	stileid.u32;
	s28 =	simm.s32 $0x1  }
0x5: {  	s29 =	simm.s32 $0x2;
	s30 =	simm.s32 $0x0;
	s16 =	sand.u32 $0x1, s4  }
0x6: {  	[smem:$0x7FF] =	sst s3;
	s19 =	sadd.s32 $0x3A00, s0;
	s11 =	smul.u32 $0x580, s23  }
0x7: {  	s5 =	sadd.s32 $0xEA00, s0;
	s6 =	sadd.s32 $0x67C00, s0;
	s12 =	smul.u32 $0x4E000, s23  }
0x8: {  	s17 =	sadd.s32 $0x74400, s0;
	s26 =	smul.u32 $0x2C00, s23;
	s4 =	sshll.u32 s16, $0x4  }
0x9: {  	_ =	strace $0x80000047;
	s20 =	smul.u32 $0x138800, s16;
	s7 =	sor.u32 s23, s4  }
0xa: {  	s10 =	ssub.s32 $0x2, s16;
	p0 =	seq.s32 s16, $0x0;
	s8 =	smul.u32 $0x500, s7  }
0xb: {  	s4 =	sadd.s32 $0x19A00, s0;
	s31 =	sshrl.u32 s10, $0x1;
	s9 =	smul.u32 $0x580, s7  }
0xc: {  	s13 =	sshrl.u32 s12, $0x2;
	s18 =	ssub.s32 s10, s31;
	s10 =	smul.u32 $0x2C00, s7  }
0xd: {  	s21 =	sadd.s32 s2, s11;
	s18 =	smax.u32 s18, $0x1;
	s0 =	sadd.s32 s8, s0  }
0xe: {  	s7 =	sadd.s32 s19, s9;
	s14 =	sshrl.u32 s10, $0x3;
	s8 =	sadd.s32 s13, s1  }
0xf: {  	s13 =	smul.u32 $0x13800, s23;
	s19 =	smov.u32 @p0 s2;
	s15 =	sadd.s32 s5, s14  }
0x10: {  	s22 =	sadd.s32 $0x4000, s8;
	s24 =	sadd.s32 $0x8000, s8;
	[dreg:$0x4] =	wrdreg s19  }
0x11: {  	s12 =	sadd.s32 $0xC000, s8;
	s14 =	sadd.s32 $0x138000, s1;
	[dreg:$0x5] =	wrdreg s15  }
0x12: {  	s7 =	smov.u32 @p0 s21;
	p0 =	sne.s32 s23, $0xF;
	[dreg:$0x6] =	wrdreg s22  }
0x13: {  	s21 =	simm.s32 $0x3;
	s23 =	simm.s32 $0x1000;
	[dreg:$0x7] =	wrdreg s24  }
0x14: {  	s15 =	sadd.s32 s13, s20;
	s13 =	sadd.s32 $0x10000, s8;
	s20 =	sshrl.u32 s20, $0x3  }
0x15: {  	s22 =	smul.u32 $0x2C000, s16;
	s16 =	sadd.s32 $0x6A400, s0;
	s15 =	sshrl.u32 s15, $0x3  }
0x16: {  	s24 =	simm.s32 $0x5000;
	s25 =	sadd.s32 s17, s20;
	s15 =	sadd.s32 s17, s15  }
0x17: {  	s17 =	sadd.s32 $0x27000, s25;
	s31 =	sadd.s32 s26, s22;
	s22 =	simm.s32 $0x80  }
0x18: {  	v0 =	vimm.f32 $1.000000000e+00;
	s25 =	simm.s32 $0x4;
	s26 =	simm.s32 $0x9000;
	s19 =	sadd.s32 $0x400, s31  }
.LBB2_1:
0x19: {  	[tilespmem:s3], [sflag:$0x3] =	stream.linear.gather [hbm4b:s7+s3], $0x400, $0x38;
	[tilespmem:$0x1F0C0] =	vst v63  }
0x1a: {  	s0 =	rddreg [dreg:$0x5];
	s2 =	simm.s32 $0x800  }
0x1b: {  	[tilespmem:s2], [sflag:$0x3] =	stream.linear.gather [hbm4b:s0+s3], $0x400, $0x38;
	[tilespmem:$0x1F0C0] =	vst v63  }
0x1c: {  	_ =	swait.ge [sflag:s21], $0x400  }
0x1d: {  	[sflag:s21] =	ssyncset.done $0x0  }
0x1e: {  	[sflag:s21] =	ssyncadd.s32 $0xFFFFFC00  }
0x1f: {  	_ =	swait.ge [sflag:s21], $0x400  }
0x20: {  	[sflag:s21] =	ssyncset.done $0x0  }
0x21: {  	[sflag:s21] =	ssyncadd.s32 $0xFFFFFC00  }
0x22: {  	[tilespmem:s23], [sflag:$0x1] =	stream.indirect.gather [hbm4b:s4+s22], $0x80, s3, s22, $0xb8;
	[tilespmem:$0x1F0C0] =	vst v63  }
0x23: {  	_ = 	snop  }
0x24: {  	[tilespmem:s24], [sflag:$0x4] =	stream.linear.gather [hbm4b:s6+s3], $0x4000, $0x38;
	[tilespmem:$0x1F0C0] =	vst v63  }
0x25: {  	_ =	swait.ge [sflag:s25], $0x4000  }
0x26: {  	[sflag:s25] =	ssyncset.done $0x0  }
0x27: {  	[sflag:s25] =	ssyncadd.s32 $0xFFFFC000  }
0x28: {  	[spmem:s8] =	stream.linear.scatter [tilespmem:s24], [sflag:$0x4], $0x4000, $0x38;
	[tilespmem:$0x1F0C0] =	vst v63  }
0x29: {  	_ =	swait.ge [sflag:s25], $0x4000  }
0x2a: {  	[sflag:s25] =	ssyncset.done $0x0  }
0x2b: {  	s11 =	rddreg [dreg:$0x6];
	[sflag:s25] =	ssyncadd.s32 $0xFFFFC000  }
0x2c: {  	[spmem:s11] =	stream.linear.scatter [tilespmem:s24], [sflag:$0x4], $0x4000, $0x38;
	[tilespmem:$0x1F0C0] =	vst v63  }
0x2d: {  	_ =	swait.ge [sflag:s25], $0x4000  }
0x2e: {  	[sflag:s25] =	ssyncset.done $0x0  }
0x2f: {  	s20 =	rddreg [dreg:$0x7];
	[sflag:s25] =	ssyncadd.s32 $0xFFFFC000  }
0x30: {  	[spmem:s20] =	stream.linear.scatter [tilespmem:s24], [sflag:$0x4], $0x4000, $0x38;
	[tilespmem:$0x1F0C0] =	vst v63  }
0x31: {  	_ =	swait.ge [sflag:s25], $0x4000  }
0x32: {  	[sflag:s25] =	ssyncset.done $0x0  }
0x33: {  	[sflag:s25] =	ssyncadd.s32 $0xFFFFC000  }
0x34: {  	[spmem:s12] =	stream.linear.scatter [tilespmem:s24], [sflag:$0x4], $0x4000, $0x38;
	[tilespmem:$0x1F0C0] =	vst v63  }
0x35: {  	_ =	swait.ge [sflag:s25], $0x4000  }
0x36: {  	[sflag:s25] =	ssyncset.done $0x0  }
0x37: {  	[sflag:s25] =	ssyncadd.s32 $0xFFFFC000  }
0x38: {  	[spmem:s13] =	stream.linear.scatter [tilespmem:s24], [sflag:$0x4], $0x3800, $0x38;
	[tilespmem:$0x1F0C0] =	vst v63  }
0x39: {  	_ =	swait.ge [sflag:s25], $0x3800  }
0x3a: {  	[sflag:s25] =	ssyncset.done $0x0  }
0x3b: {  	[sflag:s25] =	ssyncadd.s32 $0xFFFFC800  }
0x3c: {  	[tilespmem:s26], [sflag:$0x4] =	stream.linear.gather [hbm4b:s6+s3], $0x2800, $0x38;
	[tilespmem:$0x1F0C0] =	vst v63  }
0x3d: {  	_ =	swait.ge [sflag:s25], $0x2800  }
0x3e: {  	[sflag:s25] =	ssyncset.done $0x0  }
0x3f: {  	s0 =	simm.s32 @!p0 $0x5000;
	[sflag:s25] =	ssyncadd.s32 $0xFFFFD800  }
0x40: {  	[spmem:s14] =	stream.linear.scatter @!p0 [tilespmem:s0], [sflag:$0x4], $0xC00, $0x38;
	[tilespmem:$0x1F0C0] =	vst v63  }
0x41: {  	s0 =	simm.s32 @!p0 $0x4  }
0x42: {  	_ =	swait.ge @!p0 [sflag:s0], $0xC00  }
0x43: {  	[sflag:s0] =	ssyncset.done @!p0 $0x0  }
0x44: {  	[sflag:s0] =	ssyncadd.s32 @!p0 $0xFFFFF400  }
0x45: {  	s31 =	smov.u32 s19;
	s0 =	simm.s32 $0x0;
	[bflag:$0x0] =	sbarrier.arrive $0xFFFF  }
.LBB2_2:
0x46: {  	s20 =	sand.u32 $0x1, s0  }
0x47: {  	s2 =	rddreg [dreg:$0x4];
	s10 =	sshrl.u32 s31, $0x3;
	s9 =	sxor.u32 $0x1, s20  }
0x48: {  	s11 =	sadd.s32 s2, s10;
	s2 =	sshll.u32 s9, $0xA  }
0x49: {  	[tilespmem:s2], [sflag:$0x3] =	stream.linear.gather [hbm4b:s11+s3], $0x400, $0x38;
	[tilespmem:$0x1F0C0] =	vst v63  }
0x4a: {  	s10 =	sadd.s32 s5, s10;
	s20 =	sshll.u32 s20, $0xA;
	s9 =	sor.u32 $0x800, s2  }
0x4b: {  	[tilespmem:s9], [sflag:$0x3] =	stream.linear.gather [hbm4b:s10+s3], $0x400, $0x38;
	[tilespmem:$0x1F0C0] =	vst v63  }
0x4c: {  	s11 =	sor.u32 $0x80, s20  }
0x4d: {  	[tilespmem:s24], [sflag:$0x2] =	stream.indirect.gather [hbm4b:s4+s22], $0x80, s11, s22, $0xb8;
	[tilespmem:$0x1F0C0] =	vst v63  }
0x4e: {  	_ =	swait.ge [sflag:s28], $0x4000  }
0x4f: {  	[sflag:s28] =	ssyncset.done $0x0  }
0x50: {  	s10 =	sor.u32 $0x800, s20;
	[sflag:s28] =	ssyncadd.s32 $0xFFFFC000  }
0x51: {  	[spmem:s1] =	stream.indirect.scatter.add.f32 [tilespmem:s23], [sflag:$0x4], $0x80, s10, s22, $0xb8;
	[tilespmem:$0x1F0C0] =	vst v63  }
0x52: {  	_ =	swait.ge [sflag:s25], $0x4000  }
0x53: {  	[sflag:s25] =	ssyncset.done $0x0  }
0x54: {  	[sflag:s25] =	ssyncadd.s32 $0xFFFFC000  }
0x55: {  	v1 =	vld [tilespmem:s20+$0x800];
	_ =	sdelay $0x7  }
0x56: {  	[tilespmem:v1+s26+$0x0] =	vst.idx.add.f32.msk $0xffff, v0  }
0x57: {  	v1 =	vld [tilespmem:s20+$0x810];
	_ =	sdelay $0x7  }
0x58: {  	[tilespmem:v1+s26+$0x0] =	vst.idx.add.f32.msk $0xffff, v0  }
0x59: {  	v1 =	vld [tilespmem:s20+$0x820];
	_ =	sdelay $0x7  }
0x5a: {  	[tilespmem:v1+s26+$0x0] =	vst.idx.add.f32.msk $0xffff, v0  }
0x5b: {  	v1 =	vld [tilespmem:s20+$0x830];
	_ =	sdelay $0x7  }
0x5c: {  	[tilespmem:v1+s26+$0x0] =	vst.idx.add.f32.msk $0xffff, v0  }
0x5d: {  	v1 =	vld [tilespmem:s20+$0x840];
	_ =	sdelay $0x7  }
0x5e: {  	[tilespmem:v1+s26+$0x0] =	vst.idx.add.f32.msk $0xffff, v0  }
0x5f: {  	v1 =	vld [tilespmem:s20+$0x850];
	_ =	sdelay $0x7  }
0x60: {  	[tilespmem:v1+s26+$0x0] =	vst.idx.add.f32.msk $0xffff, v0  }
0x61: {  	v1 =	vld [tilespmem:s20+$0x860];
	_ =	sdelay $0x7  }
0x62: {  	[tilespmem:v1+s26+$0x0] =	vst.idx.add.f32.msk $0xffff, v0  }
0x63: {  	v1 =	vld [tilespmem:s20+$0x870];
	_ =	sdelay $0x7  }
0x64: {  	s11 =	sor.u32 $0x100, s20;
	[tilespmem:v1+s26+$0x0] =	vst.idx.add.f32.msk $0xffff, v0  }
0x65: {  	[tilespmem:s23], [sflag:$0x1] =	stream.indirect.gather [hbm4b:s4+s22], $0x80, s11, s22, $0xb8;
	[tilespmem:$0x1F0C0] =	vst v63  }
0x66: {  	_ =	swait.ge [sflag:s29], $0x4000  }
0x67: {  	[sflag:s29] =	ssyncset.done $0x0  }
0x68: {  	s10 =	sor.u32 $0x880, s20;
	[sflag:s29] =	ssyncadd.s32 $0xFFFFC000  }
0x69: {  	[spmem:s1] =	stream.indirect.scatter.add.f32 [tilespmem:s24], [sflag:$0x4], $0x80, s10, s22, $0xb8;
	[tilespmem:$0x1F0C0] =	vst v63  }
0x6a: {  	_ =	swait.ge [sflag:s25], $0x4000  }
0x6b: {  	[sflag:s25] =	ssyncset.done $0x0  }
0x6c: {  	[sflag:s25] =	ssyncadd.s32 $0xFFFFC000  }
0x6d: {  	v1 =	vld [tilespmem:s20+$0x880];
	_ =	sdelay $0x7  }
0x6e: {  	[tilespmem:v1+s26+$0x0] =	vst.idx.add.f32.msk $0xffff, v0  }
0x6f: {  	v1 =	vld [tilespmem:s20+$0x890];
	_ =	sdelay $0x7  }
0x70: {  	[tilespmem:v1+s26+$0x0] =	vst.idx.add.f32.msk $0xffff, v0  }
0x71: {  	v1 =	vld [tilespmem:s20+$0x8A0];
	_ =	sdelay $0x7  }
0x72: {  	[tilespmem:v1+s26+$0x0] =	vst.idx.add.f32.msk $0xffff, v0  }
0x73: {  	v1 =	vld [tilespmem:s20+$0x8B0];
	_ =	sdelay $0x7  }
0x74: {  	[tilespmem:v1+s26+$0x0] =	vst.idx.add.f32.msk $0xffff, v0  }
0x75: {  	v1 =	vld [tilespmem:s20+$0x8C0];
	_ =	sdelay $0x7  }
0x76: {  	[tilespmem:v1+s26+$0x0] =	vst.idx.add.f32.msk $0xffff, v0  }
0x77: {  	v1 =	vld [tilespmem:s20+$0x8D0];
	_ =	sdelay $0x7  }
0x78: {  	[tilespmem:v1+s26+$0x0] =	vst.idx.add.f32.msk $0xffff, v0  }
0x79: {  	v1 =	vld [tilespmem:s20+$0x8E0];
	_ =	sdelay $0x7  }
0x7a: {  	[tilespmem:v1+s26+$0x0] =	vst.idx.add.f32.msk $0xffff, v0  }
0x7b: {  	v1 =	vld [tilespmem:s20+$0x8F0];
	_ =	sdelay $0x7  }
0x7c: {  	s11 =	sor.u32 $0x180, s20;
	[tilespmem:v1+s26+$0x0] =	vst.idx.add.f32.msk $0xffff, v0  }
0x7d: {  	[tilespmem:s24], [sflag:$0x2] =	stream.indirect.gather [hbm4b:s4+s22], $0x80, s11, s22, $0xb8;
	[tilespmem:$0x1F0C0] =	vst v63  }
0x7e: {  	_ =	swait.ge [sflag:s28], $0x4000  }
0x7f: {  	[sflag:s28] =	ssyncset.done $0x0  }
0x80: {  	s10 =	sor.u32 $0x900, s20;
	[sflag:s28] =	ssyncadd.s32 $0xFFFFC000  }
0x81: {  	[spmem:s1] =	stream.indirect.scatter.add.f32 [tilespmem:s23], [sflag:$0x4], $0x80, s10, s22, $0xb8;
	[tilespmem:$0x1F0C0] =	vst v63  }
0x82: {  	_ =	swait.ge [sflag:s25], $0x4000  }
0x83: {  	[sflag:s25] =	ssyncset.done $0x0  }
0x84: {  	[sflag:s25] =	ssyncadd.s32 $0xFFFFC000  }
0x85: {  	v1 =	vld [tilespmem:s20+$0x900];
	_ =	sdelay $0x7  }
0x86: {  	[tilespmem:v1+s26+$0x0] =	vst.idx.add.f32.msk $0xffff, v0  }
0x87: {  	v1 =	vld [tilespmem:s20+$0x910];
	_ =	sdelay $0x7  }
0x88: {  	[tilespmem:v1+s26+$0x0] =	vst.idx.add.f32.msk $0xffff, v0  }
0x89: {  	v1 =	vld [tilespmem:s20+$0x920];
	_ =	sdelay $0x7  }
0x8a: {  	[tilespmem:v1+s26+$0x0] =	vst.idx.add.f32.msk $0xffff, v0  }
0x8b: {  	v1 =	vld [tilespmem:s20+$0x930];
	_ =	sdelay $0x7  }
0x8c: {  	[tilespmem:v1+s26+$0x0] =	vst.idx.add.f32.msk $0xffff, v0  }
0x8d: {  	v1 =	vld [tilespmem:s20+$0x940];
	_ =	sdelay $0x7  }
0x8e: {  	[tilespmem:v1+s26+$0x0] =	vst.idx.add.f32.msk $0xffff, v0  }
0x8f: {  	v1 =	vld [tilespmem:s20+$0x950];
	_ =	sdelay $0x7  }
0x90: {  	[tilespmem:v1+s26+$0x0] =	vst.idx.add.f32.msk $0xffff, v0  }
0x91: {  	v1 =	vld [tilespmem:s20+$0x960];
	_ =	sdelay $0x7  }
0x92: {  	[tilespmem:v1+s26+$0x0] =	vst.idx.add.f32.msk $0xffff, v0  }
0x93: {  	v1 =	vld [tilespmem:s20+$0x970];
	_ =	sdelay $0x7  }
0x94: {  	s11 =	sor.u32 $0x200, s20;
	[tilespmem:v1+s26+$0x0] =	vst.idx.add.f32.msk $0xffff, v0  }
0x95: {  	[tilespmem:s23], [sflag:$0x1] =	stream.indirect.gather [hbm4b:s4+s22], $0x80, s11, s22, $0xb8;
	[tilespmem:$0x1F0C0] =	vst v63  }
0x96: {  	_ =	swait.ge [sflag:s29], $0x4000  }
0x97: {  	[sflag:s29] =	ssyncset.done $0x0  }
0x98: {  	s10 =	sor.u32 $0x980, s20;
	[sflag:s29] =	ssyncadd.s32 $0xFFFFC000  }
0x99: {  	[spmem:s1] =	stream.indirect.scatter.add.f32 [tilespmem:s24], [sflag:$0x4], $0x80, s10, s22, $0xb8;
	[tilespmem:$0x1F0C0] =	vst v63  }
0x9a: {  	_ =	swait.ge [sflag:s25], $0x4000  }
0x9b: {  	[sflag:s25] =	ssyncset.done $0x0  }
0x9c: {  	[sflag:s25] =	ssyncadd.s32 $0xFFFFC000  }
0x9d: {  	v1 =	vld [tilespmem:s20+$0x980];
	_ =	sdelay $0x7  }
0x9e: {  	[tilespmem:v1+s26+$0x0] =	vst.idx.add.f32.msk $0xffff, v0  }
0x9f: {  	v1 =	vld [tilespmem:s20+$0x990];
	_ =	sdelay $0x7  }
0xa0: {  	[tilespmem:v1+s26+$0x0] =	vst.idx.add.f32.msk $0xffff, v0  }
0xa1: {  	v1 =	vld [tilespmem:s20+$0x9A0];
	_ =	sdelay $0x7  }
0xa2: {  	[tilespmem:v1+s26+$0x0] =	vst.idx.add.f32.msk $0xffff, v0  }
0xa3: {  	v1 =	vld [tilespmem:s20+$0x9B0];
	_ =	sdelay $0x7  }
0xa4: {  	[tilespmem:v1+s26+$0x0] =	vst.idx.add.f32.msk $0xffff, v0  }
0xa5: {  	v1 =	vld [tilespmem:s20+$0x9C0];
	_ =	sdelay $0x7  }
0xa6: {  	[tilespmem:v1+s26+$0x0] =	vst.idx.add.f32.msk $0xffff, v0  }
0xa7: {  	v1 =	vld [tilespmem:s20+$0x9D0];
	_ =	sdelay $0x7  }
0xa8: {  	[tilespmem:v1+s26+$0x0] =	vst.idx.add.f32.msk $0xffff, v0  }
0xa9: {  	v1 =	vld [tilespmem:s20+$0x9E0];
	_ =	sdelay $0x7  }
0xaa: {  	[tilespmem:v1+s26+$0x0] =	vst.idx.add.f32.msk $0xffff, v0  }
0xab: {  	v1 =	vld [tilespmem:s20+$0x9F0];
	_ =	sdelay $0x7  }
0xac: {  	s11 =	sor.u32 $0x280, s20;
	[tilespmem:v1+s26+$0x0] =	vst.idx.add.f32.msk $0xffff, v0  }
0xad: {  	[tilespmem:s24], [sflag:$0x2] =	stream.indirect.gather [hbm4b:s4+s22], $0x80, s11, s22, $0xb8;
	[tilespmem:$0x1F0C0] =	vst v63  }
0xae: {  	_ =	swait.ge [sflag:s28], $0x4000  }
0xaf: {  	[sflag:s28] =	ssyncset.done $0x0  }
0xb0: {  	s10 =	sor.u32 $0xA00, s20;
	[sflag:s28] =	ssyncadd.s32 $0xFFFFC000  }
0xb1: {  	[spmem:s1] =	stream.indirect.scatter.add.f32 [tilespmem:s23], [sflag:$0x4], $0x80, s10, s22, $0xb8;
	[tilespmem:$0x1F0C0] =	vst v63  }
0xb2: {  	_ =	swait.ge [sflag:s25], $0x4000  }
0xb3: {  	[sflag:s25] =	ssyncset.done $0x0  }
0xb4: {  	[sflag:s25] =	ssyncadd.s32 $0xFFFFC000  }
0xb5: {  	v1 =	vld [tilespmem:s20+$0xA00];
	_ =	sdelay $0x7  }
0xb6: {  	[tilespmem:v1+s26+$0x0] =	vst.idx.add.f32.msk $0xffff, v0  }
0xb7: {  	v1 =	vld [tilespmem:s20+$0xA10];
	_ =	sdelay $0x7  }
0xb8: {  	[tilespmem:v1+s26+$0x0] =	vst.idx.add.f32.msk $0xffff, v0  }
0xb9: {  	v1 =	vld [tilespmem:s20+$0xA20];
	_ =	sdelay $0x7  }
0xba: {  	[tilespmem:v1+s26+$0x0] =	vst.idx.add.f32.msk $0xffff, v0  }
0xbb: {  	v1 =	vld [tilespmem:s20+$0xA30];
	_ =	sdelay $0x7  }
0xbc: {  	[tilespmem:v1+s26+$0x0] =	vst.idx.add.f32.msk $0xffff, v0  }
0xbd: {  	v1 =	vld [tilespmem:s20+$0xA40];
	_ =	sdelay $0x7  }
0xbe: {  	[tilespmem:v1+s26+$0x0] =	vst.idx.add.f32.msk $0xffff, v0  }
0xbf: {  	v1 =	vld [tilespmem:s20+$0xA50];
	_ =	sdelay $0x7  }
0xc0: {  	[tilespmem:v1+s26+$0x0] =	vst.idx.add.f32.msk $0xffff, v0  }
0xc1: {  	v1 =	vld [tilespmem:s20+$0xA60];
	_ =	sdelay $0x7  }
0xc2: {  	[tilespmem:v1+s26+$0x0] =	vst.idx.add.f32.msk $0xffff, v0  }
0xc3: {  	v1 =	vld [tilespmem:s20+$0xA70];
	_ =	sdelay $0x7  }
0xc4: {  	s11 =	sor.u32 $0x300, s20;
	[tilespmem:v1+s26+$0x0] =	vst.idx.add.f32.msk $0xffff, v0  }
0xc5: {  	[tilespmem:s23], [sflag:$0x1] =	stream.indirect.gather [hbm4b:s4+s22], $0x80, s11, s22, $0xb8;
	[tilespmem:$0x1F0C0] =	vst v63  }
0xc6: {  	_ =	swait.ge [sflag:s29], $0x4000  }
0xc7: {  	[sflag:s29] =	ssyncset.done $0x0  }
0xc8: {  	s10 =	sor.u32 $0xA80, s20;
	[sflag:s29] =	ssyncadd.s32 $0xFFFFC000  }
0xc9: {  	[spmem:s1] =	stream.indirect.scatter.add.f32 [tilespmem:s24], [sflag:$0x4], $0x80, s10, s22, $0xb8;
	[tilespmem:$0x1F0C0] =	vst v63  }
0xca: {  	_ =	swait.ge [sflag:s25], $0x4000  }
0xcb: {  	[sflag:s25] =	ssyncset.done $0x0  }
0xcc: {  	[sflag:s25] =	ssyncadd.s32 $0xFFFFC000  }
0xcd: {  	v1 =	vld [tilespmem:s20+$0xA80];
	_ =	sdelay $0x7  }
0xce: {  	[tilespmem:v1+s26+$0x0] =	vst.idx.add.f32.msk $0xffff, v0  }
0xcf: {  	v1 =	vld [tilespmem:s20+$0xA90];
	_ =	sdelay $0x7  }
0xd0: {  	[tilespmem:v1+s26+$0x0] =	vst.idx.add.f32.msk $0xffff, v0  }
0xd1: {  	v1 =	vld [tilespmem:s20+$0xAA0];
	_ =	sdelay $0x7  }
0xd2: {  	[tilespmem:v1+s26+$0x0] =	vst.idx.add.f32.msk $0xffff, v0  }
0xd3: {  	v1 =	vld [tilespmem:s20+$0xAB0];
	_ =	sdelay $0x7  }
0xd4: {  	[tilespmem:v1+s26+$0x0] =	vst.idx.add.f32.msk $0xffff, v0  }
0xd5: {  	v1 =	vld [tilespmem:s20+$0xAC0];
	_ =	sdelay $0x7  }
0xd6: {  	[tilespmem:v1+s26+$0x0] =	vst.idx.add.f32.msk $0xffff, v0  }
0xd7: {  	v1 =	vld [tilespmem:s20+$0xAD0];
	_ =	sdelay $0x7  }
0xd8: {  	[tilespmem:v1+s26+$0x0] =	vst.idx.add.f32.msk $0xffff, v0  }
0xd9: {  	v1 =	vld [tilespmem:s20+$0xAE0];
	_ =	sdelay $0x7  }
0xda: {  	[tilespmem:v1+s26+$0x0] =	vst.idx.add.f32.msk $0xffff, v0  }
0xdb: {  	v1 =	vld [tilespmem:s20+$0xAF0];
	_ =	sdelay $0x7  }
0xdc: {  	s11 =	sor.u32 $0x380, s20;
	[tilespmem:v1+s26+$0x0] =	vst.idx.add.f32.msk $0xffff, v0  }
0xdd: {  	[tilespmem:s24], [sflag:$0x2] =	stream.indirect.gather [hbm4b:s4+s22], $0x80, s11, s22, $0xb8;
	[tilespmem:$0x1F0C0] =	vst v63  }
0xde: {  	_ =	swait.ge [sflag:s28], $0x4000  }
0xdf: {  	[sflag:s28] =	ssyncset.done $0x0  }
0xe0: {  	s10 =	sor.u32 $0xB00, s20;
	[sflag:s28] =	ssyncadd.s32 $0xFFFFC000  }
0xe1: {  	[spmem:s1] =	stream.indirect.scatter.add.f32 [tilespmem:s23], [sflag:$0x4], $0x80, s10, s22, $0xb8;
	[tilespmem:$0x1F0C0] =	vst v63  }
0xe2: {  	_ =	swait.ge [sflag:s25], $0x4000  }
0xe3: {  	[sflag:s25] =	ssyncset.done $0x0  }
0xe4: {  	[sflag:s25] =	ssyncadd.s32 $0xFFFFC000  }
0xe5: {  	v1 =	vld [tilespmem:s20+$0xB00];
	_ =	sdelay $0x7  }
0xe6: {  	[tilespmem:v1+s26+$0x0] =	vst.idx.add.f32.msk $0xffff, v0  }
0xe7: {  	v1 =	vld [tilespmem:s20+$0xB10];
	_ =	sdelay $0x7  }
0xe8: {  	[tilespmem:v1+s26+$0x0] =	vst.idx.add.f32.msk $0xffff, v0  }
0xe9: {  	v1 =	vld [tilespmem:s20+$0xB20];
	_ =	sdelay $0x7  }
0xea: {  	[tilespmem:v1+s26+$0x0] =	vst.idx.add.f32.msk $0xffff, v0  }
0xeb: {  	v1 =	vld [tilespmem:s20+$0xB30];
	_ =	sdelay $0x7  }
0xec: {  	[tilespmem:v1+s26+$0x0] =	vst.idx.add.f32.msk $0xffff, v0  }
0xed: {  	v1 =	vld [tilespmem:s20+$0xB40];
	_ =	sdelay $0x7  }
0xee: {  	[tilespmem:v1+s26+$0x0] =	vst.idx.add.f32.msk $0xffff, v0  }
0xef: {  	v1 =	vld [tilespmem:s20+$0xB50];
	_ =	sdelay $0x7  }
0xf0: {  	[tilespmem:v1+s26+$0x0] =	vst.idx.add.f32.msk $0xffff, v0  }
0xf1: {  	v1 =	vld [tilespmem:s20+$0xB60];
	_ =	sdelay $0x7  }
0xf2: {  	[tilespmem:v1+s26+$0x0] =	vst.idx.add.f32.msk $0xffff, v0  }
0xf3: {  	v1 =	vld [tilespmem:s20+$0xB70];
	_ =	sdelay $0x7  }
0xf4: {  	[tilespmem:v1+s26+$0x0] =	vst.idx.add.f32.msk $0xffff, v0  }
0xf5: {  	_ =	swait.ge [sflag:s21], $0x400  }
0xf6: {  	[sflag:s21] =	ssyncset.done $0x0  }
0xf7: {  	[sflag:s21] =	ssyncadd.s32 $0xFFFFFC00  }
0xf8: {  	_ =	swait.ge [sflag:s21], $0x400  }
0xf9: {  	[sflag:s21] =	ssyncset.done $0x0  }
0xfa: {  	[sflag:s21] =	ssyncadd.s32 $0xFFFFFC00  }
0xfb: {  	[tilespmem:s23], [sflag:$0x1] =	stream.indirect.gather [hbm4b:s4+s22], $0x80, s2, s22, $0xb8;
	[tilespmem:$0x1F0C0] =	vst v63  }
0xfc: {  	_ =	swait.ge [sflag:s29], $0x4000  }
0xfd: {  	[sflag:s29] =	ssyncset.done $0x0  }
0xfe: {  	s11 =	sor.u32 $0xB80, s20;
	[sflag:s29] =	ssyncadd.s32 $0xFFFFC000  }
0xff: {  	[spmem:s1] =	stream.indirect.scatter.add.f32 [tilespmem:s24], [sflag:$0x4], $0x80, s11, s22, $0xb8;
	[tilespmem:$0x1F0C0] =	vst v63  }
0x100: {  	_ =	swait.ge [sflag:s25], $0x4000  }
0x101: {  	[sflag:s25] =	ssyncset.done $0x0  }
0x102: {  	[sflag:s25] =	ssyncadd.s32 $0xFFFFC000  }
0x103: {  	v1 =	vld [tilespmem:s20+$0xB80];
	_ =	sdelay $0x7  }
0x104: {  	[tilespmem:v1+s26+$0x0] =	vst.idx.add.f32.msk $0xffff, v0  }
0x105: {  	v1 =	vld [tilespmem:s20+$0xB90];
	_ =	sdelay $0x7  }
0x106: {  	[tilespmem:v1+s26+$0x0] =	vst.idx.add.f32.msk $0xffff, v0  }
0x107: {  	v1 =	vld [tilespmem:s20+$0xBA0];
	_ =	sdelay $0x7  }
0x108: {  	[tilespmem:v1+s26+$0x0] =	vst.idx.add.f32.msk $0xffff, v0  }
0x109: {  	v1 =	vld [tilespmem:s20+$0xBB0];
	_ =	sdelay $0x7  }
0x10a: {  	[tilespmem:v1+s26+$0x0] =	vst.idx.add.f32.msk $0xffff, v0  }
0x10b: {  	v1 =	vld [tilespmem:s20+$0xBC0];
	_ =	sdelay $0x7  }
0x10c: {  	[tilespmem:v1+s26+$0x0] =	vst.idx.add.f32.msk $0xffff, v0  }
0x10d: {  	v1 =	vld [tilespmem:s20+$0xBD0];
	_ =	sdelay $0x7  }
0x10e: {  	[tilespmem:v1+s26+$0x0] =	vst.idx.add.f32.msk $0xffff, v0  }
0x10f: {  	v1 =	vld [tilespmem:s20+$0xBE0];
	_ =	sdelay $0x7  }
0x110: {  	[tilespmem:v1+s26+$0x0] =	vst.idx.add.f32.msk $0xffff, v0  }
0x111: {  	v1 =	vld [tilespmem:s20+$0xBF0];
	_ =	sdelay $0x2  }
0x112: {  	p1 =	sne.s32 s0, $0x9  }
.Ltmp0:
0x113: {  	_ = 	snop;
	(pc) =	sbr.rel @p1 .LBB2_2-.Ltmp0, $2  }
0x114: {  	_ =	sdelay $0x2  }
0x115: {  	s31 =	sadd.s32 $0x400, s31;
	s0 =	sadd.s32 $0x1, s0;
	[tilespmem:v1+s26+$0x0] =	vst.idx.add.f32.msk $0xffff, v0  }
0x116: {  	_ =	swait.ge [sflag:s28], $0x4000  }
0x117: {  	s0 =	stileid.u32;
	[sflag:s28] =	ssyncset.done $0x0  }
0x118: {  	s0 =	sshll.u32 s0, $0x6;
	[sflag:s28] =	ssyncadd.s32 $0xFFFFC000  }
0x119: {  	s2 =	sshrl.u32 s8, $0x3;
	s0 =	sor.u32 $0x1C04, s0;
	[bflag:$0x0] =	sbarrier.arrive $0xFFFF  }
0x11a: {  	[hbm:s15], [sflag:s0] =	dma.local [spmem:s2], $0x2700  }
0x11b: {  	_ =	swait.ge [sflag:s25], $0x2700  }
0x11c: {  	[sflag:s25] =	ssyncset.done $0x0  }
0x11d: {  	[sflag:s25] =	ssyncadd.s32 $0xFFFFD900  }
0x11e: {  	[hbm4b:s16+s3] =	stream.linear.scatter [tilespmem:s26], [sflag:$0x4], $0x2800, $0x38;
	[tilespmem:$0x1F0C0] =	vst v63  }
0x11f: {  	_ =	swait.ge [sflag:s25], $0x2800  }
0x120: {  	s30 =	sadd.s32 $0x1, s30;
	[sflag:s25] =	ssyncset.done $0x0  }
0x121: {  	p1 =	sne.s32 s30, s18;
	s2 =	sshrl.u32 @!p0 s14, $0x3;
	[sflag:s25] =	ssyncadd.s32 $0xFFFFD800  }
0x122: {  	[hbm:s17], [sflag:s0] =	dma.local @!p0 [spmem:s2], $0x100  }
.Ltmp1:
0x123: {  	_ = 	snop;
	(pc) =	sbr.rel @p1 .LBB2_1-.Ltmp1, $4  }
0x124: {  	s0 =	simm.s32 @!p0 $0x4  }
0x125: {  	_ =	swait.ge @!p0 [sflag:s0], $0x100  }
0x126: {  	[sflag:s0] =	ssyncset.done @!p0 $0x0  }
0x127: {  	[sflag:s0] =	ssyncadd.s32 @!p0 $0xFFFFFF00  }
0x128: {  	_ =	sfence.sel $0x180000  }
0x129: {  	[bflag:$0x0] =	sbarrier.arrive $0xFFFF  }
0x12a: {  	_ =	strace $0x90000047  }
0x12b: {  	s0 =	stileid.u32;
	[bflag:$0x2] =	sbarrier.arrive $0xFFFF  }
0x12c: {  	p0 =	sne.s32 s0, $0x0;
	s0 =	rddreg [dreg:$0x3]  }
0x12d: {  	s0 =	sadd.s32 @!p0 $0x100000, s0  }
0x12e: {  	[sflag:s0] =	ssyncadd.tile.s32 @!p0 $0x1;
	_ =	shalt  }
.Lfunc_end2:
_tile_overlayer_lowered:
.L_overlay_start_2:
0x12f: {  	(tag) =	ssettag $0x2  }
0x130: {  	s0 =	rddreg [dreg:$0x0];
	s2 =	stileid.u32  }
0x131: {  	s1 =	rddreg [dreg:$0x1];
	p0 =	sne.s32 s2, $0x0  }
0x132: {  	s3 =	rddreg [dreg:$0x2];
	[bflag:$0x3] =	sbarrier.arrive $0xFFFF;
	s2 =	simm.s32 @!p0 $0x1C04  }
0x133: {  	[timem:s3], [sflag:s2] =	dma.local @!p0 [hbm:s0], s1  }
0x134: {  	s0 =	simm.s32 @!p0 $0x4  }
0x135: {  	_ =	swait.ge @!p0 [sflag:s0], s1  }
0x136: {  	s1 =	ssub.s32 @!p0 $0x0, s1;
	[sflag:s0] =	ssyncset.done @!p0 $0x0  }
0x137: {  	[sflag:s0] =	ssyncadd.s32 @!p0 s1  }
0x138: {  	[bflag:$0x3] =	sbarrier.arrive $0xFFFF  }
0x139: {  	_ =	shalt  }

</sc_bundles>
